<compile_context>
chip_gen: v7x
topology: tpu7x:2x2x1
jax: 0.10.2.dev20260603
libtpu: 0.0.44.dev20260713+nightly
codegen_flags: <defaults>
</compile_context>

<pallas_src>
import jax
import jax.numpy as jnp
import numpy as _np
from jax import lax
from jax.experimental import pallas as pl
from jax.experimental.pallas import tpu as pltpu
from jax.experimental.pallas import tpu_sc as plsc

N, E, D, H, O = 10000, 320000, 128, 128, 64
HW = H // 2
NC, NS = 2, 16
NW = NC * NS
B = 128
EPAD = 323584
EP = EPAD // NW
NB = EP // B
NPAD = 10240
RPT = NPAD // NS
WDEG = 16
NBLK = 2000
DEPTH = 4
F32 = jnp.float32


def _make_sc_agg(two_sweeps, with_deg):
    mesh = plsc.VectorSubcoreMesh(core_axis_name="c", subcore_axis_name="s")
    out_type = [jax.ShapeDtypeStruct((NC, NPAD, H), F32)]
    scratch = [
        pltpu.VMEM((NB, B), jnp.int32),
        pltpu.VMEM((NB, B), jnp.int32),
    ] + [pltpu.VMEM((B, HW), F32)] * DEPTH + [
        pltpu.VMEM_SHARED((NPAD, HW), F32),
    ] + [pltpu.SemaphoreType.DMA] * DEPTH + [
    ]
    if with_deg:
        out_type.append(jax.ShapeDtypeStruct((NC, NPAD, WDEG), F32))
        scratch += [
            pltpu.VMEM((B, WDEG), F32),
            pltpu.VMEM_SHARED((NPAD, WDEG), F32),
        ]

    def body(*refs):
        y, src4, dst3, zw = refs[:4]
        rest = refs[4:]
        if with_deg:
            (zdeg, ones_h, p_out, d_out, sidx, didx) = rest[:6]
            rbufs = rest[6:6 + DEPTH]
            acc = rest[6 + DEPTH]
            sems = rest[7 + DEPTH:7 + 2 * DEPTH]
            ones_v, dacc = rest[7 + 2 * DEPTH:]
        else:
            p_out, sidx, didx = rest[:3]
            rbufs = rest[3:3 + DEPTH]
            acc = rest[3 + DEPTH]
            sems = rest[4 + DEPTH:4 + 2 * DEPTH]
        bufs = tuple(zip(rbufs, sems))
        c = lax.axis_index("c")
        s = lax.axis_index("s")
        wid = s * NC + c
        rows = pl.ds(s * RPT, RPT)

        pltpu.sync_copy(zw, acc.at[rows])
        if with_deg:
            pltpu.sync_copy(zdeg, dacc.at[rows])
            pltpu.sync_copy(ones_h, ones_v)
        pltpu.sync_copy(src4.at[wid], sidx)
        pltpu.sync_copy(dst3.at[wid], didx)
        plsc.subcore_barrier()

        def sweep(count_deg):
            def start(i, buf, sem):
                pltpu.async_copy(y.at[sidx.at[i]], buf, sem)

            def finish(i, buf, sem):
                pltpu.make_async_copy(y.at[sidx.at[i]], buf, sem).wait()
                pltpu.sync_copy(buf, acc.at[didx.at[i]], add=True)
                if count_deg:
                    pltpu.sync_copy(ones_v, dacc.at[didx.at[i]], add=True)

            depth = len(bufs)
            nmain = (NB - (depth - 1)) // depth
            for j in range(depth - 1):
                start(j, *bufs[j])

            def ring(k, carry):
                base = depth * k
                for j in range(depth):
                    i = base + j
                    start(i + depth - 1, *bufs[(j + depth - 1) % depth])
                    finish(i, *bufs[j])
                return carry

            lax.fori_loop(0, nmain, ring, 0)
            for i in range(nmain * depth, NB):
                nxt = i + depth - 1
                if nxt < NB:
                    start(nxt, *bufs[nxt % depth])
                finish(i, *bufs[i % depth])

        sweep(with_deg)
        plsc.subcore_barrier()
        pltpu.sync_copy(acc.at[rows], p_out.at[c, rows, pl.ds(0, HW)])
        if with_deg:
            pltpu.sync_copy(dacc.at[rows], d_out.at[c, rows])
        if two_sweeps:
            pltpu.sync_copy(zw, acc.at[rows])

            def bump(i, carry):
                for k in range(B // 16):
                    sl = (i, pl.ds(16 * k, 16))
                    sidx[sl] = sidx[sl] + 1
                return carry

            lax.fori_loop(0, NB, bump, 0)
            plsc.subcore_barrier()
            sweep(False)
            plsc.subcore_barrier()
            pltpu.sync_copy(acc.at[rows], p_out.at[c, rows, pl.ds(HW, HW)])

    return pl.kernel(body, out_type=out_type, mesh=mesh, scratch_types=scratch,
                     compiler_params=pltpu.CompilerParams(
                         use_tc_tiling_on_sc=False))


_sc_agg_deg = _make_sc_agg(True, True)
_sc_agg_h = _make_sc_agg(True, False)
_sc_agg_o = _make_sc_agg(False, False)


def _row_spec(w):
    return pl.BlockSpec((NBLK, w), lambda i: (i, 0))


def _full_spec(shape):
    nd = len(shape)
    return pl.BlockSpec(shape, lambda i, _nd=nd: (0,) * _nd)


def _part_spec(w):
    return pl.BlockSpec((NC, NBLK, w), lambda i: (0, i, 0))


def _inv_deg(dg_ref):
    deg = dg_ref[0, :, 0:1] + dg_ref[1, :, 0:1]
    return 1.0 / jnp.maximum(deg, 1.0)


def _mm(a, w):
    return lax.dot_general(a, w, (((1,), (1,)), ((), ())),
                           preferred_element_type=F32)


def _tc1(x_r, wl_r, wr_r, bl_r, y_r, r_r):
    xb = x_r[...]
    y_r[...] = _mm(xb, wl_r[...])
    r_r[...] = _mm(xb, wr_r[...]) + bl_r[...]


_tc1_call = pl.pallas_call(
    _tc1,
    grid=(N // NBLK,),
    in_specs=[_row_spec(D), _full_spec((H, D)), _full_spec((H, D)),
              _full_spec((1, H))],
    out_specs=[_row_spec(H), _row_spec(H)],
    out_shape=[jax.ShapeDtypeStruct((N, H), F32)] * 2,
)


def _tc2(p_r, dg_r, r0_r, s_r, b_r, wl_r, wr_r, bl_r, y_r, r_r):
    sage = (p_r[0] + p_r[1]) * _inv_deg(dg_r) + r0_r[...]
    h = jnp.maximum(sage * s_r[...] + b_r[...], 0.0)
    y_r[...] = _mm(h, wl_r[...])
    r_r[...] = _mm(h, wr_r[...]) + bl_r[...]


_tc2_call = pl.pallas_call(
    _tc2,
    grid=(N // NBLK,),
    in_specs=[_part_spec(H), _part_spec(WDEG), _row_spec(H),
              _full_spec((1, H)), _full_spec((1, H)),
              _full_spec((H, H)), _full_spec((H, H)), _full_spec((1, H))],
    out_specs=[_row_spec(H), _row_spec(H)],
    out_shape=[jax.ShapeDtypeStruct((N, H), F32)] * 2,
)


def _tc3(q_r, dg_r, r1_r, s_r, b_r, af_r, wh_r, bh_r,
         wl2_r, wr2_r, bl2_r, yr_r):
    sage = (q_r[0] + q_r[1]) * _inv_deg(dg_r) + r1_r[...]
    h1 = jnp.maximum(sage * s_r[...] + b_r[...], 0.0)
    af = _mm(af_r[...], wh_r[...]) + bh_r[...]
    cat = jnp.concatenate([h1, af], axis=-1)
    yr_r[...] = jnp.concatenate(
        [_mm(cat, wl2_r[...]), _mm(cat, wr2_r[...]) + bl2_r[...]], axis=-1)


_tc3_call = pl.pallas_call(
    _tc3,
    grid=(N // NBLK,),
    in_specs=[_part_spec(H), _part_spec(WDEG), _row_spec(H),
              _full_spec((1, H)), _full_spec((1, H)),
              _row_spec(D), _full_spec((H, D)), _full_spec((1, H)),
              _full_spec((O, 2 * H)), _full_spec((O, 2 * H)),
              _full_spec((1, O))],
    out_specs=_row_spec(H),
    out_shape=jax.ShapeDtypeStruct((N, H), F32),
)


def _tc4(p2_r, dg_r, yr_r, o_r):
    z = ((p2_r[0, :, :O] + p2_r[1, :, :O]) * _inv_deg(dg_r)
         + yr_r[:, O:])
    m = jnp.max(z, axis=-1, keepdims=True)
    ez = jnp.exp(z - m)
    o_r[...] = z - m - jnp.log(jnp.sum(ez, axis=-1, keepdims=True))


_tc4_call = pl.pallas_call(
    _tc4,
    grid=(N // NBLK,),
    in_specs=[_part_spec(H), _part_spec(WDEG), _row_spec(H)],
    out_specs=_row_spec(O),
    out_shape=jax.ShapeDtypeStruct((N, O), F32),
)


def kernel(x, edge_index, Wl0, bl0, Wr0, Wl1, bl1, Wr1, Wl2, bl2, Wr2,
           g0, b0, g1, b1, Wh, bh, add_feat):
    if EPAD != E:
        pad_src = jnp.asarray(_np.arange(EPAD - E, dtype=_np.int32) % N)
        pad_dst = jnp.asarray(
            N + _np.arange(EPAD - E, dtype=_np.int32) % (NPAD - N))
        src = jnp.concatenate([edge_index[0], pad_src])
        dst = jnp.concatenate([edge_index[1], pad_dst])
    else:
        src, dst = edge_index[0], edge_index[1]
    src4 = (src + src).reshape(NW, NB, B)
    dst3 = dst.reshape(NW, NB, B)
    z_hw = jnp.zeros((RPT, HW), F32)
    z_deg = jnp.zeros((RPT, WDEG), F32)
    ones_h = jnp.ones((B, WDEG), F32)
    bn_s0 = (g0 / jnp.sqrt(1.0 + 1e-5)).reshape(1, H)
    bn_s1 = (g1 / jnp.sqrt(1.0 + 1e-5)).reshape(1, H)

    y0, r0 = _tc1_call(x, Wl0, Wr0, bl0.reshape(1, H))
    p0, dg = _sc_agg_deg(y0.reshape(2 * N, HW), src4, dst3, z_hw,
                         z_deg, ones_h)
    y1, r1 = _tc2_call(p0, dg, r0, bn_s0, b0.reshape(1, H),
                       Wl1, Wr1, bl1.reshape(1, H))
    (p1,) = _sc_agg_h(y1.reshape(2 * N, HW), src4, dst3, z_hw)
    yr2 = _tc3_call(p1, dg, r1, bn_s1, b1.reshape(1, H),
                    add_feat, Wh, bh.reshape(1, H),
                    Wl2, Wr2, bl2.reshape(1, O))
    (p2,) = _sc_agg_o(yr2.reshape(2 * N, HW), src4, dst3, z_hw)
    return _tc4_call(p2, dg, yr2)

# --- scband reference (transcript-rebuilt; emitter-appended) ---
"""Pipeline reference for scband-sage-w-feat-43396349559018 (READ-ONLY COPY).

The authoritative reference and input builder live on the scoring server;
editing this copy changes nothing except your own understanding.
"""

import jax, jax.numpy as jnp
import numpy as np

N, E, D, H, O = 10000, 320000, 128, 128, 64


def _lin(k, out_d, in_d):
    s = 1.0 / np.sqrt(in_d)
    return jax.random.uniform(k, (out_d, in_d), jnp.float32, -s, s)


def setup_inputs(seed: int = 0):
    key = jax.random.key(seed)
    ks = jax.random.split(key, 12)
    x = jax.random.normal(ks[0], (N, D), jnp.float32)
    edge_index = jax.random.randint(ks[1], (2, E), 0, N, dtype=jnp.int32)
    inp = {
        'x': x,
        'edge_index': edge_index,
        'Wl0': _lin(ks[2], H, D), 'bl0': jnp.zeros((H,), jnp.float32), 'Wr0': _lin(ks[3], H, D),
        'Wl1': _lin(ks[4], H, H), 'bl1': jnp.zeros((H,), jnp.float32), 'Wr1': _lin(ks[5], H, H),
        'Wl2': _lin(ks[6], O, 2 * H), 'bl2': jnp.zeros((O,), jnp.float32), 'Wr2': _lin(ks[7], O, 2 * H),
        'g0': jnp.ones((H,), jnp.float32), 'b0': jnp.zeros((H,), jnp.float32),
        'g1': jnp.ones((H,), jnp.float32), 'b1': jnp.zeros((H,), jnp.float32),
        'Wh': _lin(ks[8], H, D),
        'bh': jax.random.uniform(ks[9], (H,), jnp.float32, -1.0 / np.sqrt(D), 1.0 / np.sqrt(D)),
        'add_feat': jax.random.normal(ks[10], (N, D), jnp.float32),
    }
    return inp


def _sage(x, edge_index, Wl, bl, Wr):
    # PyG SAGEConv: out = lin_l(mean_aggr(x_src -> dst)) + lin_r(x)
    src, dst = edge_index[0], edge_index[1]
    agg = jax.ops.segment_sum(x[src], dst, num_segments=x.shape[0])
    deg = jax.ops.segment_sum(jnp.ones((edge_index.shape[1],), x.dtype), dst, num_segments=x.shape[0])
    mean = agg / jnp.maximum(deg, 1.0)[:, None]
    return mean @ Wl.T + bl + x @ Wr.T


def _bn(x, g, b):
    # eval-mode BatchNorm1d with fresh running stats (mean=0, var=1), eps=1e-5
    return x * (g / jnp.sqrt(1.0 + 1e-5)) + b


def reference(x, edge_index, Wl0, bl0, Wr0, Wl1, bl1, Wr1, Wl2, bl2, Wr2, g0, b0, g1, b1, Wh, bh, add_feat):
    h = jax.nn.relu(_bn(_sage(x, edge_index, Wl0, bl0, Wr0), g0, b0))
    # dropout is identity in eval mode
    h = jax.nn.relu(_bn(_sage(h, edge_index, Wl1, bl1, Wr1), g1, b1))
    af = add_feat @ Wh.T + bh
    h = jnp.concatenate([h, af], axis=-1)
    h = _sage(h, edge_index, Wl2, bl2, Wr2)
    return jax.nn.log_softmax(h, axis=-1)

if __name__ == "__main__":
    import jax
    _d = setup_inputs()
    print(jax.jit(kernel)(*tuple(_d.values())))

</pallas_src>

<mosaic_0001>
#map = affine_map<(d0, d1) -> (0, 0)>
#map1 = affine_map<(d0, d1) -> (0, 0, 0)>
module attributes {stable_mosaic.version = 14 : i64} {
  func.func @body(%arg0: i32, %arg1: i32, %arg2: memref<20000x64xf32, #tpu.memory_space<hbm>>, %arg3: memref<32x79x128xi32, #tpu.memory_space<hbm>>, %arg4: memref<32x79x128xi32, #tpu.memory_space<hbm>>, %arg5: memref<640x64xf32, #tpu.memory_space<hbm>>, %arg6: memref<2x10240x128xf32, #tpu.memory_space<hbm>>, %arg7: memref<79x128xi32, #tpu.memory_space<vmem>>, %arg8: memref<79x128xi32, #tpu.memory_space<vmem>>, %arg9: memref<128x64xf32, #tpu.memory_space<vmem>>, %arg10: memref<128x64xf32, #tpu.memory_space<vmem>>, %arg11: memref<128x64xf32, #tpu.memory_space<vmem>>, %arg12: memref<128x64xf32, #tpu.memory_space<vmem>>, %arg13: memref<10240x64xf32, #tpu.memory_space<vmem_shared>>, %arg14: memref<!tpu.dma_semaphore, #tpu.memory_space<semaphore_mem>>, %arg15: memref<!tpu.dma_semaphore, #tpu.memory_space<semaphore_mem>>, %arg16: memref<!tpu.dma_semaphore, #tpu.memory_space<semaphore_mem>>, %arg17: memref<!tpu.dma_semaphore, #tpu.memory_space<semaphore_mem>>) attributes {dimension_semantics = [#tpu.dimension_semantics<core_parallel>, #tpu.dimension_semantics<subcore_parallel>], iteration_bounds = array<i64: 2, 16>, scalar_prefetch = 0 : i64, scratch_operands = 11 : i64, tpu.core_type = #tpu.core_type<sc_vector_subcore>, window_params = [{transform_indices = #map}, {transform_indices = #map1}, {transform_indices = #map1}, {transform_indices = #map}, {transform_indices = #map1}]} {
    %mul3A = arith.constant 2 : i32
    %mul3A_0 = arith.muli %arg1, %mul3A : i32
    %add3A = arith.addi %mul3A_0, %arg0 : i32
    %mul3A_1 = arith.constant 640 : i32
    %mul3A_2 = arith.muli %arg1, %mul3A_1 : i32
    "tpu.region"() ({
      %run_scoped3A_51 = tpu.sem_alloc : memref<!tpu.dma_semaphore, #tpu.memory_space<semaphore_mem>>
      %dma_start3A_52 = arith.constant 0 : i32
      %dma_start3A_53 = tpu.memref_slice %arg13[%mul3A_2, %dma_start3A_52] : memref<10240x64xf32, #tpu.memory_space<vmem_shared>> -> memref<640x64xf32, #tpu.memory_space<vmem_shared>>
      tpu.enqueue_dma source(%arg5 : memref<640x64xf32, #tpu.memory_space<hbm>>) target(%dma_start3A_53 : memref<640x64xf32, #tpu.memory_space<vmem_shared>>) target_semaphore(%run_scoped3A_51 : memref<!tpu.dma_semaphore, #tpu.memory_space<semaphore_mem>>)
      %dma_wait3A_54 = arith.constant 0 : i32
      %dma_wait3A_55 = tpu.memref_slice %arg13[%mul3A_2, %dma_wait3A_54] : memref<10240x64xf32, #tpu.memory_space<vmem_shared>> -> memref<640x64xf32, #tpu.memory_space<vmem_shared>>
      tpu.wait_dma2 semaphore(%run_scoped3A_51 : memref<!tpu.dma_semaphore, #tpu.memory_space<semaphore_mem>>) src(%arg5 : memref<640x64xf32, #tpu.memory_space<hbm>>) dst(%dma_wait3A_55 : memref<640x64xf32, #tpu.memory_space<vmem_shared>>)
      tpu.yield
    }) : () -> ()
    "tpu.region"() ({
      %run_scoped3A_51 = tpu.sem_alloc : memref<!tpu.dma_semaphore, #tpu.memory_space<semaphore_mem>>
      %dma_start3A_52 = arith.constant 0 : i32
      %dma_start3A_53 = arith.constant 0 : i32
      %dma_start3A_54 = tpu.memref_slice %arg3[%add3A, %dma_start3A_52, %dma_start3A_53] : memref<32x79x128xi32, #tpu.memory_space<hbm>> -> memref<1x79x128xi32, #tpu.memory_space<hbm>>
      %dma_start3A_55 = tpu.memref_squeeze %dma_start3A_54 : memref<1x79x128xi32, #tpu.memory_space<hbm>> -> memref<79x128xi32, #tpu.memory_space<hbm>>
      %dma_start3A_56 = arith.constant 0 : i32
      %dma_start3A_57 = arith.constant 0 : i32
      %dma_start3A_58 = tpu.memref_slice %arg3[%add3A, %dma_start3A_56, %dma_start3A_57] : memref<32x79x128xi32, #tpu.memory_space<hbm>> -> memref<1x79x128xi32, #tpu.memory_space<hbm>>
      %dma_start3A_59 = tpu.memref_squeeze %dma_start3A_58 : memref<1x79x128xi32, #tpu.memory_space<hbm>> -> memref<79x128xi32, #tpu.memory_space<hbm>>
      tpu.enqueue_dma source(%dma_start3A_59 : memref<79x128xi32, #tpu.memory_space<hbm>>) target(%arg7 : memref<79x128xi32, #tpu.memory_space<vmem>>) target_semaphore(%run_scoped3A_51 : memref<!tpu.dma_semaphore, #tpu.memory_space<semaphore_mem>>)
      %dma_wait3A_60 = arith.constant 0 : i32
      %dma_wait3A_61 = arith.constant 0 : i32
      %dma_wait3A_62 = tpu.memref_slice %arg3[%add3A, %dma_wait3A_60, %dma_wait3A_61] : memref<32x79x128xi32, #tpu.memory_space<hbm>> -> memref<1x79x128xi32, #tpu.memory_space<hbm>>
      %dma_wait3A_63 = tpu.memref_squeeze %dma_wait3A_62 : memref<1x79x128xi32, #tpu.memory_space<hbm>> -> memref<79x128xi32, #tpu.memory_space<hbm>>
      %dma_wait3A_64 = arith.constant 0 : i32
      %dma_wait3A_65 = arith.constant 0 : i32
      %dma_wait3A_66 = tpu.memref_slice %arg3[%add3A, %dma_wait3A_64, %dma_wait3A_65] : memref<32x79x128xi32, #tpu.memory_space<hbm>> -> memref<1x79x128xi32, #tpu.memory_space<hbm>>
      %dma_wait3A_67 = tpu.memref_squeeze %dma_wait3A_66 : memref<1x79x128xi32, #tpu.memory_space<hbm>> -> memref<79x128xi32, #tpu.memory_space<hbm>>
      tpu.wait_dma2 semaphore(%run_scoped3A_51 : memref<!tpu.dma_semaphore, #tpu.memory_space<semaphore_mem>>) src(%dma_wait3A_67 : memref<79x128xi32, #tpu.memory_space<hbm>>) dst(%arg7 : memref<79x128xi32, #tpu.memory_space<vmem>>)
      tpu.yield
    }) : () -> ()
    "tpu.region"() ({
      %run_scoped3A_51 = tpu.sem_alloc : memref<!tpu.dma_semaphore, #tpu.memory_space<semaphore_mem>>
      %dma_start3A_52 = arith.constant 0 : i32
      %dma_start3A_53 = arith.constant 0 : i32
      %dma_start3A_54 = tpu.memref_slice %arg4[%add3A, %dma_start3A_52, %dma_start3A_53] : memref<32x79x128xi32, #tpu.memory_space<hbm>> -> memref<1x79x128xi32, #tpu.memory_space<hbm>>
      %dma_start3A_55 = tpu.memref_squeeze %dma_start3A_54 : memref<1x79x128xi32, #tpu.memory_space<hbm>> -> memref<79x128xi32, #tpu.memory_space<hbm>>
      %dma_start3A_56 = arith.constant 0 : i32
      %dma_start3A_57 = arith.constant 0 : i32
      %dma_start3A_58 = tpu.memref_slice %arg4[%add3A, %dma_start3A_56, %dma_start3A_57] : memref<32x79x128xi32, #tpu.memory_space<hbm>> -> memref<1x79x128xi32, #tpu.memory_space<hbm>>
      %dma_start3A_59 = tpu.memref_squeeze %dma_start3A_58 : memref<1x79x128xi32, #tpu.memory_space<hbm>> -> memref<79x128xi32, #tpu.memory_space<hbm>>
      tpu.enqueue_dma source(%dma_start3A_59 : memref<79x128xi32, #tpu.memory_space<hbm>>) target(%arg8 : memref<79x128xi32, #tpu.memory_space<vmem>>) target_semaphore(%run_scoped3A_51 : memref<!tpu.dma_semaphore, #tpu.memory_space<semaphore_mem>>)
      %dma_wait3A_60 = arith.constant 0 : i32
      %dma_wait3A_61 = arith.constant 0 : i32
      %dma_wait3A_62 = tpu.memref_slice %arg4[%add3A, %dma_wait3A_60, %dma_wait3A_61] : memref<32x79x128xi32, #tpu.memory_space<hbm>> -> memref<1x79x128xi32, #tpu.memory_space<hbm>>
      %dma_wait3A_63 = tpu.memref_squeeze %dma_wait3A_62 : memref<1x79x128xi32, #tpu.memory_space<hbm>> -> memref<79x128xi32, #tpu.memory_space<hbm>>
      %dma_wait3A_64 = arith.constant 0 : i32
      %dma_wait3A_65 = arith.constant 0 : i32
      %dma_wait3A_66 = tpu.memref_slice %arg4[%add3A, %dma_wait3A_64, %dma_wait3A_65] : memref<32x79x128xi32, #tpu.memory_space<hbm>> -> memref<1x79x128xi32, #tpu.memory_space<hbm>>
      %dma_wait3A_67 = tpu.memref_squeeze %dma_wait3A_66 : memref<1x79x128xi32, #tpu.memory_space<hbm>> -> memref<79x128xi32, #tpu.memory_space<hbm>>
      tpu.wait_dma2 semaphore(%run_scoped3A_51 : memref<!tpu.dma_semaphore, #tpu.memory_space<semaphore_mem>>) src(%dma_wait3A_67 : memref<79x128xi32, #tpu.memory_space<hbm>>) dst(%arg8 : memref<79x128xi32, #tpu.memory_space<vmem>>)
      tpu.yield
    }) : () -> ()
    %barrier3A = arith.constant 0 : index
    tpu.barrier barrier_id(%barrier3A)
    %dma_start3A = arith.constant 0 : i32
    %dma_start3A_3 = arith.constant 0 : i32
    %dma_start3A_4 = tpu.memref_slice %arg7[%dma_start3A, %dma_start3A_3] : memref<79x128xi32, #tpu.memory_space<vmem>> -> memref<1x128xi32, #tpu.memory_space<vmem>>
    %dma_start3A_5 = tpu.memref_squeeze %dma_start3A_4 : memref<1x128xi32, #tpu.memory_space<vmem>> -> memref<128xi32, #tpu.memory_space<vmem>>
    %dma_start3A_6 = arith.constant 0 : i32
    %dma_start3A_7 = arith.constant 0 : i32
    %dma_start3A_8 = tpu.memref_slice %arg2[%dma_start3A_6, %dma_start3A_7] : memref<20000x64xf32, #tpu.memory_space<hbm>> -> memref<20000x64xf32, #tpu.memory_space<hbm>>
    tpu.enqueue_indirect_dma source(%dma_start3A_8 : memref<20000x64xf32, #tpu.memory_space<hbm>>) target(%arg9 : memref<128x64xf32, #tpu.memory_space<vmem>>) offsets(%dma_start3A_5 : memref<128xi32, #tpu.memory_space<vmem>>) semaphore(%arg14 : memref<!tpu.dma_semaphore, #tpu.memory_space<semaphore_mem>>)
    %dma_start3A_9 = arith.constant 1 : i32
    %dma_start3A_10 = arith.constant 0 : i32
    %dma_start3A_11 = tpu.memref_slice %arg7[%dma_start3A_9, %dma_start3A_10] : memref<79x128xi32, #tpu.memory_space<vmem>> -> memref<1x128xi32, #tpu.memory_space<vmem>>
    %dma_start3A_12 = tpu.memref_squeeze %dma_start3A_11 : memref<1x128xi32, #tpu.memory_space<vmem>> -> memref<128xi32, #tpu.memory_space<vmem>>
    %dma_start3A_13 = arith.constant 0 : i32
    %dma_start3A_14 = arith.constant 0 : i32
    %dma_start3A_15 = tpu.memref_slice %arg2[%dma_start3A_13, %dma_start3A_14] : memref<20000x64xf32, #tpu.memory_space<hbm>> -> memref<20000x64xf32, #tpu.memory_space<hbm>>
    tpu.enqueue_indirect_dma source(%dma_start3A_15 : memref<20000x64xf32, #tpu.memory_space<hbm>>) target(%arg10 : memref<128x64xf32, #tpu.memory_space<vmem>>) offsets(%dma_start3A_12 : memref<128xi32, #tpu.memory_space<vmem>>) semaphore(%arg15 : memref<!tpu.dma_semaphore, #tpu.memory_space<semaphore_mem>>)
    %dma_start3A_16 = arith.constant 2 : i32
    %dma_start3A_17 = arith.constant 0 : i32
    %dma_start3A_18 = tpu.memref_slice %arg7[%dma_start3A_16, %dma_start3A_17] : memref<79x128xi32, #tpu.memory_space<vmem>> -> memref<1x128xi32, #tpu.memory_space<vmem>>
    %dma_start3A_19 = tpu.memref_squeeze %dma_start3A_18 : memref<1x128xi32, #tpu.memory_space<vmem>> -> memref<128xi32, #tpu.memory_space<vmem>>
    %dma_start3A_20 = arith.constant 0 : i32
    %dma_start3A_21 = arith.constant 0 : i32
    %dma_start3A_22 = tpu.memref_slice %arg2[%dma_start3A_20, %dma_start3A_21] : memref<20000x64xf32, #tpu.memory_space<hbm>> -> memref<20000x64xf32, #tpu.memory_space<hbm>>
    tpu.enqueue_indirect_dma source(%dma_start3A_22 : memref<20000x64xf32, #tpu.memory_space<hbm>>) target(%arg11 : memref<128x64xf32, #tpu.memory_space<vmem>>) offsets(%dma_start3A_19 : memref<128xi32, #tpu.memory_space<vmem>>) semaphore(%arg16 : memref<!tpu.dma_semaphore, #tpu.memory_space<semaphore_mem>>)
    %scan3A = arith.constant 0 : i32
    %scan3A_23 = arith.constant 0 : i32
    %scan3A_24 = arith.constant 19 : i32
    %scan3A_25 = arith.addi %scan3A_23, %scan3A_24 : i32
    %scan3A_26 = arith.constant 1 : i32
    scf.for %scan3A_51 = %scan3A_23 to %scan3A_25 step %scan3A_26  : i32 {
      %mul3A_52 = arith.constant 4 : i32
      %mul3A_53 = arith.muli %mul3A_52, %scan3A_51 : i32
      %add3A_54 = arith.constant 0 : i32
      %add3A_55 = arith.addi %mul3A_53, %add3A_54 : i32
      %add3A_56 = arith.constant 4 : i32
      %add3A_57 = arith.addi %add3A_55, %add3A_56 : i32
      %sub3A = arith.constant 1 : i32
      %sub3A_58 = arith.subi %add3A_57, %sub3A : i32
      %dma_start3A_59 = arith.constant 0 : i32
      %dma_start3A_60 = tpu.memref_slice %arg7[%sub3A_58, %dma_start3A_59] : memref<79x128xi32, #tpu.memory_space<vmem>> -> memref<1x128xi32, #tpu.memory_space<vmem>>
      %dma_start3A_61 = tpu.memref_squeeze %dma_start3A_60 : memref<1x128xi32, #tpu.memory_space<vmem>> -> memref<128xi32, #tpu.memory_space<vmem>>
      %dma_start3A_62 = arith.constant 0 : i32
      %dma_start3A_63 = arith.constant 0 : i32
      %dma_start3A_64 = tpu.memref_slice %arg2[%dma_start3A_62, %dma_start3A_63] : memref<20000x64xf32, #tpu.memory_space<hbm>> -> memref<20000x64xf32, #tpu.memory_space<hbm>>
      tpu.enqueue_indirect_dma source(%dma_start3A_64 : memref<20000x64xf32, #tpu.memory_space<hbm>>) target(%arg12 : memref<128x64xf32, #tpu.memory_space<vmem>>) offsets(%dma_start3A_61 : memref<128xi32, #tpu.memory_space<vmem>>) semaphore(%arg17 : memref<!tpu.dma_semaphore, #tpu.memory_space<semaphore_mem>>)
      %dma_wait3A_65 = arith.constant 0 : i32
      %dma_wait3A_66 = tpu.memref_slice %arg7[%add3A_55, %dma_wait3A_65] : memref<79x128xi32, #tpu.memory_space<vmem>> -> memref<1x128xi32, #tpu.memory_space<vmem>>
      %dma_wait3A_67 = tpu.memref_squeeze %dma_wait3A_66 : memref<1x128xi32, #tpu.memory_space<vmem>> -> memref<128xi32, #tpu.memory_space<vmem>>
      %dma_wait3A_68 = arith.constant 0 : i32
      %dma_wait3A_69 = arith.constant 0 : i32
      %dma_wait3A_70 = tpu.memref_slice %arg2[%dma_wait3A_68, %dma_wait3A_69] : memref<20000x64xf32, #tpu.memory_space<hbm>> -> memref<20000x64xf32, #tpu.memory_space<hbm>>
      tpu.wait_indirect_dma semaphore(%arg14 : memref<!tpu.dma_semaphore, #tpu.memory_space<semaphore_mem>>) src(%dma_wait3A_70 : memref<20000x64xf32, #tpu.memory_space<hbm>>) dst(%arg9 : memref<128x64xf32, #tpu.memory_space<vmem>>)
      "tpu.region"() ({
        %run_scoped3A_125 = tpu.sem_alloc : memref<!tpu.dma_semaphore, #tpu.memory_space<semaphore_mem>>
        %dma_start3A_126 = arith.constant 0 : i32
        %dma_start3A_127 = tpu.memref_slice %arg8[%add3A_55, %dma_start3A_126] : memref<79x128xi32, #tpu.memory_space<vmem>> -> memref<1x128xi32, #tpu.memory_space<vmem>>
        %dma_start3A_128 = tpu.memref_squeeze %dma_start3A_127 : memref<1x128xi32, #tpu.memory_space<vmem>> -> memref<128xi32, #tpu.memory_space<vmem>>
        %dma_start3A_129 = arith.constant 0 : i32
        %dma_start3A_130 = arith.constant 0 : i32
        %dma_start3A_131 = tpu.memref_slice %arg13[%dma_start3A_129, %dma_start3A_130] : memref<10240x64xf32, #tpu.memory_space<vmem_shared>> -> memref<10240x64xf32, #tpu.memory_space<vmem_shared>>
        tpu.enqueue_indirect_dma source(%arg9 : memref<128x64xf32, #tpu.memory_space<vmem>>) target(%dma_start3A_131 : memref<10240x64xf32, #tpu.memory_space<vmem_shared>>) offsets(%dma_start3A_128 : memref<128xi32, #tpu.memory_space<vmem>>) semaphore(%run_scoped3A_125 : memref<!tpu.dma_semaphore, #tpu.memory_space<semaphore_mem>>) {add = true}
        %dma_wait3A_132 = arith.constant 0 : i32
        %dma_wait3A_133 = tpu.memref_slice %arg8[%add3A_55, %dma_wait3A_132] : memref<79x128xi32, #tpu.memory_space<vmem>> -> memref<1x128xi32, #tpu.memory_space<vmem>>
        %dma_wait3A_134 = tpu.memref_squeeze %dma_wait3A_133 : memref<1x128xi32, #tpu.memory_space<vmem>> -> memref<128xi32, #tpu.memory_space<vmem>>
        %dma_wait3A_135 = arith.constant 0 : i32
        %dma_wait3A_136 = arith.constant 0 : i32
        %dma_wait3A_137 = tpu.memref_slice %arg13[%dma_wait3A_135, %dma_wait3A_136] : memref<10240x64xf32, #tpu.memory_space<vmem_shared>> -> memref<10240x64xf32, #tpu.memory_space<vmem_shared>>
        tpu.wait_indirect_dma semaphore(%run_scoped3A_125 : memref<!tpu.dma_semaphore, #tpu.memory_space<semaphore_mem>>) src(%arg9 : memref<128x64xf32, #tpu.memory_space<vmem>>) dst(%dma_wait3A_137 : memref<10240x64xf32, #tpu.memory_space<vmem_shared>>)
        tpu.yield
      }) : () -> ()
      %add3A_71 = arith.constant 1 : i32
      %add3A_72 = arith.addi %mul3A_53, %add3A_71 : i32
      %add3A_73 = arith.constant 4 : i32
      %add3A_74 = arith.addi %add3A_72, %add3A_73 : i32
      %sub3A_75 = arith.constant 1 : i32
      %sub3A_76 = arith.subi %add3A_74, %sub3A_75 : i32
      %dma_start3A_77 = arith.constant 0 : i32
      %dma_start3A_78 = tpu.memref_slice %arg7[%sub3A_76, %dma_start3A_77] : memref<79x128xi32, #tpu.memory_space<vmem>> -> memref<1x128xi32, #tpu.memory_space<vmem>>
      %dma_start3A_79 = tpu.memref_squeeze %dma_start3A_78 : memref<1x128xi32, #tpu.memory_space<vmem>> -> memref<128xi32, #tpu.memory_space<vmem>>
      %dma_start3A_80 = arith.constant 0 : i32
      %dma_start3A_81 = arith.constant 0 : i32
      %dma_start3A_82 = tpu.memref_slice %arg2[%dma_start3A_80, %dma_start3A_81] : memref<20000x64xf32, #tpu.memory_space<hbm>> -> memref<20000x64xf32, #tpu.memory_space<hbm>>
      tpu.enqueue_indirect_dma source(%dma_start3A_82 : memref<20000x64xf32, #tpu.memory_space<hbm>>) target(%arg9 : memref<128x64xf32, #tpu.memory_space<vmem>>) offsets(%dma_start3A_79 : memref<128xi32, #tpu.memory_space<vmem>>) semaphore(%arg14 : memref<!tpu.dma_semaphore, #tpu.memory_space<semaphore_mem>>)
      %dma_wait3A_83 = arith.constant 0 : i32
      %dma_wait3A_84 = tpu.memref_slice %arg7[%add3A_72, %dma_wait3A_83] : memref<79x128xi32, #tpu.memory_space<vmem>> -> memref<1x128xi32, #tpu.memory_space<vmem>>
      %dma_wait3A_85 = tpu.memref_squeeze %dma_wait3A_84 : memref<1x128xi32, #tpu.memory_space<vmem>> -> memref<128xi32, #tpu.memory_space<vmem>>
      %dma_wait3A_86 = arith.constant 0 : i32
      %dma_wait3A_87 = arith.constant 0 : i32
      %dma_wait3A_88 = tpu.memref_slice %arg2[%dma_wait3A_86, %dma_wait3A_87] : memref<20000x64xf32, #tpu.memory_space<hbm>> -> memref<20000x64xf32, #tpu.memory_space<hbm>>
      tpu.wait_indirect_dma semaphore(%arg15 : memref<!tpu.dma_semaphore, #tpu.memory_space<semaphore_mem>>) src(%dma_wait3A_88 : memref<20000x64xf32, #tpu.memory_space<hbm>>) dst(%arg10 : memref<128x64xf32, #tpu.memory_space<vmem>>)
      "tpu.region"() ({
        %run_scoped3A_125 = tpu.sem_alloc : memref<!tpu.dma_semaphore, #tpu.memory_space<semaphore_mem>>
        %dma_start3A_126 = arith.constant 0 : i32
        %dma_start3A_127 = tpu.memref_slice %arg8[%add3A_72, %dma_start3A_126] : memref<79x128xi32, #tpu.memory_space<vmem>> -> memref<1x128xi32, #tpu.memory_space<vmem>>
        %dma_start3A_128 = tpu.memref_squeeze %dma_start3A_127 : memref<1x128xi32, #tpu.memory_space<vmem>> -> memref<128xi32, #tpu.memory_space<vmem>>
        %dma_start3A_129 = arith.constant 0 : i32
        %dma_start3A_130 = arith.constant 0 : i32
        %dma_start3A_131 = tpu.memref_slice %arg13[%dma_start3A_129, %dma_start3A_130] : memref<10240x64xf32, #tpu.memory_space<vmem_shared>> -> memref<10240x64xf32, #tpu.memory_space<vmem_shared>>
        tpu.enqueue_indirect_dma source(%arg10 : memref<128x64xf32, #tpu.memory_space<vmem>>) target(%dma_start3A_131 : memref<10240x64xf32, #tpu.memory_space<vmem_shared>>) offsets(%dma_start3A_128 : memref<128xi32, #tpu.memory_space<vmem>>) semaphore(%run_scoped3A_125 : memref<!tpu.dma_semaphore, #tpu.memory_space<semaphore_mem>>) {add = true}
        %dma_wait3A_132 = arith.constant 0 : i32
        %dma_wait3A_133 = tpu.memref_slice %arg8[%add3A_72, %dma_wait3A_132] : memref<79x128xi32, #tpu.memory_space<vmem>> -> memref<1x128xi32, #tpu.memory_space<vmem>>
        %dma_wait3A_134 = tpu.memref_squeeze %dma_wait3A_133 : memref<1x128xi32, #tpu.memory_space<vmem>> -> memref<128xi32, #tpu.memory_space<vmem>>
        %dma_wait3A_135 = arith.constant 0 : i32
        %dma_wait3A_136 = arith.constant 0 : i32
        %dma_wait3A_137 = tpu.memref_slice %arg13[%dma_wait3A_135, %dma_wait3A_136] : memref<10240x64xf32, #tpu.memory_space<vmem_shared>> -> memref<10240x64xf32, #tpu.memory_space<vmem_shared>>
        tpu.wait_indirect_dma semaphore(%run_scoped3A_125 : memref<!tpu.dma_semaphore, #tpu.memory_space<semaphore_mem>>) src(%arg10 : memref<128x64xf32, #tpu.memory_space<vmem>>) dst(%dma_wait3A_137 : memref<10240x64xf32, #tpu.memory_space<vmem_shared>>)
        tpu.yield
      }) : () -> ()
      %add3A_89 = arith.constant 2 : i32
      %add3A_90 = arith.addi %mul3A_53, %add3A_89 : i32
      %add3A_91 = arith.constant 4 : i32
      %add3A_92 = arith.addi %add3A_90, %add3A_91 : i32
      %sub3A_93 = arith.constant 1 : i32
      %sub3A_94 = arith.subi %add3A_92, %sub3A_93 : i32
      %dma_start3A_95 = arith.constant 0 : i32
      %dma_start3A_96 = tpu.memref_slice %arg7[%sub3A_94, %dma_start3A_95] : memref<79x128xi32, #tpu.memory_space<vmem>> -> memref<1x128xi32, #tpu.memory_space<vmem>>
      %dma_start3A_97 = tpu.memref_squeeze %dma_start3A_96 : memref<1x128xi32, #tpu.memory_space<vmem>> -> memref<128xi32, #tpu.memory_space<vmem>>
      %dma_start3A_98 = arith.constant 0 : i32
      %dma_start3A_99 = arith.constant 0 : i32
      %dma_start3A_100 = tpu.memref_slice %arg2[%dma_start3A_98, %dma_start3A_99] : memref<20000x64xf32, #tpu.memory_space<hbm>> -> memref<20000x64xf32, #tpu.memory_space<hbm>>
      tpu.enqueue_indirect_dma source(%dma_start3A_100 : memref<20000x64xf32, #tpu.memory_space<hbm>>) target(%arg10 : memref<128x64xf32, #tpu.memory_space<vmem>>) offsets(%dma_start3A_97 : memref<128xi32, #tpu.memory_space<vmem>>) semaphore(%arg15 : memref<!tpu.dma_semaphore, #tpu.memory_space<semaphore_mem>>)
      %dma_wait3A_101 = arith.constant 0 : i32
      %dma_wait3A_102 = tpu.memref_slice %arg7[%add3A_90, %dma_wait3A_101] : memref<79x128xi32, #tpu.memory_space<vmem>> -> memref<1x128xi32, #tpu.memory_space<vmem>>
      %dma_wait3A_103 = tpu.memref_squeeze %dma_wait3A_102 : memref<1x128xi32, #tpu.memory_space<vmem>> -> memref<128xi32, #tpu.memory_space<vmem>>
      %dma_wait3A_104 = arith.constant 0 : i32
      %dma_wait3A_105 = arith.constant 0 : i32
      %dma_wait3A_106 = tpu.memref_slice %arg2[%dma_wait3A_104, %dma_wait3A_105] : memref<20000x64xf32, #tpu.memory_space<hbm>> -> memref<20000x64xf32, #tpu.memory_space<hbm>>
      tpu.wait_indirect_dma semaphore(%arg16 : memref<!tpu.dma_semaphore, #tpu.memory_space<semaphore_mem>>) src(%dma_wait3A_106 : memref<20000x64xf32, #tpu.memory_space<hbm>>) dst(%arg11 : memref<128x64xf32, #tpu.memory_space<vmem>>)
      "tpu.region"() ({
        %run_scoped3A_125 = tpu.sem_alloc : memref<!tpu.dma_semaphore, #tpu.memory_space<semaphore_mem>>
        %dma_start3A_126 = arith.constant 0 : i32
        %dma_start3A_127 = tpu.memref_slice %arg8[%add3A_90, %dma_start3A_126] : memref<79x128xi32, #tpu.memory_space<vmem>> -> memref<1x128xi32, #tpu.memory_space<vmem>>
        %dma_start3A_128 = tpu.memref_squeeze %dma_start3A_127 : memref<1x128xi32, #tpu.memory_space<vmem>> -> memref<128xi32, #tpu.memory_space<vmem>>
        %dma_start3A_129 = arith.constant 0 : i32
        %dma_start3A_130 = arith.constant 0 : i32
        %dma_start3A_131 = tpu.memref_slice %arg13[%dma_start3A_129, %dma_start3A_130] : memref<10240x64xf32, #tpu.memory_space<vmem_shared>> -> memref<10240x64xf32, #tpu.memory_space<vmem_shared>>
        tpu.enqueue_indirect_dma source(%arg11 : memref<128x64xf32, #tpu.memory_space<vmem>>) target(%dma_start3A_131 : memref<10240x64xf32, #tpu.memory_space<vmem_shared>>) offsets(%dma_start3A_128 : memref<128xi32, #tpu.memory_space<vmem>>) semaphore(%run_scoped3A_125 : memref<!tpu.dma_semaphore, #tpu.memory_space<semaphore_mem>>) {add = true}
        %dma_wait3A_132 = arith.constant 0 : i32
        %dma_wait3A_133 = tpu.memref_slice %arg8[%add3A_90, %dma_wait3A_132] : memref<79x128xi32, #tpu.memory_space<vmem>> -> memref<1x128xi32, #tpu.memory_space<vmem>>
        %dma_wait3A_134 = tpu.memref_squeeze %dma_wait3A_133 : memref<1x128xi32, #tpu.memory_space<vmem>> -> memref<128xi32, #tpu.memory_space<vmem>>
        %dma_wait3A_135 = arith.constant 0 : i32
        %dma_wait3A_136 = arith.constant 0 : i32
        %dma_wait3A_137 = tpu.memref_slice %arg13[%dma_wait3A_135, %dma_wait3A_136] : memref<10240x64xf32, #tpu.memory_space<vmem_shared>> -> memref<10240x64xf32, #tpu.memory_space<vmem_shared>>
        tpu.wait_indirect_dma semaphore(%run_scoped3A_125 : memref<!tpu.dma_semaphore, #tpu.memory_space<semaphore_mem>>) src(%arg11 : memref<128x64xf32, #tpu.memory_space<vmem>>) dst(%dma_wait3A_137 : memref<10240x64xf32, #tpu.memory_space<vmem_shared>>)
        tpu.yield
      }) : () -> ()
      %add3A_107 = arith.constant 3 : i32
      %add3A_108 = arith.addi %mul3A_53, %add3A_107 : i32
      %add3A_109 = arith.constant 4 : i32
      %add3A_110 = arith.addi %add3A_108, %add3A_109 : i32
      %sub3A_111 = arith.constant 1 : i32
      %sub3A_112 = arith.subi %add3A_110, %sub3A_111 : i32
      %dma_start3A_113 = arith.constant 0 : i32
      %dma_start3A_114 = tpu.memref_slice %arg7[%sub3A_112, %dma_start3A_113] : memref<79x128xi32, #tpu.memory_space<vmem>> -> memref<1x128xi32, #tpu.memory_space<vmem>>
      %dma_start3A_115 = tpu.memref_squeeze %dma_start3A_114 : memref<1x128xi32, #tpu.memory_space<vmem>> -> memref<128xi32, #tpu.memory_space<vmem>>
      %dma_start3A_116 = arith.constant 0 : i32
      %dma_start3A_117 = arith.constant 0 : i32
      %dma_start3A_118 = tpu.memref_slice %arg2[%dma_start3A_116, %dma_start3A_117] : memref<20000x64xf32, #tpu.memory_space<hbm>> -> memref<20000x64xf32, #tpu.memory_space<hbm>>
      tpu.enqueue_indirect_dma source(%dma_start3A_118 : memref<20000x64xf32, #tpu.memory_space<hbm>>) target(%arg11 : memref<128x64xf32, #tpu.memory_space<vmem>>) offsets(%dma_start3A_115 : memref<128xi32, #tpu.memory_space<vmem>>) semaphore(%arg16 : memref<!tpu.dma_semaphore, #tpu.memory_space<semaphore_mem>>)
      %dma_wait3A_119 = arith.constant 0 : i32
      %dma_wait3A_120 = tpu.memref_slice %arg7[%add3A_108, %dma_wait3A_119] : memref<79x128xi32, #tpu.memory_space<vmem>> -> memref<1x128xi32, #tpu.memory_space<vmem>>
      %dma_wait3A_121 = tpu.memref_squeeze %dma_wait3A_120 : memref<1x128xi32, #tpu.memory_space<vmem>> -> memref<128xi32, #tpu.memory_space<vmem>>
      %dma_wait3A_122 = arith.constant 0 : i32
      %dma_wait3A_123 = arith.constant 0 : i32
      %dma_wait3A_124 = tpu.memref_slice %arg2[%dma_wait3A_122, %dma_wait3A_123] : memref<20000x64xf32, #tpu.memory_space<hbm>> -> memref<20000x64xf32, #tpu.memory_space<hbm>>
      tpu.wait_indirect_dma semaphore(%arg17 : memref<!tpu.dma_semaphore, #tpu.memory_space<semaphore_mem>>) src(%dma_wait3A_124 : memref<20000x64xf32, #tpu.memory_space<hbm>>) dst(%arg12 : memref<128x64xf32, #tpu.memory_space<vmem>>)
      "tpu.region"() ({
        %run_scoped3A_125 = tpu.sem_alloc : memref<!tpu.dma_semaphore, #tpu.memory_space<semaphore_mem>>
        %dma_start3A_126 = arith.constant 0 : i32
        %dma_start3A_127 = tpu.memref_slice %arg8[%add3A_108, %dma_start3A_126] : memref<79x128xi32, #tpu.memory_space<vmem>> -> memref<1x128xi32, #tpu.memory_space<vmem>>
        %dma_start3A_128 = tpu.memref_squeeze %dma_start3A_127 : memref<1x128xi32, #tpu.memory_space<vmem>> -> memref<128xi32, #tpu.memory_space<vmem>>
        %dma_start3A_129 = arith.constant 0 : i32
        %dma_start3A_130 = arith.constant 0 : i32
        %dma_start3A_131 = tpu.memref_slice %arg13[%dma_start3A_129, %dma_start3A_130] : memref<10240x64xf32, #tpu.memory_space<vmem_shared>> -> memref<10240x64xf32, #tpu.memory_space<vmem_shared>>
        tpu.enqueue_indirect_dma source(%arg12 : memref<128x64xf32, #tpu.memory_space<vmem>>) target(%dma_start3A_131 : memref<10240x64xf32, #tpu.memory_space<vmem_shared>>) offsets(%dma_start3A_128 : memref<128xi32, #tpu.memory_space<vmem>>) semaphore(%run_scoped3A_125 : memref<!tpu.dma_semaphore, #tpu.memory_space<semaphore_mem>>) {add = true}
        %dma_wait3A_132 = arith.constant 0 : i32
        %dma_wait3A_133 = tpu.memref_slice %arg8[%add3A_108, %dma_wait3A_132] : memref<79x128xi32, #tpu.memory_space<vmem>> -> memref<1x128xi32, #tpu.memory_space<vmem>>
        %dma_wait3A_134 = tpu.memref_squeeze %dma_wait3A_133 : memref<1x128xi32, #tpu.memory_space<vmem>> -> memref<128xi32, #tpu.memory_space<vmem>>
        %dma_wait3A_135 = arith.constant 0 : i32
        %dma_wait3A_136 = arith.constant 0 : i32
        %dma_wait3A_137 = tpu.memref_slice %arg13[%dma_wait3A_135, %dma_wait3A_136] : memref<10240x64xf32, #tpu.memory_space<vmem_shared>> -> memref<10240x64xf32, #tpu.memory_space<vmem_shared>>
        tpu.wait_indirect_dma semaphore(%run_scoped3A_125 : memref<!tpu.dma_semaphore, #tpu.memory_space<semaphore_mem>>) src(%arg12 : memref<128x64xf32, #tpu.memory_space<vmem>>) dst(%dma_wait3A_137 : memref<10240x64xf32, #tpu.memory_space<vmem_shared>>)
        tpu.yield
      }) : () -> ()
    }
    %scan3A_27 = arith.constant 19 : i32
    %dma_wait3A = arith.constant 76 : i32
    %dma_wait3A_28 = arith.constant 0 : i32
    %dma_wait3A_29 = tpu.memref_slice %arg7[%dma_wait3A, %dma_wait3A_28] : memref<79x128xi32, #tpu.memory_space<vmem>> -> memref<1x128xi32, #tpu.memory_space<vmem>>
    %dma_wait3A_30 = tpu.memref_squeeze %dma_wait3A_29 : memref<1x128xi32, #tpu.memory_space<vmem>> -> memref<128xi32, #tpu.memory_space<vmem>>
    %dma_wait3A_31 = arith.constant 0 : i32
    %dma_wait3A_32 = arith.constant 0 : i32
    %dma_wait3A_33 = tpu.memref_slice %arg2[%dma_wait3A_31, %dma_wait3A_32] : memref<20000x64xf32, #tpu.memory_space<hbm>> -> memref<20000x64xf32, #tpu.memory_space<hbm>>
    tpu.wait_indirect_dma semaphore(%arg14 : memref<!tpu.dma_semaphore, #tpu.memory_space<semaphore_mem>>) src(%dma_wait3A_33 : memref<20000x64xf32, #tpu.memory_space<hbm>>) dst(%arg9 : memref<128x64xf32, #tpu.memory_space<vmem>>)
    %run_scoped3A = arith.constant 76 : i32
    "tpu.region"() ({
      %run_scoped3A_51 = tpu.sem_alloc : memref<!tpu.dma_semaphore, #tpu.memory_space<semaphore_mem>>
      %dma_start3A_52 = arith.constant 0 : i32
      %dma_start3A_53 = tpu.memref_slice %arg8[%run_scoped3A, %dma_start3A_52] : memref<79x128xi32, #tpu.memory_space<vmem>> -> memref<1x128xi32, #tpu.memory_space<vmem>>
      %dma_start3A_54 = tpu.memref_squeeze %dma_start3A_53 : memref<1x128xi32, #tpu.memory_space<vmem>> -> memref<128xi32, #tpu.memory_space<vmem>>
      %dma_start3A_55 = arith.constant 0 : i32
      %dma_start3A_56 = arith.constant 0 : i32
      %dma_start3A_57 = tpu.memref_slice %arg13[%dma_start3A_55, %dma_start3A_56] : memref<10240x64xf32, #tpu.memory_space<vmem_shared>> -> memref<10240x64xf32, #tpu.memory_space<vmem_shared>>
      tpu.enqueue_indirect_dma source(%arg9 : memref<128x64xf32, #tpu.memory_space<vmem>>) target(%dma_start3A_57 : memref<10240x64xf32, #tpu.memory_space<vmem_shared>>) offsets(%dma_start3A_54 : memref<128xi32, #tpu.memory_space<vmem>>) semaphore(%run_scoped3A_51 : memref<!tpu.dma_semaphore, #tpu.memory_space<semaphore_mem>>) {add = true}
      %dma_wait3A_58 = arith.constant 0 : i32
      %dma_wait3A_59 = tpu.memref_slice %arg8[%run_scoped3A, %dma_wait3A_58] : memref<79x128xi32, #tpu.memory_space<vmem>> -> memref<1x128xi32, #tpu.memory_space<vmem>>
      %dma_wait3A_60 = tpu.memref_squeeze %dma_wait3A_59 : memref<1x128xi32, #tpu.memory_space<vmem>> -> memref<128xi32, #tpu.memory_space<vmem>>
      %dma_wait3A_61 = arith.constant 0 : i32
      %dma_wait3A_62 = arith.constant 0 : i32
      %dma_wait3A_63 = tpu.memref_slice %arg13[%dma_wait3A_61, %dma_wait3A_62] : memref<10240x64xf32, #tpu.memory_space<vmem_shared>> -> memref<10240x64xf32, #tpu.memory_space<vmem_shared>>
      tpu.wait_indirect_dma semaphore(%run_scoped3A_51 : memref<!tpu.dma_semaphore, #tpu.memory_space<semaphore_mem>>) src(%arg9 : memref<128x64xf32, #tpu.memory_space<vmem>>) dst(%dma_wait3A_63 : memref<10240x64xf32, #tpu.memory_space<vmem_shared>>)
      tpu.yield
    }) : () -> ()
    %dma_wait3A_34 = arith.constant 77 : i32
    %dma_wait3A_35 = arith.constant 0 : i32
    %dma_wait3A_36 = tpu.memref_slice %arg7[%dma_wait3A_34, %dma_wait3A_35] : memref<79x128xi32, #tpu.memory_space<vmem>> -> memref<1x128xi32, #tpu.memory_space<vmem>>
    %dma_wait3A_37 = tpu.memref_squeeze %dma_wait3A_36 : memref<1x128xi32, #tpu.memory_space<vmem>> -> memref<128xi32, #tpu.memory_space<vmem>>
    %dma_wait3A_38 = arith.constant 0 : i32
    %dma_wait3A_39 = arith.constant 0 : i32
    %dma_wait3A_40 = tpu.memref_slice %arg2[%dma_wait3A_38, %dma_wait3A_39] : memref<20000x64xf32, #tpu.memory_space<hbm>> -> memref<20000x64xf32, #tpu.memory_space<hbm>>
    tpu.wait_indirect_dma semaphore(%arg15 : memref<!tpu.dma_semaphore, #tpu.memory_space<semaphore_mem>>) src(%dma_wait3A_40 : memref<20000x64xf32, #tpu.memory_space<hbm>>) dst(%arg10 : memref<128x64xf32, #tpu.memory_space<vmem>>)
    %run_scoped3A_41 = arith.constant 77 : i32
    "tpu.region"() ({
      %run_scoped3A_51 = tpu.sem_alloc : memref<!tpu.dma_semaphore, #tpu.memory_space<semaphore_mem>>
      %dma_start3A_52 = arith.constant 0 : i32
      %dma_start3A_53 = tpu.memref_slice %arg8[%run_scoped3A_41, %dma_start3A_52] : memref<79x128xi32, #tpu.memory_space<vmem>> -> memref<1x128xi32, #tpu.memory_space<vmem>>
      %dma_start3A_54 = tpu.memref_squeeze %dma_start3A_53 : memref<1x128xi32, #tpu.memory_space<vmem>> -> memref<128xi32, #tpu.memory_space<vmem>>
      %dma_start3A_55 = arith.constant 0 : i32
      %dma_start3A_56 = arith.constant 0 : i32
      %dma_start3A_57 = tpu.memref_slice %arg13[%dma_start3A_55, %dma_start3A_56] : memref<10240x64xf32, #tpu.memory_space<vmem_shared>> -> memref<10240x64xf32, #tpu.memory_space<vmem_shared>>
      tpu.enqueue_indirect_dma source(%arg10 : memref<128x64xf32, #tpu.memory_space<vmem>>) target(%dma_start3A_57 : memref<10240x64xf32, #tpu.memory_space<vmem_shared>>) offsets(%dma_start3A_54 : memref<128xi32, #tpu.memory_space<vmem>>) semaphore(%run_scoped3A_51 : memref<!tpu.dma_semaphore, #tpu.memory_space<semaphore_mem>>) {add = true}
      %dma_wait3A_58 = arith.constant 0 : i32
      %dma_wait3A_59 = tpu.memref_slice %arg8[%run_scoped3A_41, %dma_wait3A_58] : memref<79x128xi32, #tpu.memory_space<vmem>> -> memref<1x128xi32, #tpu.memory_space<vmem>>
      %dma_wait3A_60 = tpu.memref_squeeze %dma_wait3A_59 : memref<1x128xi32, #tpu.memory_space<vmem>> -> memref<128xi32, #tpu.memory_space<vmem>>
      %dma_wait3A_61 = arith.constant 0 : i32
      %dma_wait3A_62 = arith.constant 0 : i32
      %dma_wait3A_63 = tpu.memref_slice %arg13[%dma_wait3A_61, %dma_wait3A_62] : memref<10240x64xf32, #tpu.memory_space<vmem_shared>> -> memref<10240x64xf32, #tpu.memory_space<vmem_shared>>
      tpu.wait_indirect_dma semaphore(%run_scoped3A_51 : memref<!tpu.dma_semaphore, #tpu.memory_space<semaphore_mem>>) src(%arg10 : memref<128x64xf32, #tpu.memory_space<vmem>>) dst(%dma_wait3A_63 : memref<10240x64xf32, #tpu.memory_space<vmem_shared>>)
      tpu.yield
    }) : () -> ()
    %dma_wait3A_42 = arith.constant 78 : i32
    %dma_wait3A_43 = arith.constant 0 : i32
    %dma_wait3A_44 = tpu.memref_slice %arg7[%dma_wait3A_42, %dma_wait3A_43] : memref<79x128xi32, #tpu.memory_space<vmem>> -> memref<1x128xi32, #tpu.memory_space<vmem>>
    %dma_wait3A_45 = tpu.memref_squeeze %dma_wait3A_44 : memref<1x128xi32, #tpu.memory_space<vmem>> -> memref<128xi32, #tpu.memory_space<vmem>>
    %dma_wait3A_46 = arith.constant 0 : i32
    %dma_wait3A_47 = arith.constant 0 : i32
    %dma_wait3A_48 = tpu.memref_slice %arg2[%dma_wait3A_46, %dma_wait3A_47] : memref<20000x64xf32, #tpu.memory_space<hbm>> -> memref<20000x64xf32, #tpu.memory_space<hbm>>
    tpu.wait_indirect_dma semaphore(%arg16 : memref<!tpu.dma_semaphore, #tpu.memory_space<semaphore_mem>>) src(%dma_wait3A_48 : memref<20000x64xf32, #tpu.memory_space<hbm>>) dst(%arg11 : memref<128x64xf32, #tpu.memory_space<vmem>>)
    %run_scoped3A_49 = arith.constant 78 : i32
    "tpu.region"() ({
      %run_scoped3A_51 = tpu.sem_alloc : memref<!tpu.dma_semaphore, #tpu.memory_space<semaphore_mem>>
      %dma_start3A_52 = arith.constant 0 : i32
      %dma_start3A_53 = tpu.memref_slice %arg8[%run_scoped3A_49, %dma_start3A_52] : memref<79x128xi32, #tpu.memory_space<vmem>> -> memref<1x128xi32, #tpu.memory_space<vmem>>
      %dma_start3A_54 = tpu.memref_squeeze %dma_start3A_53 : memref<1x128xi32, #tpu.memory_space<vmem>> -> memref<128xi32, #tpu.memory_space<vmem>>
      %dma_start3A_55 = arith.constant 0 : i32
      %dma_start3A_56 = arith.constant 0 : i32
      %dma_start3A_57 = tpu.memref_slice %arg13[%dma_start3A_55, %dma_start3A_56] : memref<10240x64xf32, #tpu.memory_space<vmem_shared>> -> memref<10240x64xf32, #tpu.memory_space<vmem_shared>>
      tpu.enqueue_indirect_dma source(%arg11 : memref<128x64xf32, #tpu.memory_space<vmem>>) target(%dma_start3A_57 : memref<10240x64xf32, #tpu.memory_space<vmem_shared>>) offsets(%dma_start3A_54 : memref<128xi32, #tpu.memory_space<vmem>>) semaphore(%run_scoped3A_51 : memref<!tpu.dma_semaphore, #tpu.memory_space<semaphore_mem>>) {add = true}
      %dma_wait3A_58 = arith.constant 0 : i32
      %dma_wait3A_59 = tpu.memref_slice %arg8[%run_scoped3A_49, %dma_wait3A_58] : memref<79x128xi32, #tpu.memory_space<vmem>> -> memref<1x128xi32, #tpu.memory_space<vmem>>
      %dma_wait3A_60 = tpu.memref_squeeze %dma_wait3A_59 : memref<1x128xi32, #tpu.memory_space<vmem>> -> memref<128xi32, #tpu.memory_space<vmem>>
      %dma_wait3A_61 = arith.constant 0 : i32
      %dma_wait3A_62 = arith.constant 0 : i32
      %dma_wait3A_63 = tpu.memref_slice %arg13[%dma_wait3A_61, %dma_wait3A_62] : memref<10240x64xf32, #tpu.memory_space<vmem_shared>> -> memref<10240x64xf32, #tpu.memory_space<vmem_shared>>
      tpu.wait_indirect_dma semaphore(%run_scoped3A_51 : memref<!tpu.dma_semaphore, #tpu.memory_space<semaphore_mem>>) src(%arg11 : memref<128x64xf32, #tpu.memory_space<vmem>>) dst(%dma_wait3A_63 : memref<10240x64xf32, #tpu.memory_space<vmem_shared>>)
      tpu.yield
    }) : () -> ()
    %barrier3A_50 = arith.constant 0 : index
    tpu.barrier barrier_id(%barrier3A_50)
    "tpu.region"() ({
      %run_scoped3A_51 = tpu.sem_alloc : memref<!tpu.dma_semaphore, #tpu.memory_space<semaphore_mem>>
      %dma_start3A_52 = arith.constant 0 : i32
      %dma_start3A_53 = tpu.memref_slice %arg6[%arg0, %mul3A_2, %dma_start3A_52] : memref<2x10240x128xf32, #tpu.memory_space<hbm>> -> memref<1x640x64xf32, #tpu.memory_space<hbm>>
      %dma_start3A_54 = tpu.memref_squeeze %dma_start3A_53 : memref<1x640x64xf32, #tpu.memory_space<hbm>> -> memref<640x64xf32, #tpu.memory_space<hbm>>
      %dma_start3A_55 = arith.constant 0 : i32
      %dma_start3A_56 = tpu.memref_slice %arg13[%mul3A_2, %dma_start3A_55] : memref<10240x64xf32, #tpu.memory_space<vmem_shared>> -> memref<640x64xf32, #tpu.memory_space<vmem_shared>>
      tpu.enqueue_dma source(%dma_start3A_56 : memref<640x64xf32, #tpu.memory_space<vmem_shared>>) target(%dma_start3A_54 : memref<640x64xf32, #tpu.memory_space<hbm>>) target_semaphore(%run_scoped3A_51 : memref<!tpu.dma_semaphore, #tpu.memory_space<semaphore_mem>>)
      %dma_wait3A_57 = arith.constant 0 : i32
      %dma_wait3A_58 = tpu.memref_slice %arg6[%arg0, %mul3A_2, %dma_wait3A_57] : memref<2x10240x128xf32, #tpu.memory_space<hbm>> -> memref<1x640x64xf32, #tpu.memory_space<hbm>>
      %dma_wait3A_59 = tpu.memref_squeeze %dma_wait3A_58 : memref<1x640x64xf32, #tpu.memory_space<hbm>> -> memref<640x64xf32, #tpu.memory_space<hbm>>
      %dma_wait3A_60 = arith.constant 0 : i32
      %dma_wait3A_61 = tpu.memref_slice %arg13[%mul3A_2, %dma_wait3A_60] : memref<10240x64xf32, #tpu.memory_space<vmem_shared>> -> memref<640x64xf32, #tpu.memory_space<vmem_shared>>
      tpu.wait_dma2 semaphore(%run_scoped3A_51 : memref<!tpu.dma_semaphore, #tpu.memory_space<semaphore_mem>>) src(%dma_wait3A_61 : memref<640x64xf32, #tpu.memory_space<vmem_shared>>) dst(%dma_wait3A_59 : memref<640x64xf32, #tpu.memory_space<hbm>>)
      tpu.yield
    }) : () -> ()
    return
  }
}

#map = affine_map<(d0, d1) -> (0, 0)>
#map1 = affine_map<(d0, d1) -> (0, 0, 0)>
module attributes {stable_mosaic.version = 14 : i64} {
  func.func @body(%arg0: i32, %arg1: i32, %arg2: memref<20000x64xf32, #tpu.memory_space<hbm>>, %arg3: memref<32x79x128xi32, #tpu.memory_space<hbm>>, %arg4: memref<32x79x128xi32, #tpu.memory_space<hbm>>, %arg5: memref<640x64xf32, #tpu.memory_space<hbm>>, %arg6: memref<640x16xf32, #tpu.memory_space<hbm>>, %arg7: memref<128x16xf32, #tpu.memory_space<hbm>>, %arg8: memref<2x10240x128xf32, #tpu.memory_space<hbm>>, %arg9: memref<2x10240x16xf32, #tpu.memory_space<hbm>>, %arg10: memref<79x128xi32, #tpu.memory_space<vmem>>, %arg11: memref<79x128xi32, #tpu.memory_space<vmem>>, %arg12: memref<128x64xf32, #tpu.memory_space<vmem>>, %arg13: memref<128x64xf32, #tpu.memory_space<vmem>>, %arg14: memref<128x64xf32, #tpu.memory_space<vmem>>, %arg15: memref<128x64xf32, #tpu.memory_space<vmem>>, %arg16: memref<10240x64xf32, #tpu.memory_space<vmem_shared>>, %arg17: memref<!tpu.dma_semaphore, #tpu.memory_space<semaphore_mem>>, %arg18: memref<!tpu.dma_semaphore, #tpu.memory_space<semaphore_mem>>, %arg19: memref<!tpu.dma_semaphore, #tpu.memory_space<semaphore_mem>>, %arg20: memref<!tpu.dma_semaphore, #tpu.memory_space<semaphore_mem>>, %arg21: memref<128x16xf32, #tpu.memory_space<vmem>>, %arg22: memref<10240x16xf32, #tpu.memory_space<vmem_shared>>) attributes {dimension_semantics = [#tpu.dimension_semantics<core_parallel>, #tpu.dimension_semantics<subcore_parallel>], iteration_bounds = array<i64: 2, 16>, scalar_prefetch = 0 : i64, scratch_operands = 13 : i64, tpu.core_type = #tpu.core_type<sc_vector_subcore>, window_params = [{transform_indices = #map}, {transform_indices = #map1}, {transform_indices = #map1}, {transform_indices = #map}, {transform_indices = #map}, {transform_indices = #map}, {transform_indices = #map1}, {transform_indices = #map1}]} {
    %mul3A = arith.constant 2 : i32
    %mul3A_0 = arith.muli %arg1, %mul3A : i32
    %add3A = arith.addi %mul3A_0, %arg0 : i32
    %mul3A_1 = arith.constant 640 : i32
    %mul3A_2 = arith.muli %arg1, %mul3A_1 : i32
    "tpu.region"() ({
      %run_scoped3A_113 = tpu.sem_alloc : memref<!tpu.dma_semaphore, #tpu.memory_space<semaphore_mem>>
      %dma_start3A_114 = arith.constant 0 : i32
      %dma_start3A_115 = tpu.memref_slice %arg16[%mul3A_2, %dma_start3A_114] : memref<10240x64xf32, #tpu.memory_space<vmem_shared>> -> memref<640x64xf32, #tpu.memory_space<vmem_shared>>
      tpu.enqueue_dma source(%arg5 : memref<640x64xf32, #tpu.memory_space<hbm>>) target(%dma_start3A_115 : memref<640x64xf32, #tpu.memory_space<vmem_shared>>) target_semaphore(%run_scoped3A_113 : memref<!tpu.dma_semaphore, #tpu.memory_space<semaphore_mem>>)
      %dma_wait3A_116 = arith.constant 0 : i32
      %dma_wait3A_117 = tpu.memref_slice %arg16[%mul3A_2, %dma_wait3A_116] : memref<10240x64xf32, #tpu.memory_space<vmem_shared>> -> memref<640x64xf32, #tpu.memory_space<vmem_shared>>
      tpu.wait_dma2 semaphore(%run_scoped3A_113 : memref<!tpu.dma_semaphore, #tpu.memory_space<semaphore_mem>>) src(%arg5 : memref<640x64xf32, #tpu.memory_space<hbm>>) dst(%dma_wait3A_117 : memref<640x64xf32, #tpu.memory_space<vmem_shared>>)
      tpu.yield
    }) : () -> ()
    "tpu.region"() ({
      %run_scoped3A_113 = tpu.sem_alloc : memref<!tpu.dma_semaphore, #tpu.memory_space<semaphore_mem>>
      %dma_start3A_114 = arith.constant 0 : i32
      %dma_start3A_115 = tpu.memref_slice %arg22[%mul3A_2, %dma_start3A_114] : memref<10240x16xf32, #tpu.memory_space<vmem_shared>> -> memref<640x16xf32, #tpu.memory_space<vmem_shared>>
      tpu.enqueue_dma source(%arg6 : memref<640x16xf32, #tpu.memory_space<hbm>>) target(%dma_start3A_115 : memref<640x16xf32, #tpu.memory_space<vmem_shared>>) target_semaphore(%run_scoped3A_113 : memref<!tpu.dma_semaphore, #tpu.memory_space<semaphore_mem>>)
      %dma_wait3A_116 = arith.constant 0 : i32
      %dma_wait3A_117 = tpu.memref_slice %arg22[%mul3A_2, %dma_wait3A_116] : memref<10240x16xf32, #tpu.memory_space<vmem_shared>> -> memref<640x16xf32, #tpu.memory_space<vmem_shared>>
      tpu.wait_dma2 semaphore(%run_scoped3A_113 : memref<!tpu.dma_semaphore, #tpu.memory_space<semaphore_mem>>) src(%arg6 : memref<640x16xf32, #tpu.memory_space<hbm>>) dst(%dma_wait3A_117 : memref<640x16xf32, #tpu.memory_space<vmem_shared>>)
      tpu.yield
    }) : () -> ()
    "tpu.region"() ({
      %run_scoped3A_113 = tpu.sem_alloc : memref<!tpu.dma_semaphore, #tpu.memory_space<semaphore_mem>>
      tpu.enqueue_dma source(%arg7 : memref<128x16xf32, #tpu.memory_space<hbm>>) target(%arg21 : memref<128x16xf32, #tpu.memory_space<vmem>>) target_semaphore(%run_scoped3A_113 : memref<!tpu.dma_semaphore, #tpu.memory_space<semaphore_mem>>)
      tpu.wait_dma2 semaphore(%run_scoped3A_113 : memref<!tpu.dma_semaphore, #tpu.memory_space<semaphore_mem>>) src(%arg7 : memref<128x16xf32, #tpu.memory_space<hbm>>) dst(%arg21 : memref<128x16xf32, #tpu.memory_space<vmem>>)
      tpu.yield
    }) : () -> ()
    "tpu.region"() ({
      %run_scoped3A_113 = tpu.sem_alloc : memref<!tpu.dma_semaphore, #tpu.memory_space<semaphore_mem>>
      %dma_start3A_114 = arith.constant 0 : i32
      %dma_start3A_115 = arith.constant 0 : i32
      %dma_start3A_116 = tpu.memref_slice %arg3[%add3A, %dma_start3A_114, %dma_start3A_115] : memref<32x79x128xi32, #tpu.memory_space<hbm>> -> memref<1x79x128xi32, #tpu.memory_space<hbm>>
      %dma_start3A_117 = tpu.memref_squeeze %dma_start3A_116 : memref<1x79x128xi32, #tpu.memory_space<hbm>> -> memref<79x128xi32, #tpu.memory_space<hbm>>
      %dma_start3A_118 = arith.constant 0 : i32
      %dma_start3A_119 = arith.constant 0 : i32
      %dma_start3A_120 = tpu.memref_slice %arg3[%add3A, %dma_start3A_118, %dma_start3A_119] : memref<32x79x128xi32, #tpu.memory_space<hbm>> -> memref<1x79x128xi32, #tpu.memory_space<hbm>>
      %dma_start3A_121 = tpu.memref_squeeze %dma_start3A_120 : memref<1x79x128xi32, #tpu.memory_space<hbm>> -> memref<79x128xi32, #tpu.memory_space<hbm>>
      tpu.enqueue_dma source(%dma_start3A_121 : memref<79x128xi32, #tpu.memory_space<hbm>>) target(%arg10 : memref<79x128xi32, #tpu.memory_space<vmem>>) target_semaphore(%run_scoped3A_113 : memref<!tpu.dma_semaphore, #tpu.memory_space<semaphore_mem>>)
      %dma_wait3A_122 = arith.constant 0 : i32
      %dma_wait3A_123 = arith.constant 0 : i32
      %dma_wait3A_124 = tpu.memref_slice %arg3[%add3A, %dma_wait3A_122, %dma_wait3A_123] : memref<32x79x128xi32, #tpu.memory_space<hbm>> -> memref<1x79x128xi32, #tpu.memory_space<hbm>>
      %dma_wait3A_125 = tpu.memref_squeeze %dma_wait3A_124 : memref<1x79x128xi32, #tpu.memory_space<hbm>> -> memref<79x128xi32, #tpu.memory_space<hbm>>
      %dma_wait3A_126 = arith.constant 0 : i32
      %dma_wait3A_127 = arith.constant 0 : i32
      %dma_wait3A_128 = tpu.memref_slice %arg3[%add3A, %dma_wait3A_126, %dma_wait3A_127] : memref<32x79x128xi32, #tpu.memory_space<hbm>> -> memref<1x79x128xi32, #tpu.memory_space<hbm>>
      %dma_wait3A_129 = tpu.memref_squeeze %dma_wait3A_128 : memref<1x79x128xi32, #tpu.memory_space<hbm>> -> memref<79x128xi32, #tpu.memory_space<hbm>>
      tpu.wait_dma2 semaphore(%run_scoped3A_113 : memref<!tpu.dma_semaphore, #tpu.memory_space<semaphore_mem>>) src(%dma_wait3A_129 : memref<79x128xi32, #tpu.memory_space<hbm>>) dst(%arg10 : memref<79x128xi32, #tpu.memory_space<vmem>>)
      tpu.yield
    }) : () -> ()
    "tpu.region"() ({
      %run_scoped3A_113 = tpu.sem_alloc : memref<!tpu.dma_semaphore, #tpu.memory_space<semaphore_mem>>
      %dma_start3A_114 = arith.constant 0 : i32
      %dma_start3A_115 = arith.constant 0 : i32
      %dma_start3A_116 = tpu.memref_slice %arg4[%add3A, %dma_start3A_114, %dma_start3A_115] : memref<32x79x128xi32, #tpu.memory_space<hbm>> -> memref<1x79x128xi32, #tpu.memory_space<hbm>>
      %dma_start3A_117 = tpu.memref_squeeze %dma_start3A_116 : memref<1x79x128xi32, #tpu.memory_space<hbm>> -> memref<79x128xi32, #tpu.memory_space<hbm>>
      %dma_start3A_118 = arith.constant 0 : i32
      %dma_start3A_119 = arith.constant 0 : i32
      %dma_start3A_120 = tpu.memref_slice %arg4[%add3A, %dma_start3A_118, %dma_start3A_119] : memref<32x79x128xi32, #tpu.memory_space<hbm>> -> memref<1x79x128xi32, #tpu.memory_space<hbm>>
      %dma_start3A_121 = tpu.memref_squeeze %dma_start3A_120 : memref<1x79x128xi32, #tpu.memory_space<hbm>> -> memref<79x128xi32, #tpu.memory_space<hbm>>
      tpu.enqueue_dma source(%dma_start3A_121 : memref<79x128xi32, #tpu.memory_space<hbm>>) target(%arg11 : memref<79x128xi32, #tpu.memory_space<vmem>>) target_semaphore(%run_scoped3A_113 : memref<!tpu.dma_semaphore, #tpu.memory_space<semaphore_mem>>)
      %dma_wait3A_122 = arith.constant 0 : i32
      %dma_wait3A_123 = arith.constant 0 : i32
      %dma_wait3A_124 = tpu.memref_slice %arg4[%add3A, %dma_wait3A_122, %dma_wait3A_123] : memref<32x79x128xi32, #tpu.memory_space<hbm>> -> memref<1x79x128xi32, #tpu.memory_space<hbm>>
      %dma_wait3A_125 = tpu.memref_squeeze %dma_wait3A_124 : memref<1x79x128xi32, #tpu.memory_space<hbm>> -> memref<79x128xi32, #tpu.memory_space<hbm>>
      %dma_wait3A_126 = arith.constant 0 : i32
      %dma_wait3A_127 = arith.constant 0 : i32
      %dma_wait3A_128 = tpu.memref_slice %arg4[%add3A, %dma_wait3A_126, %dma_wait3A_127] : memref<32x79x128xi32, #tpu.memory_space<hbm>> -> memref<1x79x128xi32, #tpu.memory_space<hbm>>
      %dma_wait3A_129 = tpu.memref_squeeze %dma_wait3A_128 : memref<1x79x128xi32, #tpu.memory_space<hbm>> -> memref<79x128xi32, #tpu.memory_space<hbm>>
      tpu.wait_dma2 semaphore(%run_scoped3A_113 : memref<!tpu.dma_semaphore, #tpu.memory_space<semaphore_mem>>) src(%dma_wait3A_129 : memref<79x128xi32, #tpu.memory_space<hbm>>) dst(%arg11 : memref<79x128xi32, #tpu.memory_space<vmem>>)
      tpu.yield
    }) : () -> ()
    %barrier3A = arith.constant 0 : index
    tpu.barrier barrier_id(%barrier3A)
    %dma_start3A = arith.constant 0 : i32
    %dma_start3A_3 = arith.constant 0 : i32
    %dma_start3A_4 = tpu.memref_slice %arg10[%dma_start3A, %dma_start3A_3] : memref<79x128xi32, #tpu.memory_space<vmem>> -> memref<1x128xi32, #tpu.memory_space<vmem>>
    %dma_start3A_5 = tpu.memref_squeeze %dma_start3A_4 : memref<1x128xi32, #tpu.memory_space<vmem>> -> memref<128xi32, #tpu.memory_space<vmem>>
    %dma_start3A_6 = arith.constant 0 : i32
    %dma_start3A_7 = arith.constant 0 : i32
    %dma_start3A_8 = tpu.memref_slice %arg2[%dma_start3A_6, %dma_start3A_7] : memref<20000x64xf32, #tpu.memory_space<hbm>> -> memref<20000x64xf32, #tpu.memory_space<hbm>>
    tpu.enqueue_indirect_dma source(%dma_start3A_8 : memref<20000x64xf32, #tpu.memory_space<hbm>>) target(%arg12 : memref<128x64xf32, #tpu.memory_space<vmem>>) offsets(%dma_start3A_5 : memref<128xi32, #tpu.memory_space<vmem>>) semaphore(%arg17 : memref<!tpu.dma_semaphore, #tpu.memory_space<semaphore_mem>>)
    %dma_start3A_9 = arith.constant 1 : i32
    %dma_start3A_10 = arith.constant 0 : i32
    %dma_start3A_11 = tpu.memref_slice %arg10[%dma_start3A_9, %dma_start3A_10] : memref<79x128xi32, #tpu.memory_space<vmem>> -> memref<1x128xi32, #tpu.memory_space<vmem>>
    %dma_start3A_12 = tpu.memref_squeeze %dma_start3A_11 : memref<1x128xi32, #tpu.memory_space<vmem>> -> memref<128xi32, #tpu.memory_space<vmem>>
    %dma_start3A_13 = arith.constant 0 : i32
    %dma_start3A_14 = arith.constant 0 : i32
    %dma_start3A_15 = tpu.memref_slice %arg2[%dma_start3A_13, %dma_start3A_14] : memref<20000x64xf32, #tpu.memory_space<hbm>> -> memref<20000x64xf32, #tpu.memory_space<hbm>>
    tpu.enqueue_indirect_dma source(%dma_start3A_15 : memref<20000x64xf32, #tpu.memory_space<hbm>>) target(%arg13 : memref<128x64xf32, #tpu.memory_space<vmem>>) offsets(%dma_start3A_12 : memref<128xi32, #tpu.memory_space<vmem>>) semaphore(%arg18 : memref<!tpu.dma_semaphore, #tpu.memory_space<semaphore_mem>>)
    %dma_start3A_16 = arith.constant 2 : i32
    %dma_start3A_17 = arith.constant 0 : i32
    %dma_start3A_18 = tpu.memref_slice %arg10[%dma_start3A_16, %dma_start3A_17] : memref<79x128xi32, #tpu.memory_space<vmem>> -> memref<1x128xi32, #tpu.memory_space<vmem>>
    %dma_start3A_19 = tpu.memref_squeeze %dma_start3A_18 : memref<1x128xi32, #tpu.memory_space<vmem>> -> memref<128xi32, #tpu.memory_space<vmem>>
    %dma_start3A_20 = arith.constant 0 : i32
    %dma_start3A_21 = arith.constant 0 : i32
    %dma_start3A_22 = tpu.memref_slice %arg2[%dma_start3A_20, %dma_start3A_21] : memref<20000x64xf32, #tpu.memory_space<hbm>> -> memref<20000x64xf32, #tpu.memory_space<hbm>>
    tpu.enqueue_indirect_dma source(%dma_start3A_22 : memref<20000x64xf32, #tpu.memory_space<hbm>>) target(%arg14 : memref<128x64xf32, #tpu.memory_space<vmem>>) offsets(%dma_start3A_19 : memref<128xi32, #tpu.memory_space<vmem>>) semaphore(%arg19 : memref<!tpu.dma_semaphore, #tpu.memory_space<semaphore_mem>>)
    %scan3A = arith.constant 0 : i32
    %scan3A_23 = arith.constant 0 : i32
    %scan3A_24 = arith.constant 19 : i32
    %scan3A_25 = arith.addi %scan3A_23, %scan3A_24 : i32
    %scan3A_26 = arith.constant 1 : i32
    scf.for %scan3A_113 = %scan3A_23 to %scan3A_25 step %scan3A_26  : i32 {
      %mul3A_114 = arith.constant 4 : i32
      %mul3A_115 = arith.muli %mul3A_114, %scan3A_113 : i32
      %add3A_116 = arith.constant 0 : i32
      %add3A_117 = arith.addi %mul3A_115, %add3A_116 : i32
      %add3A_118 = arith.constant 4 : i32
      %add3A_119 = arith.addi %add3A_117, %add3A_118 : i32
      %sub3A = arith.constant 1 : i32
      %sub3A_120 = arith.subi %add3A_119, %sub3A : i32
      %dma_start3A_121 = arith.constant 0 : i32
      %dma_start3A_122 = tpu.memref_slice %arg10[%sub3A_120, %dma_start3A_121] : memref<79x128xi32, #tpu.memory_space<vmem>> -> memref<1x128xi32, #tpu.memory_space<vmem>>
      %dma_start3A_123 = tpu.memref_squeeze %dma_start3A_122 : memref<1x128xi32, #tpu.memory_space<vmem>> -> memref<128xi32, #tpu.memory_space<vmem>>
      %dma_start3A_124 = arith.constant 0 : i32
      %dma_start3A_125 = arith.constant 0 : i32
      %dma_start3A_126 = tpu.memref_slice %arg2[%dma_start3A_124, %dma_start3A_125] : memref<20000x64xf32, #tpu.memory_space<hbm>> -> memref<20000x64xf32, #tpu.memory_space<hbm>>
      tpu.enqueue_indirect_dma source(%dma_start3A_126 : memref<20000x64xf32, #tpu.memory_space<hbm>>) target(%arg15 : memref<128x64xf32, #tpu.memory_space<vmem>>) offsets(%dma_start3A_123 : memref<128xi32, #tpu.memory_space<vmem>>) semaphore(%arg20 : memref<!tpu.dma_semaphore, #tpu.memory_space<semaphore_mem>>)
      %dma_wait3A_127 = arith.constant 0 : i32
      %dma_wait3A_128 = tpu.memref_slice %arg10[%add3A_117, %dma_wait3A_127] : memref<79x128xi32, #tpu.memory_space<vmem>> -> memref<1x128xi32, #tpu.memory_space<vmem>>
      %dma_wait3A_129 = tpu.memref_squeeze %dma_wait3A_128 : memref<1x128xi32, #tpu.memory_space<vmem>> -> memref<128xi32, #tpu.memory_space<vmem>>
      %dma_wait3A_130 = arith.constant 0 : i32
      %dma_wait3A_131 = arith.constant 0 : i32
      %dma_wait3A_132 = tpu.memref_slice %arg2[%dma_wait3A_130, %dma_wait3A_131] : memref<20000x64xf32, #tpu.memory_space<hbm>> -> memref<20000x64xf32, #tpu.memory_space<hbm>>
      tpu.wait_indirect_dma semaphore(%arg17 : memref<!tpu.dma_semaphore, #tpu.memory_space<semaphore_mem>>) src(%dma_wait3A_132 : memref<20000x64xf32, #tpu.memory_space<hbm>>) dst(%arg12 : memref<128x64xf32, #tpu.memory_space<vmem>>)
      "tpu.region"() ({
        %run_scoped3A_187 = tpu.sem_alloc : memref<!tpu.dma_semaphore, #tpu.memory_space<semaphore_mem>>
        %dma_start3A_188 = arith.constant 0 : i32
        %dma_start3A_189 = tpu.memref_slice %arg11[%add3A_117, %dma_start3A_188] : memref<79x128xi32, #tpu.memory_space<vmem>> -> memref<1x128xi32, #tpu.memory_space<vmem>>
        %dma_start3A_190 = tpu.memref_squeeze %dma_start3A_189 : memref<1x128xi32, #tpu.memory_space<vmem>> -> memref<128xi32, #tpu.memory_space<vmem>>
        %dma_start3A_191 = arith.constant 0 : i32
        %dma_start3A_192 = arith.constant 0 : i32
        %dma_start3A_193 = tpu.memref_slice %arg16[%dma_start3A_191, %dma_start3A_192] : memref<10240x64xf32, #tpu.memory_space<vmem_shared>> -> memref<10240x64xf32, #tpu.memory_space<vmem_shared>>
        tpu.enqueue_indirect_dma source(%arg12 : memref<128x64xf32, #tpu.memory_space<vmem>>) target(%dma_start3A_193 : memref<10240x64xf32, #tpu.memory_space<vmem_shared>>) offsets(%dma_start3A_190 : memref<128xi32, #tpu.memory_space<vmem>>) semaphore(%run_scoped3A_187 : memref<!tpu.dma_semaphore, #tpu.memory_space<semaphore_mem>>) {add = true}
        %dma_wait3A_194 = arith.constant 0 : i32
        %dma_wait3A_195 = tpu.memref_slice %arg11[%add3A_117, %dma_wait3A_194] : memref<79x128xi32, #tpu.memory_space<vmem>> -> memref<1x128xi32, #tpu.memory_space<vmem>>
        %dma_wait3A_196 = tpu.memref_squeeze %dma_wait3A_195 : memref<1x128xi32, #tpu.memory_space<vmem>> -> memref<128xi32, #tpu.memory_space<vmem>>
        %dma_wait3A_197 = arith.constant 0 : i32
        %dma_wait3A_198 = arith.constant 0 : i32
        %dma_wait3A_199 = tpu.memref_slice %arg16[%dma_wait3A_197, %dma_wait3A_198] : memref<10240x64xf32, #tpu.memory_space<vmem_shared>> -> memref<10240x64xf32, #tpu.memory_space<vmem_shared>>
        tpu.wait_indirect_dma semaphore(%run_scoped3A_187 : memref<!tpu.dma_semaphore, #tpu.memory_space<semaphore_mem>>) src(%arg12 : memref<128x64xf32, #tpu.memory_space<vmem>>) dst(%dma_wait3A_199 : memref<10240x64xf32, #tpu.memory_space<vmem_shared>>)
        tpu.yield
      }) : () -> ()
      "tpu.region"() ({
        %run_scoped3A_187 = tpu.sem_alloc : memref<!tpu.dma_semaphore, #tpu.memory_space<semaphore_mem>>
        %dma_start3A_188 = arith.constant 0 : i32
        %dma_start3A_189 = tpu.memref_slice %arg11[%add3A_117, %dma_start3A_188] : memref<79x128xi32, #tpu.memory_space<vmem>> -> memref<1x128xi32, #tpu.memory_space<vmem>>
        %dma_start3A_190 = tpu.memref_squeeze %dma_start3A_189 : memref<1x128xi32, #tpu.memory_space<vmem>> -> memref<128xi32, #tpu.memory_space<vmem>>
        %dma_start3A_191 = arith.constant 0 : i32
        %dma_start3A_192 = arith.constant 0 : i32
        %dma_start3A_193 = tpu.memref_slice %arg22[%dma_start3A_191, %dma_start3A_192] : memref<10240x16xf32, #tpu.memory_space<vmem_shared>> -> memref<10240x16xf32, #tpu.memory_space<vmem_shared>>
        tpu.enqueue_indirect_dma source(%arg21 : memref<128x16xf32, #tpu.memory_space<vmem>>) target(%dma_start3A_193 : memref<10240x16xf32, #tpu.memory_space<vmem_shared>>) offsets(%dma_start3A_190 : memref<128xi32, #tpu.memory_space<vmem>>) semaphore(%run_scoped3A_187 : memref<!tpu.dma_semaphore, #tpu.memory_space<semaphore_mem>>) {add = true}
        %dma_wait3A_194 = arith.constant 0 : i32
        %dma_wait3A_195 = tpu.memref_slice %arg11[%add3A_117, %dma_wait3A_194] : memref<79x128xi32, #tpu.memory_space<vmem>> -> memref<1x128xi32, #tpu.memory_space<vmem>>
        %dma_wait3A_196 = tpu.memref_squeeze %dma_wait3A_195 : memref<1x128xi32, #tpu.memory_space<vmem>> -> memref<128xi32, #tpu.memory_space<vmem>>
        %dma_wait3A_197 = arith.constant 0 : i32
        %dma_wait3A_198 = arith.constant 0 : i32
        %dma_wait3A_199 = tpu.memref_slice %arg22[%dma_wait3A_197, %dma_wait3A_198] : memref<10240x16xf32, #tpu.memory_space<vmem_shared>> -> memref<10240x16xf32, #tpu.memory_space<vmem_shared>>
        tpu.wait_indirect_dma semaphore(%run_scoped3A_187 : memref<!tpu.dma_semaphore, #tpu.memory_space<semaphore_mem>>) src(%arg21 : memref<128x16xf32, #tpu.memory_space<vmem>>) dst(%dma_wait3A_199 : memref<10240x16xf32, #tpu.memory_space<vmem_shared>>)
        tpu.yield
      }) : () -> ()
      %add3A_133 = arith.constant 1 : i32
      %add3A_134 = arith.addi %mul3A_115, %add3A_133 : i32
      %add3A_135 = arith.constant 4 : i32
      %add3A_136 = arith.addi %add3A_134, %add3A_135 : i32
      %sub3A_137 = arith.constant 1 : i32
      %sub3A_138 = arith.subi %add3A_136, %sub3A_137 : i32
      %dma_start3A_139 = arith.constant 0 : i32
      %dma_start3A_140 = tpu.memref_slice %arg10[%sub3A_138, %dma_start3A_139] : memref<79x128xi32, #tpu.memory_space<vmem>> -> memref<1x128xi32, #tpu.memory_space<vmem>>
      %dma_start3A_141 = tpu.memref_squeeze %dma_start3A_140 : memref<1x128xi32, #tpu.memory_space<vmem>> -> memref<128xi32, #tpu.memory_space<vmem>>
      %dma_start3A_142 = arith.constant 0 : i32
      %dma_start3A_143 = arith.constant 0 : i32
      %dma_start3A_144 = tpu.memref_slice %arg2[%dma_start3A_142, %dma_start3A_143] : memref<20000x64xf32, #tpu.memory_space<hbm>> -> memref<20000x64xf32, #tpu.memory_space<hbm>>
      tpu.enqueue_indirect_dma source(%dma_start3A_144 : memref<20000x64xf32, #tpu.memory_space<hbm>>) target(%arg12 : memref<128x64xf32, #tpu.memory_space<vmem>>) offsets(%dma_start3A_141 : memref<128xi32, #tpu.memory_space<vmem>>) semaphore(%arg17 : memref<!tpu.dma_semaphore, #tpu.memory_space<semaphore_mem>>)
      %dma_wait3A_145 = arith.constant 0 : i32
      %dma_wait3A_146 = tpu.memref_slice %arg10[%add3A_134, %dma_wait3A_145] : memref<79x128xi32, #tpu.memory_space<vmem>> -> memref<1x128xi32, #tpu.memory_space<vmem>>
      %dma_wait3A_147 = tpu.memref_squeeze %dma_wait3A_146 : memref<1x128xi32, #tpu.memory_space<vmem>> -> memref<128xi32, #tpu.memory_space<vmem>>
      %dma_wait3A_148 = arith.constant 0 : i32
      %dma_wait3A_149 = arith.constant 0 : i32
      %dma_wait3A_150 = tpu.memref_slice %arg2[%dma_wait3A_148, %dma_wait3A_149] : memref<20000x64xf32, #tpu.memory_space<hbm>> -> memref<20000x64xf32, #tpu.memory_space<hbm>>
      tpu.wait_indirect_dma semaphore(%arg18 : memref<!tpu.dma_semaphore, #tpu.memory_space<semaphore_mem>>) src(%dma_wait3A_150 : memref<20000x64xf32, #tpu.memory_space<hbm>>) dst(%arg13 : memref<128x64xf32, #tpu.memory_space<vmem>>)
      "tpu.region"() ({
        %run_scoped3A_187 = tpu.sem_alloc : memref<!tpu.dma_semaphore, #tpu.memory_space<semaphore_mem>>
        %dma_start3A_188 = arith.constant 0 : i32
        %dma_start3A_189 = tpu.memref_slice %arg11[%add3A_134, %dma_start3A_188] : memref<79x128xi32, #tpu.memory_space<vmem>> -> memref<1x128xi32, #tpu.memory_space<vmem>>
        %dma_start3A_190 = tpu.memref_squeeze %dma_start3A_189 : memref<1x128xi32, #tpu.memory_space<vmem>> -> memref<128xi32, #tpu.memory_space<vmem>>
        %dma_start3A_191 = arith.constant 0 : i32
        %dma_start3A_192 = arith.constant 0 : i32
        %dma_start3A_193 = tpu.memref_slice %arg16[%dma_start3A_191, %dma_start3A_192] : memref<10240x64xf32, #tpu.memory_space<vmem_shared>> -> memref<10240x64xf32, #tpu.memory_space<vmem_shared>>
        tpu.enqueue_indirect_dma source(%arg13 : memref<128x64xf32, #tpu.memory_space<vmem>>) target(%dma_start3A_193 : memref<10240x64xf32, #tpu.memory_space<vmem_shared>>) offsets(%dma_start3A_190 : memref<128xi32, #tpu.memory_space<vmem>>) semaphore(%run_scoped3A_187 : memref<!tpu.dma_semaphore, #tpu.memory_space<semaphore_mem>>) {add = true}
        %dma_wait3A_194 = arith.constant 0 : i32
        %dma_wait3A_195 = tpu.memref_slice %arg11[%add3A_134, %dma_wait3A_194] : memref<79x128xi32, #tpu.memory_space<vmem>> -> memref<1x128xi32, #tpu.memory_space<vmem>>
        %dma_wait3A_196 = tpu.memref_squeeze %dma_wait3A_195 : memref<1x128xi32, #tpu.memory_space<vmem>> -> memref<128xi32, #tpu.memory_space<vmem>>
        %dma_wait3A_197 = arith.constant 0 : i32
        %dma_wait3A_198 = arith.constant 0 : i32
        %dma_wait3A_199 = tpu.memref_slice %arg16[%dma_wait3A_197, %dma_wait3A_198] : memref<10240x64xf32, #tpu.memory_space<vmem_shared>> -> memref<10240x64xf32, #tpu.memory_space<vmem_shared>>
        tpu.wait_indirect_dma semaphore(%run_scoped3A_187 : memref<!tpu.dma_semaphore, #tpu.memory_space<semaphore_mem>>) src(%arg13 : memref<128x64xf32, #tpu.memory_space<vmem>>) dst(%dma_wait3A_199 : memref<10240x64xf32, #tpu.memory_space<vmem_shared>>)
        tpu.yield
      }) : () -> ()
      "tpu.region"() ({
        %run_scoped3A_187 = tpu.sem_alloc : memref<!tpu.dma_semaphore, #tpu.memory_space<semaphore_mem>>
        %dma_start3A_188 = arith.constant 0 : i32
        %dma_start3A_189 = tpu.memref_slice %arg11[%add3A_134, %dma_start3A_188] : memref<79x128xi32, #tpu.memory_space<vmem>> -> memref<1x128xi32, #tpu.memory_space<vmem>>
        %dma_start3A_190 = tpu.memref_squeeze %dma_start3A_189 : memref<1x128xi32, #tpu.memory_space<vmem>> -> memref<128xi32, #tpu.memory_space<vmem>>
        %dma_start3A_191 = arith.constant 0 : i32
        %dma_start3A_192 = arith.constant 0 : i32
        %dma_start3A_193 = tpu.memref_slice %arg22[%dma_start3A_191, %dma_start3A_192] : memref<10240x16xf32, #tpu.memory_space<vmem_shared>> -> memref<10240x16xf32, #tpu.memory_space<vmem_shared>>
        tpu.enqueue_indirect_dma source(%arg21 : memref<128x16xf32, #tpu.memory_space<vmem>>) target(%dma_start3A_193 : memref<10240x16xf32, #tpu.memory_space<vmem_shared>>) offsets(%dma_start3A_190 : memref<128xi32, #tpu.memory_space<vmem>>) semaphore(%run_scoped3A_187 : memref<!tpu.dma_semaphore, #tpu.memory_space<semaphore_mem>>) {add = true}
        %dma_wait3A_194 = arith.constant 0 : i32
        %dma_wait3A_195 = tpu.memref_slice %arg11[%add3A_134, %dma_wait3A_194] : memref<79x128xi32, #tpu.memory_space<vmem>> -> memref<1x128xi32, #tpu.memory_space<vmem>>
        %dma_wait3A_196 = tpu.memref_squeeze %dma_wait3A_195 : memref<1x128xi32, #tpu.memory_space<vmem>> -> memref<128xi32, #tpu.memory_space<vmem>>
        %dma_wait3A_197 = arith.constant 0 : i32
        %dma_wait3A_198 = arith.constant 0 : i32
        %dma_wait3A_199 = tpu.memref_slice %arg22[%dma_wait3A_197, %dma_wait3A_198] : memref<10240x16xf32, #tpu.memory_space<vmem_shared>> -> memref<10240x16xf32, #tpu.memory_space<vmem_shared>>
        tpu.wait_indirect_dma semaphore(%run_scoped3A_187 : memref<!tpu.dma_semaphore, #tpu.memory_space<semaphore_mem>>) src(%arg21 : memref<128x16xf32, #tpu.memory_space<vmem>>) dst(%dma_wait3A_199 : memref<10240x16xf32, #tpu.memory_space<vmem_shared>>)
        tpu.yield
      }) : () -> ()
      %add3A_151 = arith.constant 2 : i32
      %add3A_152 = arith.addi %mul3A_115, %add3A_151 : i32
      %add3A_153 = arith.constant 4 : i32
      %add3A_154 = arith.addi %add3A_152, %add3A_153 : i32
      %sub3A_155 = arith.constant 1 : i32
      %sub3A_156 = arith.subi %add3A_154, %sub3A_155 : i32
      %dma_start3A_157 = arith.constant 0 : i32
      %dma_start3A_158 = tpu.memref_slice %arg10[%sub3A_156, %dma_start3A_157] : memref<79x128xi32, #tpu.memory_space<vmem>> -> memref<1x128xi32, #tpu.memory_space<vmem>>
      %dma_start3A_159 = tpu.memref_squeeze %dma_start3A_158 : memref<1x128xi32, #tpu.memory_space<vmem>> -> memref<128xi32, #tpu.memory_space<vmem>>
      %dma_start3A_160 = arith.constant 0 : i32
      %dma_start3A_161 = arith.constant 0 : i32
      %dma_start3A_162 = tpu.memref_slice %arg2[%dma_start3A_160, %dma_start3A_161] : memref<20000x64xf32, #tpu.memory_space<hbm>> -> memref<20000x64xf32, #tpu.memory_space<hbm>>
      tpu.enqueue_indirect_dma source(%dma_start3A_162 : memref<20000x64xf32, #tpu.memory_space<hbm>>) target(%arg13 : memref<128x64xf32, #tpu.memory_space<vmem>>) offsets(%dma_start3A_159 : memref<128xi32, #tpu.memory_space<vmem>>) semaphore(%arg18 : memref<!tpu.dma_semaphore, #tpu.memory_space<semaphore_mem>>)
      %dma_wait3A_163 = arith.constant 0 : i32
      %dma_wait3A_164 = tpu.memref_slice %arg10[%add3A_152, %dma_wait3A_163] : memref<79x128xi32, #tpu.memory_space<vmem>> -> memref<1x128xi32, #tpu.memory_space<vmem>>
      %dma_wait3A_165 = tpu.memref_squeeze %dma_wait3A_164 : memref<1x128xi32, #tpu.memory_space<vmem>> -> memref<128xi32, #tpu.memory_space<vmem>>
      %dma_wait3A_166 = arith.constant 0 : i32
      %dma_wait3A_167 = arith.constant 0 : i32
      %dma_wait3A_168 = tpu.memref_slice %arg2[%dma_wait3A_166, %dma_wait3A_167] : memref<20000x64xf32, #tpu.memory_space<hbm>> -> memref<20000x64xf32, #tpu.memory_space<hbm>>
      tpu.wait_indirect_dma semaphore(%arg19 : memref<!tpu.dma_semaphore, #tpu.memory_space<semaphore_mem>>) src(%dma_wait3A_168 : memref<20000x64xf32, #tpu.memory_space<hbm>>) dst(%arg14 : memref<128x64xf32, #tpu.memory_space<vmem>>)
      "tpu.region"() ({
        %run_scoped3A_187 = tpu.sem_alloc : memref<!tpu.dma_semaphore, #tpu.memory_space<semaphore_mem>>
        %dma_start3A_188 = arith.constant 0 : i32
        %dma_start3A_189 = tpu.memref_slice %arg11[%add3A_152, %dma_start3A_188] : memref<79x128xi32, #tpu.memory_space<vmem>> -> memref<1x128xi32, #tpu.memory_space<vmem>>
        %dma_start3A_190 = tpu.memref_squeeze %dma_start3A_189 : memref<1x128xi32, #tpu.memory_space<vmem>> -> memref<128xi32, #tpu.memory_space<vmem>>
        %dma_start3A_191 = arith.constant 0 : i32
        %dma_start3A_192 = arith.constant 0 : i32
        %dma_start3A_193 = tpu.memref_slice %arg16[%dma_start3A_191, %dma_start3A_192] : memref<10240x64xf32, #tpu.memory_space<vmem_shared>> -> memref<10240x64xf32, #tpu.memory_space<vmem_shared>>
        tpu.enqueue_indirect_dma source(%arg14 : memref<128x64xf32, #tpu.memory_space<vmem>>) target(%dma_start3A_193 : memref<10240x64xf32, #tpu.memory_space<vmem_shared>>) offsets(%dma_start3A_190 : memref<128xi32, #tpu.memory_space<vmem>>) semaphore(%run_scoped3A_187 : memref<!tpu.dma_semaphore, #tpu.memory_space<semaphore_mem>>) {add = true}
        %dma_wait3A_194 = arith.constant 0 : i32
        %dma_wait3A_195 = tpu.memref_slice %arg11[%add3A_152, %dma_wait3A_194] : memref<79x128xi32, #tpu.memory_space<vmem>> -> memref<1x128xi32, #tpu.memory_space<vmem>>
        %dma_wait3A_196 = tpu.memref_squeeze %dma_wait3A_195 : memref<1x128xi32, #tpu.memory_space<vmem>> -> memref<128xi32, #tpu.memory_space<vmem>>
        %dma_wait3A_197 = arith.constant 0 : i32
        %dma_wait3A_198 = arith.constant 0 : i32
        %dma_wait3A_199 = tpu.memref_slice %arg16[%dma_wait3A_197, %dma_wait3A_198] : memref<10240x64xf32, #tpu.memory_space<vmem_shared>> -> memref<10240x64xf32, #tpu.memory_space<vmem_shared>>
        tpu.wait_indirect_dma semaphore(%run_scoped3A_187 : memref<!tpu.dma_semaphore, #tpu.memory_space<semaphore_mem>>) src(%arg14 : memref<128x64xf32, #tpu.memory_space<vmem>>) dst(%dma_wait3A_199 : memref<10240x64xf32, #tpu.memory_space<vmem_shared>>)
        tpu.yield
      }) : () -> ()
      "tpu.region"() ({
        %run_scoped3A_187 = tpu.sem_alloc : memref<!tpu.dma_semaphore, #tpu.memory_space<semaphore_mem>>
        %dma_start3A_188 = arith.constant 0 : i32
        %dma_start3A_189 = tpu.memref_slice %arg11[%add3A_152, %dma_start3A_188] : memref<79x128xi32, #tpu.memory_space<vmem>> -> memref<1x128xi32, #tpu.memory_space<vmem>>
        %dma_start3A_190 = tpu.memref_squeeze %dma_start3A_189 : memref<1x128xi32, #tpu.memory_space<vmem>> -> memref<128xi32, #tpu.memory_space<vmem>>
        %dma_start3A_191 = arith.constant 0 : i32
        %dma_start3A_192 = arith.constant 0 : i32
        %dma_start3A_193 = tpu.memref_slice %arg22[%dma_start3A_191, %dma_start3A_192] : memref<10240x16xf32, #tpu.memory_space<vmem_shared>> -> memref<10240x16xf32, #tpu.memory_space<vmem_shared>>
        tpu.enqueue_indirect_dma source(%arg21 : memref<128x16xf32, #tpu.memory_space<vmem>>) target(%dma_start3A_193 : memref<10240x16xf32, #tpu.memory_space<vmem_shared>>) offsets(%dma_start3A_190 : memref<128xi32, #tpu.memory_space<vmem>>) semaphore(%run_scoped3A_187 : memref<!tpu.dma_semaphore, #tpu.memory_space<semaphore_mem>>) {add = true}
        %dma_wait3A_194 = arith.constant 0 : i32
        %dma_wait3A_195 = tpu.memref_slice %arg11[%add3A_152, %dma_wait3A_194] : memref<79x128xi32, #tpu.memory_space<vmem>> -> memref<1x128xi32, #tpu.memory_space<vmem>>
        %dma_wait3A_196 = tpu.memref_squeeze %dma_wait3A_195 : memref<1x128xi32, #tpu.memory_space<vmem>> -> memref<128xi32, #tpu.memory_space<vmem>>
        %dma_wait3A_197 = arith.constant 0 : i32
        %dma_wait3A_198 = arith.constant 0 : i32
        %dma_wait3A_199 = tpu.memref_slice %arg22[%dma_wait3A_197, %dma_wait3A_198] : memref<10240x16xf32, #tpu.memory_space<vmem_shared>> -> memref<10240x16xf32, #tpu.memory_space<vmem_shared>>
        tpu.wait_indirect_dma semaphore(%run_scoped3A_187 : memref<!tpu.dma_semaphore, #tpu.memory_space<semaphore_mem>>) src(%arg21 : memref<128x16xf32, #tpu.memory_space<vmem>>) dst(%dma_wait3A_199 : memref<10240x16xf32, #tpu.memory_space<vmem_shared>>)
        tpu.yield
      }) : () -> ()
      %add3A_169 = arith.constant 3 : i32
      %add3A_170 = arith.addi %mul3A_115, %add3A_169 : i32
      %add3A_171 = arith.constant 4 : i32
      %add3A_172 = arith.addi %add3A_170, %add3A_171 : i32
      %sub3A_173 = arith.constant 1 : i32
      %sub3A_174 = arith.subi %add3A_172, %sub3A_173 : i32
      %dma_start3A_175 = arith.constant 0 : i32
      %dma_start3A_176 = tpu.memref_slice %arg10[%sub3A_174, %dma_start3A_175] : memref<79x128xi32, #tpu.memory_space<vmem>> -> memref<1x128xi32, #tpu.memory_space<vmem>>
      %dma_start3A_177 = tpu.memref_squeeze %dma_start3A_176 : memref<1x128xi32, #tpu.memory_space<vmem>> -> memref<128xi32, #tpu.memory_space<vmem>>
      %dma_start3A_178 = arith.constant 0 : i32
      %dma_start3A_179 = arith.constant 0 : i32
      %dma_start3A_180 = tpu.memref_slice %arg2[%dma_start3A_178, %dma_start3A_179] : memref<20000x64xf32, #tpu.memory_space<hbm>> -> memref<20000x64xf32, #tpu.memory_space<hbm>>
      tpu.enqueue_indirect_dma source(%dma_start3A_180 : memref<20000x64xf32, #tpu.memory_space<hbm>>) target(%arg14 : memref<128x64xf32, #tpu.memory_space<vmem>>) offsets(%dma_start3A_177 : memref<128xi32, #tpu.memory_space<vmem>>) semaphore(%arg19 : memref<!tpu.dma_semaphore, #tpu.memory_space<semaphore_mem>>)
      %dma_wait3A_181 = arith.constant 0 : i32
      %dma_wait3A_182 = tpu.memref_slice %arg10[%add3A_170, %dma_wait3A_181] : memref<79x128xi32, #tpu.memory_space<vmem>> -> memref<1x128xi32, #tpu.memory_space<vmem>>
      %dma_wait3A_183 = tpu.memref_squeeze %dma_wait3A_182 : memref<1x128xi32, #tpu.memory_space<vmem>> -> memref<128xi32, #tpu.memory_space<vmem>>
      %dma_wait3A_184 = arith.constant 0 : i32
      %dma_wait3A_185 = arith.constant 0 : i32
      %dma_wait3A_186 = tpu.memref_slice %arg2[%dma_wait3A_184, %dma_wait3A_185] : memref<20000x64xf32, #tpu.memory_space<hbm>> -> memref<20000x64xf32, #tpu.memory_space<hbm>>
      tpu.wait_indirect_dma semaphore(%arg20 : memref<!tpu.dma_semaphore, #tpu.memory_space<semaphore_mem>>) src(%dma_wait3A_186 : memref<20000x64xf32, #tpu.memory_space<hbm>>) dst(%arg15 : memref<128x64xf32, #tpu.memory_space<vmem>>)
      "tpu.region"() ({
        %run_scoped3A_187 = tpu.sem_alloc : memref<!tpu.dma_semaphore, #tpu.memory_space<semaphore_mem>>
        %dma_start3A_188 = arith.constant 0 : i32
        %dma_start3A_189 = tpu.memref_slice %arg11[%add3A_170, %dma_start3A_188] : memref<79x128xi32, #tpu.memory_space<vmem>> -> memref<1x128xi32, #tpu.memory_space<vmem>>
        %dma_start3A_190 = tpu.memref_squeeze %dma_start3A_189 : memref<1x128xi32, #tpu.memory_space<vmem>> -> memref<128xi32, #tpu.memory_space<vmem>>
        %dma_start3A_191 = arith.constant 0 : i32
        %dma_start3A_192 = arith.constant 0 : i32
        %dma_start3A_193 = tpu.memref_slice %arg16[%dma_start3A_191, %dma_start3A_192] : memref<10240x64xf32, #tpu.memory_space<vmem_shared>> -> memref<10240x64xf32, #tpu.memory_space<vmem_shared>>
        tpu.enqueue_indirect_dma source(%arg15 : memref<128x64xf32, #tpu.memory_space<vmem>>) target(%dma_start3A_193 : memref<10240x64xf32, #tpu.memory_space<vmem_shared>>) offsets(%dma_start3A_190 : memref<128xi32, #tpu.memory_space<vmem>>) semaphore(%run_scoped3A_187 : memref<!tpu.dma_semaphore, #tpu.memory_space<semaphore_mem>>) {add = true}
        %dma_wait3A_194 = arith.constant 0 : i32
        %dma_wait3A_195 = tpu.memref_slice %arg11[%add3A_170, %dma_wait3A_194] : memref<79x128xi32, #tpu.memory_space<vmem>> -> memref<1x128xi32, #tpu.memory_space<vmem>>
        %dma_wait3A_196 = tpu.memref_squeeze %dma_wait3A_195 : memref<1x128xi32, #tpu.memory_space<vmem>> -> memref<128xi32, #tpu.memory_space<vmem>>
        %dma_wait3A_197 = arith.constant 0 : i32
        %dma_wait3A_198 = arith.constant 0 : i32
        %dma_wait3A_199 = tpu.memref_slice %arg16[%dma_wait3A_197, %dma_wait3A_198] : memref<10240x64xf32, #tpu.memory_space<vmem_shared>> -> memref<10240x64xf32, #tpu.memory_space<vmem_shared>>
        tpu.wait_indirect_dma semaphore(%run_scoped3A_187 : memref<!tpu.dma_semaphore, #tpu.memory_space<semaphore_mem>>) src(%arg15 : memref<128x64xf32, #tpu.memory_space<vmem>>) dst(%dma_wait3A_199 : memref<10240x64xf32, #tpu.memory_space<vmem_shared>>)
        tpu.yield
      }) : () -> ()
      "tpu.region"() ({
        %run_scoped3A_187 = tpu.sem_alloc : memref<!tpu.dma_semaphore, #tpu.memory_space<semaphore_mem>>
        %dma_start3A_188 = arith.constant 0 : i32
        %dma_start3A_189 = tpu.memref_slice %arg11[%add3A_170, %dma_start3A_188] : memref<79x128xi32, #tpu.memory_space<vmem>> -> memref<1x128xi32, #tpu.memory_space<vmem>>
        %dma_start3A_190 = tpu.memref_squeeze %dma_start3A_189 : memref<1x128xi32, #tpu.memory_space<vmem>> -> memref<128xi32, #tpu.memory_space<vmem>>
        %dma_start3A_191 = arith.constant 0 : i32
        %dma_start3A_192 = arith.constant 0 : i32
        %dma_start3A_193 = tpu.memref_slice %arg22[%dma_start3A_191, %dma_start3A_192] : memref<10240x16xf32, #tpu.memory_space<vmem_shared>> -> memref<10240x16xf32, #tpu.memory_space<vmem_shared>>
        tpu.enqueue_indirect_dma source(%arg21 : memref<128x16xf32, #tpu.memory_space<vmem>>) target(%dma_start3A_193 : memref<10240x16xf32, #tpu.memory_space<vmem_shared>>) offsets(%dma_start3A_190 : memref<128xi32, #tpu.memory_space<vmem>>) semaphore(%run_scoped3A_187 : memref<!tpu.dma_semaphore, #tpu.memory_space<semaphore_mem>>) {add = true}
        %dma_wait3A_194 = arith.constant 0 : i32
        %dma_wait3A_195 = tpu.memref_slice %arg11[%add3A_170, %dma_wait3A_194] : memref<79x128xi32, #tpu.memory_space<vmem>> -> memref<1x128xi32, #tpu.memory_space<vmem>>
        %dma_wait3A_196 = tpu.memref_squeeze %dma_wait3A_195 : memref<1x128xi32, #tpu.memory_space<vmem>> -> memref<128xi32, #tpu.memory_space<vmem>>
        %dma_wait3A_197 = arith.constant 0 : i32
        %dma_wait3A_198 = arith.constant 0 : i32
        %dma_wait3A_199 = tpu.memref_slice %arg22[%dma_wait3A_197, %dma_wait3A_198] : memref<10240x16xf32, #tpu.memory_space<vmem_shared>> -> memref<10240x16xf32, #tpu.memory_space<vmem_shared>>
        tpu.wait_indirect_dma semaphore(%run_scoped3A_187 : memref<!tpu.dma_semaphore, #tpu.memory_space<semaphore_mem>>) src(%arg21 : memref<128x16xf32, #tpu.memory_space<vmem>>) dst(%dma_wait3A_199 : memref<10240x16xf32, #tpu.memory_space<vmem_shared>>)
        tpu.yield
      }) : () -> ()
    }
    %scan3A_27 = arith.constant 19 : i32
    %dma_wait3A = arith.constant 76 : i32
    %dma_wait3A_28 = arith.constant 0 : i32
    %dma_wait3A_29 = tpu.memref_slice %arg10[%dma_wait3A, %dma_wait3A_28] : memref<79x128xi32, #tpu.memory_space<vmem>> -> memref<1x128xi32, #tpu.memory_space<vmem>>
    %dma_wait3A_30 = tpu.memref_squeeze %dma_wait3A_29 : memref<1x128xi32, #tpu.memory_space<vmem>> -> memref<128xi32, #tpu.memory_space<vmem>>
    %dma_wait3A_31 = arith.constant 0 : i32
    %dma_wait3A_32 = arith.constant 0 : i32
    %dma_wait3A_33 = tpu.memref_slice %arg2[%dma_wait3A_31, %dma_wait3A_32] : memref<20000x64xf32, #tpu.memory_space<hbm>> -> memref<20000x64xf32, #tpu.memory_space<hbm>>
    tpu.wait_indirect_dma semaphore(%arg17 : memref<!tpu.dma_semaphore, #tpu.memory_space<semaphore_mem>>) src(%dma_wait3A_33 : memref<20000x64xf32, #tpu.memory_space<hbm>>) dst(%arg12 : memref<128x64xf32, #tpu.memory_space<vmem>>)
    %run_scoped3A = arith.constant 76 : i32
    "tpu.region"() ({
      %run_scoped3A_113 = tpu.sem_alloc : memref<!tpu.dma_semaphore, #tpu.memory_space<semaphore_mem>>
      %dma_start3A_114 = arith.constant 0 : i32
      %dma_start3A_115 = tpu.memref_slice %arg11[%run_scoped3A, %dma_start3A_114] : memref<79x128xi32, #tpu.memory_space<vmem>> -> memref<1x128xi32, #tpu.memory_space<vmem>>
      %dma_start3A_116 = tpu.memref_squeeze %dma_start3A_115 : memref<1x128xi32, #tpu.memory_space<vmem>> -> memref<128xi32, #tpu.memory_space<vmem>>
      %dma_start3A_117 = arith.constant 0 : i32
      %dma_start3A_118 = arith.constant 0 : i32
      %dma_start3A_119 = tpu.memref_slice %arg16[%dma_start3A_117, %dma_start3A_118] : memref<10240x64xf32, #tpu.memory_space<vmem_shared>> -> memref<10240x64xf32, #tpu.memory_space<vmem_shared>>
      tpu.enqueue_indirect_dma source(%arg12 : memref<128x64xf32, #tpu.memory_space<vmem>>) target(%dma_start3A_119 : memref<10240x64xf32, #tpu.memory_space<vmem_shared>>) offsets(%dma_start3A_116 : memref<128xi32, #tpu.memory_space<vmem>>) semaphore(%run_scoped3A_113 : memref<!tpu.dma_semaphore, #tpu.memory_space<semaphore_mem>>) {add = true}
      %dma_wait3A_120 = arith.constant 0 : i32
      %dma_wait3A_121 = tpu.memref_slice %arg11[%run_scoped3A, %dma_wait3A_120] : memref<79x128xi32, #tpu.memory_space<vmem>> -> memref<1x128xi32, #tpu.memory_space<vmem>>
      %dma_wait3A_122 = tpu.memref_squeeze %dma_wait3A_121 : memref<1x128xi32, #tpu.memory_space<vmem>> -> memref<128xi32, #tpu.memory_space<vmem>>
      %dma_wait3A_123 = arith.constant 0 : i32
      %dma_wait3A_124 = arith.constant 0 : i32
      %dma_wait3A_125 = tpu.memref_slice %arg16[%dma_wait3A_123, %dma_wait3A_124] : memref<10240x64xf32, #tpu.memory_space<vmem_shared>> -> memref<10240x64xf32, #tpu.memory_space<vmem_shared>>
      tpu.wait_indirect_dma semaphore(%run_scoped3A_113 : memref<!tpu.dma_semaphore, #tpu.memory_space<semaphore_mem>>) src(%arg12 : memref<128x64xf32, #tpu.memory_space<vmem>>) dst(%dma_wait3A_125 : memref<10240x64xf32, #tpu.memory_space<vmem_shared>>)
      tpu.yield
    }) : () -> ()
    %run_scoped3A_34 = arith.constant 76 : i32
    "tpu.region"() ({
      %run_scoped3A_113 = tpu.sem_alloc : memref<!tpu.dma_semaphore, #tpu.memory_space<semaphore_mem>>
      %dma_start3A_114 = arith.constant 0 : i32
      %dma_start3A_115 = tpu.memref_slice %arg11[%run_scoped3A_34, %dma_start3A_114] : memref<79x128xi32, #tpu.memory_space<vmem>> -> memref<1x128xi32, #tpu.memory_space<vmem>>
      %dma_start3A_116 = tpu.memref_squeeze %dma_start3A_115 : memref<1x128xi32, #tpu.memory_space<vmem>> -> memref<128xi32, #tpu.memory_space<vmem>>
      %dma_start3A_117 = arith.constant 0 : i32
      %dma_start3A_118 = arith.constant 0 : i32
      %dma_start3A_119 = tpu.memref_slice %arg22[%dma_start3A_117, %dma_start3A_118] : memref<10240x16xf32, #tpu.memory_space<vmem_shared>> -> memref<10240x16xf32, #tpu.memory_space<vmem_shared>>
      tpu.enqueue_indirect_dma source(%arg21 : memref<128x16xf32, #tpu.memory_space<vmem>>) target(%dma_start3A_119 : memref<10240x16xf32, #tpu.memory_space<vmem_shared>>) offsets(%dma_start3A_116 : memref<128xi32, #tpu.memory_space<vmem>>) semaphore(%run_scoped3A_113 : memref<!tpu.dma_semaphore, #tpu.memory_space<semaphore_mem>>) {add = true}
      %dma_wait3A_120 = arith.constant 0 : i32
      %dma_wait3A_121 = tpu.memref_slice %arg11[%run_scoped3A_34, %dma_wait3A_120] : memref<79x128xi32, #tpu.memory_space<vmem>> -> memref<1x128xi32, #tpu.memory_space<vmem>>
      %dma_wait3A_122 = tpu.memref_squeeze %dma_wait3A_121 : memref<1x128xi32, #tpu.memory_space<vmem>> -> memref<128xi32, #tpu.memory_space<vmem>>
      %dma_wait3A_123 = arith.constant 0 : i32
      %dma_wait3A_124 = arith.constant 0 : i32
      %dma_wait3A_125 = tpu.memref_slice %arg22[%dma_wait3A_123, %dma_wait3A_124] : memref<10240x16xf32, #tpu.memory_space<vmem_shared>> -> memref<10240x16xf32, #tpu.memory_space<vmem_shared>>
      tpu.wait_indirect_dma semaphore(%run_scoped3A_113 : memref<!tpu.dma_semaphore, #tpu.memory_space<semaphore_mem>>) src(%arg21 : memref<128x16xf32, #tpu.memory_space<vmem>>) dst(%dma_wait3A_125 : memref<10240x16xf32, #tpu.memory_space<vmem_shared>>)
      tpu.yield
    }) : () -> ()
    %dma_wait3A_35 = arith.constant 77 : i32
    %dma_wait3A_36 = arith.constant 0 : i32
    %dma_wait3A_37 = tpu.memref_slice %arg10[%dma_wait3A_35, %dma_wait3A_36] : memref<79x128xi32, #tpu.memory_space<vmem>> -> memref<1x128xi32, #tpu.memory_space<vmem>>
    %dma_wait3A_38 = tpu.memref_squeeze %dma_wait3A_37 : memref<1x128xi32, #tpu.memory_space<vmem>> -> memref<128xi32, #tpu.memory_space<vmem>>
    %dma_wait3A_39 = arith.constant 0 : i32
    %dma_wait3A_40 = arith.constant 0 : i32
    %dma_wait3A_41 = tpu.memref_slice %arg2[%dma_wait3A_39, %dma_wait3A_40] : memref<20000x64xf32, #tpu.memory_space<hbm>> -> memref<20000x64xf32, #tpu.memory_space<hbm>>
    tpu.wait_indirect_dma semaphore(%arg18 : memref<!tpu.dma_semaphore, #tpu.memory_space<semaphore_mem>>) src(%dma_wait3A_41 : memref<20000x64xf32, #tpu.memory_space<hbm>>) dst(%arg13 : memref<128x64xf32, #tpu.memory_space<vmem>>)
    %run_scoped3A_42 = arith.constant 77 : i32
    "tpu.region"() ({
      %run_scoped3A_113 = tpu.sem_alloc : memref<!tpu.dma_semaphore, #tpu.memory_space<semaphore_mem>>
      %dma_start3A_114 = arith.constant 0 : i32
      %dma_start3A_115 = tpu.memref_slice %arg11[%run_scoped3A_42, %dma_start3A_114] : memref<79x128xi32, #tpu.memory_space<vmem>> -> memref<1x128xi32, #tpu.memory_space<vmem>>
      %dma_start3A_116 = tpu.memref_squeeze %dma_start3A_115 : memref<1x128xi32, #tpu.memory_space<vmem>> -> memref<128xi32, #tpu.memory_space<vmem>>
      %dma_start3A_117 = arith.constant 0 : i32
      %dma_start3A_118 = arith.constant 0 : i32
      %dma_start3A_119 = tpu.memref_slice %arg16[%dma_start3A_117, %dma_start3A_118] : memref<10240x64xf32, #tpu.memory_space<vmem_shared>> -> memref<10240x64xf32, #tpu.memory_space<vmem_shared>>
      tpu.enqueue_indirect_dma source(%arg13 : memref<128x64xf32, #tpu.memory_space<vmem>>) target(%dma_start3A_119 : memref<10240x64xf32, #tpu.memory_space<vmem_shared>>) offsets(%dma_start3A_116 : memref<128xi32, #tpu.memory_space<vmem>>) semaphore(%run_scoped3A_113 : memref<!tpu.dma_semaphore, #tpu.memory_space<semaphore_mem>>) {add = true}
      %dma_wait3A_120 = arith.constant 0 : i32
      %dma_wait3A_121 = tpu.memref_slice %arg11[%run_scoped3A_42, %dma_wait3A_120] : memref<79x128xi32, #tpu.memory_space<vmem>> -> memref<1x128xi32, #tpu.memory_space<vmem>>
      %dma_wait3A_122 = tpu.memref_squeeze %dma_wait3A_121 : memref<1x128xi32, #tpu.memory_space<vmem>> -> memref<128xi32, #tpu.memory_space<vmem>>
      %dma_wait3A_123 = arith.constant 0 : i32
      %dma_wait3A_124 = arith.constant 0 : i32
      %dma_wait3A_125 = tpu.memref_slice %arg16[%dma_wait3A_123, %dma_wait3A_124] : memref<10240x64xf32, #tpu.memory_space<vmem_shared>> -> memref<10240x64xf32, #tpu.memory_space<vmem_shared>>
      tpu.wait_indirect_dma semaphore(%run_scoped3A_113 : memref<!tpu.dma_semaphore, #tpu.memory_space<semaphore_mem>>) src(%arg13 : memref<128x64xf32, #tpu.memory_space<vmem>>) dst(%dma_wait3A_125 : memref<10240x64xf32, #tpu.memory_space<vmem_shared>>)
      tpu.yield
    }) : () -> ()
    %run_scoped3A_43 = arith.constant 77 : i32
    "tpu.region"() ({
      %run_scoped3A_113 = tpu.sem_alloc : memref<!tpu.dma_semaphore, #tpu.memory_space<semaphore_mem>>
      %dma_start3A_114 = arith.constant 0 : i32
      %dma_start3A_115 = tpu.memref_slice %arg11[%run_scoped3A_43, %dma_start3A_114] : memref<79x128xi32, #tpu.memory_space<vmem>> -> memref<1x128xi32, #tpu.memory_space<vmem>>
      %dma_start3A_116 = tpu.memref_squeeze %dma_start3A_115 : memref<1x128xi32, #tpu.memory_space<vmem>> -> memref<128xi32, #tpu.memory_space<vmem>>
      %dma_start3A_117 = arith.constant 0 : i32
      %dma_start3A_118 = arith.constant 0 : i32
      %dma_start3A_119 = tpu.memref_slice %arg22[%dma_start3A_117, %dma_start3A_118] : memref<10240x16xf32, #tpu.memory_space<vmem_shared>> -> memref<10240x16xf32, #tpu.memory_space<vmem_shared>>
      tpu.enqueue_indirect_dma source(%arg21 : memref<128x16xf32, #tpu.memory_space<vmem>>) target(%dma_start3A_119 : memref<10240x16xf32, #tpu.memory_space<vmem_shared>>) offsets(%dma_start3A_116 : memref<128xi32, #tpu.memory_space<vmem>>) semaphore(%run_scoped3A_113 : memref<!tpu.dma_semaphore, #tpu.memory_space<semaphore_mem>>) {add = true}
      %dma_wait3A_120 = arith.constant 0 : i32
      %dma_wait3A_121 = tpu.memref_slice %arg11[%run_scoped3A_43, %dma_wait3A_120] : memref<79x128xi32, #tpu.memory_space<vmem>> -> memref<1x128xi32, #tpu.memory_space<vmem>>
      %dma_wait3A_122 = tpu.memref_squeeze %dma_wait3A_121 : memref<1x128xi32, #tpu.memory_space<vmem>> -> memref<128xi32, #tpu.memory_space<vmem>>
      %dma_wait3A_123 = arith.constant 0 : i32
      %dma_wait3A_124 = arith.constant 0 : i32
      %dma_wait3A_125 = tpu.memref_slice %arg22[%dma_wait3A_123, %dma_wait3A_124] : memref<10240x16xf32, #tpu.memory_space<vmem_shared>> -> memref<10240x16xf32, #tpu.memory_space<vmem_shared>>
      tpu.wait_indirect_dma semaphore(%run_scoped3A_113 : memref<!tpu.dma_semaphore, #tpu.memory_space<semaphore_mem>>) src(%arg21 : memref<128x16xf32, #tpu.memory_space<vmem>>) dst(%dma_wait3A_125 : memref<10240x16xf32, #tpu.memory_space<vmem_shared>>)
      tpu.yield
    }) : () -> ()
    %dma_wait3A_44 = arith.constant 78 : i32
    %dma_wait3A_45 = arith.constant 0 : i32
    %dma_wait3A_46 = tpu.memref_slice %arg10[%dma_wait3A_44, %dma_wait3A_45] : memref<79x128xi32, #tpu.memory_space<vmem>> -> memref<1x128xi32, #tpu.memory_space<vmem>>
    %dma_wait3A_47 = tpu.memref_squeeze %dma_wait3A_46 : memref<1x128xi32, #tpu.memory_space<vmem>> -> memref<128xi32, #tpu.memory_space<vmem>>
    %dma_wait3A_48 = arith.constant 0 : i32
    %dma_wait3A_49 = arith.constant 0 : i32
    %dma_wait3A_50 = tpu.memref_slice %arg2[%dma_wait3A_48, %dma_wait3A_49] : memref<20000x64xf32, #tpu.memory_space<hbm>> -> memref<20000x64xf32, #tpu.memory_space<hbm>>
    tpu.wait_indirect_dma semaphore(%arg19 : memref<!tpu.dma_semaphore, #tpu.memory_space<semaphore_mem>>) src(%dma_wait3A_50 : memref<20000x64xf32, #tpu.memory_space<hbm>>) dst(%arg14 : memref<128x64xf32, #tpu.memory_space<vmem>>)
    %run_scoped3A_51 = arith.constant 78 : i32
    "tpu.region"() ({
      %run_scoped3A_113 = tpu.sem_alloc : memref<!tpu.dma_semaphore, #tpu.memory_space<semaphore_mem>>
      %dma_start3A_114 = arith.constant 0 : i32
      %dma_start3A_115 = tpu.memref_slice %arg11[%run_scoped3A_51, %dma_start3A_114] : memref<79x128xi32, #tpu.memory_space<vmem>> -> memref<1x128xi32, #tpu.memory_space<vmem>>
      %dma_start3A_116 = tpu.memref_squeeze %dma_start3A_115 : memref<1x128xi32, #tpu.memory_space<vmem>> -> memref<128xi32, #tpu.memory_space<vmem>>
      %dma_start3A_117 = arith.constant 0 : i32
      %dma_start3A_118 = arith.constant 0 : i32
      %dma_start3A_119 = tpu.memref_slice %arg16[%dma_start3A_117, %dma_start3A_118] : memref<10240x64xf32, #tpu.memory_space<vmem_shared>> -> memref<10240x64xf32, #tpu.memory_space<vmem_shared>>
      tpu.enqueue_indirect_dma source(%arg14 : memref<128x64xf32, #tpu.memory_space<vmem>>) target(%dma_start3A_119 : memref<10240x64xf32, #tpu.memory_space<vmem_shared>>) offsets(%dma_start3A_116 : memref<128xi32, #tpu.memory_space<vmem>>) semaphore(%run_scoped3A_113 : memref<!tpu.dma_semaphore, #tpu.memory_space<semaphore_mem>>) {add = true}
      %dma_wait3A_120 = arith.constant 0 : i32
      %dma_wait3A_121 = tpu.memref_slice %arg11[%run_scoped3A_51, %dma_wait3A_120] : memref<79x128xi32, #tpu.memory_space<vmem>> -> memref<1x128xi32, #tpu.memory_space<vmem>>
      %dma_wait3A_122 = tpu.memref_squeeze %dma_wait3A_121 : memref<1x128xi32, #tpu.memory_space<vmem>> -> memref<128xi32, #tpu.memory_space<vmem>>
      %dma_wait3A_123 = arith.constant 0 : i32
      %dma_wait3A_124 = arith.constant 0 : i32
      %dma_wait3A_125 = tpu.memref_slice %arg16[%dma_wait3A_123, %dma_wait3A_124] : memref<10240x64xf32, #tpu.memory_space<vmem_shared>> -> memref<10240x64xf32, #tpu.memory_space<vmem_shared>>
      tpu.wait_indirect_dma semaphore(%run_scoped3A_113 : memref<!tpu.dma_semaphore, #tpu.memory_space<semaphore_mem>>) src(%arg14 : memref<128x64xf32, #tpu.memory_space<vmem>>) dst(%dma_wait3A_125 : memref<10240x64xf32, #tpu.memory_space<vmem_shared>>)
      tpu.yield
    }) : () -> ()
    %run_scoped3A_52 = arith.constant 78 : i32
    "tpu.region"() ({
      %run_scoped3A_113 = tpu.sem_alloc : memref<!tpu.dma_semaphore, #tpu.memory_space<semaphore_mem>>
      %dma_start3A_114 = arith.constant 0 : i32
      %dma_start3A_115 = tpu.memref_slice %arg11[%run_scoped3A_52, %dma_start3A_114] : memref<79x128xi32, #tpu.memory_space<vmem>> -> memref<1x128xi32, #tpu.memory_space<vmem>>
      %dma_start3A_116 = tpu.memref_squeeze %dma_start3A_115 : memref<1x128xi32, #tpu.memory_space<vmem>> -> memref<128xi32, #tpu.memory_space<vmem>>
      %dma_start3A_117 = arith.constant 0 : i32
      %dma_start3A_118 = arith.constant 0 : i32
      %dma_start3A_119 = tpu.memref_slice %arg22[%dma_start3A_117, %dma_start3A_118] : memref<10240x16xf32, #tpu.memory_space<vmem_shared>> -> memref<10240x16xf32, #tpu.memory_space<vmem_shared>>
      tpu.enqueue_indirect_dma source(%arg21 : memref<128x16xf32, #tpu.memory_space<vmem>>) target(%dma_start3A_119 : memref<10240x16xf32, #tpu.memory_space<vmem_shared>>) offsets(%dma_start3A_116 : memref<128xi32, #tpu.memory_space<vmem>>) semaphore(%run_scoped3A_113 : memref<!tpu.dma_semaphore, #tpu.memory_space<semaphore_mem>>) {add = true}
      %dma_wait3A_120 = arith.constant 0 : i32
      %dma_wait3A_121 = tpu.memref_slice %arg11[%run_scoped3A_52, %dma_wait3A_120] : memref<79x128xi32, #tpu.memory_space<vmem>> -> memref<1x128xi32, #tpu.memory_space<vmem>>
      %dma_wait3A_122 = tpu.memref_squeeze %dma_wait3A_121 : memref<1x128xi32, #tpu.memory_space<vmem>> -> memref<128xi32, #tpu.memory_space<vmem>>
      %dma_wait3A_123 = arith.constant 0 : i32
      %dma_wait3A_124 = arith.constant 0 : i32
      %dma_wait3A_125 = tpu.memref_slice %arg22[%dma_wait3A_123, %dma_wait3A_124] : memref<10240x16xf32, #tpu.memory_space<vmem_shared>> -> memref<10240x16xf32, #tpu.memory_space<vmem_shared>>
      tpu.wait_indirect_dma semaphore(%run_scoped3A_113 : memref<!tpu.dma_semaphore, #tpu.memory_space<semaphore_mem>>) src(%arg21 : memref<128x16xf32, #tpu.memory_space<vmem>>) dst(%dma_wait3A_125 : memref<10240x16xf32, #tpu.memory_space<vmem_shared>>)
      tpu.yield
    }) : () -> ()
    %barrier3A_53 = arith.constant 0 : index
    tpu.barrier barrier_id(%barrier3A_53)
    "tpu.region"() ({
      %run_scoped3A_113 = tpu.sem_alloc : memref<!tpu.dma_semaphore, #tpu.memory_space<semaphore_mem>>
      %dma_start3A_114 = arith.constant 0 : i32
      %dma_start3A_115 = tpu.memref_slice %arg8[%arg0, %mul3A_2, %dma_start3A_114] : memref<2x10240x128xf32, #tpu.memory_space<hbm>> -> memref<1x640x64xf32, #tpu.memory_space<hbm>>
      %dma_start3A_116 = tpu.memref_squeeze %dma_start3A_115 : memref<1x640x64xf32, #tpu.memory_space<hbm>> -> memref<640x64xf32, #tpu.memory_space<hbm>>
      %dma_start3A_117 = arith.constant 0 : i32
      %dma_start3A_118 = tpu.memref_slice %arg16[%mul3A_2, %dma_start3A_117] : memref<10240x64xf32, #tpu.memory_space<vmem_shared>> -> memref<640x64xf32, #tpu.memory_space<vmem_shared>>
      tpu.enqueue_dma source(%dma_start3A_118 : memref<640x64xf32, #tpu.memory_space<vmem_shared>>) target(%dma_start3A_116 : memref<640x64xf32, #tpu.memory_space<hbm>>) target_semaphore(%run_scoped3A_113 : memref<!tpu.dma_semaphore, #tpu.memory_space<semaphore_mem>>)
      %dma_wait3A_119 = arith.constant 0 : i32
      %dma_wait3A_120 = tpu.memref_slice %arg8[%arg0, %mul3A_2, %dma_wait3A_119] : memref<2x10240x128xf32, #tpu.memory_space<hbm>> -> memref<1x640x64xf32, #tpu.memory_space<hbm>>
      %dma_wait3A_121 = tpu.memref_squeeze %dma_wait3A_120 : memref<1x640x64xf32, #tpu.memory_space<hbm>> -> memref<640x64xf32, #tpu.memory_space<hbm>>
      %dma_wait3A_122 = arith.constant 0 : i32
      %dma_wait3A_123 = tpu.memref_slice %arg16[%mul3A_2, %dma_wait3A_122] : memref<10240x64xf32, #tpu.memory_space<vmem_shared>> -> memref<640x64xf32, #tpu.memory_space<vmem_shared>>
      tpu.wait_dma2 semaphore(%run_scoped3A_113 : memref<!tpu.dma_semaphore, #tpu.memory_space<semaphore_mem>>) src(%dma_wait3A_123 : memref<640x64xf32, #tpu.memory_space<vmem_shared>>) dst(%dma_wait3A_121 : memref<640x64xf32, #tpu.memory_space<hbm>>)
      tpu.yield
    }) : () -> ()
    "tpu.region"() ({
      %run_scoped3A_113 = tpu.sem_alloc : memref<!tpu.dma_semaphore, #tpu.memory_space<semaphore_mem>>
      %dma_start3A_114 = arith.constant 0 : i32
      %dma_start3A_115 = tpu.memref_slice %arg9[%arg0, %mul3A_2, %dma_start3A_114] : memref<2x10240x16xf32, #tpu.memory_space<hbm>> -> memref<1x640x16xf32, #tpu.memory_space<hbm>>
      %dma_start3A_116 = tpu.memref_squeeze %dma_start3A_115 : memref<1x640x16xf32, #tpu.memory_space<hbm>> -> memref<640x16xf32, #tpu.memory_space<hbm>>
      %dma_start3A_117 = arith.constant 0 : i32
      %dma_start3A_118 = tpu.memref_slice %arg22[%mul3A_2, %dma_start3A_117] : memref<10240x16xf32, #tpu.memory_space<vmem_shared>> -> memref<640x16xf32, #tpu.memory_space<vmem_shared>>
      tpu.enqueue_dma source(%dma_start3A_118 : memref<640x16xf32, #tpu.memory_space<vmem_shared>>) target(%dma_start3A_116 : memref<640x16xf32, #tpu.memory_space<hbm>>) target_semaphore(%run_scoped3A_113 : memref<!tpu.dma_semaphore, #tpu.memory_space<semaphore_mem>>)
      %dma_wait3A_119 = arith.constant 0 : i32
      %dma_wait3A_120 = tpu.memref_slice %arg9[%arg0, %mul3A_2, %dma_wait3A_119] : memref<2x10240x16xf32, #tpu.memory_space<hbm>> -> memref<1x640x16xf32, #tpu.memory_space<hbm>>
      %dma_wait3A_121 = tpu.memref_squeeze %dma_wait3A_120 : memref<1x640x16xf32, #tpu.memory_space<hbm>> -> memref<640x16xf32, #tpu.memory_space<hbm>>
      %dma_wait3A_122 = arith.constant 0 : i32
      %dma_wait3A_123 = tpu.memref_slice %arg22[%mul3A_2, %dma_wait3A_122] : memref<10240x16xf32, #tpu.memory_space<vmem_shared>> -> memref<640x16xf32, #tpu.memory_space<vmem_shared>>
      tpu.wait_dma2 semaphore(%run_scoped3A_113 : memref<!tpu.dma_semaphore, #tpu.memory_space<semaphore_mem>>) src(%dma_wait3A_123 : memref<640x16xf32, #tpu.memory_space<vmem_shared>>) dst(%dma_wait3A_121 : memref<640x16xf32, #tpu.memory_space<hbm>>)
      tpu.yield
    }) : () -> ()
    "tpu.region"() ({
      %run_scoped3A_113 = tpu.sem_alloc : memref<!tpu.dma_semaphore, #tpu.memory_space<semaphore_mem>>
      %dma_start3A_114 = arith.constant 0 : i32
      %dma_start3A_115 = tpu.memref_slice %arg16[%mul3A_2, %dma_start3A_114] : memref<10240x64xf32, #tpu.memory_space<vmem_shared>> -> memref<640x64xf32, #tpu.memory_space<vmem_shared>>
      tpu.enqueue_dma source(%arg5 : memref<640x64xf32, #tpu.memory_space<hbm>>) target(%dma_start3A_115 : memref<640x64xf32, #tpu.memory_space<vmem_shared>>) target_semaphore(%run_scoped3A_113 : memref<!tpu.dma_semaphore, #tpu.memory_space<semaphore_mem>>)
      %dma_wait3A_116 = arith.constant 0 : i32
      %dma_wait3A_117 = tpu.memref_slice %arg16[%mul3A_2, %dma_wait3A_116] : memref<10240x64xf32, #tpu.memory_space<vmem_shared>> -> memref<640x64xf32, #tpu.memory_space<vmem_shared>>
      tpu.wait_dma2 semaphore(%run_scoped3A_113 : memref<!tpu.dma_semaphore, #tpu.memory_space<semaphore_mem>>) src(%arg5 : memref<640x64xf32, #tpu.memory_space<hbm>>) dst(%dma_wait3A_117 : memref<640x64xf32, #tpu.memory_space<vmem_shared>>)
      tpu.yield
    }) : () -> ()
    %scan3A_54 = arith.constant 0 : i32
    %scan3A_55 = arith.constant 0 : i32
    %scan3A_56 = arith.constant 79 : i32
    %scan3A_57 = arith.addi %scan3A_55, %scan3A_56 : i32
    %scan3A_58 = arith.constant 1 : i32
    scf.for %scan3A_113 = %scan3A_55 to %scan3A_57 step %scan3A_58  : i32 {
      %get3A = arith.index_cast %scan3A_113 : i32 to index
      %get3A_114 = arith.constant 0 : index
      %get3A_115 = tpu.vector_load %arg10[%get3A, %get3A_114] {strides = array<i32>} : memref<79x128xi32, #tpu.memory_space<vmem>>, vector<1x16xi32>,
      %get3A_116 = vector.shape_cast %get3A_115 : vector<1x16xi32> to vector<16xi32>
      %add3A_117 = arith.constant 1 : i32
      %add3A_118 = vector.broadcast %add3A_117 : i32 to vector<16xi32>
      %add3A_119 = arith.addi %get3A_116, %add3A_118 : vector<16xi32>
      %swap3A = arith.index_cast %scan3A_113 : i32 to index
      %swap3A_120 = arith.constant 0 : index
      %swap3A_121 = tpu.vector_load %arg10[%swap3A, %swap3A_120] {strides = array<i32>} : memref<79x128xi32, #tpu.memory_space<vmem>>, vector<1x16xi32>,
      %swap3A_122 = vector.shape_cast %swap3A_121 : vector<1x16xi32> to vector<16xi32>
      %swap3A_123 = vector.shape_cast %add3A_119 : vector<16xi32> to vector<1x16xi32>
      tpu.vector_store %arg10[%swap3A, %swap3A_120], %swap3A_123 {strides = array<i32>} : memref<79x128xi32, #tpu.memory_space<vmem>>, vector<1x16xi32>,
      %get3A_124 = arith.index_cast %scan3A_113 : i32 to index
      %get3A_125 = arith.constant 16 : index
      %get3A_126 = tpu.vector_load %arg10[%get3A_124, %get3A_125] {strides = array<i32>} : memref<79x128xi32, #tpu.memory_space<vmem>>, vector<1x16xi32>,
      %get3A_127 = vector.shape_cast %get3A_126 : vector<1x16xi32> to vector<16xi32>
      %add3A_128 = arith.constant 1 : i32
      %add3A_129 = vector.broadcast %add3A_128 : i32 to vector<16xi32>
      %add3A_130 = arith.addi %get3A_127, %add3A_129 : vector<16xi32>
      %swap3A_131 = arith.index_cast %scan3A_113 : i32 to index
      %swap3A_132 = arith.constant 16 : index
      %swap3A_133 = tpu.vector_load %arg10[%swap3A_131, %swap3A_132] {strides = array<i32>} : memref<79x128xi32, #tpu.memory_space<vmem>>, vector<1x16xi32>,
      %swap3A_134 = vector.shape_cast %swap3A_133 : vector<1x16xi32> to vector<16xi32>
      %swap3A_135 = vector.shape_cast %add3A_130 : vector<16xi32> to vector<1x16xi32>
      tpu.vector_store %arg10[%swap3A_131, %swap3A_132], %swap3A_135 {strides = array<i32>} : memref<79x128xi32, #tpu.memory_space<vmem>>, vector<1x16xi32>,
      %get3A_136 = arith.index_cast %scan3A_113 : i32 to index
      %get3A_137 = arith.constant 32 : index
      %get3A_138 = tpu.vector_load %arg10[%get3A_136, %get3A_137] {strides = array<i32>} : memref<79x128xi32, #tpu.memory_space<vmem>>, vector<1x16xi32>,
      %get3A_139 = vector.shape_cast %get3A_138 : vector<1x16xi32> to vector<16xi32>
      %add3A_140 = arith.constant 1 : i32
      %add3A_141 = vector.broadcast %add3A_140 : i32 to vector<16xi32>
      %add3A_142 = arith.addi %get3A_139, %add3A_141 : vector<16xi32>
      %swap3A_143 = arith.index_cast %scan3A_113 : i32 to index
      %swap3A_144 = arith.constant 32 : index
      %swap3A_145 = tpu.vector_load %arg10[%swap3A_143, %swap3A_144] {strides = array<i32>} : memref<79x128xi32, #tpu.memory_space<vmem>>, vector<1x16xi32>,
      %swap3A_146 = vector.shape_cast %swap3A_145 : vector<1x16xi32> to vector<16xi32>
      %swap3A_147 = vector.shape_cast %add3A_142 : vector<16xi32> to vector<1x16xi32>
      tpu.vector_store %arg10[%swap3A_143, %swap3A_144], %swap3A_147 {strides = array<i32>} : memref<79x128xi32, #tpu.memory_space<vmem>>, vector<1x16xi32>,
      %get3A_148 = arith.index_cast %scan3A_113 : i32 to index
      %get3A_149 = arith.constant 48 : index
      %get3A_150 = tpu.vector_load %arg10[%get3A_148, %get3A_149] {strides = array<i32>} : memref<79x128xi32, #tpu.memory_space<vmem>>, vector<1x16xi32>,
      %get3A_151 = vector.shape_cast %get3A_150 : vector<1x16xi32> to vector<16xi32>
      %add3A_152 = arith.constant 1 : i32
      %add3A_153 = vector.broadcast %add3A_152 : i32 to vector<16xi32>
      %add3A_154 = arith.addi %get3A_151, %add3A_153 : vector<16xi32>
      %swap3A_155 = arith.index_cast %scan3A_113 : i32 to index
      %swap3A_156 = arith.constant 48 : index
      %swap3A_157 = tpu.vector_load %arg10[%swap3A_155, %swap3A_156] {strides = array<i32>} : memref<79x128xi32, #tpu.memory_space<vmem>>, vector<1x16xi32>,
      %swap3A_158 = vector.shape_cast %swap3A_157 : vector<1x16xi32> to vector<16xi32>
      %swap3A_159 = vector.shape_cast %add3A_154 : vector<16xi32> to vector<1x16xi32>
      tpu.vector_store %arg10[%swap3A_155, %swap3A_156], %swap3A_159 {strides = array<i32>} : memref<79x128xi32, #tpu.memory_space<vmem>>, vector<1x16xi32>,
      %get3A_160 = arith.index_cast %scan3A_113 : i32 to index
      %get3A_161 = arith.constant 64 : index
      %get3A_162 = tpu.vector_load %arg10[%get3A_160, %get3A_161] {strides = array<i32>} : memref<79x128xi32, #tpu.memory_space<vmem>>, vector<1x16xi32>,
      %get3A_163 = vector.shape_cast %get3A_162 : vector<1x16xi32> to vector<16xi32>
      %add3A_164 = arith.constant 1 : i32
      %add3A_165 = vector.broadcast %add3A_164 : i32 to vector<16xi32>
      %add3A_166 = arith.addi %get3A_163, %add3A_165 : vector<16xi32>
      %swap3A_167 = arith.index_cast %scan3A_113 : i32 to index
      %swap3A_168 = arith.constant 64 : index
      %swap3A_169 = tpu.vector_load %arg10[%swap3A_167, %swap3A_168] {strides = array<i32>} : memref<79x128xi32, #tpu.memory_space<vmem>>, vector<1x16xi32>,
      %swap3A_170 = vector.shape_cast %swap3A_169 : vector<1x16xi32> to vector<16xi32>
      %swap3A_171 = vector.shape_cast %add3A_166 : vector<16xi32> to vector<1x16xi32>
      tpu.vector_store %arg10[%swap3A_167, %swap3A_168], %swap3A_171 {strides = array<i32>} : memref<79x128xi32, #tpu.memory_space<vmem>>, vector<1x16xi32>,
      %get3A_172 = arith.index_cast %scan3A_113 : i32 to index
      %get3A_173 = arith.constant 80 : index
      %get3A_174 = tpu.vector_load %arg10[%get3A_172, %get3A_173] {strides = array<i32>} : memref<79x128xi32, #tpu.memory_space<vmem>>, vector<1x16xi32>,
      %get3A_175 = vector.shape_cast %get3A_174 : vector<1x16xi32> to vector<16xi32>
      %add3A_176 = arith.constant 1 : i32
      %add3A_177 = vector.broadcast %add3A_176 : i32 to vector<16xi32>
      %add3A_178 = arith.addi %get3A_175, %add3A_177 : vector<16xi32>
      %swap3A_179 = arith.index_cast %scan3A_113 : i32 to index
      %swap3A_180 = arith.constant 80 : index
      %swap3A_181 = tpu.vector_load %arg10[%swap3A_179, %swap3A_180] {strides = array<i32>} : memref<79x128xi32, #tpu.memory_space<vmem>>, vector<1x16xi32>,
      %swap3A_182 = vector.shape_cast %swap3A_181 : vector<1x16xi32> to vector<16xi32>
      %swap3A_183 = vector.shape_cast %add3A_178 : vector<16xi32> to vector<1x16xi32>
      tpu.vector_store %arg10[%swap3A_179, %swap3A_180], %swap3A_183 {strides = array<i32>} : memref<79x128xi32, #tpu.memory_space<vmem>>, vector<1x16xi32>,
      %get3A_184 = arith.index_cast %scan3A_113 : i32 to index
      %get3A_185 = arith.constant 96 : index
      %get3A_186 = tpu.vector_load %arg10[%get3A_184, %get3A_185] {strides = array<i32>} : memref<79x128xi32, #tpu.memory_space<vmem>>, vector<1x16xi32>,
      %get3A_187 = vector.shape_cast %get3A_186 : vector<1x16xi32> to vector<16xi32>
      %add3A_188 = arith.constant 1 : i32
      %add3A_189 = vector.broadcast %add3A_188 : i32 to vector<16xi32>
      %add3A_190 = arith.addi %get3A_187, %add3A_189 : vector<16xi32>
      %swap3A_191 = arith.index_cast %scan3A_113 : i32 to index
      %swap3A_192 = arith.constant 96 : index
      %swap3A_193 = tpu.vector_load %arg10[%swap3A_191, %swap3A_192] {strides = array<i32>} : memref<79x128xi32, #tpu.memory_space<vmem>>, vector<1x16xi32>,
      %swap3A_194 = vector.shape_cast %swap3A_193 : vector<1x16xi32> to vector<16xi32>
      %swap3A_195 = vector.shape_cast %add3A_190 : vector<16xi32> to vector<1x16xi32>
      tpu.vector_store %arg10[%swap3A_191, %swap3A_192], %swap3A_195 {strides = array<i32>} : memref<79x128xi32, #tpu.memory_space<vmem>>, vector<1x16xi32>,
      %get3A_196 = arith.index_cast %scan3A_113 : i32 to index
      %get3A_197 = arith.constant 112 : index
      %get3A_198 = tpu.vector_load %arg10[%get3A_196, %get3A_197] {strides = array<i32>} : memref<79x128xi32, #tpu.memory_space<vmem>>, vector<1x16xi32>,
      %get3A_199 = vector.shape_cast %get3A_198 : vector<1x16xi32> to vector<16xi32>
      %add3A_200 = arith.constant 1 : i32
      %add3A_201 = vector.broadcast %add3A_200 : i32 to vector<16xi32>
      %add3A_202 = arith.addi %get3A_199, %add3A_201 : vector<16xi32>
      %swap3A_203 = arith.index_cast %scan3A_113 : i32 to index
      %swap3A_204 = arith.constant 112 : index
      %swap3A_205 = tpu.vector_load %arg10[%swap3A_203, %swap3A_204] {strides = array<i32>} : memref<79x128xi32, #tpu.memory_space<vmem>>, vector<1x16xi32>,
      %swap3A_206 = vector.shape_cast %swap3A_205 : vector<1x16xi32> to vector<16xi32>
      %swap3A_207 = vector.shape_cast %add3A_202 : vector<16xi32> to vector<1x16xi32>
      tpu.vector_store %arg10[%swap3A_203, %swap3A_204], %swap3A_207 {strides = array<i32>} : memref<79x128xi32, #tpu.memory_space<vmem>>, vector<1x16xi32>,
    }
    %scan3A_59 = arith.constant 79 : i32
    %barrier3A_60 = arith.constant 0 : index
    tpu.barrier barrier_id(%barrier3A_60)
    %dma_start3A_61 = arith.constant 0 : i32
    %dma_start3A_62 = arith.constant 0 : i32
    %dma_start3A_63 = tpu.memref_slice %arg10[%dma_start3A_61, %dma_start3A_62] : memref<79x128xi32, #tpu.memory_space<vmem>> -> memref<1x128xi32, #tpu.memory_space<vmem>>
    %dma_start3A_64 = tpu.memref_squeeze %dma_start3A_63 : memref<1x128xi32, #tpu.memory_space<vmem>> -> memref<128xi32, #tpu.memory_space<vmem>>
    %dma_start3A_65 = arith.constant 0 : i32
    %dma_start3A_66 = arith.constant 0 : i32
    %dma_start3A_67 = tpu.memref_slice %arg2[%dma_start3A_65, %dma_start3A_66] : memref<20000x64xf32, #tpu.memory_space<hbm>> -> memref<20000x64xf32, #tpu.memory_space<hbm>>
    tpu.enqueue_indirect_dma source(%dma_start3A_67 : memref<20000x64xf32, #tpu.memory_space<hbm>>) target(%arg12 : memref<128x64xf32, #tpu.memory_space<vmem>>) offsets(%dma_start3A_64 : memref<128xi32, #tpu.memory_space<vmem>>) semaphore(%arg17 : memref<!tpu.dma_semaphore, #tpu.memory_space<semaphore_mem>>)
    %dma_start3A_68 = arith.constant 1 : i32
    %dma_start3A_69 = arith.constant 0 : i32
    %dma_start3A_70 = tpu.memref_slice %arg10[%dma_start3A_68, %dma_start3A_69] : memref<79x128xi32, #tpu.memory_space<vmem>> -> memref<1x128xi32, #tpu.memory_space<vmem>>
    %dma_start3A_71 = tpu.memref_squeeze %dma_start3A_70 : memref<1x128xi32, #tpu.memory_space<vmem>> -> memref<128xi32, #tpu.memory_space<vmem>>
    %dma_start3A_72 = arith.constant 0 : i32
    %dma_start3A_73 = arith.constant 0 : i32
    %dma_start3A_74 = tpu.memref_slice %arg2[%dma_start3A_72, %dma_start3A_73] : memref<20000x64xf32, #tpu.memory_space<hbm>> -> memref<20000x64xf32, #tpu.memory_space<hbm>>
    tpu.enqueue_indirect_dma source(%dma_start3A_74 : memref<20000x64xf32, #tpu.memory_space<hbm>>) target(%arg13 : memref<128x64xf32, #tpu.memory_space<vmem>>) offsets(%dma_start3A_71 : memref<128xi32, #tpu.memory_space<vmem>>) semaphore(%arg18 : memref<!tpu.dma_semaphore, #tpu.memory_space<semaphore_mem>>)
    %dma_start3A_75 = arith.constant 2 : i32
    %dma_start3A_76 = arith.constant 0 : i32
    %dma_start3A_77 = tpu.memref_slice %arg10[%dma_start3A_75, %dma_start3A_76] : memref<79x128xi32, #tpu.memory_space<vmem>> -> memref<1x128xi32, #tpu.memory_space<vmem>>
    %dma_start3A_78 = tpu.memref_squeeze %dma_start3A_77 : memref<1x128xi32, #tpu.memory_space<vmem>> -> memref<128xi32, #tpu.memory_space<vmem>>
    %dma_start3A_79 = arith.constant 0 : i32
    %dma_start3A_80 = arith.constant 0 : i32
    %dma_start3A_81 = tpu.memref_slice %arg2[%dma_start3A_79, %dma_start3A_80] : memref<20000x64xf32, #tpu.memory_space<hbm>> -> memref<20000x64xf32, #tpu.memory_space<hbm>>
    tpu.enqueue_indirect_dma source(%dma_start3A_81 : memref<20000x64xf32, #tpu.memory_space<hbm>>) target(%arg14 : memref<128x64xf32, #tpu.memory_space<vmem>>) offsets(%dma_start3A_78 : memref<128xi32, #tpu.memory_space<vmem>>) semaphore(%arg19 : memref<!tpu.dma_semaphore, #tpu.memory_space<semaphore_mem>>)
    %scan3A_82 = arith.constant 0 : i32
    %scan3A_83 = arith.constant 0 : i32
    %scan3A_84 = arith.constant 19 : i32
    %scan3A_85 = arith.addi %scan3A_83, %scan3A_84 : i32
    %scan3A_86 = arith.constant 1 : i32
    scf.for %scan3A_113 = %scan3A_83 to %scan3A_85 step %scan3A_86  : i32 {
      %mul3A_114 = arith.constant 4 : i32
      %mul3A_115 = arith.muli %mul3A_114, %scan3A_113 : i32
      %add3A_116 = arith.constant 0 : i32
      %add3A_117 = arith.addi %mul3A_115, %add3A_116 : i32
      %add3A_118 = arith.constant 4 : i32
      %add3A_119 = arith.addi %add3A_117, %add3A_118 : i32
      %sub3A = arith.constant 1 : i32
      %sub3A_120 = arith.subi %add3A_119, %sub3A : i32
      %dma_start3A_121 = arith.constant 0 : i32
      %dma_start3A_122 = tpu.memref_slice %arg10[%sub3A_120, %dma_start3A_121] : memref<79x128xi32, #tpu.memory_space<vmem>> -> memref<1x128xi32, #tpu.memory_space<vmem>>
      %dma_start3A_123 = tpu.memref_squeeze %dma_start3A_122 : memref<1x128xi32, #tpu.memory_space<vmem>> -> memref<128xi32, #tpu.memory_space<vmem>>
      %dma_start3A_124 = arith.constant 0 : i32
      %dma_start3A_125 = arith.constant 0 : i32
      %dma_start3A_126 = tpu.memref_slice %arg2[%dma_start3A_124, %dma_start3A_125] : memref<20000x64xf32, #tpu.memory_space<hbm>> -> memref<20000x64xf32, #tpu.memory_space<hbm>>
      tpu.enqueue_indirect_dma source(%dma_start3A_126 : memref<20000x64xf32, #tpu.memory_space<hbm>>) target(%arg15 : memref<128x64xf32, #tpu.memory_space<vmem>>) offsets(%dma_start3A_123 : memref<128xi32, #tpu.memory_space<vmem>>) semaphore(%arg20 : memref<!tpu.dma_semaphore, #tpu.memory_space<semaphore_mem>>)
      %dma_wait3A_127 = arith.constant 0 : i32
      %dma_wait3A_128 = tpu.memref_slice %arg10[%add3A_117, %dma_wait3A_127] : memref<79x128xi32, #tpu.memory_space<vmem>> -> memref<1x128xi32, #tpu.memory_space<vmem>>
      %dma_wait3A_129 = tpu.memref_squeeze %dma_wait3A_128 : memref<1x128xi32, #tpu.memory_space<vmem>> -> memref<128xi32, #tpu.memory_space<vmem>>
      %dma_wait3A_130 = arith.constant 0 : i32
      %dma_wait3A_131 = arith.constant 0 : i32
      %dma_wait3A_132 = tpu.memref_slice %arg2[%dma_wait3A_130, %dma_wait3A_131] : memref<20000x64xf32, #tpu.memory_space<hbm>> -> memref<20000x64xf32, #tpu.memory_space<hbm>>
      tpu.wait_indirect_dma semaphore(%arg17 : memref<!tpu.dma_semaphore, #tpu.memory_space<semaphore_mem>>) src(%dma_wait3A_132 : memref<20000x64xf32, #tpu.memory_space<hbm>>) dst(%arg12 : memref<128x64xf32, #tpu.memory_space<vmem>>)
      "tpu.region"() ({
        %run_scoped3A_187 = tpu.sem_alloc : memref<!tpu.dma_semaphore, #tpu.memory_space<semaphore_mem>>
        %dma_start3A_188 = arith.constant 0 : i32
        %dma_start3A_189 = tpu.memref_slice %arg11[%add3A_117, %dma_start3A_188] : memref<79x128xi32, #tpu.memory_space<vmem>> -> memref<1x128xi32, #tpu.memory_space<vmem>>
        %dma_start3A_190 = tpu.memref_squeeze %dma_start3A_189 : memref<1x128xi32, #tpu.memory_space<vmem>> -> memref<128xi32, #tpu.memory_space<vmem>>
        %dma_start3A_191 = arith.constant 0 : i32
        %dma_start3A_192 = arith.constant 0 : i32
        %dma_start3A_193 = tpu.memref_slice %arg16[%dma_start3A_191, %dma_start3A_192] : memref<10240x64xf32, #tpu.memory_space<vmem_shared>> -> memref<10240x64xf32, #tpu.memory_space<vmem_shared>>
        tpu.enqueue_indirect_dma source(%arg12 : memref<128x64xf32, #tpu.memory_space<vmem>>) target(%dma_start3A_193 : memref<10240x64xf32, #tpu.memory_space<vmem_shared>>) offsets(%dma_start3A_190 : memref<128xi32, #tpu.memory_space<vmem>>) semaphore(%run_scoped3A_187 : memref<!tpu.dma_semaphore, #tpu.memory_space<semaphore_mem>>) {add = true}
        %dma_wait3A_194 = arith.constant 0 : i32
        %dma_wait3A_195 = tpu.memref_slice %arg11[%add3A_117, %dma_wait3A_194] : memref<79x128xi32, #tpu.memory_space<vmem>> -> memref<1x128xi32, #tpu.memory_space<vmem>>
        %dma_wait3A_196 = tpu.memref_squeeze %dma_wait3A_195 : memref<1x128xi32, #tpu.memory_space<vmem>> -> memref<128xi32, #tpu.memory_space<vmem>>
        %dma_wait3A_197 = arith.constant 0 : i32
        %dma_wait3A_198 = arith.constant 0 : i32
        %dma_wait3A_199 = tpu.memref_slice %arg16[%dma_wait3A_197, %dma_wait3A_198] : memref<10240x64xf32, #tpu.memory_space<vmem_shared>> -> memref<10240x64xf32, #tpu.memory_space<vmem_shared>>
        tpu.wait_indirect_dma semaphore(%run_scoped3A_187 : memref<!tpu.dma_semaphore, #tpu.memory_space<semaphore_mem>>) src(%arg12 : memref<128x64xf32, #tpu.memory_space<vmem>>) dst(%dma_wait3A_199 : memref<10240x64xf32, #tpu.memory_space<vmem_shared>>)
        tpu.yield
      }) : () -> ()
      %add3A_133 = arith.constant 1 : i32
      %add3A_134 = arith.addi %mul3A_115, %add3A_133 : i32
      %add3A_135 = arith.constant 4 : i32
      %add3A_136 = arith.addi %add3A_134, %add3A_135 : i32
      %sub3A_137 = arith.constant 1 : i32
      %sub3A_138 = arith.subi %add3A_136, %sub3A_137 : i32
      %dma_start3A_139 = arith.constant 0 : i32
      %dma_start3A_140 = tpu.memref_slice %arg10[%sub3A_138, %dma_start3A_139] : memref<79x128xi32, #tpu.memory_space<vmem>> -> memref<1x128xi32, #tpu.memory_space<vmem>>
      %dma_start3A_141 = tpu.memref_squeeze %dma_start3A_140 : memref<1x128xi32, #tpu.memory_space<vmem>> -> memref<128xi32, #tpu.memory_space<vmem>>
      %dma_start3A_142 = arith.constant 0 : i32
      %dma_start3A_143 = arith.constant 0 : i32
      %dma_start3A_144 = tpu.memref_slice %arg2[%dma_start3A_142, %dma_start3A_143] : memref<20000x64xf32, #tpu.memory_space<hbm>> -> memref<20000x64xf32, #tpu.memory_space<hbm>>
      tpu.enqueue_indirect_dma source(%dma_start3A_144 : memref<20000x64xf32, #tpu.memory_space<hbm>>) target(%arg12 : memref<128x64xf32, #tpu.memory_space<vmem>>) offsets(%dma_start3A_141 : memref<128xi32, #tpu.memory_space<vmem>>) semaphore(%arg17 : memref<!tpu.dma_semaphore, #tpu.memory_space<semaphore_mem>>)
      %dma_wait3A_145 = arith.constant 0 : i32
      %dma_wait3A_146 = tpu.memref_slice %arg10[%add3A_134, %dma_wait3A_145] : memref<79x128xi32, #tpu.memory_space<vmem>> -> memref<1x128xi32, #tpu.memory_space<vmem>>
      %dma_wait3A_147 = tpu.memref_squeeze %dma_wait3A_146 : memref<1x128xi32, #tpu.memory_space<vmem>> -> memref<128xi32, #tpu.memory_space<vmem>>
      %dma_wait3A_148 = arith.constant 0 : i32
      %dma_wait3A_149 = arith.constant 0 : i32
      %dma_wait3A_150 = tpu.memref_slice %arg2[%dma_wait3A_148, %dma_wait3A_149] : memref<20000x64xf32, #tpu.memory_space<hbm>> -> memref<20000x64xf32, #tpu.memory_space<hbm>>
      tpu.wait_indirect_dma semaphore(%arg18 : memref<!tpu.dma_semaphore, #tpu.memory_space<semaphore_mem>>) src(%dma_wait3A_150 : memref<20000x64xf32, #tpu.memory_space<hbm>>) dst(%arg13 : memref<128x64xf32, #tpu.memory_space<vmem>>)
      "tpu.region"() ({
        %run_scoped3A_187 = tpu.sem_alloc : memref<!tpu.dma_semaphore, #tpu.memory_space<semaphore_mem>>
        %dma_start3A_188 = arith.constant 0 : i32
        %dma_start3A_189 = tpu.memref_slice %arg11[%add3A_134, %dma_start3A_188] : memref<79x128xi32, #tpu.memory_space<vmem>> -> memref<1x128xi32, #tpu.memory_space<vmem>>
        %dma_start3A_190 = tpu.memref_squeeze %dma_start3A_189 : memref<1x128xi32, #tpu.memory_space<vmem>> -> memref<128xi32, #tpu.memory_space<vmem>>
        %dma_start3A_191 = arith.constant 0 : i32
        %dma_start3A_192 = arith.constant 0 : i32
        %dma_start3A_193 = tpu.memref_slice %arg16[%dma_start3A_191, %dma_start3A_192] : memref<10240x64xf32, #tpu.memory_space<vmem_shared>> -> memref<10240x64xf32, #tpu.memory_space<vmem_shared>>
        tpu.enqueue_indirect_dma source(%arg13 : memref<128x64xf32, #tpu.memory_space<vmem>>) target(%dma_start3A_193 : memref<10240x64xf32, #tpu.memory_space<vmem_shared>>) offsets(%dma_start3A_190 : memref<128xi32, #tpu.memory_space<vmem>>) semaphore(%run_scoped3A_187 : memref<!tpu.dma_semaphore, #tpu.memory_space<semaphore_mem>>) {add = true}
        %dma_wait3A_194 = arith.constant 0 : i32
        %dma_wait3A_195 = tpu.memref_slice %arg11[%add3A_134, %dma_wait3A_194] : memref<79x128xi32, #tpu.memory_space<vmem>> -> memref<1x128xi32, #tpu.memory_space<vmem>>
        %dma_wait3A_196 = tpu.memref_squeeze %dma_wait3A_195 : memref<1x128xi32, #tpu.memory_space<vmem>> -> memref<128xi32, #tpu.memory_space<vmem>>
        %dma_wait3A_197 = arith.constant 0 : i32
        %dma_wait3A_198 = arith.constant 0 : i32
        %dma_wait3A_199 = tpu.memref_slice %arg16[%dma_wait3A_197, %dma_wait3A_198] : memref<10240x64xf32, #tpu.memory_space<vmem_shared>> -> memref<10240x64xf32, #tpu.memory_space<vmem_shared>>
        tpu.wait_indirect_dma semaphore(%run_scoped3A_187 : memref<!tpu.dma_semaphore, #tpu.memory_space<semaphore_mem>>) src(%arg13 : memref<128x64xf32, #tpu.memory_space<vmem>>) dst(%dma_wait3A_199 : memref<10240x64xf32, #tpu.memory_space<vmem_shared>>)
        tpu.yield
      }) : () -> ()
      %add3A_151 = arith.constant 2 : i32
      %add3A_152 = arith.addi %mul3A_115, %add3A_151 : i32
      %add3A_153 = arith.constant 4 : i32
      %add3A_154 = arith.addi %add3A_152, %add3A_153 : i32
      %sub3A_155 = arith.constant 1 : i32
      %sub3A_156 = arith.subi %add3A_154, %sub3A_155 : i32
      %dma_start3A_157 = arith.constant 0 : i32
      %dma_start3A_158 = tpu.memref_slice %arg10[%sub3A_156, %dma_start3A_157] : memref<79x128xi32, #tpu.memory_space<vmem>> -> memref<1x128xi32, #tpu.memory_space<vmem>>
      %dma_start3A_159 = tpu.memref_squeeze %dma_start3A_158 : memref<1x128xi32, #tpu.memory_space<vmem>> -> memref<128xi32, #tpu.memory_space<vmem>>
      %dma_start3A_160 = arith.constant 0 : i32
      %dma_start3A_161 = arith.constant 0 : i32
      %dma_start3A_162 = tpu.memref_slice %arg2[%dma_start3A_160, %dma_start3A_161] : memref<20000x64xf32, #tpu.memory_space<hbm>> -> memref<20000x64xf32, #tpu.memory_space<hbm>>
      tpu.enqueue_indirect_dma source(%dma_start3A_162 : memref<20000x64xf32, #tpu.memory_space<hbm>>) target(%arg13 : memref<128x64xf32, #tpu.memory_space<vmem>>) offsets(%dma_start3A_159 : memref<128xi32, #tpu.memory_space<vmem>>) semaphore(%arg18 : memref<!tpu.dma_semaphore, #tpu.memory_space<semaphore_mem>>)
      %dma_wait3A_163 = arith.constant 0 : i32
      %dma_wait3A_164 = tpu.memref_slice %arg10[%add3A_152, %dma_wait3A_163] : memref<79x128xi32, #tpu.memory_space<vmem>> -> memref<1x128xi32, #tpu.memory_space<vmem>>
      %dma_wait3A_165 = tpu.memref_squeeze %dma_wait3A_164 : memref<1x128xi32, #tpu.memory_space<vmem>> -> memref<128xi32, #tpu.memory_space<vmem>>
      %dma_wait3A_166 = arith.constant 0 : i32
      %dma_wait3A_167 = arith.constant 0 : i32
      %dma_wait3A_168 = tpu.memref_slice %arg2[%dma_wait3A_166, %dma_wait3A_167] : memref<20000x64xf32, #tpu.memory_space<hbm>> -> memref<20000x64xf32, #tpu.memory_space<hbm>>
      tpu.wait_indirect_dma semaphore(%arg19 : memref<!tpu.dma_semaphore, #tpu.memory_space<semaphore_mem>>) src(%dma_wait3A_168 : memref<20000x64xf32, #tpu.memory_space<hbm>>) dst(%arg14 : memref<128x64xf32, #tpu.memory_space<vmem>>)
      "tpu.region"() ({
        %run_scoped3A_187 = tpu.sem_alloc : memref<!tpu.dma_semaphore, #tpu.memory_space<semaphore_mem>>
        %dma_start3A_188 = arith.constant 0 : i32
        %dma_start3A_189 = tpu.memref_slice %arg11[%add3A_152, %dma_start3A_188] : memref<79x128xi32, #tpu.memory_space<vmem>> -> memref<1x128xi32, #tpu.memory_space<vmem>>
        %dma_start3A_190 = tpu.memref_squeeze %dma_start3A_189 : memref<1x128xi32, #tpu.memory_space<vmem>> -> memref<128xi32, #tpu.memory_space<vmem>>
        %dma_start3A_191 = arith.constant 0 : i32
        %dma_start3A_192 = arith.constant 0 : i32
        %dma_start3A_193 = tpu.memref_slice %arg16[%dma_start3A_191, %dma_start3A_192] : memref<10240x64xf32, #tpu.memory_space<vmem_shared>> -> memref<10240x64xf32, #tpu.memory_space<vmem_shared>>
        tpu.enqueue_indirect_dma source(%arg14 : memref<128x64xf32, #tpu.memory_space<vmem>>) target(%dma_start3A_193 : memref<10240x64xf32, #tpu.memory_space<vmem_shared>>) offsets(%dma_start3A_190 : memref<128xi32, #tpu.memory_space<vmem>>) semaphore(%run_scoped3A_187 : memref<!tpu.dma_semaphore, #tpu.memory_space<semaphore_mem>>) {add = true}
        %dma_wait3A_194 = arith.constant 0 : i32
        %dma_wait3A_195 = tpu.memref_slice %arg11[%add3A_152, %dma_wait3A_194] : memref<79x128xi32, #tpu.memory_space<vmem>> -> memref<1x128xi32, #tpu.memory_space<vmem>>
        %dma_wait3A_196 = tpu.memref_squeeze %dma_wait3A_195 : memref<1x128xi32, #tpu.memory_space<vmem>> -> memref<128xi32, #tpu.memory_space<vmem>>
        %dma_wait3A_197 = arith.constant 0 : i32
        %dma_wait3A_198 = arith.constant 0 : i32
        %dma_wait3A_199 = tpu.memref_slice %arg16[%dma_wait3A_197, %dma_wait3A_198] : memref<10240x64xf32, #tpu.memory_space<vmem_shared>> -> memref<10240x64xf32, #tpu.memory_space<vmem_shared>>
        tpu.wait_indirect_dma semaphore(%run_scoped3A_187 : memref<!tpu.dma_semaphore, #tpu.memory_space<semaphore_mem>>) src(%arg14 : memref<128x64xf32, #tpu.memory_space<vmem>>) dst(%dma_wait3A_199 : memref<10240x64xf32, #tpu.memory_space<vmem_shared>>)
        tpu.yield
      }) : () -> ()
      %add3A_169 = arith.constant 3 : i32
      %add3A_170 = arith.addi %mul3A_115, %add3A_169 : i32
      %add3A_171 = arith.constant 4 : i32
      %add3A_172 = arith.addi %add3A_170, %add3A_171 : i32
      %sub3A_173 = arith.constant 1 : i32
      %sub3A_174 = arith.subi %add3A_172, %sub3A_173 : i32
      %dma_start3A_175 = arith.constant 0 : i32
      %dma_start3A_176 = tpu.memref_slice %arg10[%sub3A_174, %dma_start3A_175] : memref<79x128xi32, #tpu.memory_space<vmem>> -> memref<1x128xi32, #tpu.memory_space<vmem>>
      %dma_start3A_177 = tpu.memref_squeeze %dma_start3A_176 : memref<1x128xi32, #tpu.memory_space<vmem>> -> memref<128xi32, #tpu.memory_space<vmem>>
      %dma_start3A_178 = arith.constant 0 : i32
      %dma_start3A_179 = arith.constant 0 : i32
      %dma_start3A_180 = tpu.memref_slice %arg2[%dma_start3A_178, %dma_start3A_179] : memref<20000x64xf32, #tpu.memory_space<hbm>> -> memref<20000x64xf32, #tpu.memory_space<hbm>>
      tpu.enqueue_indirect_dma source(%dma_start3A_180 : memref<20000x64xf32, #tpu.memory_space<hbm>>) target(%arg14 : memref<128x64xf32, #tpu.memory_space<vmem>>) offsets(%dma_start3A_177 : memref<128xi32, #tpu.memory_space<vmem>>) semaphore(%arg19 : memref<!tpu.dma_semaphore, #tpu.memory_space<semaphore_mem>>)
      %dma_wait3A_181 = arith.constant 0 : i32
      %dma_wait3A_182 = tpu.memref_slice %arg10[%add3A_170, %dma_wait3A_181] : memref<79x128xi32, #tpu.memory_space<vmem>> -> memref<1x128xi32, #tpu.memory_space<vmem>>
      %dma_wait3A_183 = tpu.memref_squeeze %dma_wait3A_182 : memref<1x128xi32, #tpu.memory_space<vmem>> -> memref<128xi32, #tpu.memory_space<vmem>>
      %dma_wait3A_184 = arith.constant 0 : i32
      %dma_wait3A_185 = arith.constant 0 : i32
      %dma_wait3A_186 = tpu.memref_slice %arg2[%dma_wait3A_184, %dma_wait3A_185] : memref<20000x64xf32, #tpu.memory_space<hbm>> -> memref<20000x64xf32, #tpu.memory_space<hbm>>
      tpu.wait_indirect_dma semaphore(%arg20 : memref<!tpu.dma_semaphore, #tpu.memory_space<semaphore_mem>>) src(%dma_wait3A_186 : memref<20000x64xf32, #tpu.memory_space<hbm>>) dst(%arg15 : memref<128x64xf32, #tpu.memory_space<vmem>>)
      "tpu.region"() ({
        %run_scoped3A_187 = tpu.sem_alloc : memref<!tpu.dma_semaphore, #tpu.memory_space<semaphore_mem>>
        %dma_start3A_188 = arith.constant 0 : i32
        %dma_start3A_189 = tpu.memref_slice %arg11[%add3A_170, %dma_start3A_188] : memref<79x128xi32, #tpu.memory_space<vmem>> -> memref<1x128xi32, #tpu.memory_space<vmem>>
        %dma_start3A_190 = tpu.memref_squeeze %dma_start3A_189 : memref<1x128xi32, #tpu.memory_space<vmem>> -> memref<128xi32, #tpu.memory_space<vmem>>
        %dma_start3A_191 = arith.constant 0 : i32
        %dma_start3A_192 = arith.constant 0 : i32
        %dma_start3A_193 = tpu.memref_slice %arg16[%dma_start3A_191, %dma_start3A_192] : memref<10240x64xf32, #tpu.memory_space<vmem_shared>> -> memref<10240x64xf32, #tpu.memory_space<vmem_shared>>
        tpu.enqueue_indirect_dma source(%arg15 : memref<128x64xf32, #tpu.memory_space<vmem>>) target(%dma_start3A_193 : memref<10240x64xf32, #tpu.memory_space<vmem_shared>>) offsets(%dma_start3A_190 : memref<128xi32, #tpu.memory_space<vmem>>) semaphore(%run_scoped3A_187 : memref<!tpu.dma_semaphore, #tpu.memory_space<semaphore_mem>>) {add = true}
        %dma_wait3A_194 = arith.constant 0 : i32
        %dma_wait3A_195 = tpu.memref_slice %arg11[%add3A_170, %dma_wait3A_194] : memref<79x128xi32, #tpu.memory_space<vmem>> -> memref<1x128xi32, #tpu.memory_space<vmem>>
        %dma_wait3A_196 = tpu.memref_squeeze %dma_wait3A_195 : memref<1x128xi32, #tpu.memory_space<vmem>> -> memref<128xi32, #tpu.memory_space<vmem>>
        %dma_wait3A_197 = arith.constant 0 : i32
        %dma_wait3A_198 = arith.constant 0 : i32
        %dma_wait3A_199 = tpu.memref_slice %arg16[%dma_wait3A_197, %dma_wait3A_198] : memref<10240x64xf32, #tpu.memory_space<vmem_shared>> -> memref<10240x64xf32, #tpu.memory_space<vmem_shared>>
        tpu.wait_indirect_dma semaphore(%run_scoped3A_187 : memref<!tpu.dma_semaphore, #tpu.memory_space<semaphore_mem>>) src(%arg15 : memref<128x64xf32, #tpu.memory_space<vmem>>) dst(%dma_wait3A_199 : memref<10240x64xf32, #tpu.memory_space<vmem_shared>>)
        tpu.yield
      }) : () -> ()
    }
    %scan3A_87 = arith.constant 19 : i32
    %dma_wait3A_88 = arith.constant 76 : i32
    %dma_wait3A_89 = arith.constant 0 : i32
    %dma_wait3A_90 = tpu.memref_slice %arg10[%dma_wait3A_88, %dma_wait3A_89] : memref<79x128xi32, #tpu.memory_space<vmem>> -> memref<1x128xi32, #tpu.memory_space<vmem>>
    %dma_wait3A_91 = tpu.memref_squeeze %dma_wait3A_90 : memref<1x128xi32, #tpu.memory_space<vmem>> -> memref<128xi32, #tpu.memory_space<vmem>>
    %dma_wait3A_92 = arith.constant 0 : i32
    %dma_wait3A_93 = arith.constant 0 : i32
    %dma_wait3A_94 = tpu.memref_slice %arg2[%dma_wait3A_92, %dma_wait3A_93] : memref<20000x64xf32, #tpu.memory_space<hbm>> -> memref<20000x64xf32, #tpu.memory_space<hbm>>
    tpu.wait_indirect_dma semaphore(%arg17 : memref<!tpu.dma_semaphore, #tpu.memory_space<semaphore_mem>>) src(%dma_wait3A_94 : memref<20000x64xf32, #tpu.memory_space<hbm>>) dst(%arg12 : memref<128x64xf32, #tpu.memory_space<vmem>>)
    %run_scoped3A_95 = arith.constant 76 : i32
    "tpu.region"() ({
      %run_scoped3A_113 = tpu.sem_alloc : memref<!tpu.dma_semaphore, #tpu.memory_space<semaphore_mem>>
      %dma_start3A_114 = arith.constant 0 : i32
      %dma_start3A_115 = tpu.memref_slice %arg11[%run_scoped3A_95, %dma_start3A_114] : memref<79x128xi32, #tpu.memory_space<vmem>> -> memref<1x128xi32, #tpu.memory_space<vmem>>
      %dma_start3A_116 = tpu.memref_squeeze %dma_start3A_115 : memref<1x128xi32, #tpu.memory_space<vmem>> -> memref<128xi32, #tpu.memory_space<vmem>>
      %dma_start3A_117 = arith.constant 0 : i32
      %dma_start3A_118 = arith.constant 0 : i32
      %dma_start3A_119 = tpu.memref_slice %arg16[%dma_start3A_117, %dma_start3A_118] : memref<10240x64xf32, #tpu.memory_space<vmem_shared>> -> memref<10240x64xf32, #tpu.memory_space<vmem_shared>>
      tpu.enqueue_indirect_dma source(%arg12 : memref<128x64xf32, #tpu.memory_space<vmem>>) target(%dma_start3A_119 : memref<10240x64xf32, #tpu.memory_space<vmem_shared>>) offsets(%dma_start3A_116 : memref<128xi32, #tpu.memory_space<vmem>>) semaphore(%run_scoped3A_113 : memref<!tpu.dma_semaphore, #tpu.memory_space<semaphore_mem>>) {add = true}
      %dma_wait3A_120 = arith.constant 0 : i32
      %dma_wait3A_121 = tpu.memref_slice %arg11[%run_scoped3A_95, %dma_wait3A_120] : memref<79x128xi32, #tpu.memory_space<vmem>> -> memref<1x128xi32, #tpu.memory_space<vmem>>
      %dma_wait3A_122 = tpu.memref_squeeze %dma_wait3A_121 : memref<1x128xi32, #tpu.memory_space<vmem>> -> memref<128xi32, #tpu.memory_space<vmem>>
      %dma_wait3A_123 = arith.constant 0 : i32
      %dma_wait3A_124 = arith.constant 0 : i32
      %dma_wait3A_125 = tpu.memref_slice %arg16[%dma_wait3A_123, %dma_wait3A_124] : memref<10240x64xf32, #tpu.memory_space<vmem_shared>> -> memref<10240x64xf32, #tpu.memory_space<vmem_shared>>
      tpu.wait_indirect_dma semaphore(%run_scoped3A_113 : memref<!tpu.dma_semaphore, #tpu.memory_space<semaphore_mem>>) src(%arg12 : memref<128x64xf32, #tpu.memory_space<vmem>>) dst(%dma_wait3A_125 : memref<10240x64xf32, #tpu.memory_space<vmem_shared>>)
      tpu.yield
    }) : () -> ()
    %dma_wait3A_96 = arith.constant 77 : i32
    %dma_wait3A_97 = arith.constant 0 : i32
    %dma_wait3A_98 = tpu.memref_slice %arg10[%dma_wait3A_96, %dma_wait3A_97] : memref<79x128xi32, #tpu.memory_space<vmem>> -> memref<1x128xi32, #tpu.memory_space<vmem>>
    %dma_wait3A_99 = tpu.memref_squeeze %dma_wait3A_98 : memref<1x128xi32, #tpu.memory_space<vmem>> -> memref<128xi32, #tpu.memory_space<vmem>>
    %dma_wait3A_100 = arith.constant 0 : i32
    %dma_wait3A_101 = arith.constant 0 : i32
    %dma_wait3A_102 = tpu.memref_slice %arg2[%dma_wait3A_100, %dma_wait3A_101] : memref<20000x64xf32, #tpu.memory_space<hbm>> -> memref<20000x64xf32, #tpu.memory_space<hbm>>
    tpu.wait_indirect_dma semaphore(%arg18 : memref<!tpu.dma_semaphore, #tpu.memory_space<semaphore_mem>>) src(%dma_wait3A_102 : memref<20000x64xf32, #tpu.memory_space<hbm>>) dst(%arg13 : memref<128x64xf32, #tpu.memory_space<vmem>>)
    %run_scoped3A_103 = arith.constant 77 : i32
    "tpu.region"() ({
      %run_scoped3A_113 = tpu.sem_alloc : memref<!tpu.dma_semaphore, #tpu.memory_space<semaphore_mem>>
      %dma_start3A_114 = arith.constant 0 : i32
      %dma_start3A_115 = tpu.memref_slice %arg11[%run_scoped3A_103, %dma_start3A_114] : memref<79x128xi32, #tpu.memory_space<vmem>> -> memref<1x128xi32, #tpu.memory_space<vmem>>
      %dma_start3A_116 = tpu.memref_squeeze %dma_start3A_115 : memref<1x128xi32, #tpu.memory_space<vmem>> -> memref<128xi32, #tpu.memory_space<vmem>>
      %dma_start3A_117 = arith.constant 0 : i32
      %dma_start3A_118 = arith.constant 0 : i32
      %dma_start3A_119 = tpu.memref_slice %arg16[%dma_start3A_117, %dma_start3A_118] : memref<10240x64xf32, #tpu.memory_space<vmem_shared>> -> memref<10240x64xf32, #tpu.memory_space<vmem_shared>>
      tpu.enqueue_indirect_dma source(%arg13 : memref<128x64xf32, #tpu.memory_space<vmem>>) target(%dma_start3A_119 : memref<10240x64xf32, #tpu.memory_space<vmem_shared>>) offsets(%dma_start3A_116 : memref<128xi32, #tpu.memory_space<vmem>>) semaphore(%run_scoped3A_113 : memref<!tpu.dma_semaphore, #tpu.memory_space<semaphore_mem>>) {add = true}
      %dma_wait3A_120 = arith.constant 0 : i32
      %dma_wait3A_121 = tpu.memref_slice %arg11[%run_scoped3A_103, %dma_wait3A_120] : memref<79x128xi32, #tpu.memory_space<vmem>> -> memref<1x128xi32, #tpu.memory_space<vmem>>
      %dma_wait3A_122 = tpu.memref_squeeze %dma_wait3A_121 : memref<1x128xi32, #tpu.memory_space<vmem>> -> memref<128xi32, #tpu.memory_space<vmem>>
      %dma_wait3A_123 = arith.constant 0 : i32
      %dma_wait3A_124 = arith.constant 0 : i32
      %dma_wait3A_125 = tpu.memref_slice %arg16[%dma_wait3A_123, %dma_wait3A_124] : memref<10240x64xf32, #tpu.memory_space<vmem_shared>> -> memref<10240x64xf32, #tpu.memory_space<vmem_shared>>
      tpu.wait_indirect_dma semaphore(%run_scoped3A_113 : memref<!tpu.dma_semaphore, #tpu.memory_space<semaphore_mem>>) src(%arg13 : memref<128x64xf32, #tpu.memory_space<vmem>>) dst(%dma_wait3A_125 : memref<10240x64xf32, #tpu.memory_space<vmem_shared>>)
      tpu.yield
    }) : () -> ()
    %dma_wait3A_104 = arith.constant 78 : i32
    %dma_wait3A_105 = arith.constant 0 : i32
    %dma_wait3A_106 = tpu.memref_slice %arg10[%dma_wait3A_104, %dma_wait3A_105] : memref<79x128xi32, #tpu.memory_space<vmem>> -> memref<1x128xi32, #tpu.memory_space<vmem>>
    %dma_wait3A_107 = tpu.memref_squeeze %dma_wait3A_106 : memref<1x128xi32, #tpu.memory_space<vmem>> -> memref<128xi32, #tpu.memory_space<vmem>>
    %dma_wait3A_108 = arith.constant 0 : i32
    %dma_wait3A_109 = arith.constant 0 : i32
    %dma_wait3A_110 = tpu.memref_slice %arg2[%dma_wait3A_108, %dma_wait3A_109] : memref<20000x64xf32, #tpu.memory_space<hbm>> -> memref<20000x64xf32, #tpu.memory_space<hbm>>
    tpu.wait_indirect_dma semaphore(%arg19 : memref<!tpu.dma_semaphore, #tpu.memory_space<semaphore_mem>>) src(%dma_wait3A_110 : memref<20000x64xf32, #tpu.memory_space<hbm>>) dst(%arg14 : memref<128x64xf32, #tpu.memory_space<vmem>>)
    %run_scoped3A_111 = arith.constant 78 : i32
    "tpu.region"() ({
      %run_scoped3A_113 = tpu.sem_alloc : memref<!tpu.dma_semaphore, #tpu.memory_space<semaphore_mem>>
      %dma_start3A_114 = arith.constant 0 : i32
      %dma_start3A_115 = tpu.memref_slice %arg11[%run_scoped3A_111, %dma_start3A_114] : memref<79x128xi32, #tpu.memory_space<vmem>> -> memref<1x128xi32, #tpu.memory_space<vmem>>
      %dma_start3A_116 = tpu.memref_squeeze %dma_start3A_115 : memref<1x128xi32, #tpu.memory_space<vmem>> -> memref<128xi32, #tpu.memory_space<vmem>>
      %dma_start3A_117 = arith.constant 0 : i32
      %dma_start3A_118 = arith.constant 0 : i32
      %dma_start3A_119 = tpu.memref_slice %arg16[%dma_start3A_117, %dma_start3A_118] : memref<10240x64xf32, #tpu.memory_space<vmem_shared>> -> memref<10240x64xf32, #tpu.memory_space<vmem_shared>>
      tpu.enqueue_indirect_dma source(%arg14 : memref<128x64xf32, #tpu.memory_space<vmem>>) target(%dma_start3A_119 : memref<10240x64xf32, #tpu.memory_space<vmem_shared>>) offsets(%dma_start3A_116 : memref<128xi32, #tpu.memory_space<vmem>>) semaphore(%run_scoped3A_113 : memref<!tpu.dma_semaphore, #tpu.memory_space<semaphore_mem>>) {add = true}
      %dma_wait3A_120 = arith.constant 0 : i32
      %dma_wait3A_121 = tpu.memref_slice %arg11[%run_scoped3A_111, %dma_wait3A_120] : memref<79x128xi32, #tpu.memory_space<vmem>> -> memref<1x128xi32, #tpu.memory_space<vmem>>
      %dma_wait3A_122 = tpu.memref_squeeze %dma_wait3A_121 : memref<1x128xi32, #tpu.memory_space<vmem>> -> memref<128xi32, #tpu.memory_space<vmem>>
      %dma_wait3A_123 = arith.constant 0 : i32
      %dma_wait3A_124 = arith.constant 0 : i32
      %dma_wait3A_125 = tpu.memref_slice %arg16[%dma_wait3A_123, %dma_wait3A_124] : memref<10240x64xf32, #tpu.memory_space<vmem_shared>> -> memref<10240x64xf32, #tpu.memory_space<vmem_shared>>
      tpu.wait_indirect_dma semaphore(%run_scoped3A_113 : memref<!tpu.dma_semaphore, #tpu.memory_space<semaphore_mem>>) src(%arg14 : memref<128x64xf32, #tpu.memory_space<vmem>>) dst(%dma_wait3A_125 : memref<10240x64xf32, #tpu.memory_space<vmem_shared>>)
      tpu.yield
    }) : () -> ()
    %barrier3A_112 = arith.constant 0 : index
    tpu.barrier barrier_id(%barrier3A_112)
    "tpu.region"() ({
      %run_scoped3A_113 = tpu.sem_alloc : memref<!tpu.dma_semaphore, #tpu.memory_space<semaphore_mem>>
      %dma_start3A_114 = arith.constant 64 : i32
      %dma_start3A_115 = tpu.memref_slice %arg8[%arg0, %mul3A_2, %dma_start3A_114] : memref<2x10240x128xf32, #tpu.memory_space<hbm>> -> memref<1x640x64xf32, #tpu.memory_space<hbm>>
      %dma_start3A_116 = tpu.memref_squeeze %dma_start3A_115 : memref<1x640x64xf32, #tpu.memory_space<hbm>> -> memref<640x64xf32, #tpu.memory_space<hbm>>
      %dma_start3A_117 = arith.constant 0 : i32
      %dma_start3A_118 = tpu.memref_slice %arg16[%mul3A_2, %dma_start3A_117] : memref<10240x64xf32, #tpu.memory_space<vmem_shared>> -> memref<640x64xf32, #tpu.memory_space<vmem_shared>>
      tpu.enqueue_dma source(%dma_start3A_118 : memref<640x64xf32, #tpu.memory_space<vmem_shared>>) target(%dma_start3A_116 : memref<640x64xf32, #tpu.memory_space<hbm>>) target_semaphore(%run_scoped3A_113 : memref<!tpu.dma_semaphore, #tpu.memory_space<semaphore_mem>>)
      %dma_wait3A_119 = arith.constant 64 : i32
      %dma_wait3A_120 = tpu.memref_slice %arg8[%arg0, %mul3A_2, %dma_wait3A_119] : memref<2x10240x128xf32, #tpu.memory_space<hbm>> -> memref<1x640x64xf32, #tpu.memory_space<hbm>>
      %dma_wait3A_121 = tpu.memref_squeeze %dma_wait3A_120 : memref<1x640x64xf32, #tpu.memory_space<hbm>> -> memref<640x64xf32, #tpu.memory_space<hbm>>
      %dma_wait3A_122 = arith.constant 0 : i32
      %dma_wait3A_123 = tpu.memref_slice %arg16[%mul3A_2, %dma_wait3A_122] : memref<10240x64xf32, #tpu.memory_space<vmem_shared>> -> memref<640x64xf32, #tpu.memory_space<vmem_shared>>
      tpu.wait_dma2 semaphore(%run_scoped3A_113 : memref<!tpu.dma_semaphore, #tpu.memory_space<semaphore_mem>>) src(%dma_wait3A_123 : memref<640x64xf32, #tpu.memory_space<vmem_shared>>) dst(%dma_wait3A_121 : memref<640x64xf32, #tpu.memory_space<hbm>>)
      tpu.yield
    }) : () -> ()
    return
  }
}

#map = affine_map<(d0, d1) -> (0, 0)>
#map1 = affine_map<(d0, d1) -> (0, 0, 0)>
module attributes {stable_mosaic.version = 14 : i64} {
  func.func @body(%arg0: i32, %arg1: i32, %arg2: memref<20000x64xf32, #tpu.memory_space<hbm>>, %arg3: memref<32x79x128xi32, #tpu.memory_space<hbm>>, %arg4: memref<32x79x128xi32, #tpu.memory_space<hbm>>, %arg5: memref<640x64xf32, #tpu.memory_space<hbm>>, %arg6: memref<2x10240x128xf32, #tpu.memory_space<hbm>>, %arg7: memref<79x128xi32, #tpu.memory_space<vmem>>, %arg8: memref<79x128xi32, #tpu.memory_space<vmem>>, %arg9: memref<128x64xf32, #tpu.memory_space<vmem>>, %arg10: memref<128x64xf32, #tpu.memory_space<vmem>>, %arg11: memref<128x64xf32, #tpu.memory_space<vmem>>, %arg12: memref<128x64xf32, #tpu.memory_space<vmem>>, %arg13: memref<10240x64xf32, #tpu.memory_space<vmem_shared>>, %arg14: memref<!tpu.dma_semaphore, #tpu.memory_space<semaphore_mem>>, %arg15: memref<!tpu.dma_semaphore, #tpu.memory_space<semaphore_mem>>, %arg16: memref<!tpu.dma_semaphore, #tpu.memory_space<semaphore_mem>>, %arg17: memref<!tpu.dma_semaphore, #tpu.memory_space<semaphore_mem>>) attributes {dimension_semantics = [#tpu.dimension_semantics<core_parallel>, #tpu.dimension_semantics<subcore_parallel>], iteration_bounds = array<i64: 2, 16>, scalar_prefetch = 0 : i64, scratch_operands = 11 : i64, tpu.core_type = #tpu.core_type<sc_vector_subcore>, window_params = [{transform_indices = #map}, {transform_indices = #map1}, {transform_indices = #map1}, {transform_indices = #map}, {transform_indices = #map1}]} {
    %mul3A = arith.constant 2 : i32
    %mul3A_0 = arith.muli %arg1, %mul3A : i32
    %add3A = arith.addi %mul3A_0, %arg0 : i32
    %mul3A_1 = arith.constant 640 : i32
    %mul3A_2 = arith.muli %arg1, %mul3A_1 : i32
    "tpu.region"() ({
      %run_scoped3A_110 = tpu.sem_alloc : memref<!tpu.dma_semaphore, #tpu.memory_space<semaphore_mem>>
      %dma_start3A_111 = arith.constant 0 : i32
      %dma_start3A_112 = tpu.memref_slice %arg13[%mul3A_2, %dma_start3A_111] : memref<10240x64xf32, #tpu.memory_space<vmem_shared>> -> memref<640x64xf32, #tpu.memory_space<vmem_shared>>
      tpu.enqueue_dma source(%arg5 : memref<640x64xf32, #tpu.memory_space<hbm>>) target(%dma_start3A_112 : memref<640x64xf32, #tpu.memory_space<vmem_shared>>) target_semaphore(%run_scoped3A_110 : memref<!tpu.dma_semaphore, #tpu.memory_space<semaphore_mem>>)
      %dma_wait3A_113 = arith.constant 0 : i32
      %dma_wait3A_114 = tpu.memref_slice %arg13[%mul3A_2, %dma_wait3A_113] : memref<10240x64xf32, #tpu.memory_space<vmem_shared>> -> memref<640x64xf32, #tpu.memory_space<vmem_shared>>
      tpu.wait_dma2 semaphore(%run_scoped3A_110 : memref<!tpu.dma_semaphore, #tpu.memory_space<semaphore_mem>>) src(%arg5 : memref<640x64xf32, #tpu.memory_space<hbm>>) dst(%dma_wait3A_114 : memref<640x64xf32, #tpu.memory_space<vmem_shared>>)
      tpu.yield
    }) : () -> ()
    "tpu.region"() ({
      %run_scoped3A_110 = tpu.sem_alloc : memref<!tpu.dma_semaphore, #tpu.memory_space<semaphore_mem>>
      %dma_start3A_111 = arith.constant 0 : i32
      %dma_start3A_112 = arith.constant 0 : i32
      %dma_start3A_113 = tpu.memref_slice %arg3[%add3A, %dma_start3A_111, %dma_start3A_112] : memref<32x79x128xi32, #tpu.memory_space<hbm>> -> memref<1x79x128xi32, #tpu.memory_space<hbm>>
      %dma_start3A_114 = tpu.memref_squeeze %dma_start3A_113 : memref<1x79x128xi32, #tpu.memory_space<hbm>> -> memref<79x128xi32, #tpu.memory_space<hbm>>
      %dma_start3A_115 = arith.constant 0 : i32
      %dma_start3A_116 = arith.constant 0 : i32
      %dma_start3A_117 = tpu.memref_slice %arg3[%add3A, %dma_start3A_115, %dma_start3A_116] : memref<32x79x128xi32, #tpu.memory_space<hbm>> -> memref<1x79x128xi32, #tpu.memory_space<hbm>>
      %dma_start3A_118 = tpu.memref_squeeze %dma_start3A_117 : memref<1x79x128xi32, #tpu.memory_space<hbm>> -> memref<79x128xi32, #tpu.memory_space<hbm>>
      tpu.enqueue_dma source(%dma_start3A_118 : memref<79x128xi32, #tpu.memory_space<hbm>>) target(%arg7 : memref<79x128xi32, #tpu.memory_space<vmem>>) target_semaphore(%run_scoped3A_110 : memref<!tpu.dma_semaphore, #tpu.memory_space<semaphore_mem>>)
      %dma_wait3A_119 = arith.constant 0 : i32
      %dma_wait3A_120 = arith.constant 0 : i32
      %dma_wait3A_121 = tpu.memref_slice %arg3[%add3A, %dma_wait3A_119, %dma_wait3A_120] : memref<32x79x128xi32, #tpu.memory_space<hbm>> -> memref<1x79x128xi32, #tpu.memory_space<hbm>>
      %dma_wait3A_122 = tpu.memref_squeeze %dma_wait3A_121 : memref<1x79x128xi32, #tpu.memory_space<hbm>> -> memref<79x128xi32, #tpu.memory_space<hbm>>
      %dma_wait3A_123 = arith.constant 0 : i32
      %dma_wait3A_124 = arith.constant 0 : i32
      %dma_wait3A_125 = tpu.memref_slice %arg3[%add3A, %dma_wait3A_123, %dma_wait3A_124] : memref<32x79x128xi32, #tpu.memory_space<hbm>> -> memref<1x79x128xi32, #tpu.memory_space<hbm>>
      %dma_wait3A_126 = tpu.memref_squeeze %dma_wait3A_125 : memref<1x79x128xi32, #tpu.memory_space<hbm>> -> memref<79x128xi32, #tpu.memory_space<hbm>>
      tpu.wait_dma2 semaphore(%run_scoped3A_110 : memref<!tpu.dma_semaphore, #tpu.memory_space<semaphore_mem>>) src(%dma_wait3A_126 : memref<79x128xi32, #tpu.memory_space<hbm>>) dst(%arg7 : memref<79x128xi32, #tpu.memory_space<vmem>>)
      tpu.yield
    }) : () -> ()
    "tpu.region"() ({
      %run_scoped3A_110 = tpu.sem_alloc : memref<!tpu.dma_semaphore, #tpu.memory_space<semaphore_mem>>
      %dma_start3A_111 = arith.constant 0 : i32
      %dma_start3A_112 = arith.constant 0 : i32
      %dma_start3A_113 = tpu.memref_slice %arg4[%add3A, %dma_start3A_111, %dma_start3A_112] : memref<32x79x128xi32, #tpu.memory_space<hbm>> -> memref<1x79x128xi32, #tpu.memory_space<hbm>>
      %dma_start3A_114 = tpu.memref_squeeze %dma_start3A_113 : memref<1x79x128xi32, #tpu.memory_space<hbm>> -> memref<79x128xi32, #tpu.memory_space<hbm>>
      %dma_start3A_115 = arith.constant 0 : i32
      %dma_start3A_116 = arith.constant 0 : i32
      %dma_start3A_117 = tpu.memref_slice %arg4[%add3A, %dma_start3A_115, %dma_start3A_116] : memref<32x79x128xi32, #tpu.memory_space<hbm>> -> memref<1x79x128xi32, #tpu.memory_space<hbm>>
      %dma_start3A_118 = tpu.memref_squeeze %dma_start3A_117 : memref<1x79x128xi32, #tpu.memory_space<hbm>> -> memref<79x128xi32, #tpu.memory_space<hbm>>
      tpu.enqueue_dma source(%dma_start3A_118 : memref<79x128xi32, #tpu.memory_space<hbm>>) target(%arg8 : memref<79x128xi32, #tpu.memory_space<vmem>>) target_semaphore(%run_scoped3A_110 : memref<!tpu.dma_semaphore, #tpu.memory_space<semaphore_mem>>)
      %dma_wait3A_119 = arith.constant 0 : i32
      %dma_wait3A_120 = arith.constant 0 : i32
      %dma_wait3A_121 = tpu.memref_slice %arg4[%add3A, %dma_wait3A_119, %dma_wait3A_120] : memref<32x79x128xi32, #tpu.memory_space<hbm>> -> memref<1x79x128xi32, #tpu.memory_space<hbm>>
      %dma_wait3A_122 = tpu.memref_squeeze %dma_wait3A_121 : memref<1x79x128xi32, #tpu.memory_space<hbm>> -> memref<79x128xi32, #tpu.memory_space<hbm>>
      %dma_wait3A_123 = arith.constant 0 : i32
      %dma_wait3A_124 = arith.constant 0 : i32
      %dma_wait3A_125 = tpu.memref_slice %arg4[%add3A, %dma_wait3A_123, %dma_wait3A_124] : memref<32x79x128xi32, #tpu.memory_space<hbm>> -> memref<1x79x128xi32, #tpu.memory_space<hbm>>
      %dma_wait3A_126 = tpu.memref_squeeze %dma_wait3A_125 : memref<1x79x128xi32, #tpu.memory_space<hbm>> -> memref<79x128xi32, #tpu.memory_space<hbm>>
      tpu.wait_dma2 semaphore(%run_scoped3A_110 : memref<!tpu.dma_semaphore, #tpu.memory_space<semaphore_mem>>) src(%dma_wait3A_126 : memref<79x128xi32, #tpu.memory_space<hbm>>) dst(%arg8 : memref<79x128xi32, #tpu.memory_space<vmem>>)
      tpu.yield
    }) : () -> ()
    %barrier3A = arith.constant 0 : index
    tpu.barrier barrier_id(%barrier3A)
    %dma_start3A = arith.constant 0 : i32
    %dma_start3A_3 = arith.constant 0 : i32
    %dma_start3A_4 = tpu.memref_slice %arg7[%dma_start3A, %dma_start3A_3] : memref<79x128xi32, #tpu.memory_space<vmem>> -> memref<1x128xi32, #tpu.memory_space<vmem>>
    %dma_start3A_5 = tpu.memref_squeeze %dma_start3A_4 : memref<1x128xi32, #tpu.memory_space<vmem>> -> memref<128xi32, #tpu.memory_space<vmem>>
    %dma_start3A_6 = arith.constant 0 : i32
    %dma_start3A_7 = arith.constant 0 : i32
    %dma_start3A_8 = tpu.memref_slice %arg2[%dma_start3A_6, %dma_start3A_7] : memref<20000x64xf32, #tpu.memory_space<hbm>> -> memref<20000x64xf32, #tpu.memory_space<hbm>>
    tpu.enqueue_indirect_dma source(%dma_start3A_8 : memref<20000x64xf32, #tpu.memory_space<hbm>>) target(%arg9 : memref<128x64xf32, #tpu.memory_space<vmem>>) offsets(%dma_start3A_5 : memref<128xi32, #tpu.memory_space<vmem>>) semaphore(%arg14 : memref<!tpu.dma_semaphore, #tpu.memory_space<semaphore_mem>>)
    %dma_start3A_9 = arith.constant 1 : i32
    %dma_start3A_10 = arith.constant 0 : i32
    %dma_start3A_11 = tpu.memref_slice %arg7[%dma_start3A_9, %dma_start3A_10] : memref<79x128xi32, #tpu.memory_space<vmem>> -> memref<1x128xi32, #tpu.memory_space<vmem>>
    %dma_start3A_12 = tpu.memref_squeeze %dma_start3A_11 : memref<1x128xi32, #tpu.memory_space<vmem>> -> memref<128xi32, #tpu.memory_space<vmem>>
    %dma_start3A_13 = arith.constant 0 : i32
    %dma_start3A_14 = arith.constant 0 : i32
    %dma_start3A_15 = tpu.memref_slice %arg2[%dma_start3A_13, %dma_start3A_14] : memref<20000x64xf32, #tpu.memory_space<hbm>> -> memref<20000x64xf32, #tpu.memory_space<hbm>>
    tpu.enqueue_indirect_dma source(%dma_start3A_15 : memref<20000x64xf32, #tpu.memory_space<hbm>>) target(%arg10 : memref<128x64xf32, #tpu.memory_space<vmem>>) offsets(%dma_start3A_12 : memref<128xi32, #tpu.memory_space<vmem>>) semaphore(%arg15 : memref<!tpu.dma_semaphore, #tpu.memory_space<semaphore_mem>>)
    %dma_start3A_16 = arith.constant 2 : i32
    %dma_start3A_17 = arith.constant 0 : i32
    %dma_start3A_18 = tpu.memref_slice %arg7[%dma_start3A_16, %dma_start3A_17] : memref<79x128xi32, #tpu.memory_space<vmem>> -> memref<1x128xi32, #tpu.memory_space<vmem>>
    %dma_start3A_19 = tpu.memref_squeeze %dma_start3A_18 : memref<1x128xi32, #tpu.memory_space<vmem>> -> memref<128xi32, #tpu.memory_space<vmem>>
    %dma_start3A_20 = arith.constant 0 : i32
    %dma_start3A_21 = arith.constant 0 : i32
    %dma_start3A_22 = tpu.memref_slice %arg2[%dma_start3A_20, %dma_start3A_21] : memref<20000x64xf32, #tpu.memory_space<hbm>> -> memref<20000x64xf32, #tpu.memory_space<hbm>>
    tpu.enqueue_indirect_dma source(%dma_start3A_22 : memref<20000x64xf32, #tpu.memory_space<hbm>>) target(%arg11 : memref<128x64xf32, #tpu.memory_space<vmem>>) offsets(%dma_start3A_19 : memref<128xi32, #tpu.memory_space<vmem>>) semaphore(%arg16 : memref<!tpu.dma_semaphore, #tpu.memory_space<semaphore_mem>>)
    %scan3A = arith.constant 0 : i32
    %scan3A_23 = arith.constant 0 : i32
    %scan3A_24 = arith.constant 19 : i32
    %scan3A_25 = arith.addi %scan3A_23, %scan3A_24 : i32
    %scan3A_26 = arith.constant 1 : i32
    scf.for %scan3A_110 = %scan3A_23 to %scan3A_25 step %scan3A_26  : i32 {
      %mul3A_111 = arith.constant 4 : i32
      %mul3A_112 = arith.muli %mul3A_111, %scan3A_110 : i32
      %add3A_113 = arith.constant 0 : i32
      %add3A_114 = arith.addi %mul3A_112, %add3A_113 : i32
      %add3A_115 = arith.constant 4 : i32
      %add3A_116 = arith.addi %add3A_114, %add3A_115 : i32
      %sub3A = arith.constant 1 : i32
      %sub3A_117 = arith.subi %add3A_116, %sub3A : i32
      %dma_start3A_118 = arith.constant 0 : i32
      %dma_start3A_119 = tpu.memref_slice %arg7[%sub3A_117, %dma_start3A_118] : memref<79x128xi32, #tpu.memory_space<vmem>> -> memref<1x128xi32, #tpu.memory_space<vmem>>
      %dma_start3A_120 = tpu.memref_squeeze %dma_start3A_119 : memref<1x128xi32, #tpu.memory_space<vmem>> -> memref<128xi32, #tpu.memory_space<vmem>>
      %dma_start3A_121 = arith.constant 0 : i32
      %dma_start3A_122 = arith.constant 0 : i32
      %dma_start3A_123 = tpu.memref_slice %arg2[%dma_start3A_121, %dma_start3A_122] : memref<20000x64xf32, #tpu.memory_space<hbm>> -> memref<20000x64xf32, #tpu.memory_space<hbm>>
      tpu.enqueue_indirect_dma source(%dma_start3A_123 : memref<20000x64xf32, #tpu.memory_space<hbm>>) target(%arg12 : memref<128x64xf32, #tpu.memory_space<vmem>>) offsets(%dma_start3A_120 : memref<128xi32, #tpu.memory_space<vmem>>) semaphore(%arg17 : memref<!tpu.dma_semaphore, #tpu.memory_space<semaphore_mem>>)
      %dma_wait3A_124 = arith.constant 0 : i32
      %dma_wait3A_125 = tpu.memref_slice %arg7[%add3A_114, %dma_wait3A_124] : memref<79x128xi32, #tpu.memory_space<vmem>> -> memref<1x128xi32, #tpu.memory_space<vmem>>
      %dma_wait3A_126 = tpu.memref_squeeze %dma_wait3A_125 : memref<1x128xi32, #tpu.memory_space<vmem>> -> memref<128xi32, #tpu.memory_space<vmem>>
      %dma_wait3A_127 = arith.constant 0 : i32
      %dma_wait3A_128 = arith.constant 0 : i32
      %dma_wait3A_129 = tpu.memref_slice %arg2[%dma_wait3A_127, %dma_wait3A_128] : memref<20000x64xf32, #tpu.memory_space<hbm>> -> memref<20000x64xf32, #tpu.memory_space<hbm>>
      tpu.wait_indirect_dma semaphore(%arg14 : memref<!tpu.dma_semaphore, #tpu.memory_space<semaphore_mem>>) src(%dma_wait3A_129 : memref<20000x64xf32, #tpu.memory_space<hbm>>) dst(%arg9 : memref<128x64xf32, #tpu.memory_space<vmem>>)
      "tpu.region"() ({
        %run_scoped3A_184 = tpu.sem_alloc : memref<!tpu.dma_semaphore, #tpu.memory_space<semaphore_mem>>
        %dma_start3A_185 = arith.constant 0 : i32
        %dma_start3A_186 = tpu.memref_slice %arg8[%add3A_114, %dma_start3A_185] : memref<79x128xi32, #tpu.memory_space<vmem>> -> memref<1x128xi32, #tpu.memory_space<vmem>>
        %dma_start3A_187 = tpu.memref_squeeze %dma_start3A_186 : memref<1x128xi32, #tpu.memory_space<vmem>> -> memref<128xi32, #tpu.memory_space<vmem>>
        %dma_start3A_188 = arith.constant 0 : i32
        %dma_start3A_189 = arith.constant 0 : i32
        %dma_start3A_190 = tpu.memref_slice %arg13[%dma_start3A_188, %dma_start3A_189] : memref<10240x64xf32, #tpu.memory_space<vmem_shared>> -> memref<10240x64xf32, #tpu.memory_space<vmem_shared>>
        tpu.enqueue_indirect_dma source(%arg9 : memref<128x64xf32, #tpu.memory_space<vmem>>) target(%dma_start3A_190 : memref<10240x64xf32, #tpu.memory_space<vmem_shared>>) offsets(%dma_start3A_187 : memref<128xi32, #tpu.memory_space<vmem>>) semaphore(%run_scoped3A_184 : memref<!tpu.dma_semaphore, #tpu.memory_space<semaphore_mem>>) {add = true}
        %dma_wait3A_191 = arith.constant 0 : i32
        %dma_wait3A_192 = tpu.memref_slice %arg8[%add3A_114, %dma_wait3A_191] : memref<79x128xi32, #tpu.memory_space<vmem>> -> memref<1x128xi32, #tpu.memory_space<vmem>>
        %dma_wait3A_193 = tpu.memref_squeeze %dma_wait3A_192 : memref<1x128xi32, #tpu.memory_space<vmem>> -> memref<128xi32, #tpu.memory_space<vmem>>
        %dma_wait3A_194 = arith.constant 0 : i32
        %dma_wait3A_195 = arith.constant 0 : i32
        %dma_wait3A_196 = tpu.memref_slice %arg13[%dma_wait3A_194, %dma_wait3A_195] : memref<10240x64xf32, #tpu.memory_space<vmem_shared>> -> memref<10240x64xf32, #tpu.memory_space<vmem_shared>>
        tpu.wait_indirect_dma semaphore(%run_scoped3A_184 : memref<!tpu.dma_semaphore, #tpu.memory_space<semaphore_mem>>) src(%arg9 : memref<128x64xf32, #tpu.memory_space<vmem>>) dst(%dma_wait3A_196 : memref<10240x64xf32, #tpu.memory_space<vmem_shared>>)
        tpu.yield
      }) : () -> ()
      %add3A_130 = arith.constant 1 : i32
      %add3A_131 = arith.addi %mul3A_112, %add3A_130 : i32
      %add3A_132 = arith.constant 4 : i32
      %add3A_133 = arith.addi %add3A_131, %add3A_132 : i32
      %sub3A_134 = arith.constant 1 : i32
      %sub3A_135 = arith.subi %add3A_133, %sub3A_134 : i32
      %dma_start3A_136 = arith.constant 0 : i32
      %dma_start3A_137 = tpu.memref_slice %arg7[%sub3A_135, %dma_start3A_136] : memref<79x128xi32, #tpu.memory_space<vmem>> -> memref<1x128xi32, #tpu.memory_space<vmem>>
      %dma_start3A_138 = tpu.memref_squeeze %dma_start3A_137 : memref<1x128xi32, #tpu.memory_space<vmem>> -> memref<128xi32, #tpu.memory_space<vmem>>
      %dma_start3A_139 = arith.constant 0 : i32
      %dma_start3A_140 = arith.constant 0 : i32
      %dma_start3A_141 = tpu.memref_slice %arg2[%dma_start3A_139, %dma_start3A_140] : memref<20000x64xf32, #tpu.memory_space<hbm>> -> memref<20000x64xf32, #tpu.memory_space<hbm>>
      tpu.enqueue_indirect_dma source(%dma_start3A_141 : memref<20000x64xf32, #tpu.memory_space<hbm>>) target(%arg9 : memref<128x64xf32, #tpu.memory_space<vmem>>) offsets(%dma_start3A_138 : memref<128xi32, #tpu.memory_space<vmem>>) semaphore(%arg14 : memref<!tpu.dma_semaphore, #tpu.memory_space<semaphore_mem>>)
      %dma_wait3A_142 = arith.constant 0 : i32
      %dma_wait3A_143 = tpu.memref_slice %arg7[%add3A_131, %dma_wait3A_142] : memref<79x128xi32, #tpu.memory_space<vmem>> -> memref<1x128xi32, #tpu.memory_space<vmem>>
      %dma_wait3A_144 = tpu.memref_squeeze %dma_wait3A_143 : memref<1x128xi32, #tpu.memory_space<vmem>> -> memref<128xi32, #tpu.memory_space<vmem>>
      %dma_wait3A_145 = arith.constant 0 : i32
      %dma_wait3A_146 = arith.constant 0 : i32
      %dma_wait3A_147 = tpu.memref_slice %arg2[%dma_wait3A_145, %dma_wait3A_146] : memref<20000x64xf32, #tpu.memory_space<hbm>> -> memref<20000x64xf32, #tpu.memory_space<hbm>>
      tpu.wait_indirect_dma semaphore(%arg15 : memref<!tpu.dma_semaphore, #tpu.memory_space<semaphore_mem>>) src(%dma_wait3A_147 : memref<20000x64xf32, #tpu.memory_space<hbm>>) dst(%arg10 : memref<128x64xf32, #tpu.memory_space<vmem>>)
      "tpu.region"() ({
        %run_scoped3A_184 = tpu.sem_alloc : memref<!tpu.dma_semaphore, #tpu.memory_space<semaphore_mem>>
        %dma_start3A_185 = arith.constant 0 : i32
        %dma_start3A_186 = tpu.memref_slice %arg8[%add3A_131, %dma_start3A_185] : memref<79x128xi32, #tpu.memory_space<vmem>> -> memref<1x128xi32, #tpu.memory_space<vmem>>
        %dma_start3A_187 = tpu.memref_squeeze %dma_start3A_186 : memref<1x128xi32, #tpu.memory_space<vmem>> -> memref<128xi32, #tpu.memory_space<vmem>>
        %dma_start3A_188 = arith.constant 0 : i32
        %dma_start3A_189 = arith.constant 0 : i32
        %dma_start3A_190 = tpu.memref_slice %arg13[%dma_start3A_188, %dma_start3A_189] : memref<10240x64xf32, #tpu.memory_space<vmem_shared>> -> memref<10240x64xf32, #tpu.memory_space<vmem_shared>>
        tpu.enqueue_indirect_dma source(%arg10 : memref<128x64xf32, #tpu.memory_space<vmem>>) target(%dma_start3A_190 : memref<10240x64xf32, #tpu.memory_space<vmem_shared>>) offsets(%dma_start3A_187 : memref<128xi32, #tpu.memory_space<vmem>>) semaphore(%run_scoped3A_184 : memref<!tpu.dma_semaphore, #tpu.memory_space<semaphore_mem>>) {add = true}
        %dma_wait3A_191 = arith.constant 0 : i32
        %dma_wait3A_192 = tpu.memref_slice %arg8[%add3A_131, %dma_wait3A_191] : memref<79x128xi32, #tpu.memory_space<vmem>> -> memref<1x128xi32, #tpu.memory_space<vmem>>
        %dma_wait3A_193 = tpu.memref_squeeze %dma_wait3A_192 : memref<1x128xi32, #tpu.memory_space<vmem>> -> memref<128xi32, #tpu.memory_space<vmem>>
        %dma_wait3A_194 = arith.constant 0 : i32
        %dma_wait3A_195 = arith.constant 0 : i32
        %dma_wait3A_196 = tpu.memref_slice %arg13[%dma_wait3A_194, %dma_wait3A_195] : memref<10240x64xf32, #tpu.memory_space<vmem_shared>> -> memref<10240x64xf32, #tpu.memory_space<vmem_shared>>
        tpu.wait_indirect_dma semaphore(%run_scoped3A_184 : memref<!tpu.dma_semaphore, #tpu.memory_space<semaphore_mem>>) src(%arg10 : memref<128x64xf32, #tpu.memory_space<vmem>>) dst(%dma_wait3A_196 : memref<10240x64xf32, #tpu.memory_space<vmem_shared>>)
        tpu.yield
      }) : () -> ()
      %add3A_148 = arith.constant 2 : i32
      %add3A_149 = arith.addi %mul3A_112, %add3A_148 : i32
      %add3A_150 = arith.constant 4 : i32
      %add3A_151 = arith.addi %add3A_149, %add3A_150 : i32
      %sub3A_152 = arith.constant 1 : i32
      %sub3A_153 = arith.subi %add3A_151, %sub3A_152 : i32
      %dma_start3A_154 = arith.constant 0 : i32
      %dma_start3A_155 = tpu.memref_slice %arg7[%sub3A_153, %dma_start3A_154] : memref<79x128xi32, #tpu.memory_space<vmem>> -> memref<1x128xi32, #tpu.memory_space<vmem>>
      %dma_start3A_156 = tpu.memref_squeeze %dma_start3A_155 : memref<1x128xi32, #tpu.memory_space<vmem>> -> memref<128xi32, #tpu.memory_space<vmem>>
      %dma_start3A_157 = arith.constant 0 : i32
      %dma_start3A_158 = arith.constant 0 : i32
      %dma_start3A_159 = tpu.memref_slice %arg2[%dma_start3A_157, %dma_start3A_158] : memref<20000x64xf32, #tpu.memory_space<hbm>> -> memref<20000x64xf32, #tpu.memory_space<hbm>>
      tpu.enqueue_indirect_dma source(%dma_start3A_159 : memref<20000x64xf32, #tpu.memory_space<hbm>>) target(%arg10 : memref<128x64xf32, #tpu.memory_space<vmem>>) offsets(%dma_start3A_156 : memref<128xi32, #tpu.memory_space<vmem>>) semaphore(%arg15 : memref<!tpu.dma_semaphore, #tpu.memory_space<semaphore_mem>>)
      %dma_wait3A_160 = arith.constant 0 : i32
      %dma_wait3A_161 = tpu.memref_slice %arg7[%add3A_149, %dma_wait3A_160] : memref<79x128xi32, #tpu.memory_space<vmem>> -> memref<1x128xi32, #tpu.memory_space<vmem>>
      %dma_wait3A_162 = tpu.memref_squeeze %dma_wait3A_161 : memref<1x128xi32, #tpu.memory_space<vmem>> -> memref<128xi32, #tpu.memory_space<vmem>>
      %dma_wait3A_163 = arith.constant 0 : i32
      %dma_wait3A_164 = arith.constant 0 : i32
      %dma_wait3A_165 = tpu.memref_slice %arg2[%dma_wait3A_163, %dma_wait3A_164] : memref<20000x64xf32, #tpu.memory_space<hbm>> -> memref<20000x64xf32, #tpu.memory_space<hbm>>
      tpu.wait_indirect_dma semaphore(%arg16 : memref<!tpu.dma_semaphore, #tpu.memory_space<semaphore_mem>>) src(%dma_wait3A_165 : memref<20000x64xf32, #tpu.memory_space<hbm>>) dst(%arg11 : memref<128x64xf32, #tpu.memory_space<vmem>>)
      "tpu.region"() ({
        %run_scoped3A_184 = tpu.sem_alloc : memref<!tpu.dma_semaphore, #tpu.memory_space<semaphore_mem>>
        %dma_start3A_185 = arith.constant 0 : i32
        %dma_start3A_186 = tpu.memref_slice %arg8[%add3A_149, %dma_start3A_185] : memref<79x128xi32, #tpu.memory_space<vmem>> -> memref<1x128xi32, #tpu.memory_space<vmem>>
        %dma_start3A_187 = tpu.memref_squeeze %dma_start3A_186 : memref<1x128xi32, #tpu.memory_space<vmem>> -> memref<128xi32, #tpu.memory_space<vmem>>
        %dma_start3A_188 = arith.constant 0 : i32
        %dma_start3A_189 = arith.constant 0 : i32
        %dma_start3A_190 = tpu.memref_slice %arg13[%dma_start3A_188, %dma_start3A_189] : memref<10240x64xf32, #tpu.memory_space<vmem_shared>> -> memref<10240x64xf32, #tpu.memory_space<vmem_shared>>
        tpu.enqueue_indirect_dma source(%arg11 : memref<128x64xf32, #tpu.memory_space<vmem>>) target(%dma_start3A_190 : memref<10240x64xf32, #tpu.memory_space<vmem_shared>>) offsets(%dma_start3A_187 : memref<128xi32, #tpu.memory_space<vmem>>) semaphore(%run_scoped3A_184 : memref<!tpu.dma_semaphore, #tpu.memory_space<semaphore_mem>>) {add = true}
        %dma_wait3A_191 = arith.constant 0 : i32
        %dma_wait3A_192 = tpu.memref_slice %arg8[%add3A_149, %dma_wait3A_191] : memref<79x128xi32, #tpu.memory_space<vmem>> -> memref<1x128xi32, #tpu.memory_space<vmem>>
        %dma_wait3A_193 = tpu.memref_squeeze %dma_wait3A_192 : memref<1x128xi32, #tpu.memory_space<vmem>> -> memref<128xi32, #tpu.memory_space<vmem>>
        %dma_wait3A_194 = arith.constant 0 : i32
        %dma_wait3A_195 = arith.constant 0 : i32
        %dma_wait3A_196 = tpu.memref_slice %arg13[%dma_wait3A_194, %dma_wait3A_195] : memref<10240x64xf32, #tpu.memory_space<vmem_shared>> -> memref<10240x64xf32, #tpu.memory_space<vmem_shared>>
        tpu.wait_indirect_dma semaphore(%run_scoped3A_184 : memref<!tpu.dma_semaphore, #tpu.memory_space<semaphore_mem>>) src(%arg11 : memref<128x64xf32, #tpu.memory_space<vmem>>) dst(%dma_wait3A_196 : memref<10240x64xf32, #tpu.memory_space<vmem_shared>>)
        tpu.yield
      }) : () -> ()
      %add3A_166 = arith.constant 3 : i32
      %add3A_167 = arith.addi %mul3A_112, %add3A_166 : i32
      %add3A_168 = arith.constant 4 : i32
      %add3A_169 = arith.addi %add3A_167, %add3A_168 : i32
      %sub3A_170 = arith.constant 1 : i32
      %sub3A_171 = arith.subi %add3A_169, %sub3A_170 : i32
      %dma_start3A_172 = arith.constant 0 : i32
      %dma_start3A_173 = tpu.memref_slice %arg7[%sub3A_171, %dma_start3A_172] : memref<79x128xi32, #tpu.memory_space<vmem>> -> memref<1x128xi32, #tpu.memory_space<vmem>>
      %dma_start3A_174 = tpu.memref_squeeze %dma_start3A_173 : memref<1x128xi32, #tpu.memory_space<vmem>> -> memref<128xi32, #tpu.memory_space<vmem>>
      %dma_start3A_175 = arith.constant 0 : i32
      %dma_start3A_176 = arith.constant 0 : i32
      %dma_start3A_177 = tpu.memref_slice %arg2[%dma_start3A_175, %dma_start3A_176] : memref<20000x64xf32, #tpu.memory_space<hbm>> -> memref<20000x64xf32, #tpu.memory_space<hbm>>
      tpu.enqueue_indirect_dma source(%dma_start3A_177 : memref<20000x64xf32, #tpu.memory_space<hbm>>) target(%arg11 : memref<128x64xf32, #tpu.memory_space<vmem>>) offsets(%dma_start3A_174 : memref<128xi32, #tpu.memory_space<vmem>>) semaphore(%arg16 : memref<!tpu.dma_semaphore, #tpu.memory_space<semaphore_mem>>)
      %dma_wait3A_178 = arith.constant 0 : i32
      %dma_wait3A_179 = tpu.memref_slice %arg7[%add3A_167, %dma_wait3A_178] : memref<79x128xi32, #tpu.memory_space<vmem>> -> memref<1x128xi32, #tpu.memory_space<vmem>>
      %dma_wait3A_180 = tpu.memref_squeeze %dma_wait3A_179 : memref<1x128xi32, #tpu.memory_space<vmem>> -> memref<128xi32, #tpu.memory_space<vmem>>
      %dma_wait3A_181 = arith.constant 0 : i32
      %dma_wait3A_182 = arith.constant 0 : i32
      %dma_wait3A_183 = tpu.memref_slice %arg2[%dma_wait3A_181, %dma_wait3A_182] : memref<20000x64xf32, #tpu.memory_space<hbm>> -> memref<20000x64xf32, #tpu.memory_space<hbm>>
      tpu.wait_indirect_dma semaphore(%arg17 : memref<!tpu.dma_semaphore, #tpu.memory_space<semaphore_mem>>) src(%dma_wait3A_183 : memref<20000x64xf32, #tpu.memory_space<hbm>>) dst(%arg12 : memref<128x64xf32, #tpu.memory_space<vmem>>)
      "tpu.region"() ({
        %run_scoped3A_184 = tpu.sem_alloc : memref<!tpu.dma_semaphore, #tpu.memory_space<semaphore_mem>>
        %dma_start3A_185 = arith.constant 0 : i32
        %dma_start3A_186 = tpu.memref_slice %arg8[%add3A_167, %dma_start3A_185] : memref<79x128xi32, #tpu.memory_space<vmem>> -> memref<1x128xi32, #tpu.memory_space<vmem>>
        %dma_start3A_187 = tpu.memref_squeeze %dma_start3A_186 : memref<1x128xi32, #tpu.memory_space<vmem>> -> memref<128xi32, #tpu.memory_space<vmem>>
        %dma_start3A_188 = arith.constant 0 : i32
        %dma_start3A_189 = arith.constant 0 : i32
        %dma_start3A_190 = tpu.memref_slice %arg13[%dma_start3A_188, %dma_start3A_189] : memref<10240x64xf32, #tpu.memory_space<vmem_shared>> -> memref<10240x64xf32, #tpu.memory_space<vmem_shared>>
        tpu.enqueue_indirect_dma source(%arg12 : memref<128x64xf32, #tpu.memory_space<vmem>>) target(%dma_start3A_190 : memref<10240x64xf32, #tpu.memory_space<vmem_shared>>) offsets(%dma_start3A_187 : memref<128xi32, #tpu.memory_space<vmem>>) semaphore(%run_scoped3A_184 : memref<!tpu.dma_semaphore, #tpu.memory_space<semaphore_mem>>) {add = true}
        %dma_wait3A_191 = arith.constant 0 : i32
        %dma_wait3A_192 = tpu.memref_slice %arg8[%add3A_167, %dma_wait3A_191] : memref<79x128xi32, #tpu.memory_space<vmem>> -> memref<1x128xi32, #tpu.memory_space<vmem>>
        %dma_wait3A_193 = tpu.memref_squeeze %dma_wait3A_192 : memref<1x128xi32, #tpu.memory_space<vmem>> -> memref<128xi32, #tpu.memory_space<vmem>>
        %dma_wait3A_194 = arith.constant 0 : i32
        %dma_wait3A_195 = arith.constant 0 : i32
        %dma_wait3A_196 = tpu.memref_slice %arg13[%dma_wait3A_194, %dma_wait3A_195] : memref<10240x64xf32, #tpu.memory_space<vmem_shared>> -> memref<10240x64xf32, #tpu.memory_space<vmem_shared>>
        tpu.wait_indirect_dma semaphore(%run_scoped3A_184 : memref<!tpu.dma_semaphore, #tpu.memory_space<semaphore_mem>>) src(%arg12 : memref<128x64xf32, #tpu.memory_space<vmem>>) dst(%dma_wait3A_196 : memref<10240x64xf32, #tpu.memory_space<vmem_shared>>)
        tpu.yield
      }) : () -> ()
    }
    %scan3A_27 = arith.constant 19 : i32
    %dma_wait3A = arith.constant 76 : i32
    %dma_wait3A_28 = arith.constant 0 : i32
    %dma_wait3A_29 = tpu.memref_slice %arg7[%dma_wait3A, %dma_wait3A_28] : memref<79x128xi32, #tpu.memory_space<vmem>> -> memref<1x128xi32, #tpu.memory_space<vmem>>
    %dma_wait3A_30 = tpu.memref_squeeze %dma_wait3A_29 : memref<1x128xi32, #tpu.memory_space<vmem>> -> memref<128xi32, #tpu.memory_space<vmem>>
    %dma_wait3A_31 = arith.constant 0 : i32
    %dma_wait3A_32 = arith.constant 0 : i32
    %dma_wait3A_33 = tpu.memref_slice %arg2[%dma_wait3A_31, %dma_wait3A_32] : memref<20000x64xf32, #tpu.memory_space<hbm>> -> memref<20000x64xf32, #tpu.memory_space<hbm>>
    tpu.wait_indirect_dma semaphore(%arg14 : memref<!tpu.dma_semaphore, #tpu.memory_space<semaphore_mem>>) src(%dma_wait3A_33 : memref<20000x64xf32, #tpu.memory_space<hbm>>) dst(%arg9 : memref<128x64xf32, #tpu.memory_space<vmem>>)
    %run_scoped3A = arith.constant 76 : i32
    "tpu.region"() ({
      %run_scoped3A_110 = tpu.sem_alloc : memref<!tpu.dma_semaphore, #tpu.memory_space<semaphore_mem>>
      %dma_start3A_111 = arith.constant 0 : i32
      %dma_start3A_112 = tpu.memref_slice %arg8[%run_scoped3A, %dma_start3A_111] : memref<79x128xi32, #tpu.memory_space<vmem>> -> memref<1x128xi32, #tpu.memory_space<vmem>>
      %dma_start3A_113 = tpu.memref_squeeze %dma_start3A_112 : memref<1x128xi32, #tpu.memory_space<vmem>> -> memref<128xi32, #tpu.memory_space<vmem>>
      %dma_start3A_114 = arith.constant 0 : i32
      %dma_start3A_115 = arith.constant 0 : i32
      %dma_start3A_116 = tpu.memref_slice %arg13[%dma_start3A_114, %dma_start3A_115] : memref<10240x64xf32, #tpu.memory_space<vmem_shared>> -> memref<10240x64xf32, #tpu.memory_space<vmem_shared>>
      tpu.enqueue_indirect_dma source(%arg9 : memref<128x64xf32, #tpu.memory_space<vmem>>) target(%dma_start3A_116 : memref<10240x64xf32, #tpu.memory_space<vmem_shared>>) offsets(%dma_start3A_113 : memref<128xi32, #tpu.memory_space<vmem>>) semaphore(%run_scoped3A_110 : memref<!tpu.dma_semaphore, #tpu.memory_space<semaphore_mem>>) {add = true}
      %dma_wait3A_117 = arith.constant 0 : i32
      %dma_wait3A_118 = tpu.memref_slice %arg8[%run_scoped3A, %dma_wait3A_117] : memref<79x128xi32, #tpu.memory_space<vmem>> -> memref<1x128xi32, #tpu.memory_space<vmem>>
      %dma_wait3A_119 = tpu.memref_squeeze %dma_wait3A_118 : memref<1x128xi32, #tpu.memory_space<vmem>> -> memref<128xi32, #tpu.memory_space<vmem>>
      %dma_wait3A_120 = arith.constant 0 : i32
      %dma_wait3A_121 = arith.constant 0 : i32
      %dma_wait3A_122 = tpu.memref_slice %arg13[%dma_wait3A_120, %dma_wait3A_121] : memref<10240x64xf32, #tpu.memory_space<vmem_shared>> -> memref<10240x64xf32, #tpu.memory_space<vmem_shared>>
      tpu.wait_indirect_dma semaphore(%run_scoped3A_110 : memref<!tpu.dma_semaphore, #tpu.memory_space<semaphore_mem>>) src(%arg9 : memref<128x64xf32, #tpu.memory_space<vmem>>) dst(%dma_wait3A_122 : memref<10240x64xf32, #tpu.memory_space<vmem_shared>>)
      tpu.yield
    }) : () -> ()
    %dma_wait3A_34 = arith.constant 77 : i32
    %dma_wait3A_35 = arith.constant 0 : i32
    %dma_wait3A_36 = tpu.memref_slice %arg7[%dma_wait3A_34, %dma_wait3A_35] : memref<79x128xi32, #tpu.memory_space<vmem>> -> memref<1x128xi32, #tpu.memory_space<vmem>>
    %dma_wait3A_37 = tpu.memref_squeeze %dma_wait3A_36 : memref<1x128xi32, #tpu.memory_space<vmem>> -> memref<128xi32, #tpu.memory_space<vmem>>
    %dma_wait3A_38 = arith.constant 0 : i32
    %dma_wait3A_39 = arith.constant 0 : i32
    %dma_wait3A_40 = tpu.memref_slice %arg2[%dma_wait3A_38, %dma_wait3A_39] : memref<20000x64xf32, #tpu.memory_space<hbm>> -> memref<20000x64xf32, #tpu.memory_space<hbm>>
    tpu.wait_indirect_dma semaphore(%arg15 : memref<!tpu.dma_semaphore, #tpu.memory_space<semaphore_mem>>) src(%dma_wait3A_40 : memref<20000x64xf32, #tpu.memory_space<hbm>>) dst(%arg10 : memref<128x64xf32, #tpu.memory_space<vmem>>)
    %run_scoped3A_41 = arith.constant 77 : i32
    "tpu.region"() ({
      %run_scoped3A_110 = tpu.sem_alloc : memref<!tpu.dma_semaphore, #tpu.memory_space<semaphore_mem>>
      %dma_start3A_111 = arith.constant 0 : i32
      %dma_start3A_112 = tpu.memref_slice %arg8[%run_scoped3A_41, %dma_start3A_111] : memref<79x128xi32, #tpu.memory_space<vmem>> -> memref<1x128xi32, #tpu.memory_space<vmem>>
      %dma_start3A_113 = tpu.memref_squeeze %dma_start3A_112 : memref<1x128xi32, #tpu.memory_space<vmem>> -> memref<128xi32, #tpu.memory_space<vmem>>
      %dma_start3A_114 = arith.constant 0 : i32
      %dma_start3A_115 = arith.constant 0 : i32
      %dma_start3A_116 = tpu.memref_slice %arg13[%dma_start3A_114, %dma_start3A_115] : memref<10240x64xf32, #tpu.memory_space<vmem_shared>> -> memref<10240x64xf32, #tpu.memory_space<vmem_shared>>
      tpu.enqueue_indirect_dma source(%arg10 : memref<128x64xf32, #tpu.memory_space<vmem>>) target(%dma_start3A_116 : memref<10240x64xf32, #tpu.memory_space<vmem_shared>>) offsets(%dma_start3A_113 : memref<128xi32, #tpu.memory_space<vmem>>) semaphore(%run_scoped3A_110 : memref<!tpu.dma_semaphore, #tpu.memory_space<semaphore_mem>>) {add = true}
      %dma_wait3A_117 = arith.constant 0 : i32
      %dma_wait3A_118 = tpu.memref_slice %arg8[%run_scoped3A_41, %dma_wait3A_117] : memref<79x128xi32, #tpu.memory_space<vmem>> -> memref<1x128xi32, #tpu.memory_space<vmem>>
      %dma_wait3A_119 = tpu.memref_squeeze %dma_wait3A_118 : memref<1x128xi32, #tpu.memory_space<vmem>> -> memref<128xi32, #tpu.memory_space<vmem>>
      %dma_wait3A_120 = arith.constant 0 : i32
      %dma_wait3A_121 = arith.constant 0 : i32
      %dma_wait3A_122 = tpu.memref_slice %arg13[%dma_wait3A_120, %dma_wait3A_121] : memref<10240x64xf32, #tpu.memory_space<vmem_shared>> -> memref<10240x64xf32, #tpu.memory_space<vmem_shared>>
      tpu.wait_indirect_dma semaphore(%run_scoped3A_110 : memref<!tpu.dma_semaphore, #tpu.memory_space<semaphore_mem>>) src(%arg10 : memref<128x64xf32, #tpu.memory_space<vmem>>) dst(%dma_wait3A_122 : memref<10240x64xf32, #tpu.memory_space<vmem_shared>>)
      tpu.yield
    }) : () -> ()
    %dma_wait3A_42 = arith.constant 78 : i32
    %dma_wait3A_43 = arith.constant 0 : i32
    %dma_wait3A_44 = tpu.memref_slice %arg7[%dma_wait3A_42, %dma_wait3A_43] : memref<79x128xi32, #tpu.memory_space<vmem>> -> memref<1x128xi32, #tpu.memory_space<vmem>>
    %dma_wait3A_45 = tpu.memref_squeeze %dma_wait3A_44 : memref<1x128xi32, #tpu.memory_space<vmem>> -> memref<128xi32, #tpu.memory_space<vmem>>
    %dma_wait3A_46 = arith.constant 0 : i32
    %dma_wait3A_47 = arith.constant 0 : i32
    %dma_wait3A_48 = tpu.memref_slice %arg2[%dma_wait3A_46, %dma_wait3A_47] : memref<20000x64xf32, #tpu.memory_space<hbm>> -> memref<20000x64xf32, #tpu.memory_space<hbm>>
    tpu.wait_indirect_dma semaphore(%arg16 : memref<!tpu.dma_semaphore, #tpu.memory_space<semaphore_mem>>) src(%dma_wait3A_48 : memref<20000x64xf32, #tpu.memory_space<hbm>>) dst(%arg11 : memref<128x64xf32, #tpu.memory_space<vmem>>)
    %run_scoped3A_49 = arith.constant 78 : i32
    "tpu.region"() ({
      %run_scoped3A_110 = tpu.sem_alloc : memref<!tpu.dma_semaphore, #tpu.memory_space<semaphore_mem>>
      %dma_start3A_111 = arith.constant 0 : i32
      %dma_start3A_112 = tpu.memref_slice %arg8[%run_scoped3A_49, %dma_start3A_111] : memref<79x128xi32, #tpu.memory_space<vmem>> -> memref<1x128xi32, #tpu.memory_space<vmem>>
      %dma_start3A_113 = tpu.memref_squeeze %dma_start3A_112 : memref<1x128xi32, #tpu.memory_space<vmem>> -> memref<128xi32, #tpu.memory_space<vmem>>
      %dma_start3A_114 = arith.constant 0 : i32
      %dma_start3A_115 = arith.constant 0 : i32
      %dma_start3A_116 = tpu.memref_slice %arg13[%dma_start3A_114, %dma_start3A_115] : memref<10240x64xf32, #tpu.memory_space<vmem_shared>> -> memref<10240x64xf32, #tpu.memory_space<vmem_shared>>
      tpu.enqueue_indirect_dma source(%arg11 : memref<128x64xf32, #tpu.memory_space<vmem>>) target(%dma_start3A_116 : memref<10240x64xf32, #tpu.memory_space<vmem_shared>>) offsets(%dma_start3A_113 : memref<128xi32, #tpu.memory_space<vmem>>) semaphore(%run_scoped3A_110 : memref<!tpu.dma_semaphore, #tpu.memory_space<semaphore_mem>>) {add = true}
      %dma_wait3A_117 = arith.constant 0 : i32
      %dma_wait3A_118 = tpu.memref_slice %arg8[%run_scoped3A_49, %dma_wait3A_117] : memref<79x128xi32, #tpu.memory_space<vmem>> -> memref<1x128xi32, #tpu.memory_space<vmem>>
      %dma_wait3A_119 = tpu.memref_squeeze %dma_wait3A_118 : memref<1x128xi32, #tpu.memory_space<vmem>> -> memref<128xi32, #tpu.memory_space<vmem>>
      %dma_wait3A_120 = arith.constant 0 : i32
      %dma_wait3A_121 = arith.constant 0 : i32
      %dma_wait3A_122 = tpu.memref_slice %arg13[%dma_wait3A_120, %dma_wait3A_121] : memref<10240x64xf32, #tpu.memory_space<vmem_shared>> -> memref<10240x64xf32, #tpu.memory_space<vmem_shared>>
      tpu.wait_indirect_dma semaphore(%run_scoped3A_110 : memref<!tpu.dma_semaphore, #tpu.memory_space<semaphore_mem>>) src(%arg11 : memref<128x64xf32, #tpu.memory_space<vmem>>) dst(%dma_wait3A_122 : memref<10240x64xf32, #tpu.memory_space<vmem_shared>>)
      tpu.yield
    }) : () -> ()
    %barrier3A_50 = arith.constant 0 : index
    tpu.barrier barrier_id(%barrier3A_50)
    "tpu.region"() ({
      %run_scoped3A_110 = tpu.sem_alloc : memref<!tpu.dma_semaphore, #tpu.memory_space<semaphore_mem>>
      %dma_start3A_111 = arith.constant 0 : i32
      %dma_start3A_112 = tpu.memref_slice %arg6[%arg0, %mul3A_2, %dma_start3A_111] : memref<2x10240x128xf32, #tpu.memory_space<hbm>> -> memref<1x640x64xf32, #tpu.memory_space<hbm>>
      %dma_start3A_113 = tpu.memref_squeeze %dma_start3A_112 : memref<1x640x64xf32, #tpu.memory_space<hbm>> -> memref<640x64xf32, #tpu.memory_space<hbm>>
      %dma_start3A_114 = arith.constant 0 : i32
      %dma_start3A_115 = tpu.memref_slice %arg13[%mul3A_2, %dma_start3A_114] : memref<10240x64xf32, #tpu.memory_space<vmem_shared>> -> memref<640x64xf32, #tpu.memory_space<vmem_shared>>
      tpu.enqueue_dma source(%dma_start3A_115 : memref<640x64xf32, #tpu.memory_space<vmem_shared>>) target(%dma_start3A_113 : memref<640x64xf32, #tpu.memory_space<hbm>>) target_semaphore(%run_scoped3A_110 : memref<!tpu.dma_semaphore, #tpu.memory_space<semaphore_mem>>)
      %dma_wait3A_116 = arith.constant 0 : i32
      %dma_wait3A_117 = tpu.memref_slice %arg6[%arg0, %mul3A_2, %dma_wait3A_116] : memref<2x10240x128xf32, #tpu.memory_space<hbm>> -> memref<1x640x64xf32, #tpu.memory_space<hbm>>
      %dma_wait3A_118 = tpu.memref_squeeze %dma_wait3A_117 : memref<1x640x64xf32, #tpu.memory_space<hbm>> -> memref<640x64xf32, #tpu.memory_space<hbm>>
      %dma_wait3A_119 = arith.constant 0 : i32
      %dma_wait3A_120 = tpu.memref_slice %arg13[%mul3A_2, %dma_wait3A_119] : memref<10240x64xf32, #tpu.memory_space<vmem_shared>> -> memref<640x64xf32, #tpu.memory_space<vmem_shared>>
      tpu.wait_dma2 semaphore(%run_scoped3A_110 : memref<!tpu.dma_semaphore, #tpu.memory_space<semaphore_mem>>) src(%dma_wait3A_120 : memref<640x64xf32, #tpu.memory_space<vmem_shared>>) dst(%dma_wait3A_118 : memref<640x64xf32, #tpu.memory_space<hbm>>)
      tpu.yield
    }) : () -> ()
    "tpu.region"() ({
      %run_scoped3A_110 = tpu.sem_alloc : memref<!tpu.dma_semaphore, #tpu.memory_space<semaphore_mem>>
      %dma_start3A_111 = arith.constant 0 : i32
      %dma_start3A_112 = tpu.memref_slice %arg13[%mul3A_2, %dma_start3A_111] : memref<10240x64xf32, #tpu.memory_space<vmem_shared>> -> memref<640x64xf32, #tpu.memory_space<vmem_shared>>
      tpu.enqueue_dma source(%arg5 : memref<640x64xf32, #tpu.memory_space<hbm>>) target(%dma_start3A_112 : memref<640x64xf32, #tpu.memory_space<vmem_shared>>) target_semaphore(%run_scoped3A_110 : memref<!tpu.dma_semaphore, #tpu.memory_space<semaphore_mem>>)
      %dma_wait3A_113 = arith.constant 0 : i32
      %dma_wait3A_114 = tpu.memref_slice %arg13[%mul3A_2, %dma_wait3A_113] : memref<10240x64xf32, #tpu.memory_space<vmem_shared>> -> memref<640x64xf32, #tpu.memory_space<vmem_shared>>
      tpu.wait_dma2 semaphore(%run_scoped3A_110 : memref<!tpu.dma_semaphore, #tpu.memory_space<semaphore_mem>>) src(%arg5 : memref<640x64xf32, #tpu.memory_space<hbm>>) dst(%dma_wait3A_114 : memref<640x64xf32, #tpu.memory_space<vmem_shared>>)
      tpu.yield
    }) : () -> ()
    %scan3A_51 = arith.constant 0 : i32
    %scan3A_52 = arith.constant 0 : i32
    %scan3A_53 = arith.constant 79 : i32
    %scan3A_54 = arith.addi %scan3A_52, %scan3A_53 : i32
    %scan3A_55 = arith.constant 1 : i32
    scf.for %scan3A_110 = %scan3A_52 to %scan3A_54 step %scan3A_55  : i32 {
      %get3A = arith.index_cast %scan3A_110 : i32 to index
      %get3A_111 = arith.constant 0 : index
      %get3A_112 = tpu.vector_load %arg7[%get3A, %get3A_111] {strides = array<i32>} : memref<79x128xi32, #tpu.memory_space<vmem>>, vector<1x16xi32>,
      %get3A_113 = vector.shape_cast %get3A_112 : vector<1x16xi32> to vector<16xi32>
      %add3A_114 = arith.constant 1 : i32
      %add3A_115 = vector.broadcast %add3A_114 : i32 to vector<16xi32>
      %add3A_116 = arith.addi %get3A_113, %add3A_115 : vector<16xi32>
      %swap3A = arith.index_cast %scan3A_110 : i32 to index
      %swap3A_117 = arith.constant 0 : index
      %swap3A_118 = tpu.vector_load %arg7[%swap3A, %swap3A_117] {strides = array<i32>} : memref<79x128xi32, #tpu.memory_space<vmem>>, vector<1x16xi32>,
      %swap3A_119 = vector.shape_cast %swap3A_118 : vector<1x16xi32> to vector<16xi32>
      %swap3A_120 = vector.shape_cast %add3A_116 : vector<16xi32> to vector<1x16xi32>
      tpu.vector_store %arg7[%swap3A, %swap3A_117], %swap3A_120 {strides = array<i32>} : memref<79x128xi32, #tpu.memory_space<vmem>>, vector<1x16xi32>,
      %get3A_121 = arith.index_cast %scan3A_110 : i32 to index
      %get3A_122 = arith.constant 16 : index
      %get3A_123 = tpu.vector_load %arg7[%get3A_121, %get3A_122] {strides = array<i32>} : memref<79x128xi32, #tpu.memory_space<vmem>>, vector<1x16xi32>,
      %get3A_124 = vector.shape_cast %get3A_123 : vector<1x16xi32> to vector<16xi32>
      %add3A_125 = arith.constant 1 : i32
      %add3A_126 = vector.broadcast %add3A_125 : i32 to vector<16xi32>
      %add3A_127 = arith.addi %get3A_124, %add3A_126 : vector<16xi32>
      %swap3A_128 = arith.index_cast %scan3A_110 : i32 to index
      %swap3A_129 = arith.constant 16 : index
      %swap3A_130 = tpu.vector_load %arg7[%swap3A_128, %swap3A_129] {strides = array<i32>} : memref<79x128xi32, #tpu.memory_space<vmem>>, vector<1x16xi32>,
      %swap3A_131 = vector.shape_cast %swap3A_130 : vector<1x16xi32> to vector<16xi32>
      %swap3A_132 = vector.shape_cast %add3A_127 : vector<16xi32> to vector<1x16xi32>
      tpu.vector_store %arg7[%swap3A_128, %swap3A_129], %swap3A_132 {strides = array<i32>} : memref<79x128xi32, #tpu.memory_space<vmem>>, vector<1x16xi32>,
      %get3A_133 = arith.index_cast %scan3A_110 : i32 to index
      %get3A_134 = arith.constant 32 : index
      %get3A_135 = tpu.vector_load %arg7[%get3A_133, %get3A_134] {strides = array<i32>} : memref<79x128xi32, #tpu.memory_space<vmem>>, vector<1x16xi32>,
      %get3A_136 = vector.shape_cast %get3A_135 : vector<1x16xi32> to vector<16xi32>
      %add3A_137 = arith.constant 1 : i32
      %add3A_138 = vector.broadcast %add3A_137 : i32 to vector<16xi32>
      %add3A_139 = arith.addi %get3A_136, %add3A_138 : vector<16xi32>
      %swap3A_140 = arith.index_cast %scan3A_110 : i32 to index
      %swap3A_141 = arith.constant 32 : index
      %swap3A_142 = tpu.vector_load %arg7[%swap3A_140, %swap3A_141] {strides = array<i32>} : memref<79x128xi32, #tpu.memory_space<vmem>>, vector<1x16xi32>,
      %swap3A_143 = vector.shape_cast %swap3A_142 : vector<1x16xi32> to vector<16xi32>
      %swap3A_144 = vector.shape_cast %add3A_139 : vector<16xi32> to vector<1x16xi32>
      tpu.vector_store %arg7[%swap3A_140, %swap3A_141], %swap3A_144 {strides = array<i32>} : memref<79x128xi32, #tpu.memory_space<vmem>>, vector<1x16xi32>,
      %get3A_145 = arith.index_cast %scan3A_110 : i32 to index
      %get3A_146 = arith.constant 48 : index
      %get3A_147 = tpu.vector_load %arg7[%get3A_145, %get3A_146] {strides = array<i32>} : memref<79x128xi32, #tpu.memory_space<vmem>>, vector<1x16xi32>,
      %get3A_148 = vector.shape_cast %get3A_147 : vector<1x16xi32> to vector<16xi32>
      %add3A_149 = arith.constant 1 : i32
      %add3A_150 = vector.broadcast %add3A_149 : i32 to vector<16xi32>
      %add3A_151 = arith.addi %get3A_148, %add3A_150 : vector<16xi32>
      %swap3A_152 = arith.index_cast %scan3A_110 : i32 to index
      %swap3A_153 = arith.constant 48 : index
      %swap3A_154 = tpu.vector_load %arg7[%swap3A_152, %swap3A_153] {strides = array<i32>} : memref<79x128xi32, #tpu.memory_space<vmem>>, vector<1x16xi32>,
      %swap3A_155 = vector.shape_cast %swap3A_154 : vector<1x16xi32> to vector<16xi32>
      %swap3A_156 = vector.shape_cast %add3A_151 : vector<16xi32> to vector<1x16xi32>
      tpu.vector_store %arg7[%swap3A_152, %swap3A_153], %swap3A_156 {strides = array<i32>} : memref<79x128xi32, #tpu.memory_space<vmem>>, vector<1x16xi32>,
      %get3A_157 = arith.index_cast %scan3A_110 : i32 to index
      %get3A_158 = arith.constant 64 : index
      %get3A_159 = tpu.vector_load %arg7[%get3A_157, %get3A_158] {strides = array<i32>} : memref<79x128xi32, #tpu.memory_space<vmem>>, vector<1x16xi32>,
      %get3A_160 = vector.shape_cast %get3A_159 : vector<1x16xi32> to vector<16xi32>
      %add3A_161 = arith.constant 1 : i32
      %add3A_162 = vector.broadcast %add3A_161 : i32 to vector<16xi32>
      %add3A_163 = arith.addi %get3A_160, %add3A_162 : vector<16xi32>
      %swap3A_164 = arith.index_cast %scan3A_110 : i32 to index
      %swap3A_165 = arith.constant 64 : index
      %swap3A_166 = tpu.vector_load %arg7[%swap3A_164, %swap3A_165] {strides = array<i32>} : memref<79x128xi32, #tpu.memory_space<vmem>>, vector<1x16xi32>,
      %swap3A_167 = vector.shape_cast %swap3A_166 : vector<1x16xi32> to vector<16xi32>
      %swap3A_168 = vector.shape_cast %add3A_163 : vector<16xi32> to vector<1x16xi32>
      tpu.vector_store %arg7[%swap3A_164, %swap3A_165], %swap3A_168 {strides = array<i32>} : memref<79x128xi32, #tpu.memory_space<vmem>>, vector<1x16xi32>,
      %get3A_169 = arith.index_cast %scan3A_110 : i32 to index
      %get3A_170 = arith.constant 80 : index
      %get3A_171 = tpu.vector_load %arg7[%get3A_169, %get3A_170] {strides = array<i32>} : memref<79x128xi32, #tpu.memory_space<vmem>>, vector<1x16xi32>,
      %get3A_172 = vector.shape_cast %get3A_171 : vector<1x16xi32> to vector<16xi32>
      %add3A_173 = arith.constant 1 : i32
      %add3A_174 = vector.broadcast %add3A_173 : i32 to vector<16xi32>
      %add3A_175 = arith.addi %get3A_172, %add3A_174 : vector<16xi32>
      %swap3A_176 = arith.index_cast %scan3A_110 : i32 to index
      %swap3A_177 = arith.constant 80 : index
      %swap3A_178 = tpu.vector_load %arg7[%swap3A_176, %swap3A_177] {strides = array<i32>} : memref<79x128xi32, #tpu.memory_space<vmem>>, vector<1x16xi32>,
      %swap3A_179 = vector.shape_cast %swap3A_178 : vector<1x16xi32> to vector<16xi32>
      %swap3A_180 = vector.shape_cast %add3A_175 : vector<16xi32> to vector<1x16xi32>
      tpu.vector_store %arg7[%swap3A_176, %swap3A_177], %swap3A_180 {strides = array<i32>} : memref<79x128xi32, #tpu.memory_space<vmem>>, vector<1x16xi32>,
      %get3A_181 = arith.index_cast %scan3A_110 : i32 to index
      %get3A_182 = arith.constant 96 : index
      %get3A_183 = tpu.vector_load %arg7[%get3A_181, %get3A_182] {strides = array<i32>} : memref<79x128xi32, #tpu.memory_space<vmem>>, vector<1x16xi32>,
      %get3A_184 = vector.shape_cast %get3A_183 : vector<1x16xi32> to vector<16xi32>
      %add3A_185 = arith.constant 1 : i32
      %add3A_186 = vector.broadcast %add3A_185 : i32 to vector<16xi32>
      %add3A_187 = arith.addi %get3A_184, %add3A_186 : vector<16xi32>
      %swap3A_188 = arith.index_cast %scan3A_110 : i32 to index
      %swap3A_189 = arith.constant 96 : index
      %swap3A_190 = tpu.vector_load %arg7[%swap3A_188, %swap3A_189] {strides = array<i32>} : memref<79x128xi32, #tpu.memory_space<vmem>>, vector<1x16xi32>,
      %swap3A_191 = vector.shape_cast %swap3A_190 : vector<1x16xi32> to vector<16xi32>
      %swap3A_192 = vector.shape_cast %add3A_187 : vector<16xi32> to vector<1x16xi32>
      tpu.vector_store %arg7[%swap3A_188, %swap3A_189], %swap3A_192 {strides = array<i32>} : memref<79x128xi32, #tpu.memory_space<vmem>>, vector<1x16xi32>,
      %get3A_193 = arith.index_cast %scan3A_110 : i32 to index
      %get3A_194 = arith.constant 112 : index
      %get3A_195 = tpu.vector_load %arg7[%get3A_193, %get3A_194] {strides = array<i32>} : memref<79x128xi32, #tpu.memory_space<vmem>>, vector<1x16xi32>,
      %get3A_196 = vector.shape_cast %get3A_195 : vector<1x16xi32> to vector<16xi32>
      %add3A_197 = arith.constant 1 : i32
      %add3A_198 = vector.broadcast %add3A_197 : i32 to vector<16xi32>
      %add3A_199 = arith.addi %get3A_196, %add3A_198 : vector<16xi32>
      %swap3A_200 = arith.index_cast %scan3A_110 : i32 to index
      %swap3A_201 = arith.constant 112 : index
      %swap3A_202 = tpu.vector_load %arg7[%swap3A_200, %swap3A_201] {strides = array<i32>} : memref<79x128xi32, #tpu.memory_space<vmem>>, vector<1x16xi32>,
      %swap3A_203 = vector.shape_cast %swap3A_202 : vector<1x16xi32> to vector<16xi32>
      %swap3A_204 = vector.shape_cast %add3A_199 : vector<16xi32> to vector<1x16xi32>
      tpu.vector_store %arg7[%swap3A_200, %swap3A_201], %swap3A_204 {strides = array<i32>} : memref<79x128xi32, #tpu.memory_space<vmem>>, vector<1x16xi32>,
    }
    %scan3A_56 = arith.constant 79 : i32
    %barrier3A_57 = arith.constant 0 : index
    tpu.barrier barrier_id(%barrier3A_57)
    %dma_start3A_58 = arith.constant 0 : i32
    %dma_start3A_59 = arith.constant 0 : i32
    %dma_start3A_60 = tpu.memref_slice %arg7[%dma_start3A_58, %dma_start3A_59] : memref<79x128xi32, #tpu.memory_space<vmem>> -> memref<1x128xi32, #tpu.memory_space<vmem>>
    %dma_start3A_61 = tpu.memref_squeeze %dma_start3A_60 : memref<1x128xi32, #tpu.memory_space<vmem>> -> memref<128xi32, #tpu.memory_space<vmem>>
    %dma_start3A_62 = arith.constant 0 : i32
    %dma_start3A_63 = arith.constant 0 : i32
    %dma_start3A_64 = tpu.memref_slice %arg2[%dma_start3A_62, %dma_start3A_63] : memref<20000x64xf32, #tpu.memory_space<hbm>> -> memref<20000x64xf32, #tpu.memory_space<hbm>>
    tpu.enqueue_indirect_dma source(%dma_start3A_64 : memref<20000x64xf32, #tpu.memory_space<hbm>>) target(%arg9 : memref<128x64xf32, #tpu.memory_space<vmem>>) offsets(%dma_start3A_61 : memref<128xi32, #tpu.memory_space<vmem>>) semaphore(%arg14 : memref<!tpu.dma_semaphore, #tpu.memory_space<semaphore_mem>>)
    %dma_start3A_65 = arith.constant 1 : i32
    %dma_start3A_66 = arith.constant 0 : i32
    %dma_start3A_67 = tpu.memref_slice %arg7[%dma_start3A_65, %dma_start3A_66] : memref<79x128xi32, #tpu.memory_space<vmem>> -> memref<1x128xi32, #tpu.memory_space<vmem>>
    %dma_start3A_68 = tpu.memref_squeeze %dma_start3A_67 : memref<1x128xi32, #tpu.memory_space<vmem>> -> memref<128xi32, #tpu.memory_space<vmem>>
    %dma_start3A_69 = arith.constant 0 : i32
    %dma_start3A_70 = arith.constant 0 : i32
    %dma_start3A_71 = tpu.memref_slice %arg2[%dma_start3A_69, %dma_start3A_70] : memref<20000x64xf32, #tpu.memory_space<hbm>> -> memref<20000x64xf32, #tpu.memory_space<hbm>>
    tpu.enqueue_indirect_dma source(%dma_start3A_71 : memref<20000x64xf32, #tpu.memory_space<hbm>>) target(%arg10 : memref<128x64xf32, #tpu.memory_space<vmem>>) offsets(%dma_start3A_68 : memref<128xi32, #tpu.memory_space<vmem>>) semaphore(%arg15 : memref<!tpu.dma_semaphore, #tpu.memory_space<semaphore_mem>>)
    %dma_start3A_72 = arith.constant 2 : i32
    %dma_start3A_73 = arith.constant 0 : i32
    %dma_start3A_74 = tpu.memref_slice %arg7[%dma_start3A_72, %dma_start3A_73] : memref<79x128xi32, #tpu.memory_space<vmem>> -> memref<1x128xi32, #tpu.memory_space<vmem>>
    %dma_start3A_75 = tpu.memref_squeeze %dma_start3A_74 : memref<1x128xi32, #tpu.memory_space<vmem>> -> memref<128xi32, #tpu.memory_space<vmem>>
    %dma_start3A_76 = arith.constant 0 : i32
    %dma_start3A_77 = arith.constant 0 : i32
    %dma_start3A_78 = tpu.memref_slice %arg2[%dma_start3A_76, %dma_start3A_77] : memref<20000x64xf32, #tpu.memory_space<hbm>> -> memref<20000x64xf32, #tpu.memory_space<hbm>>
    tpu.enqueue_indirect_dma source(%dma_start3A_78 : memref<20000x64xf32, #tpu.memory_space<hbm>>) target(%arg11 : memref<128x64xf32, #tpu.memory_space<vmem>>) offsets(%dma_start3A_75 : memref<128xi32, #tpu.memory_space<vmem>>) semaphore(%arg16 : memref<!tpu.dma_semaphore, #tpu.memory_space<semaphore_mem>>)
    %scan3A_79 = arith.constant 0 : i32
    %scan3A_80 = arith.constant 0 : i32
    %scan3A_81 = arith.constant 19 : i32
    %scan3A_82 = arith.addi %scan3A_80, %scan3A_81 : i32
    %scan3A_83 = arith.constant 1 : i32
    scf.for %scan3A_110 = %scan3A_80 to %scan3A_82 step %scan3A_83  : i32 {
      %mul3A_111 = arith.constant 4 : i32
      %mul3A_112 = arith.muli %mul3A_111, %scan3A_110 : i32
      %add3A_113 = arith.constant 0 : i32
      %add3A_114 = arith.addi %mul3A_112, %add3A_113 : i32
      %add3A_115 = arith.constant 4 : i32
      %add3A_116 = arith.addi %add3A_114, %add3A_115 : i32
      %sub3A = arith.constant 1 : i32
      %sub3A_117 = arith.subi %add3A_116, %sub3A : i32
      %dma_start3A_118 = arith.constant 0 : i32
      %dma_start3A_119 = tpu.memref_slice %arg7[%sub3A_117, %dma_start3A_118] : memref<79x128xi32, #tpu.memory_space<vmem>> -> memref<1x128xi32, #tpu.memory_space<vmem>>
      %dma_start3A_120 = tpu.memref_squeeze %dma_start3A_119 : memref<1x128xi32, #tpu.memory_space<vmem>> -> memref<128xi32, #tpu.memory_space<vmem>>
      %dma_start3A_121 = arith.constant 0 : i32
      %dma_start3A_122 = arith.constant 0 : i32
      %dma_start3A_123 = tpu.memref_slice %arg2[%dma_start3A_121, %dma_start3A_122] : memref<20000x64xf32, #tpu.memory_space<hbm>> -> memref<20000x64xf32, #tpu.memory_space<hbm>>
      tpu.enqueue_indirect_dma source(%dma_start3A_123 : memref<20000x64xf32, #tpu.memory_space<hbm>>) target(%arg12 : memref<128x64xf32, #tpu.memory_space<vmem>>) offsets(%dma_start3A_120 : memref<128xi32, #tpu.memory_space<vmem>>) semaphore(%arg17 : memref<!tpu.dma_semaphore, #tpu.memory_space<semaphore_mem>>)
      %dma_wait3A_124 = arith.constant 0 : i32
      %dma_wait3A_125 = tpu.memref_slice %arg7[%add3A_114, %dma_wait3A_124] : memref<79x128xi32, #tpu.memory_space<vmem>> -> memref<1x128xi32, #tpu.memory_space<vmem>>
      %dma_wait3A_126 = tpu.memref_squeeze %dma_wait3A_125 : memref<1x128xi32, #tpu.memory_space<vmem>> -> memref<128xi32, #tpu.memory_space<vmem>>
      %dma_wait3A_127 = arith.constant 0 : i32
      %dma_wait3A_128 = arith.constant 0 : i32
      %dma_wait3A_129 = tpu.memref_slice %arg2[%dma_wait3A_127, %dma_wait3A_128] : memref<20000x64xf32, #tpu.memory_space<hbm>> -> memref<20000x64xf32, #tpu.memory_space<hbm>>
      tpu.wait_indirect_dma semaphore(%arg14 : memref<!tpu.dma_semaphore, #tpu.memory_space<semaphore_mem>>) src(%dma_wait3A_129 : memref<20000x64xf32, #tpu.memory_space<hbm>>) dst(%arg9 : memref<128x64xf32, #tpu.memory_space<vmem>>)
      "tpu.region"() ({
        %run_scoped3A_184 = tpu.sem_alloc : memref<!tpu.dma_semaphore, #tpu.memory_space<semaphore_mem>>
        %dma_start3A_185 = arith.constant 0 : i32
        %dma_start3A_186 = tpu.memref_slice %arg8[%add3A_114, %dma_start3A_185] : memref<79x128xi32, #tpu.memory_space<vmem>> -> memref<1x128xi32, #tpu.memory_space<vmem>>
        %dma_start3A_187 = tpu.memref_squeeze %dma_start3A_186 : memref<1x128xi32, #tpu.memory_space<vmem>> -> memref<128xi32, #tpu.memory_space<vmem>>
        %dma_start3A_188 = arith.constant 0 : i32
        %dma_start3A_189 = arith.constant 0 : i32
        %dma_start3A_190 = tpu.memref_slice %arg13[%dma_start3A_188, %dma_start3A_189] : memref<10240x64xf32, #tpu.memory_space<vmem_shared>> -> memref<10240x64xf32, #tpu.memory_space<vmem_shared>>
        tpu.enqueue_indirect_dma source(%arg9 : memref<128x64xf32, #tpu.memory_space<vmem>>) target(%dma_start3A_190 : memref<10240x64xf32, #tpu.memory_space<vmem_shared>>) offsets(%dma_start3A_187 : memref<128xi32, #tpu.memory_space<vmem>>) semaphore(%run_scoped3A_184 : memref<!tpu.dma_semaphore, #tpu.memory_space<semaphore_mem>>) {add = true}
        %dma_wait3A_191 = arith.constant 0 : i32
        %dma_wait3A_192 = tpu.memref_slice %arg8[%add3A_114, %dma_wait3A_191] : memref<79x128xi32, #tpu.memory_space<vmem>> -> memref<1x128xi32, #tpu.memory_space<vmem>>
        %dma_wait3A_193 = tpu.memref_squeeze %dma_wait3A_192 : memref<1x128xi32, #tpu.memory_space<vmem>> -> memref<128xi32, #tpu.memory_space<vmem>>
        %dma_wait3A_194 = arith.constant 0 : i32
        %dma_wait3A_195 = arith.constant 0 : i32
        %dma_wait3A_196 = tpu.memref_slice %arg13[%dma_wait3A_194, %dma_wait3A_195] : memref<10240x64xf32, #tpu.memory_space<vmem_shared>> -> memref<10240x64xf32, #tpu.memory_space<vmem_shared>>
        tpu.wait_indirect_dma semaphore(%run_scoped3A_184 : memref<!tpu.dma_semaphore, #tpu.memory_space<semaphore_mem>>) src(%arg9 : memref<128x64xf32, #tpu.memory_space<vmem>>) dst(%dma_wait3A_196 : memref<10240x64xf32, #tpu.memory_space<vmem_shared>>)
        tpu.yield
      }) : () -> ()
      %add3A_130 = arith.constant 1 : i32
      %add3A_131 = arith.addi %mul3A_112, %add3A_130 : i32
      %add3A_132 = arith.constant 4 : i32
      %add3A_133 = arith.addi %add3A_131, %add3A_132 : i32
      %sub3A_134 = arith.constant 1 : i32
      %sub3A_135 = arith.subi %add3A_133, %sub3A_134 : i32
      %dma_start3A_136 = arith.constant 0 : i32
      %dma_start3A_137 = tpu.memref_slice %arg7[%sub3A_135, %dma_start3A_136] : memref<79x128xi32, #tpu.memory_space<vmem>> -> memref<1x128xi32, #tpu.memory_space<vmem>>
      %dma_start3A_138 = tpu.memref_squeeze %dma_start3A_137 : memref<1x128xi32, #tpu.memory_space<vmem>> -> memref<128xi32, #tpu.memory_space<vmem>>
      %dma_start3A_139 = arith.constant 0 : i32
      %dma_start3A_140 = arith.constant 0 : i32
      %dma_start3A_141 = tpu.memref_slice %arg2[%dma_start3A_139, %dma_start3A_140] : memref<20000x64xf32, #tpu.memory_space<hbm>> -> memref<20000x64xf32, #tpu.memory_space<hbm>>
      tpu.enqueue_indirect_dma source(%dma_start3A_141 : memref<20000x64xf32, #tpu.memory_space<hbm>>) target(%arg9 : memref<128x64xf32, #tpu.memory_space<vmem>>) offsets(%dma_start3A_138 : memref<128xi32, #tpu.memory_space<vmem>>) semaphore(%arg14 : memref<!tpu.dma_semaphore, #tpu.memory_space<semaphore_mem>>)
      %dma_wait3A_142 = arith.constant 0 : i32
      %dma_wait3A_143 = tpu.memref_slice %arg7[%add3A_131, %dma_wait3A_142] : memref<79x128xi32, #tpu.memory_space<vmem>> -> memref<1x128xi32, #tpu.memory_space<vmem>>
      %dma_wait3A_144 = tpu.memref_squeeze %dma_wait3A_143 : memref<1x128xi32, #tpu.memory_space<vmem>> -> memref<128xi32, #tpu.memory_space<vmem>>
      %dma_wait3A_145 = arith.constant 0 : i32
      %dma_wait3A_146 = arith.constant 0 : i32
      %dma_wait3A_147 = tpu.memref_slice %arg2[%dma_wait3A_145, %dma_wait3A_146] : memref<20000x64xf32, #tpu.memory_space<hbm>> -> memref<20000x64xf32, #tpu.memory_space<hbm>>
      tpu.wait_indirect_dma semaphore(%arg15 : memref<!tpu.dma_semaphore, #tpu.memory_space<semaphore_mem>>) src(%dma_wait3A_147 : memref<20000x64xf32, #tpu.memory_space<hbm>>) dst(%arg10 : memref<128x64xf32, #tpu.memory_space<vmem>>)
      "tpu.region"() ({
        %run_scoped3A_184 = tpu.sem_alloc : memref<!tpu.dma_semaphore, #tpu.memory_space<semaphore_mem>>
        %dma_start3A_185 = arith.constant 0 : i32
        %dma_start3A_186 = tpu.memref_slice %arg8[%add3A_131, %dma_start3A_185] : memref<79x128xi32, #tpu.memory_space<vmem>> -> memref<1x128xi32, #tpu.memory_space<vmem>>
        %dma_start3A_187 = tpu.memref_squeeze %dma_start3A_186 : memref<1x128xi32, #tpu.memory_space<vmem>> -> memref<128xi32, #tpu.memory_space<vmem>>
        %dma_start3A_188 = arith.constant 0 : i32
        %dma_start3A_189 = arith.constant 0 : i32
        %dma_start3A_190 = tpu.memref_slice %arg13[%dma_start3A_188, %dma_start3A_189] : memref<10240x64xf32, #tpu.memory_space<vmem_shared>> -> memref<10240x64xf32, #tpu.memory_space<vmem_shared>>
        tpu.enqueue_indirect_dma source(%arg10 : memref<128x64xf32, #tpu.memory_space<vmem>>) target(%dma_start3A_190 : memref<10240x64xf32, #tpu.memory_space<vmem_shared>>) offsets(%dma_start3A_187 : memref<128xi32, #tpu.memory_space<vmem>>) semaphore(%run_scoped3A_184 : memref<!tpu.dma_semaphore, #tpu.memory_space<semaphore_mem>>) {add = true}
        %dma_wait3A_191 = arith.constant 0 : i32
        %dma_wait3A_192 = tpu.memref_slice %arg8[%add3A_131, %dma_wait3A_191] : memref<79x128xi32, #tpu.memory_space<vmem>> -> memref<1x128xi32, #tpu.memory_space<vmem>>
        %dma_wait3A_193 = tpu.memref_squeeze %dma_wait3A_192 : memref<1x128xi32, #tpu.memory_space<vmem>> -> memref<128xi32, #tpu.memory_space<vmem>>
        %dma_wait3A_194 = arith.constant 0 : i32
        %dma_wait3A_195 = arith.constant 0 : i32
        %dma_wait3A_196 = tpu.memref_slice %arg13[%dma_wait3A_194, %dma_wait3A_195] : memref<10240x64xf32, #tpu.memory_space<vmem_shared>> -> memref<10240x64xf32, #tpu.memory_space<vmem_shared>>
        tpu.wait_indirect_dma semaphore(%run_scoped3A_184 : memref<!tpu.dma_semaphore, #tpu.memory_space<semaphore_mem>>) src(%arg10 : memref<128x64xf32, #tpu.memory_space<vmem>>) dst(%dma_wait3A_196 : memref<10240x64xf32, #tpu.memory_space<vmem_shared>>)
        tpu.yield
      }) : () -> ()
      %add3A_148 = arith.constant 2 : i32
      %add3A_149 = arith.addi %mul3A_112, %add3A_148 : i32
      %add3A_150 = arith.constant 4 : i32
      %add3A_151 = arith.addi %add3A_149, %add3A_150 : i32
      %sub3A_152 = arith.constant 1 : i32
      %sub3A_153 = arith.subi %add3A_151, %sub3A_152 : i32
      %dma_start3A_154 = arith.constant 0 : i32
      %dma_start3A_155 = tpu.memref_slice %arg7[%sub3A_153, %dma_start3A_154] : memref<79x128xi32, #tpu.memory_space<vmem>> -> memref<1x128xi32, #tpu.memory_space<vmem>>
      %dma_start3A_156 = tpu.memref_squeeze %dma_start3A_155 : memref<1x128xi32, #tpu.memory_space<vmem>> -> memref<128xi32, #tpu.memory_space<vmem>>
      %dma_start3A_157 = arith.constant 0 : i32
      %dma_start3A_158 = arith.constant 0 : i32
      %dma_start3A_159 = tpu.memref_slice %arg2[%dma_start3A_157, %dma_start3A_158] : memref<20000x64xf32, #tpu.memory_space<hbm>> -> memref<20000x64xf32, #tpu.memory_space<hbm>>
      tpu.enqueue_indirect_dma source(%dma_start3A_159 : memref<20000x64xf32, #tpu.memory_space<hbm>>) target(%arg10 : memref<128x64xf32, #tpu.memory_space<vmem>>) offsets(%dma_start3A_156 : memref<128xi32, #tpu.memory_space<vmem>>) semaphore(%arg15 : memref<!tpu.dma_semaphore, #tpu.memory_space<semaphore_mem>>)
      %dma_wait3A_160 = arith.constant 0 : i32
      %dma_wait3A_161 = tpu.memref_slice %arg7[%add3A_149, %dma_wait3A_160] : memref<79x128xi32, #tpu.memory_space<vmem>> -> memref<1x128xi32, #tpu.memory_space<vmem>>
      %dma_wait3A_162 = tpu.memref_squeeze %dma_wait3A_161 : memref<1x128xi32, #tpu.memory_space<vmem>> -> memref<128xi32, #tpu.memory_space<vmem>>
      %dma_wait3A_163 = arith.constant 0 : i32
      %dma_wait3A_164 = arith.constant 0 : i32
      %dma_wait3A_165 = tpu.memref_slice %arg2[%dma_wait3A_163, %dma_wait3A_164] : memref<20000x64xf32, #tpu.memory_space<hbm>> -> memref<20000x64xf32, #tpu.memory_space<hbm>>
      tpu.wait_indirect_dma semaphore(%arg16 : memref<!tpu.dma_semaphore, #tpu.memory_space<semaphore_mem>>) src(%dma_wait3A_165 : memref<20000x64xf32, #tpu.memory_space<hbm>>) dst(%arg11 : memref<128x64xf32, #tpu.memory_space<vmem>>)
      "tpu.region"() ({
        %run_scoped3A_184 = tpu.sem_alloc : memref<!tpu.dma_semaphore, #tpu.memory_space<semaphore_mem>>
        %dma_start3A_185 = arith.constant 0 : i32
        %dma_start3A_186 = tpu.memref_slice %arg8[%add3A_149, %dma_start3A_185] : memref<79x128xi32, #tpu.memory_space<vmem>> -> memref<1x128xi32, #tpu.memory_space<vmem>>
        %dma_start3A_187 = tpu.memref_squeeze %dma_start3A_186 : memref<1x128xi32, #tpu.memory_space<vmem>> -> memref<128xi32, #tpu.memory_space<vmem>>
        %dma_start3A_188 = arith.constant 0 : i32
        %dma_start3A_189 = arith.constant 0 : i32
        %dma_start3A_190 = tpu.memref_slice %arg13[%dma_start3A_188, %dma_start3A_189] : memref<10240x64xf32, #tpu.memory_space<vmem_shared>> -> memref<10240x64xf32, #tpu.memory_space<vmem_shared>>
        tpu.enqueue_indirect_dma source(%arg11 : memref<128x64xf32, #tpu.memory_space<vmem>>) target(%dma_start3A_190 : memref<10240x64xf32, #tpu.memory_space<vmem_shared>>) offsets(%dma_start3A_187 : memref<128xi32, #tpu.memory_space<vmem>>) semaphore(%run_scoped3A_184 : memref<!tpu.dma_semaphore, #tpu.memory_space<semaphore_mem>>) {add = true}
        %dma_wait3A_191 = arith.constant 0 : i32
        %dma_wait3A_192 = tpu.memref_slice %arg8[%add3A_149, %dma_wait3A_191] : memref<79x128xi32, #tpu.memory_space<vmem>> -> memref<1x128xi32, #tpu.memory_space<vmem>>
        %dma_wait3A_193 = tpu.memref_squeeze %dma_wait3A_192 : memref<1x128xi32, #tpu.memory_space<vmem>> -> memref<128xi32, #tpu.memory_space<vmem>>
        %dma_wait3A_194 = arith.constant 0 : i32
        %dma_wait3A_195 = arith.constant 0 : i32
        %dma_wait3A_196 = tpu.memref_slice %arg13[%dma_wait3A_194, %dma_wait3A_195] : memref<10240x64xf32, #tpu.memory_space<vmem_shared>> -> memref<10240x64xf32, #tpu.memory_space<vmem_shared>>
        tpu.wait_indirect_dma semaphore(%run_scoped3A_184 : memref<!tpu.dma_semaphore, #tpu.memory_space<semaphore_mem>>) src(%arg11 : memref<128x64xf32, #tpu.memory_space<vmem>>) dst(%dma_wait3A_196 : memref<10240x64xf32, #tpu.memory_space<vmem_shared>>)
        tpu.yield
      }) : () -> ()
      %add3A_166 = arith.constant 3 : i32
      %add3A_167 = arith.addi %mul3A_112, %add3A_166 : i32
      %add3A_168 = arith.constant 4 : i32
      %add3A_169 = arith.addi %add3A_167, %add3A_168 : i32
      %sub3A_170 = arith.constant 1 : i32
      %sub3A_171 = arith.subi %add3A_169, %sub3A_170 : i32
      %dma_start3A_172 = arith.constant 0 : i32
      %dma_start3A_173 = tpu.memref_slice %arg7[%sub3A_171, %dma_start3A_172] : memref<79x128xi32, #tpu.memory_space<vmem>> -> memref<1x128xi32, #tpu.memory_space<vmem>>
      %dma_start3A_174 = tpu.memref_squeeze %dma_start3A_173 : memref<1x128xi32, #tpu.memory_space<vmem>> -> memref<128xi32, #tpu.memory_space<vmem>>
      %dma_start3A_175 = arith.constant 0 : i32
      %dma_start3A_176 = arith.constant 0 : i32
      %dma_start3A_177 = tpu.memref_slice %arg2[%dma_start3A_175, %dma_start3A_176] : memref<20000x64xf32, #tpu.memory_space<hbm>> -> memref<20000x64xf32, #tpu.memory_space<hbm>>
      tpu.enqueue_indirect_dma source(%dma_start3A_177 : memref<20000x64xf32, #tpu.memory_space<hbm>>) target(%arg11 : memref<128x64xf32, #tpu.memory_space<vmem>>) offsets(%dma_start3A_174 : memref<128xi32, #tpu.memory_space<vmem>>) semaphore(%arg16 : memref<!tpu.dma_semaphore, #tpu.memory_space<semaphore_mem>>)
      %dma_wait3A_178 = arith.constant 0 : i32
      %dma_wait3A_179 = tpu.memref_slice %arg7[%add3A_167, %dma_wait3A_178] : memref<79x128xi32, #tpu.memory_space<vmem>> -> memref<1x128xi32, #tpu.memory_space<vmem>>
      %dma_wait3A_180 = tpu.memref_squeeze %dma_wait3A_179 : memref<1x128xi32, #tpu.memory_space<vmem>> -> memref<128xi32, #tpu.memory_space<vmem>>
      %dma_wait3A_181 = arith.constant 0 : i32
      %dma_wait3A_182 = arith.constant 0 : i32
      %dma_wait3A_183 = tpu.memref_slice %arg2[%dma_wait3A_181, %dma_wait3A_182] : memref<20000x64xf32, #tpu.memory_space<hbm>> -> memref<20000x64xf32, #tpu.memory_space<hbm>>
      tpu.wait_indirect_dma semaphore(%arg17 : memref<!tpu.dma_semaphore, #tpu.memory_space<semaphore_mem>>) src(%dma_wait3A_183 : memref<20000x64xf32, #tpu.memory_space<hbm>>) dst(%arg12 : memref<128x64xf32, #tpu.memory_space<vmem>>)
      "tpu.region"() ({
        %run_scoped3A_184 = tpu.sem_alloc : memref<!tpu.dma_semaphore, #tpu.memory_space<semaphore_mem>>
        %dma_start3A_185 = arith.constant 0 : i32
        %dma_start3A_186 = tpu.memref_slice %arg8[%add3A_167, %dma_start3A_185] : memref<79x128xi32, #tpu.memory_space<vmem>> -> memref<1x128xi32, #tpu.memory_space<vmem>>
        %dma_start3A_187 = tpu.memref_squeeze %dma_start3A_186 : memref<1x128xi32, #tpu.memory_space<vmem>> -> memref<128xi32, #tpu.memory_space<vmem>>
        %dma_start3A_188 = arith.constant 0 : i32
        %dma_start3A_189 = arith.constant 0 : i32
        %dma_start3A_190 = tpu.memref_slice %arg13[%dma_start3A_188, %dma_start3A_189] : memref<10240x64xf32, #tpu.memory_space<vmem_shared>> -> memref<10240x64xf32, #tpu.memory_space<vmem_shared>>
        tpu.enqueue_indirect_dma source(%arg12 : memref<128x64xf32, #tpu.memory_space<vmem>>) target(%dma_start3A_190 : memref<10240x64xf32, #tpu.memory_space<vmem_shared>>) offsets(%dma_start3A_187 : memref<128xi32, #tpu.memory_space<vmem>>) semaphore(%run_scoped3A_184 : memref<!tpu.dma_semaphore, #tpu.memory_space<semaphore_mem>>) {add = true}
        %dma_wait3A_191 = arith.constant 0 : i32
        %dma_wait3A_192 = tpu.memref_slice %arg8[%add3A_167, %dma_wait3A_191] : memref<79x128xi32, #tpu.memory_space<vmem>> -> memref<1x128xi32, #tpu.memory_space<vmem>>
        %dma_wait3A_193 = tpu.memref_squeeze %dma_wait3A_192 : memref<1x128xi32, #tpu.memory_space<vmem>> -> memref<128xi32, #tpu.memory_space<vmem>>
        %dma_wait3A_194 = arith.constant 0 : i32
        %dma_wait3A_195 = arith.constant 0 : i32
        %dma_wait3A_196 = tpu.memref_slice %arg13[%dma_wait3A_194, %dma_wait3A_195] : memref<10240x64xf32, #tpu.memory_space<vmem_shared>> -> memref<10240x64xf32, #tpu.memory_space<vmem_shared>>
        tpu.wait_indirect_dma semaphore(%run_scoped3A_184 : memref<!tpu.dma_semaphore, #tpu.memory_space<semaphore_mem>>) src(%arg12 : memref<128x64xf32, #tpu.memory_space<vmem>>) dst(%dma_wait3A_196 : memref<10240x64xf32, #tpu.memory_space<vmem_shared>>)
        tpu.yield
      }) : () -> ()
    }
    %scan3A_84 = arith.constant 19 : i32
    %dma_wait3A_85 = arith.constant 76 : i32
    %dma_wait3A_86 = arith.constant 0 : i32
    %dma_wait3A_87 = tpu.memref_slice %arg7[%dma_wait3A_85, %dma_wait3A_86] : memref<79x128xi32, #tpu.memory_space<vmem>> -> memref<1x128xi32, #tpu.memory_space<vmem>>
    %dma_wait3A_88 = tpu.memref_squeeze %dma_wait3A_87 : memref<1x128xi32, #tpu.memory_space<vmem>> -> memref<128xi32, #tpu.memory_space<vmem>>
    %dma_wait3A_89 = arith.constant 0 : i32
    %dma_wait3A_90 = arith.constant 0 : i32
    %dma_wait3A_91 = tpu.memref_slice %arg2[%dma_wait3A_89, %dma_wait3A_90] : memref<20000x64xf32, #tpu.memory_space<hbm>> -> memref<20000x64xf32, #tpu.memory_space<hbm>>
    tpu.wait_indirect_dma semaphore(%arg14 : memref<!tpu.dma_semaphore, #tpu.memory_space<semaphore_mem>>) src(%dma_wait3A_91 : memref<20000x64xf32, #tpu.memory_space<hbm>>) dst(%arg9 : memref<128x64xf32, #tpu.memory_space<vmem>>)
    %run_scoped3A_92 = arith.constant 76 : i32
    "tpu.region"() ({
      %run_scoped3A_110 = tpu.sem_alloc : memref<!tpu.dma_semaphore, #tpu.memory_space<semaphore_mem>>
      %dma_start3A_111 = arith.constant 0 : i32
      %dma_start3A_112 = tpu.memref_slice %arg8[%run_scoped3A_92, %dma_start3A_111] : memref<79x128xi32, #tpu.memory_space<vmem>> -> memref<1x128xi32, #tpu.memory_space<vmem>>
      %dma_start3A_113 = tpu.memref_squeeze %dma_start3A_112 : memref<1x128xi32, #tpu.memory_space<vmem>> -> memref<128xi32, #tpu.memory_space<vmem>>
      %dma_start3A_114 = arith.constant 0 : i32
      %dma_start3A_115 = arith.constant 0 : i32
      %dma_start3A_116 = tpu.memref_slice %arg13[%dma_start3A_114, %dma_start3A_115] : memref<10240x64xf32, #tpu.memory_space<vmem_shared>> -> memref<10240x64xf32, #tpu.memory_space<vmem_shared>>
      tpu.enqueue_indirect_dma source(%arg9 : memref<128x64xf32, #tpu.memory_space<vmem>>) target(%dma_start3A_116 : memref<10240x64xf32, #tpu.memory_space<vmem_shared>>) offsets(%dma_start3A_113 : memref<128xi32, #tpu.memory_space<vmem>>) semaphore(%run_scoped3A_110 : memref<!tpu.dma_semaphore, #tpu.memory_space<semaphore_mem>>) {add = true}
      %dma_wait3A_117 = arith.constant 0 : i32
      %dma_wait3A_118 = tpu.memref_slice %arg8[%run_scoped3A_92, %dma_wait3A_117] : memref<79x128xi32, #tpu.memory_space<vmem>> -> memref<1x128xi32, #tpu.memory_space<vmem>>
      %dma_wait3A_119 = tpu.memref_squeeze %dma_wait3A_118 : memref<1x128xi32, #tpu.memory_space<vmem>> -> memref<128xi32, #tpu.memory_space<vmem>>
      %dma_wait3A_120 = arith.constant 0 : i32
      %dma_wait3A_121 = arith.constant 0 : i32
      %dma_wait3A_122 = tpu.memref_slice %arg13[%dma_wait3A_120, %dma_wait3A_121] : memref<10240x64xf32, #tpu.memory_space<vmem_shared>> -> memref<10240x64xf32, #tpu.memory_space<vmem_shared>>
      tpu.wait_indirect_dma semaphore(%run_scoped3A_110 : memref<!tpu.dma_semaphore, #tpu.memory_space<semaphore_mem>>) src(%arg9 : memref<128x64xf32, #tpu.memory_space<vmem>>) dst(%dma_wait3A_122 : memref<10240x64xf32, #tpu.memory_space<vmem_shared>>)
      tpu.yield
    }) : () -> ()
    %dma_wait3A_93 = arith.constant 77 : i32
    %dma_wait3A_94 = arith.constant 0 : i32
    %dma_wait3A_95 = tpu.memref_slice %arg7[%dma_wait3A_93, %dma_wait3A_94] : memref<79x128xi32, #tpu.memory_space<vmem>> -> memref<1x128xi32, #tpu.memory_space<vmem>>
    %dma_wait3A_96 = tpu.memref_squeeze %dma_wait3A_95 : memref<1x128xi32, #tpu.memory_space<vmem>> -> memref<128xi32, #tpu.memory_space<vmem>>
    %dma_wait3A_97 = arith.constant 0 : i32
    %dma_wait3A_98 = arith.constant 0 : i32
    %dma_wait3A_99 = tpu.memref_slice %arg2[%dma_wait3A_97, %dma_wait3A_98] : memref<20000x64xf32, #tpu.memory_space<hbm>> -> memref<20000x64xf32, #tpu.memory_space<hbm>>
    tpu.wait_indirect_dma semaphore(%arg15 : memref<!tpu.dma_semaphore, #tpu.memory_space<semaphore_mem>>) src(%dma_wait3A_99 : memref<20000x64xf32, #tpu.memory_space<hbm>>) dst(%arg10 : memref<128x64xf32, #tpu.memory_space<vmem>>)
    %run_scoped3A_100 = arith.constant 77 : i32
    "tpu.region"() ({
      %run_scoped3A_110 = tpu.sem_alloc : memref<!tpu.dma_semaphore, #tpu.memory_space<semaphore_mem>>
      %dma_start3A_111 = arith.constant 0 : i32
      %dma_start3A_112 = tpu.memref_slice %arg8[%run_scoped3A_100, %dma_start3A_111] : memref<79x128xi32, #tpu.memory_space<vmem>> -> memref<1x128xi32, #tpu.memory_space<vmem>>
      %dma_start3A_113 = tpu.memref_squeeze %dma_start3A_112 : memref<1x128xi32, #tpu.memory_space<vmem>> -> memref<128xi32, #tpu.memory_space<vmem>>
      %dma_start3A_114 = arith.constant 0 : i32
      %dma_start3A_115 = arith.constant 0 : i32
      %dma_start3A_116 = tpu.memref_slice %arg13[%dma_start3A_114, %dma_start3A_115] : memref<10240x64xf32, #tpu.memory_space<vmem_shared>> -> memref<10240x64xf32, #tpu.memory_space<vmem_shared>>
      tpu.enqueue_indirect_dma source(%arg10 : memref<128x64xf32, #tpu.memory_space<vmem>>) target(%dma_start3A_116 : memref<10240x64xf32, #tpu.memory_space<vmem_shared>>) offsets(%dma_start3A_113 : memref<128xi32, #tpu.memory_space<vmem>>) semaphore(%run_scoped3A_110 : memref<!tpu.dma_semaphore, #tpu.memory_space<semaphore_mem>>) {add = true}
      %dma_wait3A_117 = arith.constant 0 : i32
      %dma_wait3A_118 = tpu.memref_slice %arg8[%run_scoped3A_100, %dma_wait3A_117] : memref<79x128xi32, #tpu.memory_space<vmem>> -> memref<1x128xi32, #tpu.memory_space<vmem>>
      %dma_wait3A_119 = tpu.memref_squeeze %dma_wait3A_118 : memref<1x128xi32, #tpu.memory_space<vmem>> -> memref<128xi32, #tpu.memory_space<vmem>>
      %dma_wait3A_120 = arith.constant 0 : i32
      %dma_wait3A_121 = arith.constant 0 : i32
      %dma_wait3A_122 = tpu.memref_slice %arg13[%dma_wait3A_120, %dma_wait3A_121] : memref<10240x64xf32, #tpu.memory_space<vmem_shared>> -> memref<10240x64xf32, #tpu.memory_space<vmem_shared>>
      tpu.wait_indirect_dma semaphore(%run_scoped3A_110 : memref<!tpu.dma_semaphore, #tpu.memory_space<semaphore_mem>>) src(%arg10 : memref<128x64xf32, #tpu.memory_space<vmem>>) dst(%dma_wait3A_122 : memref<10240x64xf32, #tpu.memory_space<vmem_shared>>)
      tpu.yield
    }) : () -> ()
    %dma_wait3A_101 = arith.constant 78 : i32
    %dma_wait3A_102 = arith.constant 0 : i32
    %dma_wait3A_103 = tpu.memref_slice %arg7[%dma_wait3A_101, %dma_wait3A_102] : memref<79x128xi32, #tpu.memory_space<vmem>> -> memref<1x128xi32, #tpu.memory_space<vmem>>
    %dma_wait3A_104 = tpu.memref_squeeze %dma_wait3A_103 : memref<1x128xi32, #tpu.memory_space<vmem>> -> memref<128xi32, #tpu.memory_space<vmem>>
    %dma_wait3A_105 = arith.constant 0 : i32
    %dma_wait3A_106 = arith.constant 0 : i32
    %dma_wait3A_107 = tpu.memref_slice %arg2[%dma_wait3A_105, %dma_wait3A_106] : memref<20000x64xf32, #tpu.memory_space<hbm>> -> memref<20000x64xf32, #tpu.memory_space<hbm>>
    tpu.wait_indirect_dma semaphore(%arg16 : memref<!tpu.dma_semaphore, #tpu.memory_space<semaphore_mem>>) src(%dma_wait3A_107 : memref<20000x64xf32, #tpu.memory_space<hbm>>) dst(%arg11 : memref<128x64xf32, #tpu.memory_space<vmem>>)
    %run_scoped3A_108 = arith.constant 78 : i32
    "tpu.region"() ({
      %run_scoped3A_110 = tpu.sem_alloc : memref<!tpu.dma_semaphore, #tpu.memory_space<semaphore_mem>>
      %dma_start3A_111 = arith.constant 0 : i32
      %dma_start3A_112 = tpu.memref_slice %arg8[%run_scoped3A_108, %dma_start3A_111] : memref<79x128xi32, #tpu.memory_space<vmem>> -> memref<1x128xi32, #tpu.memory_space<vmem>>
      %dma_start3A_113 = tpu.memref_squeeze %dma_start3A_112 : memref<1x128xi32, #tpu.memory_space<vmem>> -> memref<128xi32, #tpu.memory_space<vmem>>
      %dma_start3A_114 = arith.constant 0 : i32
      %dma_start3A_115 = arith.constant 0 : i32
      %dma_start3A_116 = tpu.memref_slice %arg13[%dma_start3A_114, %dma_start3A_115] : memref<10240x64xf32, #tpu.memory_space<vmem_shared>> -> memref<10240x64xf32, #tpu.memory_space<vmem_shared>>
      tpu.enqueue_indirect_dma source(%arg11 : memref<128x64xf32, #tpu.memory_space<vmem>>) target(%dma_start3A_116 : memref<10240x64xf32, #tpu.memory_space<vmem_shared>>) offsets(%dma_start3A_113 : memref<128xi32, #tpu.memory_space<vmem>>) semaphore(%run_scoped3A_110 : memref<!tpu.dma_semaphore, #tpu.memory_space<semaphore_mem>>) {add = true}
      %dma_wait3A_117 = arith.constant 0 : i32
      %dma_wait3A_118 = tpu.memref_slice %arg8[%run_scoped3A_108, %dma_wait3A_117] : memref<79x128xi32, #tpu.memory_space<vmem>> -> memref<1x128xi32, #tpu.memory_space<vmem>>
      %dma_wait3A_119 = tpu.memref_squeeze %dma_wait3A_118 : memref<1x128xi32, #tpu.memory_space<vmem>> -> memref<128xi32, #tpu.memory_space<vmem>>
      %dma_wait3A_120 = arith.constant 0 : i32
      %dma_wait3A_121 = arith.constant 0 : i32
      %dma_wait3A_122 = tpu.memref_slice %arg13[%dma_wait3A_120, %dma_wait3A_121] : memref<10240x64xf32, #tpu.memory_space<vmem_shared>> -> memref<10240x64xf32, #tpu.memory_space<vmem_shared>>
      tpu.wait_indirect_dma semaphore(%run_scoped3A_110 : memref<!tpu.dma_semaphore, #tpu.memory_space<semaphore_mem>>) src(%arg11 : memref<128x64xf32, #tpu.memory_space<vmem>>) dst(%dma_wait3A_122 : memref<10240x64xf32, #tpu.memory_space<vmem_shared>>)
      tpu.yield
    }) : () -> ()
    %barrier3A_109 = arith.constant 0 : index
    tpu.barrier barrier_id(%barrier3A_109)
    "tpu.region"() ({
      %run_scoped3A_110 = tpu.sem_alloc : memref<!tpu.dma_semaphore, #tpu.memory_space<semaphore_mem>>
      %dma_start3A_111 = arith.constant 64 : i32
      %dma_start3A_112 = tpu.memref_slice %arg6[%arg0, %mul3A_2, %dma_start3A_111] : memref<2x10240x128xf32, #tpu.memory_space<hbm>> -> memref<1x640x64xf32, #tpu.memory_space<hbm>>
      %dma_start3A_113 = tpu.memref_squeeze %dma_start3A_112 : memref<1x640x64xf32, #tpu.memory_space<hbm>> -> memref<640x64xf32, #tpu.memory_space<hbm>>
      %dma_start3A_114 = arith.constant 0 : i32
      %dma_start3A_115 = tpu.memref_slice %arg13[%mul3A_2, %dma_start3A_114] : memref<10240x64xf32, #tpu.memory_space<vmem_shared>> -> memref<640x64xf32, #tpu.memory_space<vmem_shared>>
      tpu.enqueue_dma source(%dma_start3A_115 : memref<640x64xf32, #tpu.memory_space<vmem_shared>>) target(%dma_start3A_113 : memref<640x64xf32, #tpu.memory_space<hbm>>) target_semaphore(%run_scoped3A_110 : memref<!tpu.dma_semaphore, #tpu.memory_space<semaphore_mem>>)
      %dma_wait3A_116 = arith.constant 64 : i32
      %dma_wait3A_117 = tpu.memref_slice %arg6[%arg0, %mul3A_2, %dma_wait3A_116] : memref<2x10240x128xf32, #tpu.memory_space<hbm>> -> memref<1x640x64xf32, #tpu.memory_space<hbm>>
      %dma_wait3A_118 = tpu.memref_squeeze %dma_wait3A_117 : memref<1x640x64xf32, #tpu.memory_space<hbm>> -> memref<640x64xf32, #tpu.memory_space<hbm>>
      %dma_wait3A_119 = arith.constant 0 : i32
      %dma_wait3A_120 = tpu.memref_slice %arg13[%mul3A_2, %dma_wait3A_119] : memref<10240x64xf32, #tpu.memory_space<vmem_shared>> -> memref<640x64xf32, #tpu.memory_space<vmem_shared>>
      tpu.wait_dma2 semaphore(%run_scoped3A_110 : memref<!tpu.dma_semaphore, #tpu.memory_space<semaphore_mem>>) src(%dma_wait3A_120 : memref<640x64xf32, #tpu.memory_space<vmem_shared>>) dst(%dma_wait3A_118 : memref<640x64xf32, #tpu.memory_space<hbm>>)
      tpu.yield
    }) : () -> ()
    return
  }
}

module attributes {stable_mosaic.version = 14 : i64} {
  func.func @_tc1(%arg0: i32, %arg1: memref<2000x128xf32, #tpu.memory_space<vmem>>, %arg2: memref<128x128xf32, #tpu.memory_space<vmem>>, %arg3: memref<128x128xf32, #tpu.memory_space<vmem>>, %arg4: memref<1x128xf32, #tpu.memory_space<vmem>>, %arg5: memref<2000x128xf32, #tpu.memory_space<vmem>>, %arg6: memref<2000x128xf32, #tpu.memory_space<vmem>>) attributes {dimension_semantics = [#tpu.dimension_semantics<arbitrary>], iteration_bounds = array<i64: 5>, scalar_prefetch = 0 : i64, scratch_operands = 0 : i64, tpu.core_type = #tpu.core_type<tc>, window_params = [{transform_indices = @transform_0, window_bounds = array<i64: 2000, 128>}, {pipeline_mode = #tpu.pipeline_mode<synchronous>, transform_indices = @transform_1, window_bounds = array<i64: 128, 128>}, {pipeline_mode = #tpu.pipeline_mode<synchronous>, transform_indices = @transform_2, window_bounds = array<i64: 128, 128>}, {pipeline_mode = #tpu.pipeline_mode<synchronous>, transform_indices = @transform_3, window_bounds = array<i64: 1, 128>}, {transform_indices = @transform_4, window_bounds = array<i64: 2000, 128>}, {transform_indices = @transform_5, window_bounds = array<i64: 2000, 128>}]} {
    %get3A = arith.constant 0 : index
    %get3A_0 = arith.constant 0 : index
    %get3A_1 = vector.load %arg1[%get3A, %get3A_0] : memref<2000x128xf32, #tpu.memory_space<vmem>>, vector<2000x128xf32>
    %get3A_2 = arith.constant 0 : index
    %get3A_3 = arith.constant 0 : index
    %get3A_4 = vector.load %arg2[%get3A_2, %get3A_3] : memref<128x128xf32, #tpu.memory_space<vmem>>, vector<128x128xf32>
    %dot_general3A = arith.constant dense<0.000000e+00> : vector<2000x128xf32>
    %dot_general3A_5 = tpu.matmul %get3A_1, %get3A_4, %dot_general3A {dimension_numbers = #tpu.dot_dimension_numbers<[1], [1], [0], [0], [0, 0, 1, 0], [], []>, transpose_lhs_hint = false} : vector<2000x128xf32>, vector<128x128xf32>, vector<2000x128xf32> -> vector<2000x128xf32>
    %swap3A = arith.constant 0 : index
    %swap3A_6 = arith.constant 0 : index
    %swap3A_7 = vector.load %arg5[%swap3A, %swap3A_6] : memref<2000x128xf32, #tpu.memory_space<vmem>>, vector<2000x128xf32>
    tpu.vector_store %arg5[%swap3A, %swap3A_6], %dot_general3A_5 {strides = array<i32>} : memref<2000x128xf32, #tpu.memory_space<vmem>>, vector<2000x128xf32>,
    %get3A_8 = arith.constant 0 : index
    %get3A_9 = arith.constant 0 : index
    %get3A_10 = vector.load %arg3[%get3A_8, %get3A_9] : memref<128x128xf32, #tpu.memory_space<vmem>>, vector<128x128xf32>
    %dot_general3A_11 = arith.constant dense<0.000000e+00> : vector<2000x128xf32>
    %dot_general3A_12 = tpu.matmul %get3A_1, %get3A_10, %dot_general3A_11 {dimension_numbers = #tpu.dot_dimension_numbers<[1], [1], [0], [0], [0, 0, 1, 0], [], []>, transpose_lhs_hint = false} : vector<2000x128xf32>, vector<128x128xf32>, vector<2000x128xf32> -> vector<2000x128xf32>
    %get3A_13 = arith.constant 0 : index
    %get3A_14 = arith.constant 0 : index
    %get3A_15 = vector.load %arg4[%get3A_13, %get3A_14] : memref<1x128xf32, #tpu.memory_space<vmem>>, vector<1x128xf32>
    %add3A = vector.broadcast %get3A_15 : vector<1x128xf32> to vector<2000x128xf32>
    %add3A_16 = arith.addf %dot_general3A_12, %add3A : vector<2000x128xf32>
    %swap3A_17 = arith.constant 0 : index
    %swap3A_18 = arith.constant 0 : index
    %swap3A_19 = vector.load %arg6[%swap3A_17, %swap3A_18] : memref<2000x128xf32, #tpu.memory_space<vmem>>, vector<2000x128xf32>
    tpu.vector_store %arg6[%swap3A_17, %swap3A_18], %add3A_16 {strides = array<i32>} : memref<2000x128xf32, #tpu.memory_space<vmem>>, vector<2000x128xf32>,
    return
  }
  func.func @transform_0(%arg0: i32) -> (i32, i32) {
    %c0_i32 = arith.constant 0 : i32
    %c0_i32_0 = arith.constant 0 : i32
    return %arg0, %c0_i32 : i32, i32
  }
  func.func @transform_1(%arg0: i32) -> (i32, i32) {
    %c0_i32 = arith.constant 0 : i32
    %c0_i32_0 = arith.constant 0 : i32
    %c0_i32_1 = arith.constant 0 : i32
    return %c0_i32, %c0_i32_0 : i32, i32
  }
  func.func @transform_2(%arg0: i32) -> (i32, i32) {
    %c0_i32 = arith.constant 0 : i32
    %c0_i32_0 = arith.constant 0 : i32
    %c0_i32_1 = arith.constant 0 : i32
    return %c0_i32, %c0_i32_0 : i32, i32
  }
  func.func @transform_3(%arg0: i32) -> (i32, i32) {
    %c0_i32 = arith.constant 0 : i32
    %c0_i32_0 = arith.constant 0 : i32
    %c0_i32_1 = arith.constant 0 : i32
    return %c0_i32, %c0_i32_0 : i32, i32
  }
  func.func @transform_4(%arg0: i32) -> (i32, i32) {
    %c0_i32 = arith.constant 0 : i32
    %c0_i32_0 = arith.constant 0 : i32
    return %arg0, %c0_i32 : i32, i32
  }
  func.func @transform_5(%arg0: i32) -> (i32, i32) {
    %c0_i32 = arith.constant 0 : i32
    %c0_i32_0 = arith.constant 0 : i32
    return %arg0, %c0_i32 : i32, i32
  }
}

module attributes {stable_mosaic.version = 14 : i64} {
  func.func @_tc2(%arg0: i32, %arg1: memref<2x2000x128xf32, #tpu.memory_space<vmem>>, %arg2: memref<2x2000x16xf32, #tpu.memory_space<vmem>>, %arg3: memref<2000x128xf32, #tpu.memory_space<vmem>>, %arg4: memref<1x128xf32, #tpu.memory_space<vmem>>, %arg5: memref<1x128xf32, #tpu.memory_space<vmem>>, %arg6: memref<128x128xf32, #tpu.memory_space<vmem>>, %arg7: memref<128x128xf32, #tpu.memory_space<vmem>>, %arg8: memref<1x128xf32, #tpu.memory_space<vmem>>, %arg9: memref<2000x128xf32, #tpu.memory_space<vmem>>, %arg10: memref<2000x128xf32, #tpu.memory_space<vmem>>) attributes {dimension_semantics = [#tpu.dimension_semantics<arbitrary>], iteration_bounds = array<i64: 5>, scalar_prefetch = 0 : i64, scratch_operands = 0 : i64, tpu.core_type = #tpu.core_type<tc>, window_params = [{transform_indices = @transform_0, window_bounds = array<i64: 2, 2000, 128>}, {transform_indices = @transform_1, window_bounds = array<i64: 2, 2000, 16>}, {transform_indices = @transform_2, window_bounds = array<i64: 2000, 128>}, {pipeline_mode = #tpu.pipeline_mode<synchronous>, transform_indices = @transform_3, window_bounds = array<i64: 1, 128>}, {pipeline_mode = #tpu.pipeline_mode<synchronous>, transform_indices = @transform_4, window_bounds = array<i64: 1, 128>}, {pipeline_mode = #tpu.pipeline_mode<synchronous>, transform_indices = @transform_5, window_bounds = array<i64: 128, 128>}, {pipeline_mode = #tpu.pipeline_mode<synchronous>, transform_indices = @transform_6, window_bounds = array<i64: 128, 128>}, {pipeline_mode = #tpu.pipeline_mode<synchronous>, transform_indices = @transform_7, window_bounds = array<i64: 1, 128>}, {transform_indices = @transform_8, window_bounds = array<i64: 2000, 128>}, {transform_indices = @transform_9, window_bounds = array<i64: 2000, 128>}]} {
    %get3A = arith.constant 0 : index
    %get3A_0 = arith.constant 0 : index
    %get3A_1 = arith.constant 0 : index
    %get3A_2 = vector.load %arg1[%get3A, %get3A_0, %get3A_1] : memref<2x2000x128xf32, #tpu.memory_space<vmem>>, vector<1x2000x128xf32>
    %get3A_3 = vector.shape_cast %get3A_2 : vector<1x2000x128xf32> to vector<2000x128xf32>
    %get3A_4 = arith.constant 1 : index
    %get3A_5 = arith.constant 0 : index
    %get3A_6 = arith.constant 0 : index
    %get3A_7 = vector.load %arg1[%get3A_4, %get3A_5, %get3A_6] : memref<2x2000x128xf32, #tpu.memory_space<vmem>>, vector<1x2000x128xf32>
    %get3A_8 = vector.shape_cast %get3A_7 : vector<1x2000x128xf32> to vector<2000x128xf32>
    %add3A = arith.addf %get3A_3, %get3A_8 : vector<2000x128xf32>
    %get3A_9 = arith.constant 0 : index
    %get3A_10 = arith.constant 0 : index
    %get3A_11 = arith.constant 0 : index
    %get3A_12 = vector.load %arg2[%get3A_9, %get3A_10, %get3A_11] : memref<2x2000x16xf32, #tpu.memory_space<vmem>>, vector<1x2000x1xf32>
    %get3A_13 = vector.shape_cast %get3A_12 : vector<1x2000x1xf32> to vector<2000x1xf32>
    %get3A_14 = arith.constant 1 : index
    %get3A_15 = arith.constant 0 : index
    %get3A_16 = arith.constant 0 : index
    %get3A_17 = vector.load %arg2[%get3A_14, %get3A_15, %get3A_16] : memref<2x2000x16xf32, #tpu.memory_space<vmem>>, vector<1x2000x1xf32>
    %get3A_18 = vector.shape_cast %get3A_17 : vector<1x2000x1xf32> to vector<2000x1xf32>
    %add3A_19 = arith.addf %get3A_13, %get3A_18 : vector<2000x1xf32>
    %max3A = arith.constant 1.000000e+00 : f32
    %max3A_20 = vector.broadcast %max3A : f32 to vector<2000x1xf32>
    %max3A_21 = arith.maximumf %add3A_19, %max3A_20 : vector<2000x1xf32>
    %div3A = arith.constant 1.000000e+00 : f32
    %div3A_22 = vector.broadcast %div3A : f32 to vector<2000x1xf32>
    %div3A_23 = arith.divf %div3A_22, %max3A_21 : vector<2000x1xf32>
    %mul3A = vector.broadcast %div3A_23 : vector<2000x1xf32> to vector<2000x128xf32>
    %mul3A_24 = arith.mulf %add3A, %mul3A : vector<2000x128xf32>
    %get3A_25 = arith.constant 0 : index
    %get3A_26 = arith.constant 0 : index
    %get3A_27 = vector.load %arg3[%get3A_25, %get3A_26] : memref<2000x128xf32, #tpu.memory_space<vmem>>, vector<2000x128xf32>
    %add3A_28 = arith.addf %mul3A_24, %get3A_27 : vector<2000x128xf32>
    %get3A_29 = arith.constant 0 : index
    %get3A_30 = arith.constant 0 : index
    %get3A_31 = vector.load %arg4[%get3A_29, %get3A_30] : memref<1x128xf32, #tpu.memory_space<vmem>>, vector<1x128xf32>
    %mul3A_32 = vector.broadcast %get3A_31 : vector<1x128xf32> to vector<2000x128xf32>
    %mul3A_33 = arith.mulf %add3A_28, %mul3A_32 : vector<2000x128xf32>
    %get3A_34 = arith.constant 0 : index
    %get3A_35 = arith.constant 0 : index
    %get3A_36 = vector.load %arg5[%get3A_34, %get3A_35] : memref<1x128xf32, #tpu.memory_space<vmem>>, vector<1x128xf32>
    %add3A_37 = vector.broadcast %get3A_36 : vector<1x128xf32> to vector<2000x128xf32>
    %add3A_38 = arith.addf %mul3A_33, %add3A_37 : vector<2000x128xf32>
    %max3A_39 = arith.constant 0.000000e+00 : f32
    %max3A_40 = vector.broadcast %max3A_39 : f32 to vector<2000x128xf32>
    %max3A_41 = arith.maximumf %add3A_38, %max3A_40 : vector<2000x128xf32>
    %get3A_42 = arith.constant 0 : index
    %get3A_43 = arith.constant 0 : index
    %get3A_44 = vector.load %arg6[%get3A_42, %get3A_43] : memref<128x128xf32, #tpu.memory_space<vmem>>, vector<128x128xf32>
    %dot_general3A = arith.constant dense<0.000000e+00> : vector<2000x128xf32>
    %dot_general3A_45 = tpu.matmul %max3A_41, %get3A_44, %dot_general3A {dimension_numbers = #tpu.dot_dimension_numbers<[1], [1], [0], [0], [0, 0, 1, 0], [], []>, transpose_lhs_hint = false} : vector<2000x128xf32>, vector<128x128xf32>, vector<2000x128xf32> -> vector<2000x128xf32>
    %swap3A = arith.constant 0 : index
    %swap3A_46 = arith.constant 0 : index
    %swap3A_47 = vector.load %arg9[%swap3A, %swap3A_46] : memref<2000x128xf32, #tpu.memory_space<vmem>>, vector<2000x128xf32>
    tpu.vector_store %arg9[%swap3A, %swap3A_46], %dot_general3A_45 {strides = array<i32>} : memref<2000x128xf32, #tpu.memory_space<vmem>>, vector<2000x128xf32>,
    %get3A_48 = arith.constant 0 : index
    %get3A_49 = arith.constant 0 : index
    %get3A_50 = vector.load %arg7[%get3A_48, %get3A_49] : memref<128x128xf32, #tpu.memory_space<vmem>>, vector<128x128xf32>
    %dot_general3A_51 = arith.constant dense<0.000000e+00> : vector<2000x128xf32>
    %dot_general3A_52 = tpu.matmul %max3A_41, %get3A_50, %dot_general3A_51 {dimension_numbers = #tpu.dot_dimension_numbers<[1], [1], [0], [0], [0, 0, 1, 0], [], []>, transpose_lhs_hint = false} : vector<2000x128xf32>, vector<128x128xf32>, vector<2000x128xf32> -> vector<2000x128xf32>
    %get3A_53 = arith.constant 0 : index
    %get3A_54 = arith.constant 0 : index
    %get3A_55 = vector.load %arg8[%get3A_53, %get3A_54] : memref<1x128xf32, #tpu.memory_space<vmem>>, vector<1x128xf32>
    %add3A_56 = vector.broadcast %get3A_55 : vector<1x128xf32> to vector<2000x128xf32>
    %add3A_57 = arith.addf %dot_general3A_52, %add3A_56 : vector<2000x128xf32>
    %swap3A_58 = arith.constant 0 : index
    %swap3A_59 = arith.constant 0 : index
    %swap3A_60 = vector.load %arg10[%swap3A_58, %swap3A_59] : memref<2000x128xf32, #tpu.memory_space<vmem>>, vector<2000x128xf32>
    tpu.vector_store %arg10[%swap3A_58, %swap3A_59], %add3A_57 {strides = array<i32>} : memref<2000x128xf32, #tpu.memory_space<vmem>>, vector<2000x128xf32>,
    return
  }
  func.func @transform_0(%arg0: i32) -> (i32, i32, i32) {
    %c0_i32 = arith.constant 0 : i32
    %c0_i32_0 = arith.constant 0 : i32
    %c0_i32_1 = arith.constant 0 : i32
    return %c0_i32, %arg0, %c0_i32_0 : i32, i32, i32
  }
  func.func @transform_1(%arg0: i32) -> (i32, i32, i32) {
    %c0_i32 = arith.constant 0 : i32
    %c0_i32_0 = arith.constant 0 : i32
    %c0_i32_1 = arith.constant 0 : i32
    return %c0_i32, %arg0, %c0_i32_0 : i32, i32, i32
  }
  func.func @transform_2(%arg0: i32) -> (i32, i32) {
    %c0_i32 = arith.constant 0 : i32
    %c0_i32_0 = arith.constant 0 : i32
    return %arg0, %c0_i32 : i32, i32
  }
  func.func @transform_3(%arg0: i32) -> (i32, i32) {
    %c0_i32 = arith.constant 0 : i32
    %c0_i32_0 = arith.constant 0 : i32
    %c0_i32_1 = arith.constant 0 : i32
    return %c0_i32, %c0_i32_0 : i32, i32
  }
  func.func @transform_4(%arg0: i32) -> (i32, i32) {
    %c0_i32 = arith.constant 0 : i32
    %c0_i32_0 = arith.constant 0 : i32
    %c0_i32_1 = arith.constant 0 : i32
    return %c0_i32, %c0_i32_0 : i32, i32
  }
  func.func @transform_5(%arg0: i32) -> (i32, i32) {
    %c0_i32 = arith.constant 0 : i32
    %c0_i32_0 = arith.constant 0 : i32
    %c0_i32_1 = arith.constant 0 : i32
    return %c0_i32, %c0_i32_0 : i32, i32
  }
  func.func @transform_6(%arg0: i32) -> (i32, i32) {
    %c0_i32 = arith.constant 0 : i32
    %c0_i32_0 = arith.constant 0 : i32
    %c0_i32_1 = arith.constant 0 : i32
    return %c0_i32, %c0_i32_0 : i32, i32
  }
  func.func @transform_7(%arg0: i32) -> (i32, i32) {
    %c0_i32 = arith.constant 0 : i32
    %c0_i32_0 = arith.constant 0 : i32
    %c0_i32_1 = arith.constant 0 : i32
    return %c0_i32, %c0_i32_0 : i32, i32
  }
  func.func @transform_8(%arg0: i32) -> (i32, i32) {
    %c0_i32 = arith.constant 0 : i32
    %c0_i32_0 = arith.constant 0 : i32
    return %arg0, %c0_i32 : i32, i32
  }
  func.func @transform_9(%arg0: i32) -> (i32, i32) {
    %c0_i32 = arith.constant 0 : i32
    %c0_i32_0 = arith.constant 0 : i32
    return %arg0, %c0_i32 : i32, i32
  }
}

module attributes {stable_mosaic.version = 14 : i64} {
  func.func @_tc3(%arg0: i32, %arg1: memref<2x2000x128xf32, #tpu.memory_space<vmem>>, %arg2: memref<2x2000x16xf32, #tpu.memory_space<vmem>>, %arg3: memref<2000x128xf32, #tpu.memory_space<vmem>>, %arg4: memref<1x128xf32, #tpu.memory_space<vmem>>, %arg5: memref<1x128xf32, #tpu.memory_space<vmem>>, %arg6: memref<2000x128xf32, #tpu.memory_space<vmem>>, %arg7: memref<128x128xf32, #tpu.memory_space<vmem>>, %arg8: memref<1x128xf32, #tpu.memory_space<vmem>>, %arg9: memref<64x256xf32, #tpu.memory_space<vmem>>, %arg10: memref<64x256xf32, #tpu.memory_space<vmem>>, %arg11: memref<1x64xf32, #tpu.memory_space<vmem>>, %arg12: memref<2000x128xf32, #tpu.memory_space<vmem>>) attributes {dimension_semantics = [#tpu.dimension_semantics<arbitrary>], iteration_bounds = array<i64: 5>, scalar_prefetch = 0 : i64, scratch_operands = 0 : i64, tpu.core_type = #tpu.core_type<tc>, window_params = [{transform_indices = @transform_0, window_bounds = array<i64: 2, 2000, 128>}, {transform_indices = @transform_1, window_bounds = array<i64: 2, 2000, 16>}, {transform_indices = @transform_2, window_bounds = array<i64: 2000, 128>}, {pipeline_mode = #tpu.pipeline_mode<synchronous>, transform_indices = @transform_3, window_bounds = array<i64: 1, 128>}, {pipeline_mode = #tpu.pipeline_mode<synchronous>, transform_indices = @transform_4, window_bounds = array<i64: 1, 128>}, {transform_indices = @transform_5, window_bounds = array<i64: 2000, 128>}, {pipeline_mode = #tpu.pipeline_mode<synchronous>, transform_indices = @transform_6, window_bounds = array<i64: 128, 128>}, {pipeline_mode = #tpu.pipeline_mode<synchronous>, transform_indices = @transform_7, window_bounds = array<i64: 1, 128>}, {pipeline_mode = #tpu.pipeline_mode<synchronous>, transform_indices = @transform_8, window_bounds = array<i64: 64, 256>}, {pipeline_mode = #tpu.pipeline_mode<synchronous>, transform_indices = @transform_9, window_bounds = array<i64: 64, 256>}, {pipeline_mode = #tpu.pipeline_mode<synchronous>, transform_indices = @transform_10, window_bounds = array<i64: 1, 64>}, {transform_indices = @transform_11, window_bounds = array<i64: 2000, 128>}]} {
    %get3A = arith.constant 0 : index
    %get3A_0 = arith.constant 0 : index
    %get3A_1 = arith.constant 0 : index
    %get3A_2 = vector.load %arg1[%get3A, %get3A_0, %get3A_1] : memref<2x2000x128xf32, #tpu.memory_space<vmem>>, vector<1x2000x128xf32>
    %get3A_3 = vector.shape_cast %get3A_2 : vector<1x2000x128xf32> to vector<2000x128xf32>
    %get3A_4 = arith.constant 1 : index
    %get3A_5 = arith.constant 0 : index
    %get3A_6 = arith.constant 0 : index
    %get3A_7 = vector.load %arg1[%get3A_4, %get3A_5, %get3A_6] : memref<2x2000x128xf32, #tpu.memory_space<vmem>>, vector<1x2000x128xf32>
    %get3A_8 = vector.shape_cast %get3A_7 : vector<1x2000x128xf32> to vector<2000x128xf32>
    %add3A = arith.addf %get3A_3, %get3A_8 : vector<2000x128xf32>
    %get3A_9 = arith.constant 0 : index
    %get3A_10 = arith.constant 0 : index
    %get3A_11 = arith.constant 0 : index
    %get3A_12 = vector.load %arg2[%get3A_9, %get3A_10, %get3A_11] : memref<2x2000x16xf32, #tpu.memory_space<vmem>>, vector<1x2000x1xf32>
    %get3A_13 = vector.shape_cast %get3A_12 : vector<1x2000x1xf32> to vector<2000x1xf32>
    %get3A_14 = arith.constant 1 : index
    %get3A_15 = arith.constant 0 : index
    %get3A_16 = arith.constant 0 : index
    %get3A_17 = vector.load %arg2[%get3A_14, %get3A_15, %get3A_16] : memref<2x2000x16xf32, #tpu.memory_space<vmem>>, vector<1x2000x1xf32>
    %get3A_18 = vector.shape_cast %get3A_17 : vector<1x2000x1xf32> to vector<2000x1xf32>
    %add3A_19 = arith.addf %get3A_13, %get3A_18 : vector<2000x1xf32>
    %max3A = arith.constant 1.000000e+00 : f32
    %max3A_20 = vector.broadcast %max3A : f32 to vector<2000x1xf32>
    %max3A_21 = arith.maximumf %add3A_19, %max3A_20 : vector<2000x1xf32>
    %div3A = arith.constant 1.000000e+00 : f32
    %div3A_22 = vector.broadcast %div3A : f32 to vector<2000x1xf32>
    %div3A_23 = arith.divf %div3A_22, %max3A_21 : vector<2000x1xf32>
    %mul3A = vector.broadcast %div3A_23 : vector<2000x1xf32> to vector<2000x128xf32>
    %mul3A_24 = arith.mulf %add3A, %mul3A : vector<2000x128xf32>
    %get3A_25 = arith.constant 0 : index
    %get3A_26 = arith.constant 0 : index
    %get3A_27 = vector.load %arg3[%get3A_25, %get3A_26] : memref<2000x128xf32, #tpu.memory_space<vmem>>, vector<2000x128xf32>
    %add3A_28 = arith.addf %mul3A_24, %get3A_27 : vector<2000x128xf32>
    %get3A_29 = arith.constant 0 : index
    %get3A_30 = arith.constant 0 : index
    %get3A_31 = vector.load %arg4[%get3A_29, %get3A_30] : memref<1x128xf32, #tpu.memory_space<vmem>>, vector<1x128xf32>
    %mul3A_32 = vector.broadcast %get3A_31 : vector<1x128xf32> to vector<2000x128xf32>
    %mul3A_33 = arith.mulf %add3A_28, %mul3A_32 : vector<2000x128xf32>
    %get3A_34 = arith.constant 0 : index
    %get3A_35 = arith.constant 0 : index
    %get3A_36 = vector.load %arg5[%get3A_34, %get3A_35] : memref<1x128xf32, #tpu.memory_space<vmem>>, vector<1x128xf32>
    %add3A_37 = vector.broadcast %get3A_36 : vector<1x128xf32> to vector<2000x128xf32>
    %add3A_38 = arith.addf %mul3A_33, %add3A_37 : vector<2000x128xf32>
    %max3A_39 = arith.constant 0.000000e+00 : f32
    %max3A_40 = vector.broadcast %max3A_39 : f32 to vector<2000x128xf32>
    %max3A_41 = arith.maximumf %add3A_38, %max3A_40 : vector<2000x128xf32>
    %get3A_42 = arith.constant 0 : index
    %get3A_43 = arith.constant 0 : index
    %get3A_44 = vector.load %arg6[%get3A_42, %get3A_43] : memref<2000x128xf32, #tpu.memory_space<vmem>>, vector<2000x128xf32>
    %get3A_45 = arith.constant 0 : index
    %get3A_46 = arith.constant 0 : index
    %get3A_47 = vector.load %arg7[%get3A_45, %get3A_46] : memref<128x128xf32, #tpu.memory_space<vmem>>, vector<128x128xf32>
    %dot_general3A = arith.constant dense<0.000000e+00> : vector<2000x128xf32>
    %dot_general3A_48 = tpu.matmul %get3A_44, %get3A_47, %dot_general3A {dimension_numbers = #tpu.dot_dimension_numbers<[1], [1], [0], [0], [0, 0, 1, 0], [], []>, transpose_lhs_hint = false} : vector<2000x128xf32>, vector<128x128xf32>, vector<2000x128xf32> -> vector<2000x128xf32>
    %get3A_49 = arith.constant 0 : index
    %get3A_50 = arith.constant 0 : index
    %get3A_51 = vector.load %arg8[%get3A_49, %get3A_50] : memref<1x128xf32, #tpu.memory_space<vmem>>, vector<1x128xf32>
    %add3A_52 = vector.broadcast %get3A_51 : vector<1x128xf32> to vector<2000x128xf32>
    %add3A_53 = arith.addf %dot_general3A_48, %add3A_52 : vector<2000x128xf32>
    %concatenate3A = tpu.concatenate %max3A_41, %add3A_53 in 1 : vector<2000x128xf32>, vector<2000x128xf32> -> vector<2000x256xf32>
    %get3A_54 = arith.constant 0 : index
    %get3A_55 = arith.constant 0 : index
    %get3A_56 = vector.load %arg9[%get3A_54, %get3A_55] : memref<64x256xf32, #tpu.memory_space<vmem>>, vector<64x256xf32>
    %dot_general3A_57 = arith.constant dense<0.000000e+00> : vector<2000x64xf32>
    %dot_general3A_58 = tpu.matmul %concatenate3A, %get3A_56, %dot_general3A_57 {dimension_numbers = #tpu.dot_dimension_numbers<[1], [1], [0], [0], [0, 0, 1, 0], [], []>, transpose_lhs_hint = false} : vector<2000x256xf32>, vector<64x256xf32>, vector<2000x64xf32> -> vector<2000x64xf32>
    %get3A_59 = arith.constant 0 : index
    %get3A_60 = arith.constant 0 : index
    %get3A_61 = vector.load %arg10[%get3A_59, %get3A_60] : memref<64x256xf32, #tpu.memory_space<vmem>>, vector<64x256xf32>
    %dot_general3A_62 = arith.constant dense<0.000000e+00> : vector<2000x64xf32>
    %dot_general3A_63 = tpu.matmul %concatenate3A, %get3A_61, %dot_general3A_62 {dimension_numbers = #tpu.dot_dimension_numbers<[1], [1], [0], [0], [0, 0, 1, 0], [], []>, transpose_lhs_hint = false} : vector<2000x256xf32>, vector<64x256xf32>, vector<2000x64xf32> -> vector<2000x64xf32>
    %get3A_64 = arith.constant 0 : index
    %get3A_65 = arith.constant 0 : index
    %get3A_66 = vector.load %arg11[%get3A_64, %get3A_65] : memref<1x64xf32, #tpu.memory_space<vmem>>, vector<1x64xf32>
    %add3A_67 = vector.broadcast %get3A_66 : vector<1x64xf32> to vector<2000x64xf32>
    %add3A_68 = arith.addf %dot_general3A_63, %add3A_67 : vector<2000x64xf32>
    %concatenate3A_69 = tpu.concatenate %dot_general3A_58, %add3A_68 in 1 : vector<2000x64xf32>, vector<2000x64xf32> -> vector<2000x128xf32>
    %swap3A = arith.constant 0 : index
    %swap3A_70 = arith.constant 0 : index
    %swap3A_71 = vector.load %arg12[%swap3A, %swap3A_70] : memref<2000x128xf32, #tpu.memory_space<vmem>>, vector<2000x128xf32>
    tpu.vector_store %arg12[%swap3A, %swap3A_70], %concatenate3A_69 {strides = array<i32>} : memref<2000x128xf32, #tpu.memory_space<vmem>>, vector<2000x128xf32>,
    return
  }
  func.func @transform_0(%arg0: i32) -> (i32, i32, i32) {
    %c0_i32 = arith.constant 0 : i32
    %c0_i32_0 = arith.constant 0 : i32
    %c0_i32_1 = arith.constant 0 : i32
    return %c0_i32, %arg0, %c0_i32_0 : i32, i32, i32
  }
  func.func @transform_1(%arg0: i32) -> (i32, i32, i32) {
    %c0_i32 = arith.constant 0 : i32
    %c0_i32_0 = arith.constant 0 : i32
    %c0_i32_1 = arith.constant 0 : i32
    return %c0_i32, %arg0, %c0_i32_0 : i32, i32, i32
  }
  func.func @transform_2(%arg0: i32) -> (i32, i32) {
    %c0_i32 = arith.constant 0 : i32
    %c0_i32_0 = arith.constant 0 : i32
    return %arg0, %c0_i32 : i32, i32
  }
  func.func @transform_3(%arg0: i32) -> (i32, i32) {
    %c0_i32 = arith.constant 0 : i32
    %c0_i32_0 = arith.constant 0 : i32
    %c0_i32_1 = arith.constant 0 : i32
    return %c0_i32, %c0_i32_0 : i32, i32
  }
  func.func @transform_4(%arg0: i32) -> (i32, i32) {
    %c0_i32 = arith.constant 0 : i32
    %c0_i32_0 = arith.constant 0 : i32
    %c0_i32_1 = arith.constant 0 : i32
    return %c0_i32, %c0_i32_0 : i32, i32
  }
  func.func @transform_5(%arg0: i32) -> (i32, i32) {
    %c0_i32 = arith.constant 0 : i32
    %c0_i32_0 = arith.constant 0 : i32
    return %arg0, %c0_i32 : i32, i32
  }
  func.func @transform_6(%arg0: i32) -> (i32, i32) {
    %c0_i32 = arith.constant 0 : i32
    %c0_i32_0 = arith.constant 0 : i32
    %c0_i32_1 = arith.constant 0 : i32
    return %c0_i32, %c0_i32_0 : i32, i32
  }
  func.func @transform_7(%arg0: i32) -> (i32, i32) {
    %c0_i32 = arith.constant 0 : i32
    %c0_i32_0 = arith.constant 0 : i32
    %c0_i32_1 = arith.constant 0 : i32
    return %c0_i32, %c0_i32_0 : i32, i32
  }
  func.func @transform_8(%arg0: i32) -> (i32, i32) {
    %c0_i32 = arith.constant 0 : i32
    %c0_i32_0 = arith.constant 0 : i32
    %c0_i32_1 = arith.constant 0 : i32
    return %c0_i32, %c0_i32_0 : i32, i32
  }
  func.func @transform_9(%arg0: i32) -> (i32, i32) {
    %c0_i32 = arith.constant 0 : i32
    %c0_i32_0 = arith.constant 0 : i32
    %c0_i32_1 = arith.constant 0 : i32
    return %c0_i32, %c0_i32_0 : i32, i32
  }
  func.func @transform_10(%arg0: i32) -> (i32, i32) {
    %c0_i32 = arith.constant 0 : i32
    %c0_i32_0 = arith.constant 0 : i32
    %c0_i32_1 = arith.constant 0 : i32
    return %c0_i32, %c0_i32_0 : i32, i32
  }
  func.func @transform_11(%arg0: i32) -> (i32, i32) {
    %c0_i32 = arith.constant 0 : i32
    %c0_i32_0 = arith.constant 0 : i32
    return %arg0, %c0_i32 : i32, i32
  }
}

module attributes {stable_mosaic.version = 14 : i64} {
  func.func @_tc4(%arg0: i32, %arg1: memref<2x2000x128xf32, #tpu.memory_space<vmem>>, %arg2: memref<2x2000x16xf32, #tpu.memory_space<vmem>>, %arg3: memref<2000x128xf32, #tpu.memory_space<vmem>>, %arg4: memref<2000x64xf32, #tpu.memory_space<vmem>>) attributes {dimension_semantics = [#tpu.dimension_semantics<arbitrary>], iteration_bounds = array<i64: 5>, scalar_prefetch = 0 : i64, scratch_operands = 0 : i64, tpu.core_type = #tpu.core_type<tc>, window_params = [{transform_indices = @transform_0, window_bounds = array<i64: 2, 2000, 128>}, {transform_indices = @transform_1, window_bounds = array<i64: 2, 2000, 16>}, {transform_indices = @transform_2, window_bounds = array<i64: 2000, 128>}, {transform_indices = @transform_3, window_bounds = array<i64: 2000, 64>}]} {
    %get3A = arith.constant 0 : index
    %get3A_0 = arith.constant 0 : index
    %get3A_1 = arith.constant 0 : index
    %get3A_2 = vector.load %arg1[%get3A, %get3A_0, %get3A_1] : memref<2x2000x128xf32, #tpu.memory_space<vmem>>, vector<1x2000x64xf32>
    %get3A_3 = vector.shape_cast %get3A_2 : vector<1x2000x64xf32> to vector<2000x64xf32>
    %get3A_4 = arith.constant 1 : index
    %get3A_5 = arith.constant 0 : index
    %get3A_6 = arith.constant 0 : index
    %get3A_7 = vector.load %arg1[%get3A_4, %get3A_5, %get3A_6] : memref<2x2000x128xf32, #tpu.memory_space<vmem>>, vector<1x2000x64xf32>
    %get3A_8 = vector.shape_cast %get3A_7 : vector<1x2000x64xf32> to vector<2000x64xf32>
    %add3A = arith.addf %get3A_3, %get3A_8 : vector<2000x64xf32>
    %get3A_9 = arith.constant 0 : index
    %get3A_10 = arith.constant 0 : index
    %get3A_11 = arith.constant 0 : index
    %get3A_12 = vector.load %arg2[%get3A_9, %get3A_10, %get3A_11] : memref<2x2000x16xf32, #tpu.memory_space<vmem>>, vector<1x2000x1xf32>
    %get3A_13 = vector.shape_cast %get3A_12 : vector<1x2000x1xf32> to vector<2000x1xf32>
    %get3A_14 = arith.constant 1 : index
    %get3A_15 = arith.constant 0 : index
    %get3A_16 = arith.constant 0 : index
    %get3A_17 = vector.load %arg2[%get3A_14, %get3A_15, %get3A_16] : memref<2x2000x16xf32, #tpu.memory_space<vmem>>, vector<1x2000x1xf32>
    %get3A_18 = vector.shape_cast %get3A_17 : vector<1x2000x1xf32> to vector<2000x1xf32>
    %add3A_19 = arith.addf %get3A_13, %get3A_18 : vector<2000x1xf32>
    %max3A = arith.constant 1.000000e+00 : f32
    %max3A_20 = vector.broadcast %max3A : f32 to vector<2000x1xf32>
    %max3A_21 = arith.maximumf %add3A_19, %max3A_20 : vector<2000x1xf32>
    %div3A = arith.constant 1.000000e+00 : f32
    %div3A_22 = vector.broadcast %div3A : f32 to vector<2000x1xf32>
    %div3A_23 = arith.divf %div3A_22, %max3A_21 : vector<2000x1xf32>
    %mul3A = vector.broadcast %div3A_23 : vector<2000x1xf32> to vector<2000x64xf32>
    %mul3A_24 = arith.mulf %add3A, %mul3A : vector<2000x64xf32>
    %get3A_25 = arith.constant 0 : index
    %get3A_26 = arith.constant 64 : index
    %get3A_27 = vector.load %arg3[%get3A_25, %get3A_26] : memref<2000x128xf32, #tpu.memory_space<vmem>>, vector<2000x64xf32>
    %add3A_28 = arith.addf %mul3A_24, %get3A_27 : vector<2000x64xf32>
    %reduce_max3A = arith.constant dense<0xFF800000> : vector<2000xf32>
    %reduce_max3A_29 = vector.multi_reduction <maximumf>, %add3A_28, %reduce_max3A [1] : vector<2000x64xf32> to vector<2000xf32>
    %broadcast_in_dim3A = vector.shape_cast %reduce_max3A_29 : vector<2000xf32> to vector<2000x1xf32>
    %sub3A = vector.broadcast %broadcast_in_dim3A : vector<2000x1xf32> to vector<2000x64xf32>
    %sub3A_30 = arith.subf %add3A_28, %sub3A : vector<2000x64xf32>
    %exp3A = math.exp %sub3A_30 : vector<2000x64xf32>
    %sub3A_31 = vector.broadcast %broadcast_in_dim3A : vector<2000x1xf32> to vector<2000x64xf32>
    %sub3A_32 = arith.subf %add3A_28, %sub3A_31 : vector<2000x64xf32>
    %reduce_sum3A = arith.constant dense<0.000000e+00> : vector<2000xf32>
    %reduce_sum3A_33 = vector.multi_reduction <add>, %exp3A, %reduce_sum3A [1] : vector<2000x64xf32> to vector<2000xf32>
    %broadcast_in_dim3A_34 = vector.shape_cast %reduce_sum3A_33 : vector<2000xf32> to vector<2000x1xf32>
    %log3A = math.log %broadcast_in_dim3A_34 : vector<2000x1xf32>
    %sub3A_35 = vector.broadcast %log3A : vector<2000x1xf32> to vector<2000x64xf32>
    %sub3A_36 = arith.subf %sub3A_32, %sub3A_35 : vector<2000x64xf32>
    %swap3A = arith.constant 0 : index
    %swap3A_37 = arith.constant 0 : index
    %swap3A_38 = vector.load %arg4[%swap3A, %swap3A_37] : memref<2000x64xf32, #tpu.memory_space<vmem>>, vector<2000x64xf32>
    tpu.vector_store %arg4[%swap3A, %swap3A_37], %sub3A_36 {strides = array<i32>} : memref<2000x64xf32, #tpu.memory_space<vmem>>, vector<2000x64xf32>,
    return
  }
  func.func @transform_0(%arg0: i32) -> (i32, i32, i32) {
    %c0_i32 = arith.constant 0 : i32
    %c0_i32_0 = arith.constant 0 : i32
    %c0_i32_1 = arith.constant 0 : i32
    return %c0_i32, %arg0, %c0_i32_0 : i32, i32, i32
  }
  func.func @transform_1(%arg0: i32) -> (i32, i32, i32) {
    %c0_i32 = arith.constant 0 : i32
    %c0_i32_0 = arith.constant 0 : i32
    %c0_i32_1 = arith.constant 0 : i32
    return %c0_i32, %arg0, %c0_i32_0 : i32, i32, i32
  }
  func.func @transform_2(%arg0: i32) -> (i32, i32) {
    %c0_i32 = arith.constant 0 : i32
    %c0_i32_0 = arith.constant 0 : i32
    return %arg0, %c0_i32 : i32, i32
  }
  func.func @transform_3(%arg0: i32) -> (i32, i32) {
    %c0_i32 = arith.constant 0 : i32
    %c0_i32_0 = arith.constant 0 : i32
    return %arg0, %c0_i32 : i32, i32
  }
}

</mosaic_0001>

<sc_bundles>
// kernel: kernel.12.cloned.1.call-start
scs
__scs_entry_jumppad:
0x0: {  	(pc) =	sbr.rel $0x88, $3  }
0x1: {  	(tag) =	ssettag $0x0;
	lr =	simm.s32 $0x1  }
0x2: {  	[smem:$0x3F8F] =	sst lr;
	_ =	strace $0xD0000000  }
0x3: {  	_ = 	snop  }
0x4: {  	_ = 	snop  }
0x5: {  	_ = 	snop  }
0x6: {  	_ = 	snop  }
0x7: {  	_ = 	snop  }
__scs_overlays_trampoline_lowered:
0x8: {  	[smem:$0x3F9E] =	sst s0  }
0x9: {  	[smem:$0x3F9F] =	sst s1  }
0xa: {  	[smem:$0x3FA0] =	sst s2  }
0xb: {  	[smem:$0x3FA1] =	sst s3  }
0xc: {  	[smem:$0x3FA2] =	sst s4  }
0xd: {  	[smem:$0x3FA3] =	sst s5  }
0xe: {  	[smem:$0x3FA4] =	sst s6  }
0xf: {  	[smem:$0x3FA5] =	sst s7  }
0x10: {  	[smem:$0x3FA6] =	sst s8  }
0x11: {  	[smem:$0x3FA7] =	sst s9;
	s0 =	simm.s32 @!p0 $0x0  }
0x12: {  	s1 =	sld [smem:$0x3F8D];
	s0 =	simm.s32 @p0 $0x1  }
0x13: {  	[smem:$0x3FA8] =	sst s0;
	s0 =	simm.s32 @!p1 $0x0  }
0x14: {  	s2 =	sld [smem:$0x3F8C];
	s0 =	simm.s32 @p1 $0x1  }
0x15: {  	[smem:$0x3FA9] =	sst s0;
	s0 =	simm.s32 @!p2 $0x0  }
0x16: {  	s3 =	sld [smem:$0x3FDB];
	s0 =	simm.s32 @p2 $0x1  }
0x17: {  	s4 =	simm.s32 $0x1BF5;
	[smem:$0x3FAB] =	sst s0  }
0x18: {  	s0 =	sld [smem:$0x3F8E];
	_ =	swait.ge [sflag:s4], $0x0  }
0x19: {  	s7 =	sld [smem:$0x3F8F]  }
0x1a: {  	s8 =	sadd.s32 $0xFFFFE003, lr  }
0x1b: {  	s9 =	sadd.s32 $0xFFFFFEF7, lr;
	s5 =	simm.s32 $0xFFFFFFFF;
	p2 =	slt.u32 s8, $0xFFFFF086  }
0x1c: {  	p1 =	slt.u32 s9, $0xF7A;
	s5 =	simm.s32 @!p2 $0x0  }
0x1d: {  	s5 =	simm.s32 @p1 $0x1;
	p0 =	seq.s32 s7, s2  }
0x1e: {  	s7 =	smul.u32 @!p0 $0xF7A, s2;
	p2 =	seq.s32 @!p0 s5, $0x0  }
0x1f: {  	s9 =	smul.u32 $0xF7A, s1;
	s8 =	simm.s32 @!p0 $0x1BF5;
	p2 =	por !p2, p0  }
0x20: {  	[sflag:s8] =	ssyncset.s32 @!p0 $0xFFFFF086;
	s6 =	sadd.s32 @!p0 s3, s7;
	s7 =	simm.s32 @!p0 $0x108  }
0x21: {  	s3 =	sadd.s32 s3, s9;
	s6 =	sadd.s32 @!p0 $0x88, s6;
	s7 =	simm.s32 @p2 $0x1082  }
0x22: {  	[simem:s7], [sflag:s8] =	dma.local @!p0 [hbm:s6], $0xF7A  }
0x23: {  	s9 =	sor.u32 $0xD0000000, s2;
	s6 =	simm.s32 $0x108;
	_ =	swait.ge @!p0 [sflag:s8], $0x0  }
0x24: {  	s3 =	sadd.s32 $0x88, s3;
	s6 =	simm.s32 @!p1 $0x1082;
	[sflag:s4] =	ssyncset.s32 $0xFFFFF086  }
0x25: {  	[simem:s6], [sflag:s4] =	dma.local [hbm:s3], $0xF7A  }
0x26: {  	[smem:$0x3F8F] =	sst s1;
	(tag) =	ssettag s2;
	_ =	strace s9  }
0x27: {  	s1 =	sld [smem:$0x3F9F]  }
0x28: {  	s2 =	sld [smem:$0x3FA0]  }
0x29: {  	s4 =	sld [smem:$0x3FA2]  }
0x2a: {  	p0 =	seq.s32 s5, $0x0;
	s5 =	sld [smem:$0x3FA3]  }
0x2b: {  	s6 =	sld [smem:$0x3FA4]  }
0x2c: {  	s7 =	sld [smem:$0x3FA5]  }
0x2d: {  	s3 =	simm.s32 $0x108;
	s8 =	sld [smem:$0x3FA6]  }
0x2e: {  	s3 =	simm.s32 @!p0 $0x1082;
	s9 =	sld [smem:$0x3FA7]  }
0x2f: {  	lr =	sadd.s32 s0, s3;
	s0 =	sld [smem:$0x3F9E]  }
0x30: {  	s3 =	sld [smem:$0x3FA1]  }
0x31: {  	[smem:$0x3FAA] =	sst s10  }
0x32: {  	s10 =	sld [smem:$0x3FA8];
	_ =	sdelay $0x3  }
0x33: {  	p0 =	seq.s32 s10, $0x1;
	s10 =	sld [smem:$0x3FAA];
	_ =	sdelay $0x3  }
0x34: {  	[smem:$0x3FAA] =	sst s10  }
0x35: {  	s10 =	sld [smem:$0x3FA9];
	_ =	sdelay $0x3  }
0x36: {  	p1 =	seq.s32 s10, $0x1;
	s10 =	sld [smem:$0x3FAA];
	_ =	sdelay $0x3  }
0x37: {  	[smem:$0x3FAA] =	sst s10  }
0x38: {  	s10 =	sld [smem:$0x3FAB]  }
0x39: {  	_ = 	snop;
	(pc) =	sbr.ind lr, $3  }
0x3a: {  	_ = 	snop  }
0x3b: {  	_ = 	snop  }
0x3c: {  	p2 =	seq.s32 s10, $0x1;
	s10 =	sld [smem:$0x3FAA]  }
0x3d: {  	_ =	shalt  }
0x3e: {  	_ =	shalt  }
0x3f: {  	_ =	shalt  }
0x40: {  	_ =	shalt  }
0x41: {  	_ =	shalt  }
0x42: {  	_ =	shalt  }
0x43: {  	_ =	shalt  }
0x44: {  	_ =	shalt  }
0x45: {  	_ =	shalt  }
0x46: {  	_ =	shalt  }
0x47: {  	_ =	shalt  }
0x48: {  	_ =	shalt  }
0x49: {  	_ =	shalt  }
0x4a: {  	_ =	shalt  }
0x4b: {  	_ =	shalt  }
0x4c: {  	_ =	shalt  }
0x4d: {  	_ =	shalt  }
0x4e: {  	_ =	shalt  }
0x4f: {  	_ =	shalt  }
0x50: {  	_ =	shalt  }
0x51: {  	_ =	shalt  }
0x52: {  	_ =	shalt  }
0x53: {  	_ =	shalt  }
0x54: {  	_ =	shalt  }
0x55: {  	_ =	shalt  }
0x56: {  	_ =	shalt  }
0x57: {  	_ =	shalt  }
0x58: {  	_ =	shalt  }
0x59: {  	_ =	shalt  }
0x5a: {  	_ =	shalt  }
0x5b: {  	_ =	shalt  }
0x5c: {  	_ =	shalt  }
0x5d: {  	_ =	shalt  }
0x5e: {  	_ =	shalt  }
0x5f: {  	_ =	shalt  }
0x60: {  	_ =	shalt  }
0x61: {  	_ =	shalt  }
0x62: {  	_ =	shalt  }
0x63: {  	_ =	shalt  }
0x64: {  	_ =	shalt  }
0x65: {  	_ =	shalt  }
0x66: {  	_ =	shalt  }
0x67: {  	_ =	shalt  }
0x68: {  	_ =	shalt  }
0x69: {  	_ =	shalt  }
0x6a: {  	_ =	shalt  }
0x6b: {  	_ =	shalt  }
0x6c: {  	_ =	shalt  }
0x6d: {  	_ =	shalt  }
0x6e: {  	_ =	shalt  }
0x6f: {  	_ =	shalt  }
0x70: {  	_ =	shalt  }
0x71: {  	_ =	shalt  }
0x72: {  	_ =	shalt  }
0x73: {  	_ =	shalt  }
0x74: {  	_ =	shalt  }
0x75: {  	_ =	shalt  }
0x76: {  	_ =	shalt  }
0x77: {  	_ =	shalt  }
0x78: {  	_ =	shalt  }
0x79: {  	_ =	shalt  }
0x7a: {  	_ =	shalt  }
0x7b: {  	_ =	shalt  }
0x7c: {  	_ =	shalt  }
0x7d: {  	_ =	shalt  }
0x7e: {  	_ =	shalt  }
0x7f: {  	_ =	shalt  }
0x80: {  	_ =	shalt  }
0x81: {  	_ =	shalt  }
0x82: {  	_ =	shalt  }
0x83: {  	_ =	shalt  }
0x84: {  	_ =	shalt  }
0x85: {  	_ =	shalt  }
0x86: {  	_ =	shalt  }
0x87: {  	_ =	shalt  }
.Lfunc_end0:
.L_simem_size_0:
called_computation.1_lowered:
.L_overlay_start_0:
0x88: {  	s2 =	sld [smem:$0x3FD9]  }
0x89: {  	s3 =	sld [smem:$0x3FFE];
	_ =	sdelay $0x1  }
0x8a: {  	s1 =	srdreg.scid  }
0x8b: {  	s0 =	sand.u32 $0x1, s1  }
0x8c: {  	s16 =	sshll.u32 s0, $0xA;
	s2 =	sadd.s32 s3, s2  }
0x8d: {  	s2 =	sadd.s32 s2, s16  }
0x8e: {  	[smem:$0x3FB6] =	sst s2  }
0x8f: {  	_ = 	snop  }
0x90: {  	(tm) =	ssettm $0x1  }
0x91: {  	s17 =	sld [smem:$0x3FFB];
	_ =	sdelay $0x3  }
0x92: {  	_ =	strace s17  }
0x93: {  	s2 =	sld [smem:$0x3FFC];
	_ =	sdelay $0x3  }
0x94: {  	_ =	strace s2  }
0x95: {  	s2 =	sld [smem:$0x3FFD];
	_ =	sdelay $0x3  }
0x96: {  	_ =	strace s2  }
0x97: {  	_ =	strace $0x8FFFFFFF  }
0x98: {  	s18 =	sld [smem:$0x3FDB];
	_ =	sdelay $0x1  }
0x99: {  	s19 =	simm.s32 $_scs_section_size  }
0x9a: {  	s4 =	simm.s32 $_size__tile_overlayer_lowered;
	s5 =	simm.s32 $_tile_overlayer_lowered  }
0x9b: {  	s22 =	simm.s32 $0x1BFF;
	s21 =	sshll.u32 s5, $0x1;
	s2 =	sadd.s32 s19, s18  }
0x9c: {  	s6 =	simm.s32 $0x0;
	s20 =	sshll.u32 s4, $0x1;
	s4 =	sadd.s32 s21, s2  }
0x9d: {  	[timem:s6], [sflag:s22] =	dma.local [hbm:s4], s20  }
0x9e: {  	_ =	swait.ge [sflag:s22], s20  }
0x9f: {  	s3 =	ssub.s32 $0x0, s20;
	[sflag:s22] =	ssyncset.done $0x0  }
0xa0: {  	[sflag:s22] =	ssyncadd.s32 s3;
	_ =	sdelay $0x1  }
0xa1: {  	s23 =	simm.s32 $0x1B8B  }
0xa2: {  	_ =	swait.ge [sflag:s23], $0x1  }
0xa3: {  	[sflag:s23] =	ssyncset.done $0x0  }
0xa4: {  	s25 =	simm.s32 $0x1B8E;
	s24 =	sld [smem:$0x3FFE];
	[sflag:s23] =	ssyncadd.s32 $0xFFFFFFFF  }
0xa5: {  	s26 =	simm.s32 $execute0_lowered;
	[smem:$0x3FD2] =	sst s25  }
0xa6: {  	s4 =	sshll.u32 s26, $0x1;
	_ =	strace $0x80000049;
	[dreg:$0x1] =	wrdreg $0xFFFFFFFF  }
0xa7: {  	s28 =	simm.s32 $_size_execute0_lowered;
	s2 =	sadd.s32 s2, s4;
	[dreg:$0x0] =	wrdreg $0x0  }
0xa8: {  	s4 =	sshll.u32 s28, $0x1;
	[dreg:$0x2] =	wrdreg s2  }
0xa9: {  	[dreg:$0x3] =	wrdreg s4  }
0xaa: {  	[dreg:$0x4] =	wrdreg $0xC0  }
0xab: {  	_ =	task [dreg:s6], $0x5FFFF  }
0xac: {  	[dreg:$0x1] =	wrdreg $0xFFFFFFFF  }
0xad: {  	[dreg:$0x0] =	wrdreg $0x60  }
0xae: {  	[dreg:$0x2] =	wrdreg s24  }
0xaf: {  	[dreg:$0x3] =	wrdreg $0xCF000  }
0xb0: {  	[dreg:$0x4] =	wrdreg $0x9  }
0xb1: {  	_ =	task.clear_ibuf [dreg:s6], $0x5FFFF;
	_ =	strace $0x90000049  }
0xb2: {  	s29 =	simm.s32 $0x9;
	_ =	strace $0x8000004B  }
0xb3: {  	_ =	swait.ge [sflag:s29], $0x1  }
0xb4: {  	[sflag:s29] =	ssyncadd.s32 $0xFFFFFFFF  }
0xb5: {  	_ =	strace $0x9000004B  }
0xb6: {  	_ =	sfence  }
0xb7: {  	s30 =	sld [smem:$0x0];
	_ =	sdelay $0x2  }
0xb8: {  	s31 =	sshll.u32 s1, $0xD;
	s1 =	sshrl.u32 s1, $0x2  }
0xb9: {  	s3 =	sand.u32 $0x4000, s31;
	s1 =	sadd.s32 s1, s30  }
0xba: {  	s0 =	sor.u32 s3, s0;
	s1 =	sshll.u32 s1, $0x11  }
0xbb: {  	s0 =	sor.u32 s1, s0  }
0xbc: {  	s0 =	sadd.s32 $0x8F2B, s0  }
0xbd: {  	[sflag:s0] =	ssyncadd.remote.s32 $0x1  }
0xbe: {  	_ =	sfence.sel $0xFFFF  }
0xbf: {  	[dreg:$0x0] =	wrdreg $0xFFFFFFFF;
	(pc) =	sbr.abs _section_cstart, $3  }
0xc0: {  	[dreg:$0x1] =	wrdreg $0xFFFFFFFF  }
0xc1: {  	_ =	task.clear_ibuf [dreg:s6], $0x2FFFF;
	_ =	strace $0x9FFFFFFF  }
0xc2: {  	(tm) =	ssettm $0x7FFFFFFF  }
0xc3: {  	_ =	shalt  }
tec
execute0_lowered:
.L_overlay_start_1:
0x0: {  	(tag) =	ssettag $0x1  }
0x1: {  	s0 =	rddreg [dreg:$0x0];
	s1 =	srdreg.scid  }
0x2: {  	s2 =	rddreg [dreg:$0x1];
	s9 =	stileid.u32  }
0x3: {  	s3 =	simm.s32 $0x0;
	s13 =	simm.s32 $0x5;
	s15 =	simm.s32 $0x80  }
0x4: {  	s16 =	simm.s32 $0x4F00;
	s17 =	simm.s32 $0x6F00;
	s18 =	simm.s32 $0x100  }
0x5: {  	s19 =	simm.s32 $0x8F00;
	s20 =	simm.s32 $0xAF00;
	s21 =	simm.s32 $0x1  }
0x6: {  	s22 =	simm.s32 $0x2;
	s23 =	simm.s32 $0x3;
	s24 =	simm.s32 $0x4  }
0x7: {  	s28 =	simm.s32 $0x4E80;
	s29 =	simm.s32 $0x10;
	s30 =	simm.s32 $0x8  }
0x8: {  	s31 =	simm.s32 $0x0;
	s1 =	sand.u32 $0x1, s1;
	s6 =	smul.u32 $0x14000, s9  }
0x9: {  	s4 =	sshll.u32 s9, $0x1;
	[smem:$0x7FF] =	sst s3;
	s8 =	smul.u32 $0x28000, s9  }
0xa: {  	s9 =	sshll.u32 s9, $0x6;
	s5 =	smul.u32 $0x140000, s1;
	s4 =	sor.u32 s1, s4  }
0xb: {  	_ =	strace $0x8000004A;
	s1 =	ssub.s32 $0x2, s1;
	s7 =	smul.u32 $0x4F0, s4  }
0xc: {  	s4 =	sadd.s32 $0x18400, s0;
	s25 =	sshrl.u32 s1, $0x1;
	s8 =	sshrl.u32 s8, $0x2  }
0xd: {  	s5 =	sadd.s32 s6, s5;
	s1 =	ssub.s32 s1, s25;
	s12 =	sadd.s32 s8, s2  }
0xe: {  	s25 =	simm.s32 $0x4D80;
	s7 =	sadd.s32 s7, s0;
	s6 =	sshrl.u32 s5, $0x3  }
0xf: {  	s5 =	sadd.s32 $0x3F600, s0;
	s11 =	smax.u32 s1, $0x1;
	s26 =	sadd.s32 $0x4800, s7  }
0x10: {  	s12 =	sshrl.u32 s12, $0x3;
	s7 =	sadd.s32 $0xE600, s7;
	[dreg:$0x3] =	wrdreg s26  }
0x11: {  	s0 =	sadd.s32 s6, s0;
	s6 =	sor.u32 $0x1C05, s9;
	[dreg:$0x4] =	wrdreg s7  }
0x12: {  	s9 =	sadd.s32 $0x40A00, s0;
	s10 =	sadd.s32 $0x40A08, s0;
	s26 =	simm.s32 $0x4E00  }
.LBB2_1:
0x13: {  	[spmem:s12], [sflag:s6] =	dma.local [hbm:s5], $0x1400  }
0x14: {  	_ =	swait.ge [sflag:s13], $0x1400  }
0x15: {  	[sflag:s13] =	ssyncset.done $0x0  }
0x16: {  	s0 =	rddreg [dreg:$0x3];
	[sflag:s13] =	ssyncadd.s32 $0xFFFFEC00  }
0x17: {  	[tilespmem:s3], [sflag:$0x5] =	stream.linear.gather [hbm4b:s0+s3], $0x2780, $0x38;
	[tilespmem:$0x16F00] =	vst v63  }
0x18: {  	_ =	swait.ge [sflag:s13], $0x2780  }
0x19: {  	[sflag:s13] =	ssyncset.done $0x0  }
0x1a: {  	s1 =	simm.s32 $0x2780;
	s14 =	rddreg [dreg:$0x4];
	[sflag:s13] =	ssyncadd.s32 $0xFFFFD880  }
0x1b: {  	[tilespmem:s1], [sflag:$0x5] =	stream.linear.gather [hbm4b:s14+s3], $0x2780, $0x38;
	[tilespmem:$0x16F00] =	vst v63  }
0x1c: {  	_ =	swait.ge [sflag:s13], $0x2780  }
0x1d: {  	[sflag:s13] =	ssyncset.done $0x0  }
0x1e: {  	[sflag:s13] =	ssyncadd.s32 $0xFFFFD880  }
0x1f: {  	[bflag:$0x0] =	sbarrier.arrive $0xFFFF  }
0x20: {  	[tilespmem:s16], [sflag:$0x1] =	stream.indirect.gather [hbm4b:s4+s15], $0x40, s3, s15, $0xb8;
	[tilespmem:$0x16F00] =	vst v63  }
0x21: {  	_ = 	snop  }
0x22: {  	[tilespmem:s17], [sflag:$0x2] =	stream.indirect.gather [hbm4b:s4+s15], $0x40, s15, s15, $0xb8;
	[tilespmem:$0x16F00] =	vst v63  }
0x23: {  	_ = 	snop  }
0x24: {  	[tilespmem:s19], [sflag:$0x3] =	stream.indirect.gather [hbm4b:s4+s15], $0x40, s18, s15, $0xb8;
	[tilespmem:$0x16F00] =	vst v63  }
0x25: {  	s1 =	simm.s32 $0x180  }
0x26: {  	[tilespmem:s20], [sflag:$0x4] =	stream.indirect.gather [hbm4b:s4+s15], $0x40, s1, s15, $0xb8;
	[tilespmem:$0x16F00] =	vst v63  }
0x27: {  	_ =	swait.ge [sflag:s21], $0x2000  }
0x28: {  	[sflag:s21] =	ssyncset.done $0x0  }
0x29: {  	s7 =	simm.s32 $0x2780;
	[sflag:s21] =	ssyncadd.s32 $0xFFFFE000  }
0x2a: {  	[spmem:s2] =	stream.indirect.scatter.add.f32 [tilespmem:s16], [sflag:$0x5], $0x40, s7, s15, $0xb8;
	[tilespmem:$0x16F00] =	vst v63  }
0x2b: {  	_ =	swait.ge [sflag:s13], $0x2000  }
0x2c: {  	[sflag:s13] =	ssyncset.done $0x0  }
0x2d: {  	s8 =	simm.s32 $0x200;
	[sflag:s13] =	ssyncadd.s32 $0xFFFFE000  }
0x2e: {  	[tilespmem:s16], [sflag:$0x1] =	stream.indirect.gather [hbm4b:s4+s15], $0x40, s8, s15, $0xb8;
	[tilespmem:$0x16F00] =	vst v63  }
0x2f: {  	_ =	swait.ge [sflag:s22], $0x2000  }
0x30: {  	[sflag:s22] =	ssyncset.done $0x0  }
0x31: {  	s14 =	simm.s32 $0x2800;
	[sflag:s22] =	ssyncadd.s32 $0xFFFFE000  }
0x32: {  	[spmem:s2] =	stream.indirect.scatter.add.f32 [tilespmem:s17], [sflag:$0x5], $0x40, s14, s15, $0xb8;
	[tilespmem:$0x16F00] =	vst v63  }
0x33: {  	_ =	swait.ge [sflag:s13], $0x2000  }
0x34: {  	[sflag:s13] =	ssyncset.done $0x0  }
0x35: {  	s1 =	simm.s32 $0x280;
	[sflag:s13] =	ssyncadd.s32 $0xFFFFE000  }
0x36: {  	[tilespmem:s17], [sflag:$0x2] =	stream.indirect.gather [hbm4b:s4+s15], $0x40, s1, s15, $0xb8;
	[tilespmem:$0x16F00] =	vst v63  }
0x37: {  	_ =	swait.ge [sflag:s23], $0x2000  }
0x38: {  	[sflag:s23] =	ssyncset.done $0x0  }
0x39: {  	s7 =	simm.s32 $0x2880;
	[sflag:s23] =	ssyncadd.s32 $0xFFFFE000  }
0x3a: {  	[spmem:s2] =	stream.indirect.scatter.add.f32 [tilespmem:s19], [sflag:$0x5], $0x40, s7, s15, $0xb8;
	[tilespmem:$0x16F00] =	vst v63  }
0x3b: {  	_ =	swait.ge [sflag:s13], $0x2000  }
0x3c: {  	[sflag:s13] =	ssyncset.done $0x0  }
0x3d: {  	s8 =	simm.s32 $0x300;
	[sflag:s13] =	ssyncadd.s32 $0xFFFFE000  }
0x3e: {  	[tilespmem:s19], [sflag:$0x3] =	stream.indirect.gather [hbm4b:s4+s15], $0x40, s8, s15, $0xb8;
	[tilespmem:$0x16F00] =	vst v63  }
0x3f: {  	_ =	swait.ge [sflag:s24], $0x2000  }
0x40: {  	[sflag:s24] =	ssyncset.done $0x0  }
0x41: {  	s14 =	simm.s32 $0x2900;
	[sflag:s24] =	ssyncadd.s32 $0xFFFFE000  }
0x42: {  	[spmem:s2] =	stream.indirect.scatter.add.f32 [tilespmem:s20], [sflag:$0x5], $0x40, s14, s15, $0xb8;
	[tilespmem:$0x16F00] =	vst v63  }
0x43: {  	_ =	swait.ge [sflag:s13], $0x2000  }
0x44: {  	s0 =	simm.s32 $0x200;
	s1 =	simm.s32 $0x1000;
	[sflag:s13] =	ssyncset.done $0x0  }
.LBB2_2:
0x45: {  	s8 =	sadd.s32 $0x180, s0  }
0x46: {  	[sflag:s13] =	ssyncadd.s32 $0xFFFFE000;
	s14 =	smov.u32 s1;
	s7 =	sadd.s32 $0x800, s1  }
0x47: {  	[tilespmem:s20], [sflag:$0x4] =	stream.indirect.gather [hbm4b:s4+s15], $0x40, s8, s15, $0xb8;
	[tilespmem:$0x16F00] =	vst v63  }
0x48: {  	p0 =	sne.s32 s1, $0x9000;
	_ =	swait.ge [sflag:s21], $0x2000  }
0x49: {  	[sflag:s21] =	ssyncset.done $0x0  }
0x4a: {  	s1 =	sadd.s32 $0x2780, s0;
	[sflag:s21] =	ssyncadd.s32 $0xFFFFE000  }
0x4b: {  	[spmem:s2] =	stream.indirect.scatter.add.f32 [tilespmem:s16], [sflag:$0x5], $0x40, s1, s15, $0xb8;
	[tilespmem:$0x16F00] =	vst v63  }
0x4c: {  	_ =	swait.ge [sflag:s13], $0x2000  }
0x4d: {  	[sflag:s13] =	ssyncset.done $0x0  }
0x4e: {  	s1 =	sadd.s32 $0x200, s0;
	[sflag:s13] =	ssyncadd.s32 $0xFFFFE000  }
0x4f: {  	[tilespmem:s16], [sflag:$0x1] =	stream.indirect.gather [hbm4b:s4+s15], $0x40, s1, s15, $0xb8;
	[tilespmem:$0x16F00] =	vst v63  }
0x50: {  	_ =	swait.ge [sflag:s22], $0x2000  }
0x51: {  	[sflag:s22] =	ssyncset.done $0x0  }
0x52: {  	s1 =	sadd.s32 $0x2800, s0;
	[sflag:s22] =	ssyncadd.s32 $0xFFFFE000  }
0x53: {  	[spmem:s2] =	stream.indirect.scatter.add.f32 [tilespmem:s17], [sflag:$0x5], $0x40, s1, s15, $0xb8;
	[tilespmem:$0x16F00] =	vst v63  }
0x54: {  	_ =	swait.ge [sflag:s13], $0x2000  }
0x55: {  	[sflag:s13] =	ssyncset.done $0x0  }
0x56: {  	s1 =	sadd.s32 $0x280, s0;
	[sflag:s13] =	ssyncadd.s32 $0xFFFFE000  }
0x57: {  	[tilespmem:s17], [sflag:$0x2] =	stream.indirect.gather [hbm4b:s4+s15], $0x40, s1, s15, $0xb8;
	[tilespmem:$0x16F00] =	vst v63  }
0x58: {  	_ =	swait.ge [sflag:s23], $0x2000  }
0x59: {  	[sflag:s23] =	ssyncset.done $0x0  }
0x5a: {  	s1 =	sadd.s32 $0x2880, s0;
	[sflag:s23] =	ssyncadd.s32 $0xFFFFE000  }
0x5b: {  	[spmem:s2] =	stream.indirect.scatter.add.f32 [tilespmem:s19], [sflag:$0x5], $0x40, s1, s15, $0xb8;
	[tilespmem:$0x16F00] =	vst v63  }
0x5c: {  	_ =	swait.ge [sflag:s13], $0x2000  }
0x5d: {  	[sflag:s13] =	ssyncset.done $0x0  }
0x5e: {  	s1 =	sadd.s32 $0x300, s0;
	[sflag:s13] =	ssyncadd.s32 $0xFFFFE000  }
0x5f: {  	[tilespmem:s19], [sflag:$0x3] =	stream.indirect.gather [hbm4b:s4+s15], $0x40, s1, s15, $0xb8;
	[tilespmem:$0x16F00] =	vst v63  }
0x60: {  	_ =	swait.ge [sflag:s24], $0x2000  }
.Ltmp0:
0x61: {  	[sflag:s24] =	ssyncset.done $0x0;
	(pc) =	sbr.rel @p0 .LBB2_2-.Ltmp0, $4  }
0x62: {  	s0 =	sadd.s32 $0x2900, s0;
	[sflag:s24] =	ssyncadd.s32 $0xFFFFE000  }
0x63: {  	[spmem:s2] =	stream.indirect.scatter.add.f32 [tilespmem:s20], [sflag:$0x5], $0x40, s0, s15, $0xb8;
	[tilespmem:$0x16F00] =	vst v63  }
0x64: {  	_ =	swait.ge [sflag:s13], $0x2000  }
0x65: {  	s1 =	smov.u32 s7;
	s0 =	sshra.s32 s14, $0x2;
	[sflag:s13] =	ssyncset.done $0x0  }
0x66: {  	s1 =	sadd.s32 $0x180, s0;
	[sflag:s13] =	ssyncadd.s32 $0xFFFFE000  }
0x67: {  	[tilespmem:s20], [sflag:$0x4] =	stream.indirect.gather [hbm4b:s4+s15], $0x40, s1, s15, $0xb8;
	[tilespmem:$0x16F00] =	vst v63  }
0x68: {  	_ =	swait.ge [sflag:s21], $0x2000  }
0x69: {  	[sflag:s21] =	ssyncset.done $0x0  }
0x6a: {  	s14 =	sadd.s32 $0x2780, s0;
	[sflag:s21] =	ssyncadd.s32 $0xFFFFE000  }
0x6b: {  	[spmem:s2] =	stream.indirect.scatter.add.f32 [tilespmem:s16], [sflag:$0x5], $0x40, s14, s15, $0xb8;
	[tilespmem:$0x16F00] =	vst v63  }
0x6c: {  	_ =	swait.ge [sflag:s13], $0x2000  }
0x6d: {  	[sflag:s13] =	ssyncset.done $0x0  }
0x6e: {  	s7 =	sadd.s32 $0x200, s0;
	[sflag:s13] =	ssyncadd.s32 $0xFFFFE000  }
0x6f: {  	[tilespmem:s16], [sflag:$0x1] =	stream.indirect.gather [hbm4b:s4+s15], $0x40, s7, s15, $0xb8;
	[tilespmem:$0x16F00] =	vst v63  }
0x70: {  	_ =	swait.ge [sflag:s22], $0x2000  }
0x71: {  	[sflag:s22] =	ssyncset.done $0x0  }
0x72: {  	s8 =	sadd.s32 $0x2800, s0;
	[sflag:s22] =	ssyncadd.s32 $0xFFFFE000  }
0x73: {  	[spmem:s2] =	stream.indirect.scatter.add.f32 [tilespmem:s17], [sflag:$0x5], $0x40, s8, s15, $0xb8;
	[tilespmem:$0x16F00] =	vst v63  }
0x74: {  	_ =	swait.ge [sflag:s13], $0x2000  }
0x75: {  	[sflag:s13] =	ssyncset.done $0x0  }
0x76: {  	s14 =	sadd.s32 $0x280, s0;
	[sflag:s13] =	ssyncadd.s32 $0xFFFFE000  }
0x77: {  	[tilespmem:s17], [sflag:$0x2] =	stream.indirect.gather [hbm4b:s4+s15], $0x40, s14, s15, $0xb8;
	[tilespmem:$0x16F00] =	vst v63  }
0x78: {  	_ =	swait.ge [sflag:s23], $0x2000  }
0x79: {  	[sflag:s23] =	ssyncset.done $0x0  }
0x7a: {  	s7 =	sadd.s32 $0x2880, s0;
	[sflag:s23] =	ssyncadd.s32 $0xFFFFE000  }
0x7b: {  	[spmem:s2] =	stream.indirect.scatter.add.f32 [tilespmem:s19], [sflag:$0x5], $0x40, s7, s15, $0xb8;
	[tilespmem:$0x16F00] =	vst v63  }
0x7c: {  	_ =	swait.ge [sflag:s13], $0x2000  }
0x7d: {  	[sflag:s13] =	ssyncset.done $0x0  }
0x7e: {  	s8 =	sadd.s32 $0x300, s0;
	[sflag:s13] =	ssyncadd.s32 $0xFFFFE000  }
0x7f: {  	[tilespmem:s19], [sflag:$0x3] =	stream.indirect.gather [hbm4b:s4+s15], $0x40, s8, s15, $0xb8;
	[tilespmem:$0x16F00] =	vst v63  }
0x80: {  	_ =	swait.ge [sflag:s24], $0x2000  }
0x81: {  	[sflag:s24] =	ssyncset.done $0x0  }
0x82: {  	s14 =	sadd.s32 $0x2900, s0;
	[sflag:s24] =	ssyncadd.s32 $0xFFFFE000  }
0x83: {  	[spmem:s2] =	stream.indirect.scatter.add.f32 [tilespmem:s20], [sflag:$0x5], $0x40, s14, s15, $0xb8;
	[tilespmem:$0x16F00] =	vst v63  }
0x84: {  	_ =	swait.ge [sflag:s13], $0x2000  }
0x85: {  	[sflag:s13] =	ssyncset.done $0x0  }
0x86: {  	[sflag:s13] =	ssyncadd.s32 $0xFFFFE000  }
0x87: {  	_ =	swait.ge [sflag:s21], $0x2000  }
0x88: {  	[sflag:s21] =	ssyncset.done $0x0  }
0x89: {  	[sflag:s21] =	ssyncadd.s32 $0xFFFFE000  }
0x8a: {  	[spmem:s2] =	stream.indirect.scatter.add.f32 [tilespmem:s16], [sflag:$0x5], $0x40, s25, s15, $0xb8;
	[tilespmem:$0x16F00] =	vst v63  }
0x8b: {  	_ =	swait.ge [sflag:s13], $0x2000  }
0x8c: {  	[sflag:s13] =	ssyncset.done $0x0  }
0x8d: {  	[sflag:s13] =	ssyncadd.s32 $0xFFFFE000  }
0x8e: {  	_ =	swait.ge [sflag:s22], $0x2000  }
0x8f: {  	[sflag:s22] =	ssyncset.done $0x0  }
0x90: {  	[sflag:s22] =	ssyncadd.s32 $0xFFFFE000  }
0x91: {  	[spmem:s2] =	stream.indirect.scatter.add.f32 [tilespmem:s17], [sflag:$0x5], $0x40, s26, s15, $0xb8;
	[tilespmem:$0x16F00] =	vst v63  }
0x92: {  	_ =	swait.ge [sflag:s13], $0x2000  }
0x93: {  	[sflag:s13] =	ssyncset.done $0x0  }
0x94: {  	[sflag:s13] =	ssyncadd.s32 $0xFFFFE000  }
0x95: {  	_ =	swait.ge [sflag:s23], $0x2000  }
0x96: {  	[sflag:s23] =	ssyncset.done $0x0  }
0x97: {  	[sflag:s23] =	ssyncadd.s32 $0xFFFFE000  }
0x98: {  	[spmem:s2] =	stream.indirect.scatter.add.f32 [tilespmem:s19], [sflag:$0x5], $0x40, s28, s15, $0xb8;
	[tilespmem:$0x16F00] =	vst v63  }
0x99: {  	_ =	swait.ge [sflag:s13], $0x2000  }
0x9a: {  	[sflag:s13] =	ssyncset.done $0x0  }
0x9b: {  	[sflag:s13] =	ssyncadd.s32 $0xFFFFE000  }
0x9c: {  	[bflag:$0x0] =	sbarrier.arrive $0xFFFF  }
0x9d: {  	[hbm:s9@s29], [sflag:s6] =	dma.strided [spmem:s12@s30], $0x1400, s21, $0x8   }
0x9e: {  	_ =	swait.ge [sflag:s13], $0x1400  }
0x9f: {  	[sflag:s13] =	ssyncset.done $0x0  }
0xa0: {  	[sflag:s13] =	ssyncadd.s32 $0xFFFFEC00  }
0xa1: {  	[spmem:s12], [sflag:s6] =	dma.local [hbm:s5], $0x1400  }
0xa2: {  	_ =	swait.ge [sflag:s13], $0x1400  }
0xa3: {  	[sflag:s13] =	ssyncset.done $0x0  }
0xa4: {  	s0 =	simm.s32 $0x0;
	[sflag:s13] =	ssyncadd.s32 $0xFFFFEC00  }
0xa5: {  	v2 =	vld [tilespmem:s0+$0x0]  }
0xa6: {  	v4 =	vld [tilespmem:s0+$0x10]  }
0xa7: {  	v3 =	vld [tilespmem:s0+$0x20]  }
0xa8: {  	v1 =	vld [tilespmem:s0+$0x30]  }
0xa9: {  	v0 =	vld [tilespmem:s0+$0x40]  }
0xaa: {  	v5 =	vadd.s32 $0x1, v2;
	v2 =	vld [tilespmem:s0+$0x50]  }
0xab: {  	s1 =	simm.s32 $0x200;
	[tilespmem:s0+$0x0] =	vst v5;
	v5 =	vadd.s32 $0x1, v4;
	v4 =	vld [tilespmem:s0+$0x60]  }
.LBB2_4:
0xac: {  	s7 =	sshra.s32 s1, $0x2;
	p0 =	sne.s32 s1, $0x9C00;
	[tilespmem:s0+$0x10] =	vst v5;
	v3 =	vadd.s32 $0x1, v3;
	v5 =	vld [tilespmem:s0+$0x70]  }
0xad: {  	v6 =	vld [tilespmem:s7+$0x0];
	[tilespmem:s0+$0x20] =	vst v3;
	v1 =	vadd.s32 $0x1, v1  }
0xae: {  	v7 =	vld [tilespmem:s7+$0x10];
	[tilespmem:s0+$0x30] =	vst v1;
	v0 =	vadd.s32 $0x1, v0  }
.Ltmp1:
0xaf: {  	v3 =	vld [tilespmem:s7+$0x20];
	[tilespmem:s0+$0x40] =	vst v0;
	v0 =	vadd.s32 $0x1, v2;
	(pc) =	sbr.rel @p0 .LBB2_4-.Ltmp1, $4  }
0xb0: {  	v1 =	vld [tilespmem:s7+$0x30];
	[tilespmem:s0+$0x50] =	vst v0;
	v2 =	vadd.s32 $0x1, v4  }
0xb1: {  	v0 =	vld [tilespmem:s7+$0x40];
	[tilespmem:s0+$0x60] =	vst v2;
	v4 =	vadd.s32 $0x1, v5  }
0xb2: {  	v5 =	vadd.s32 $0x1, v6;
	v2 =	vld [tilespmem:s7+$0x50];
	[tilespmem:s0+$0x70] =	vst v4;
	s0 =	smov.u32 s7  }
0xb3: {  	s1 =	sadd.s32 $0x200, s1;
	[tilespmem:s0+$0x0] =	vst v5;
	v5 =	vadd.s32 $0x1, v7;
	v4 =	vld [tilespmem:s0+$0x60]  }
0xb4: {  	[tilespmem:s0+$0x10] =	vst v5;
	v3 =	vadd.s32 $0x1, v3;
	v60 =	vld [tilespmem:s0+$0x70]  }
0xb5: {  	[tilespmem:s0+$0x20] =	vst v3;
	v1 =	vadd.s32 $0x1, v1  }
0xb6: {  	[tilespmem:s0+$0x30] =	vst v1;
	v0 =	vadd.s32 $0x1, v0  }
0xb7: {  	[tilespmem:s0+$0x40] =	vst v0;
	v61 =	vadd.s32 $0x1, v2  }
0xb8: {  	[tilespmem:s0+$0x50] =	vst v61;
	v62 =	vadd.s32 $0x1, v4  }
0xb9: {  	[tilespmem:s0+$0x60] =	vst v62;
	v63 =	vadd.s32 $0x1, v60  }
0xba: {  	[tilespmem:s0+$0x70] =	vst v63  }
0xbb: {  	s14 =	simm.s32 $0x0;
	[bflag:$0x0] =	sbarrier.arrive $0xFFFF  }
0xbc: {  	[tilespmem:s16], [sflag:$0x1] =	stream.indirect.gather [hbm4b:s4+s15], $0x40, s14, s15, $0xb8;
	[tilespmem:$0x16F00] =	vst v63  }
0xbd: {  	_ = 	snop  }
0xbe: {  	[tilespmem:s17], [sflag:$0x2] =	stream.indirect.gather [hbm4b:s4+s15], $0x40, s15, s15, $0xb8;
	[tilespmem:$0x16F00] =	vst v63  }
0xbf: {  	_ = 	snop  }
0xc0: {  	[tilespmem:s19], [sflag:$0x3] =	stream.indirect.gather [hbm4b:s4+s15], $0x40, s18, s15, $0xb8;
	[tilespmem:$0x16F00] =	vst v63  }
0xc1: {  	s1 =	simm.s32 $0x180  }
0xc2: {  	[tilespmem:s20], [sflag:$0x4] =	stream.indirect.gather [hbm4b:s4+s15], $0x40, s1, s15, $0xb8;
	[tilespmem:$0x16F00] =	vst v63  }
0xc3: {  	_ =	swait.ge [sflag:s21], $0x2000  }
0xc4: {  	[sflag:s21] =	ssyncset.done $0x0  }
0xc5: {  	s7 =	simm.s32 $0x2780;
	[sflag:s21] =	ssyncadd.s32 $0xFFFFE000  }
0xc6: {  	[spmem:s2] =	stream.indirect.scatter.add.f32 [tilespmem:s16], [sflag:$0x5], $0x40, s7, s15, $0xb8;
	[tilespmem:$0x16F00] =	vst v63  }
0xc7: {  	_ =	swait.ge [sflag:s13], $0x2000  }
0xc8: {  	[sflag:s13] =	ssyncset.done $0x0  }
0xc9: {  	s8 =	simm.s32 $0x200;
	[sflag:s13] =	ssyncadd.s32 $0xFFFFE000  }
0xca: {  	[tilespmem:s16], [sflag:$0x1] =	stream.indirect.gather [hbm4b:s4+s15], $0x40, s8, s15, $0xb8;
	[tilespmem:$0x16F00] =	vst v63  }
0xcb: {  	_ =	swait.ge [sflag:s22], $0x2000  }
0xcc: {  	[sflag:s22] =	ssyncset.done $0x0  }
0xcd: {  	s14 =	simm.s32 $0x2800;
	[sflag:s22] =	ssyncadd.s32 $0xFFFFE000  }
0xce: {  	[spmem:s2] =	stream.indirect.scatter.add.f32 [tilespmem:s17], [sflag:$0x5], $0x40, s14, s15, $0xb8;
	[tilespmem:$0x16F00] =	vst v63  }
0xcf: {  	_ =	swait.ge [sflag:s13], $0x2000  }
0xd0: {  	[sflag:s13] =	ssyncset.done $0x0  }
0xd1: {  	s1 =	simm.s32 $0x280;
	[sflag:s13] =	ssyncadd.s32 $0xFFFFE000  }
0xd2: {  	[tilespmem:s17], [sflag:$0x2] =	stream.indirect.gather [hbm4b:s4+s15], $0x40, s1, s15, $0xb8;
	[tilespmem:$0x16F00] =	vst v63  }
0xd3: {  	_ =	swait.ge [sflag:s23], $0x2000  }
0xd4: {  	[sflag:s23] =	ssyncset.done $0x0  }
0xd5: {  	s7 =	simm.s32 $0x2880;
	[sflag:s23] =	ssyncadd.s32 $0xFFFFE000  }
0xd6: {  	[spmem:s2] =	stream.indirect.scatter.add.f32 [tilespmem:s19], [sflag:$0x5], $0x40, s7, s15, $0xb8;
	[tilespmem:$0x16F00] =	vst v63  }
0xd7: {  	_ =	swait.ge [sflag:s13], $0x2000  }
0xd8: {  	[sflag:s13] =	ssyncset.done $0x0  }
0xd9: {  	s8 =	simm.s32 $0x300;
	[sflag:s13] =	ssyncadd.s32 $0xFFFFE000  }
0xda: {  	[tilespmem:s19], [sflag:$0x3] =	stream.indirect.gather [hbm4b:s4+s15], $0x40, s8, s15, $0xb8;
	[tilespmem:$0x16F00] =	vst v63  }
0xdb: {  	_ =	swait.ge [sflag:s24], $0x2000  }
0xdc: {  	[sflag:s24] =	ssyncset.done $0x0  }
0xdd: {  	s14 =	simm.s32 $0x2900;
	[sflag:s24] =	ssyncadd.s32 $0xFFFFE000  }
0xde: {  	[spmem:s2] =	stream.indirect.scatter.add.f32 [tilespmem:s20], [sflag:$0x5], $0x40, s14, s15, $0xb8;
	[tilespmem:$0x16F00] =	vst v63  }
0xdf: {  	_ =	swait.ge [sflag:s13], $0x2000  }
0xe0: {  	s0 =	simm.s32 $0x200;
	s7 =	simm.s32 $0x1000;
	[sflag:s13] =	ssyncset.done $0x0  }
.LBB2_6:
0xe1: {  	s8 =	sadd.s32 $0x180, s0  }
0xe2: {  	[sflag:s13] =	ssyncadd.s32 $0xFFFFE000;
	s14 =	smov.u32 s7;
	s1 =	sadd.s32 $0x800, s7  }
0xe3: {  	[tilespmem:s20], [sflag:$0x4] =	stream.indirect.gather [hbm4b:s4+s15], $0x40, s8, s15, $0xb8;
	[tilespmem:$0x16F00] =	vst v63  }
0xe4: {  	p0 =	sne.s32 s7, $0x9000;
	_ =	swait.ge [sflag:s21], $0x2000  }
0xe5: {  	[sflag:s21] =	ssyncset.done $0x0  }
0xe6: {  	s7 =	sadd.s32 $0x2780, s0;
	[sflag:s21] =	ssyncadd.s32 $0xFFFFE000  }
0xe7: {  	[spmem:s2] =	stream.indirect.scatter.add.f32 [tilespmem:s16], [sflag:$0x5], $0x40, s7, s15, $0xb8;
	[tilespmem:$0x16F00] =	vst v63  }
0xe8: {  	_ =	swait.ge [sflag:s13], $0x2000  }
0xe9: {  	[sflag:s13] =	ssyncset.done $0x0  }
0xea: {  	s7 =	sadd.s32 $0x200, s0;
	[sflag:s13] =	ssyncadd.s32 $0xFFFFE000  }
0xeb: {  	[tilespmem:s16], [sflag:$0x1] =	stream.indirect.gather [hbm4b:s4+s15], $0x40, s7, s15, $0xb8;
	[tilespmem:$0x16F00] =	vst v63  }
0xec: {  	_ =	swait.ge [sflag:s22], $0x2000  }
0xed: {  	[sflag:s22] =	ssyncset.done $0x0  }
0xee: {  	s7 =	sadd.s32 $0x2800, s0;
	[sflag:s22] =	ssyncadd.s32 $0xFFFFE000  }
0xef: {  	[spmem:s2] =	stream.indirect.scatter.add.f32 [tilespmem:s17], [sflag:$0x5], $0x40, s7, s15, $0xb8;
	[tilespmem:$0x16F00] =	vst v63  }
0xf0: {  	_ =	swait.ge [sflag:s13], $0x2000  }
0xf1: {  	[sflag:s13] =	ssyncset.done $0x0  }
0xf2: {  	s7 =	sadd.s32 $0x280, s0;
	[sflag:s13] =	ssyncadd.s32 $0xFFFFE000  }
0xf3: {  	[tilespmem:s17], [sflag:$0x2] =	stream.indirect.gather [hbm4b:s4+s15], $0x40, s7, s15, $0xb8;
	[tilespmem:$0x16F00] =	vst v63  }
0xf4: {  	_ =	swait.ge [sflag:s23], $0x2000  }
0xf5: {  	[sflag:s23] =	ssyncset.done $0x0  }
0xf6: {  	s7 =	sadd.s32 $0x2880, s0;
	[sflag:s23] =	ssyncadd.s32 $0xFFFFE000  }
0xf7: {  	[spmem:s2] =	stream.indirect.scatter.add.f32 [tilespmem:s19], [sflag:$0x5], $0x40, s7, s15, $0xb8;
	[tilespmem:$0x16F00] =	vst v63  }
0xf8: {  	_ =	swait.ge [sflag:s13], $0x2000  }
0xf9: {  	[sflag:s13] =	ssyncset.done $0x0  }
0xfa: {  	s7 =	sadd.s32 $0x300, s0;
	[sflag:s13] =	ssyncadd.s32 $0xFFFFE000  }
0xfb: {  	[tilespmem:s19], [sflag:$0x3] =	stream.indirect.gather [hbm4b:s4+s15], $0x40, s7, s15, $0xb8;
	[tilespmem:$0x16F00] =	vst v63  }
0xfc: {  	_ =	swait.ge [sflag:s24], $0x2000  }
.Ltmp2:
0xfd: {  	[sflag:s24] =	ssyncset.done $0x0;
	(pc) =	sbr.rel @p0 .LBB2_6-.Ltmp2, $4  }
0xfe: {  	s0 =	sadd.s32 $0x2900, s0;
	[sflag:s24] =	ssyncadd.s32 $0xFFFFE000  }
0xff: {  	[spmem:s2] =	stream.indirect.scatter.add.f32 [tilespmem:s20], [sflag:$0x5], $0x40, s0, s15, $0xb8;
	[tilespmem:$0x16F00] =	vst v63  }
0x100: {  	_ =	swait.ge [sflag:s13], $0x2000  }
0x101: {  	s7 =	smov.u32 s1;
	s0 =	sshra.s32 s14, $0x2;
	[sflag:s13] =	ssyncset.done $0x0  }
0x102: {  	s1 =	sadd.s32 $0x180, s0;
	[sflag:s13] =	ssyncadd.s32 $0xFFFFE000  }
0x103: {  	[tilespmem:s20], [sflag:$0x4] =	stream.indirect.gather [hbm4b:s4+s15], $0x40, s1, s15, $0xb8;
	[tilespmem:$0x16F00] =	vst v63  }
0x104: {  	_ =	swait.ge [sflag:s21], $0x2000  }
0x105: {  	[sflag:s21] =	ssyncset.done $0x0  }
0x106: {  	s14 =	sadd.s32 $0x2780, s0;
	[sflag:s21] =	ssyncadd.s32 $0xFFFFE000  }
0x107: {  	[spmem:s2] =	stream.indirect.scatter.add.f32 [tilespmem:s16], [sflag:$0x5], $0x40, s14, s15, $0xb8;
	[tilespmem:$0x16F00] =	vst v63  }
0x108: {  	_ =	swait.ge [sflag:s13], $0x2000  }
0x109: {  	[sflag:s13] =	ssyncset.done $0x0  }
0x10a: {  	s7 =	sadd.s32 $0x200, s0;
	[sflag:s13] =	ssyncadd.s32 $0xFFFFE000  }
0x10b: {  	[tilespmem:s16], [sflag:$0x1] =	stream.indirect.gather [hbm4b:s4+s15], $0x40, s7, s15, $0xb8;
	[tilespmem:$0x16F00] =	vst v63  }
0x10c: {  	_ =	swait.ge [sflag:s22], $0x2000  }
0x10d: {  	[sflag:s22] =	ssyncset.done $0x0  }
0x10e: {  	s8 =	sadd.s32 $0x2800, s0;
	[sflag:s22] =	ssyncadd.s32 $0xFFFFE000  }
0x10f: {  	[spmem:s2] =	stream.indirect.scatter.add.f32 [tilespmem:s17], [sflag:$0x5], $0x40, s8, s15, $0xb8;
	[tilespmem:$0x16F00] =	vst v63  }
0x110: {  	_ =	swait.ge [sflag:s13], $0x2000  }
0x111: {  	[sflag:s13] =	ssyncset.done $0x0  }
0x112: {  	s14 =	sadd.s32 $0x280, s0;
	[sflag:s13] =	ssyncadd.s32 $0xFFFFE000  }
0x113: {  	[tilespmem:s17], [sflag:$0x2] =	stream.indirect.gather [hbm4b:s4+s15], $0x40, s14, s15, $0xb8;
	[tilespmem:$0x16F00] =	vst v63  }
0x114: {  	_ =	swait.ge [sflag:s23], $0x2000  }
0x115: {  	[sflag:s23] =	ssyncset.done $0x0  }
0x116: {  	s7 =	sadd.s32 $0x2880, s0;
	[sflag:s23] =	ssyncadd.s32 $0xFFFFE000  }
0x117: {  	[spmem:s2] =	stream.indirect.scatter.add.f32 [tilespmem:s19], [sflag:$0x5], $0x40, s7, s15, $0xb8;
	[tilespmem:$0x16F00] =	vst v63  }
0x118: {  	_ =	swait.ge [sflag:s13], $0x2000  }
0x119: {  	[sflag:s13] =	ssyncset.done $0x0  }
0x11a: {  	s8 =	sadd.s32 $0x300, s0;
	[sflag:s13] =	ssyncadd.s32 $0xFFFFE000  }
0x11b: {  	[tilespmem:s19], [sflag:$0x3] =	stream.indirect.gather [hbm4b:s4+s15], $0x40, s8, s15, $0xb8;
	[tilespmem:$0x16F00] =	vst v63  }
0x11c: {  	_ =	swait.ge [sflag:s24], $0x2000  }
0x11d: {  	[sflag:s24] =	ssyncset.done $0x0  }
0x11e: {  	s14 =	sadd.s32 $0x2900, s0;
	[sflag:s24] =	ssyncadd.s32 $0xFFFFE000  }
0x11f: {  	[spmem:s2] =	stream.indirect.scatter.add.f32 [tilespmem:s20], [sflag:$0x5], $0x40, s14, s15, $0xb8;
	[tilespmem:$0x16F00] =	vst v63  }
0x120: {  	_ =	swait.ge [sflag:s13], $0x2000  }
0x121: {  	[sflag:s13] =	ssyncset.done $0x0  }
0x122: {  	[sflag:s13] =	ssyncadd.s32 $0xFFFFE000  }
0x123: {  	_ =	swait.ge [sflag:s21], $0x2000  }
0x124: {  	[sflag:s21] =	ssyncset.done $0x0  }
0x125: {  	[sflag:s21] =	ssyncadd.s32 $0xFFFFE000  }
0x126: {  	[spmem:s2] =	stream.indirect.scatter.add.f32 [tilespmem:s16], [sflag:$0x5], $0x40, s25, s15, $0xb8;
	[tilespmem:$0x16F00] =	vst v63  }
0x127: {  	_ =	swait.ge [sflag:s13], $0x2000  }
0x128: {  	[sflag:s13] =	ssyncset.done $0x0  }
0x129: {  	[sflag:s13] =	ssyncadd.s32 $0xFFFFE000  }
0x12a: {  	_ =	swait.ge [sflag:s22], $0x2000  }
0x12b: {  	[sflag:s22] =	ssyncset.done $0x0  }
0x12c: {  	[sflag:s22] =	ssyncadd.s32 $0xFFFFE000  }
0x12d: {  	[spmem:s2] =	stream.indirect.scatter.add.f32 [tilespmem:s17], [sflag:$0x5], $0x40, s26, s15, $0xb8;
	[tilespmem:$0x16F00] =	vst v63  }
0x12e: {  	_ =	swait.ge [sflag:s13], $0x2000  }
0x12f: {  	[sflag:s13] =	ssyncset.done $0x0  }
0x130: {  	[sflag:s13] =	ssyncadd.s32 $0xFFFFE000  }
0x131: {  	_ =	swait.ge [sflag:s23], $0x2000  }
0x132: {  	[sflag:s23] =	ssyncset.done $0x0  }
0x133: {  	[sflag:s23] =	ssyncadd.s32 $0xFFFFE000  }
0x134: {  	[spmem:s2] =	stream.indirect.scatter.add.f32 [tilespmem:s19], [sflag:$0x5], $0x40, s28, s15, $0xb8;
	[tilespmem:$0x16F00] =	vst v63  }
0x135: {  	_ =	swait.ge [sflag:s13], $0x2000  }
0x136: {  	s31 =	sadd.s32 $0x1, s31;
	[sflag:s13] =	ssyncset.done $0x0  }
0x137: {  	p0 =	sne.s32 s31, s11;
	[sflag:s13] =	ssyncadd.s32 $0xFFFFE000  }
.Ltmp3:
0x138: {  	[bflag:$0x0] =	sbarrier.arrive $0xFFFF;
	(pc) =	sbr.rel @p0 .LBB2_1-.Ltmp3, $4  }
0x139: {  	[hbm:s10@s29], [sflag:s6] =	dma.strided [spmem:s12@s30], $0x1400, s21, $0x8   }
0x13a: {  	_ =	swait.ge [sflag:s13], $0x1400  }
0x13b: {  	[sflag:s13] =	ssyncset.done $0x0  }
0x13c: {  	[sflag:s13] =	ssyncadd.s32 $0xFFFFEC00  }
0x13d: {  	_ =	sfence.sel $0x180000  }
0x13e: {  	[bflag:$0x0] =	sbarrier.arrive $0xFFFF  }
0x13f: {  	_ =	strace $0x9000004A  }
0x140: {  	s0 =	stileid.u32;
	[bflag:$0x2] =	sbarrier.arrive $0xFFFF  }
0x141: {  	p0 =	sne.s32 s0, $0x0;
	s0 =	rddreg [dreg:$0x2]  }
0x142: {  	s0 =	sadd.s32 @!p0 $0x100000, s0  }
0x143: {  	[sflag:s0] =	ssyncadd.tile.s32 @!p0 $0x1;
	_ =	shalt  }
.Lfunc_end2:
_tile_overlayer_lowered:
.L_overlay_start_2:
0x144: {  	(tag) =	ssettag $0x2  }
0x145: {  	s0 =	rddreg [dreg:$0x0];
	s2 =	stileid.u32  }
0x146: {  	s1 =	rddreg [dreg:$0x1];
	p0 =	sne.s32 s2, $0x0  }
0x147: {  	s3 =	rddreg [dreg:$0x2];
	[bflag:$0x3] =	sbarrier.arrive $0xFFFF;
	s2 =	simm.s32 @!p0 $0x1C05  }
0x148: {  	[timem:s3], [sflag:s2] =	dma.local @!p0 [hbm:s0], s1  }
0x149: {  	s0 =	simm.s32 @!p0 $0x5  }
0x14a: {  	_ =	swait.ge @!p0 [sflag:s0], s1  }
0x14b: {  	s1 =	ssub.s32 @!p0 $0x0, s1;
	[sflag:s0] =	ssyncset.done @!p0 $0x0  }
0x14c: {  	[sflag:s0] =	ssyncadd.s32 @!p0 s1  }
0x14d: {  	[bflag:$0x3] =	sbarrier.arrive $0xFFFF  }
0x14e: {  	_ =	shalt  }

// kernel: kernel.15.cloned.1.call-start
scs
__scs_entry_jumppad:
0x0: {  	(pc) =	sbr.rel $0x88, $3  }
0x1: {  	(tag) =	ssettag $0x0;
	lr =	simm.s32 $0x1  }
0x2: {  	[smem:$0x3F8F] =	sst lr;
	_ =	strace $0xD0000000  }
0x3: {  	_ = 	snop  }
0x4: {  	_ = 	snop  }
0x5: {  	_ = 	snop  }
0x6: {  	_ = 	snop  }
0x7: {  	_ = 	snop  }
__scs_overlays_trampoline_lowered:
0x8: {  	[smem:$0x3F9E] =	sst s0  }
0x9: {  	[smem:$0x3F9F] =	sst s1  }
0xa: {  	[smem:$0x3FA0] =	sst s2  }
0xb: {  	[smem:$0x3FA1] =	sst s3  }
0xc: {  	[smem:$0x3FA2] =	sst s4  }
0xd: {  	[smem:$0x3FA3] =	sst s5  }
0xe: {  	[smem:$0x3FA4] =	sst s6  }
0xf: {  	[smem:$0x3FA5] =	sst s7  }
0x10: {  	[smem:$0x3FA6] =	sst s8  }
0x11: {  	[smem:$0x3FA7] =	sst s9;
	s0 =	simm.s32 @!p0 $0x0  }
0x12: {  	s1 =	sld [smem:$0x3F8D];
	s0 =	simm.s32 @p0 $0x1  }
0x13: {  	[smem:$0x3FA8] =	sst s0;
	s0 =	simm.s32 @!p1 $0x0  }
0x14: {  	s2 =	sld [smem:$0x3F8C];
	s0 =	simm.s32 @p1 $0x1  }
0x15: {  	[smem:$0x3FA9] =	sst s0;
	s0 =	simm.s32 @!p2 $0x0  }
0x16: {  	s3 =	sld [smem:$0x3FDB];
	s0 =	simm.s32 @p2 $0x1  }
0x17: {  	s4 =	simm.s32 $0x1BF5;
	[smem:$0x3FAB] =	sst s0  }
0x18: {  	s0 =	sld [smem:$0x3F8E];
	_ =	swait.ge [sflag:s4], $0x0  }
0x19: {  	s7 =	sld [smem:$0x3F8F]  }
0x1a: {  	s8 =	sadd.s32 $0xFFFFE003, lr  }
0x1b: {  	s9 =	sadd.s32 $0xFFFFFEF7, lr;
	s5 =	simm.s32 $0xFFFFFFFF;
	p2 =	slt.u32 s8, $0xFFFFF086  }
0x1c: {  	p1 =	slt.u32 s9, $0xF7A;
	s5 =	simm.s32 @!p2 $0x0  }
0x1d: {  	s5 =	simm.s32 @p1 $0x1;
	p0 =	seq.s32 s7, s2  }
0x1e: {  	s7 =	smul.u32 @!p0 $0xF7A, s2;
	p2 =	seq.s32 @!p0 s5, $0x0  }
0x1f: {  	s9 =	smul.u32 $0xF7A, s1;
	s8 =	simm.s32 @!p0 $0x1BF5;
	p2 =	por !p2, p0  }
0x20: {  	[sflag:s8] =	ssyncset.s32 @!p0 $0xFFFFF086;
	s6 =	sadd.s32 @!p0 s3, s7;
	s7 =	simm.s32 @!p0 $0x108  }
0x21: {  	s3 =	sadd.s32 s3, s9;
	s6 =	sadd.s32 @!p0 $0x88, s6;
	s7 =	simm.s32 @p2 $0x1082  }
0x22: {  	[simem:s7], [sflag:s8] =	dma.local @!p0 [hbm:s6], $0xF7A  }
0x23: {  	s9 =	sor.u32 $0xD0000000, s2;
	s6 =	simm.s32 $0x108;
	_ =	swait.ge @!p0 [sflag:s8], $0x0  }
0x24: {  	s3 =	sadd.s32 $0x88, s3;
	s6 =	simm.s32 @!p1 $0x1082;
	[sflag:s4] =	ssyncset.s32 $0xFFFFF086  }
0x25: {  	[simem:s6], [sflag:s4] =	dma.local [hbm:s3], $0xF7A  }
0x26: {  	[smem:$0x3F8F] =	sst s1;
	(tag) =	ssettag s2;
	_ =	strace s9  }
0x27: {  	s1 =	sld [smem:$0x3F9F]  }
0x28: {  	s2 =	sld [smem:$0x3FA0]  }
0x29: {  	s4 =	sld [smem:$0x3FA2]  }
0x2a: {  	p0 =	seq.s32 s5, $0x0;
	s5 =	sld [smem:$0x3FA3]  }
0x2b: {  	s6 =	sld [smem:$0x3FA4]  }
0x2c: {  	s7 =	sld [smem:$0x3FA5]  }
0x2d: {  	s3 =	simm.s32 $0x108;
	s8 =	sld [smem:$0x3FA6]  }
0x2e: {  	s3 =	simm.s32 @!p0 $0x1082;
	s9 =	sld [smem:$0x3FA7]  }
0x2f: {  	lr =	sadd.s32 s0, s3;
	s0 =	sld [smem:$0x3F9E]  }
0x30: {  	s3 =	sld [smem:$0x3FA1]  }
0x31: {  	[smem:$0x3FAA] =	sst s10  }
0x32: {  	s10 =	sld [smem:$0x3FA8];
	_ =	sdelay $0x3  }
0x33: {  	p0 =	seq.s32 s10, $0x1;
	s10 =	sld [smem:$0x3FAA];
	_ =	sdelay $0x3  }
0x34: {  	[smem:$0x3FAA] =	sst s10  }
0x35: {  	s10 =	sld [smem:$0x3FA9];
	_ =	sdelay $0x3  }
0x36: {  	p1 =	seq.s32 s10, $0x1;
	s10 =	sld [smem:$0x3FAA];
	_ =	sdelay $0x3  }
0x37: {  	[smem:$0x3FAA] =	sst s10  }
0x38: {  	s10 =	sld [smem:$0x3FAB]  }
0x39: {  	_ = 	snop;
	(pc) =	sbr.ind lr, $3  }
0x3a: {  	_ = 	snop  }
0x3b: {  	_ = 	snop  }
0x3c: {  	p2 =	seq.s32 s10, $0x1;
	s10 =	sld [smem:$0x3FAA]  }
0x3d: {  	_ =	shalt  }
0x3e: {  	_ =	shalt  }
0x3f: {  	_ =	shalt  }
0x40: {  	_ =	shalt  }
0x41: {  	_ =	shalt  }
0x42: {  	_ =	shalt  }
0x43: {  	_ =	shalt  }
0x44: {  	_ =	shalt  }
0x45: {  	_ =	shalt  }
0x46: {  	_ =	shalt  }
0x47: {  	_ =	shalt  }
0x48: {  	_ =	shalt  }
0x49: {  	_ =	shalt  }
0x4a: {  	_ =	shalt  }
0x4b: {  	_ =	shalt  }
0x4c: {  	_ =	shalt  }
0x4d: {  	_ =	shalt  }
0x4e: {  	_ =	shalt  }
0x4f: {  	_ =	shalt  }
0x50: {  	_ =	shalt  }
0x51: {  	_ =	shalt  }
0x52: {  	_ =	shalt  }
0x53: {  	_ =	shalt  }
0x54: {  	_ =	shalt  }
0x55: {  	_ =	shalt  }
0x56: {  	_ =	shalt  }
0x57: {  	_ =	shalt  }
0x58: {  	_ =	shalt  }
0x59: {  	_ =	shalt  }
0x5a: {  	_ =	shalt  }
0x5b: {  	_ =	shalt  }
0x5c: {  	_ =	shalt  }
0x5d: {  	_ =	shalt  }
0x5e: {  	_ =	shalt  }
0x5f: {  	_ =	shalt  }
0x60: {  	_ =	shalt  }
0x61: {  	_ =	shalt  }
0x62: {  	_ =	shalt  }
0x63: {  	_ =	shalt  }
0x64: {  	_ =	shalt  }
0x65: {  	_ =	shalt  }
0x66: {  	_ =	shalt  }
0x67: {  	_ =	shalt  }
0x68: {  	_ =	shalt  }
0x69: {  	_ =	shalt  }
0x6a: {  	_ =	shalt  }
0x6b: {  	_ =	shalt  }
0x6c: {  	_ =	shalt  }
0x6d: {  	_ =	shalt  }
0x6e: {  	_ =	shalt  }
0x6f: {  	_ =	shalt  }
0x70: {  	_ =	shalt  }
0x71: {  	_ =	shalt  }
0x72: {  	_ =	shalt  }
0x73: {  	_ =	shalt  }
0x74: {  	_ =	shalt  }
0x75: {  	_ =	shalt  }
0x76: {  	_ =	shalt  }
0x77: {  	_ =	shalt  }
0x78: {  	_ =	shalt  }
0x79: {  	_ =	shalt  }
0x7a: {  	_ =	shalt  }
0x7b: {  	_ =	shalt  }
0x7c: {  	_ =	shalt  }
0x7d: {  	_ =	shalt  }
0x7e: {  	_ =	shalt  }
0x7f: {  	_ =	shalt  }
0x80: {  	_ =	shalt  }
0x81: {  	_ =	shalt  }
0x82: {  	_ =	shalt  }
0x83: {  	_ =	shalt  }
0x84: {  	_ =	shalt  }
0x85: {  	_ =	shalt  }
0x86: {  	_ =	shalt  }
0x87: {  	_ =	shalt  }
.Lfunc_end0:
.L_simem_size_0:
called_computation.2_lowered:
.L_overlay_start_0:
0x88: {  	s2 =	sld [smem:$0x3FD9]  }
0x89: {  	s3 =	sld [smem:$0x3FFE];
	_ =	sdelay $0x1  }
0x8a: {  	s1 =	srdreg.scid  }
0x8b: {  	s0 =	sand.u32 $0x1, s1  }
0x8c: {  	s16 =	sshll.u32 s0, $0xA;
	s2 =	sadd.s32 s3, s2  }
0x8d: {  	s2 =	sadd.s32 s2, s16  }
0x8e: {  	[smem:$0x3FB6] =	sst s2  }
0x8f: {  	_ = 	snop  }
0x90: {  	(tm) =	ssettm $0x1  }
0x91: {  	s17 =	sld [smem:$0x3FFB];
	_ =	sdelay $0x3  }
0x92: {  	_ =	strace s17  }
0x93: {  	s2 =	sld [smem:$0x3FFC];
	_ =	sdelay $0x3  }
0x94: {  	_ =	strace s2  }
0x95: {  	s2 =	sld [smem:$0x3FFD];
	_ =	sdelay $0x3  }
0x96: {  	_ =	strace s2  }
0x97: {  	_ =	strace $0x8FFFFFFF  }
0x98: {  	s18 =	sld [smem:$0x3FDB];
	_ =	sdelay $0x1  }
0x99: {  	s19 =	simm.s32 $_scs_section_size  }
0x9a: {  	s4 =	simm.s32 $_size__tile_overlayer_lowered;
	s5 =	simm.s32 $_tile_overlayer_lowered  }
0x9b: {  	s22 =	simm.s32 $0x1BFF;
	s21 =	sshll.u32 s5, $0x1;
	s2 =	sadd.s32 s19, s18  }
0x9c: {  	s6 =	simm.s32 $0x0;
	s20 =	sshll.u32 s4, $0x1;
	s4 =	sadd.s32 s21, s2  }
0x9d: {  	[timem:s6], [sflag:s22] =	dma.local [hbm:s4], s20  }
0x9e: {  	_ =	swait.ge [sflag:s22], s20  }
0x9f: {  	s3 =	ssub.s32 $0x0, s20;
	[sflag:s22] =	ssyncset.done $0x0  }
0xa0: {  	[sflag:s22] =	ssyncadd.s32 s3;
	_ =	sdelay $0x1  }
0xa1: {  	s23 =	simm.s32 $0x1B8B  }
0xa2: {  	_ =	swait.ge [sflag:s23], $0x1  }
0xa3: {  	[sflag:s23] =	ssyncset.done $0x0  }
0xa4: {  	s25 =	simm.s32 $0x1B8E;
	s24 =	sld [smem:$0x3FFE];
	[sflag:s23] =	ssyncadd.s32 $0xFFFFFFFF  }
0xa5: {  	s26 =	simm.s32 $execute0_lowered;
	[smem:$0x3FD2] =	sst s25  }
0xa6: {  	s4 =	sshll.u32 s26, $0x1;
	_ =	strace $0x8000004C;
	[dreg:$0x1] =	wrdreg $0xFFFFFFFF  }
0xa7: {  	s28 =	simm.s32 $_size_execute0_lowered;
	s2 =	sadd.s32 s2, s4;
	[dreg:$0x0] =	wrdreg $0x0  }
0xa8: {  	s4 =	sshll.u32 s28, $0x1;
	[dreg:$0x2] =	wrdreg s2  }
0xa9: {  	[dreg:$0x3] =	wrdreg s4  }
0xaa: {  	[dreg:$0x4] =	wrdreg $0xC0  }
0xab: {  	_ =	task [dreg:s6], $0x5FFFF  }
0xac: {  	[dreg:$0x1] =	wrdreg $0xFFFFFFFF  }
0xad: {  	[dreg:$0x0] =	wrdreg $0x60  }
0xae: {  	[dreg:$0x2] =	wrdreg s24  }
0xaf: {  	[dreg:$0x3] =	wrdreg $0xCF000  }
0xb0: {  	[dreg:$0x4] =	wrdreg $0x9  }
0xb1: {  	_ =	task.clear_ibuf [dreg:s6], $0x5FFFF;
	_ =	strace $0x9000004C  }
0xb2: {  	s29 =	simm.s32 $0x9;
	_ =	strace $0x8000004E  }
0xb3: {  	_ =	swait.ge [sflag:s29], $0x1  }
0xb4: {  	[sflag:s29] =	ssyncadd.s32 $0xFFFFFFFF  }
0xb5: {  	_ =	strace $0x9000004E  }
0xb6: {  	_ =	sfence  }
0xb7: {  	s30 =	sld [smem:$0x0];
	_ =	sdelay $0x2  }
0xb8: {  	s31 =	sshll.u32 s1, $0xD;
	s1 =	sshrl.u32 s1, $0x2  }
0xb9: {  	s3 =	sand.u32 $0x4000, s31;
	s1 =	sadd.s32 s1, s30  }
0xba: {  	s0 =	sor.u32 s3, s0;
	s1 =	sshll.u32 s1, $0x11  }
0xbb: {  	s0 =	sor.u32 s1, s0  }
0xbc: {  	s0 =	sadd.s32 $0x8F2B, s0  }
0xbd: {  	[sflag:s0] =	ssyncadd.remote.s32 $0x1  }
0xbe: {  	_ =	sfence.sel $0xFFFF  }
0xbf: {  	[dreg:$0x0] =	wrdreg $0xFFFFFFFF;
	(pc) =	sbr.abs _section_cstart, $3  }
0xc0: {  	[dreg:$0x1] =	wrdreg $0xFFFFFFFF  }
0xc1: {  	_ =	task.clear_ibuf [dreg:s6], $0x2FFFF;
	_ =	strace $0x9FFFFFFF  }
0xc2: {  	(tm) =	ssettm $0x7FFFFFFF  }
0xc3: {  	_ =	shalt  }
tec
execute0_lowered:
.L_overlay_start_1:
0x0: {  	(tag) =	ssettag $0x1  }
0x1: {  	s0 =	srdreg.scid  }
0x2: {  	s10 =	stileid.u32;
	s6 =	rddreg [dreg:$0x0]  }
0x3: {  	s2 =	rddreg [dreg:$0x1];
	s3 =	simm.s32 $0x0;
	s12 =	simm.s32 $0x5  }
0x4: {  	s14 =	simm.s32 $0x80;
	s15 =	simm.s32 $0x4F00;
	s16 =	simm.s32 $0x6F00  }
0x5: {  	s18 =	simm.s32 $0x8F00;
	s19 =	simm.s32 $0xAF00;
	s20 =	simm.s32 $0x1  }
0x6: {  	s21 =	simm.s32 $0x2;
	s22 =	simm.s32 $0x3;
	s23 =	simm.s32 $0x4  }
0x7: {  	s24 =	simm.s32 $0x4D80;
	s28 =	simm.s32 $0x10;
	s29 =	simm.s32 $0x8  }
0x8: {  	s30 =	simm.s32 $0x0;
	s0 =	sand.u32 $0x1, s0;
	s1 =	sshll.u32 s10, $0x1  }
0x9: {  	[smem:$0x7FF] =	sst s3;
	s7 =	smul.u32 $0x14000, s10;
	s4 =	sadd.s32 $0x18400, s6  }
0xa: {  	s8 =	smul.u32 $0x28000, s10;
	s31 =	sshll.u32 s10, $0x6;
	s1 =	sor.u32 s0, s1  }
0xb: {  	s5 =	smul.u32 $0x140000, s0;
	_ =	strace $0x8000004D;
	s0 =	ssub.s32 $0x2, s0  }
0xc: {  	s1 =	smul.u32 $0x4F0, s1;
	s25 =	sshrl.u32 s0, $0x1;
	s26 =	sshrl.u32 s8, $0x2  }
0xd: {  	s7 =	sadd.s32 s7, s5;
	s5 =	sadd.s32 $0x3F600, s6;
	s0 =	ssub.s32 s0, s25  }
0xe: {  	s11 =	sadd.s32 s26, s2;
	s25 =	simm.s32 $0x4E00;
	s26 =	simm.s32 $0x4E80  }
0xf: {  	s1 =	sadd.s32 s1, s6;
	s7 =	sshrl.u32 s7, $0x3;
	s10 =	smax.u32 s0, $0x1  }
0x10: {  	s11 =	sshrl.u32 s11, $0x3;
	s9 =	sadd.s32 s7, s6;
	s6 =	sor.u32 $0x1C05, s31  }
0x11: {  	s7 =	sadd.s32 $0x4800, s1;
	s8 =	sadd.s32 $0xE600, s1;
	s9 =	sadd.s32 $0x40A00, s9  }
.LBB2_1:
0x12: {  	[spmem:s11], [sflag:s6] =	dma.local [hbm:s5], $0x1400  }
0x13: {  	_ =	swait.ge [sflag:s12], $0x1400  }
0x14: {  	[sflag:s12] =	ssyncset.done $0x0  }
0x15: {  	[sflag:s12] =	ssyncadd.s32 $0xFFFFEC00  }
0x16: {  	[tilespmem:s3], [sflag:$0x5] =	stream.linear.gather [hbm4b:s7+s3], $0x2780, $0x38;
	[tilespmem:$0x16F00] =	vst v63  }
0x17: {  	_ =	swait.ge [sflag:s12], $0x2780  }
0x18: {  	[sflag:s12] =	ssyncset.done $0x0  }
0x19: {  	s0 =	simm.s32 $0x2780;
	[sflag:s12] =	ssyncadd.s32 $0xFFFFD880  }
0x1a: {  	[tilespmem:s0], [sflag:$0x5] =	stream.linear.gather [hbm4b:s8+s3], $0x2780, $0x38;
	[tilespmem:$0x16F00] =	vst v63  }
0x1b: {  	_ =	swait.ge [sflag:s12], $0x2780  }
0x1c: {  	[sflag:s12] =	ssyncset.done $0x0  }
0x1d: {  	[sflag:s12] =	ssyncadd.s32 $0xFFFFD880  }
0x1e: {  	[bflag:$0x0] =	sbarrier.arrive $0xFFFF  }
0x1f: {  	[tilespmem:s15], [sflag:$0x1] =	stream.indirect.gather [hbm4b:s4+s14], $0x40, s3, s14, $0xb8;
	[tilespmem:$0x16F00] =	vst v63  }
0x20: {  	_ = 	snop  }
0x21: {  	[tilespmem:s16], [sflag:$0x2] =	stream.indirect.gather [hbm4b:s4+s14], $0x40, s14, s14, $0xb8;
	[tilespmem:$0x16F00] =	vst v63  }
0x22: {  	s1 =	simm.s32 $0x100  }
0x23: {  	[tilespmem:s18], [sflag:$0x3] =	stream.indirect.gather [hbm4b:s4+s14], $0x40, s1, s14, $0xb8;
	[tilespmem:$0x16F00] =	vst v63  }
0x24: {  	s13 =	simm.s32 $0x180  }
0x25: {  	[tilespmem:s19], [sflag:$0x4] =	stream.indirect.gather [hbm4b:s4+s14], $0x40, s13, s14, $0xb8;
	[tilespmem:$0x16F00] =	vst v63  }
0x26: {  	_ =	swait.ge [sflag:s20], $0x2000  }
0x27: {  	[sflag:s20] =	ssyncset.done $0x0  }
0x28: {  	s17 =	simm.s32 $0x2780;
	[sflag:s20] =	ssyncadd.s32 $0xFFFFE000  }
0x29: {  	[spmem:s2] =	stream.indirect.scatter.add.f32 [tilespmem:s15], [sflag:$0x5], $0x40, s17, s14, $0xb8;
	[tilespmem:$0x16F00] =	vst v63  }
0x2a: {  	_ =	swait.ge [sflag:s12], $0x2000  }
0x2b: {  	[sflag:s12] =	ssyncset.done $0x0  }
0x2c: {  	s1 =	simm.s32 $0x200;
	[sflag:s12] =	ssyncadd.s32 $0xFFFFE000  }
0x2d: {  	[tilespmem:s15], [sflag:$0x1] =	stream.indirect.gather [hbm4b:s4+s14], $0x40, s1, s14, $0xb8;
	[tilespmem:$0x16F00] =	vst v63  }
0x2e: {  	_ =	swait.ge [sflag:s21], $0x2000  }
0x2f: {  	[sflag:s21] =	ssyncset.done $0x0  }
0x30: {  	s13 =	simm.s32 $0x2800;
	[sflag:s21] =	ssyncadd.s32 $0xFFFFE000  }
0x31: {  	[spmem:s2] =	stream.indirect.scatter.add.f32 [tilespmem:s16], [sflag:$0x5], $0x40, s13, s14, $0xb8;
	[tilespmem:$0x16F00] =	vst v63  }
0x32: {  	_ =	swait.ge [sflag:s12], $0x2000  }
0x33: {  	[sflag:s12] =	ssyncset.done $0x0  }
0x34: {  	s17 =	simm.s32 $0x280;
	[sflag:s12] =	ssyncadd.s32 $0xFFFFE000  }
0x35: {  	[tilespmem:s16], [sflag:$0x2] =	stream.indirect.gather [hbm4b:s4+s14], $0x40, s17, s14, $0xb8;
	[tilespmem:$0x16F00] =	vst v63  }
0x36: {  	_ =	swait.ge [sflag:s22], $0x2000  }
0x37: {  	[sflag:s22] =	ssyncset.done $0x0  }
0x38: {  	s1 =	simm.s32 $0x2880;
	[sflag:s22] =	ssyncadd.s32 $0xFFFFE000  }
0x39: {  	[spmem:s2] =	stream.indirect.scatter.add.f32 [tilespmem:s18], [sflag:$0x5], $0x40, s1, s14, $0xb8;
	[tilespmem:$0x16F00] =	vst v63  }
0x3a: {  	_ =	swait.ge [sflag:s12], $0x2000  }
0x3b: {  	[sflag:s12] =	ssyncset.done $0x0  }
0x3c: {  	s13 =	simm.s32 $0x300;
	[sflag:s12] =	ssyncadd.s32 $0xFFFFE000  }
0x3d: {  	[tilespmem:s18], [sflag:$0x3] =	stream.indirect.gather [hbm4b:s4+s14], $0x40, s13, s14, $0xb8;
	[tilespmem:$0x16F00] =	vst v63  }
0x3e: {  	_ =	swait.ge [sflag:s23], $0x2000  }
0x3f: {  	[sflag:s23] =	ssyncset.done $0x0  }
0x40: {  	s17 =	simm.s32 $0x2900;
	[sflag:s23] =	ssyncadd.s32 $0xFFFFE000  }
0x41: {  	[spmem:s2] =	stream.indirect.scatter.add.f32 [tilespmem:s19], [sflag:$0x5], $0x40, s17, s14, $0xb8;
	[tilespmem:$0x16F00] =	vst v63  }
0x42: {  	_ =	swait.ge [sflag:s12], $0x2000  }
0x43: {  	s31 =	simm.s32 $0x200;
	s1 =	simm.s32 $0x1000;
	[sflag:s12] =	ssyncset.done $0x0  }
.LBB2_2:
0x44: {  	s17 =	sadd.s32 $0x180, s31  }
0x45: {  	[sflag:s12] =	ssyncadd.s32 $0xFFFFE000;
	s0 =	smov.u32 s1;
	s13 =	sadd.s32 $0x800, s1  }
0x46: {  	[tilespmem:s19], [sflag:$0x4] =	stream.indirect.gather [hbm4b:s4+s14], $0x40, s17, s14, $0xb8;
	[tilespmem:$0x16F00] =	vst v63  }
0x47: {  	p0 =	sne.s32 s1, $0x9000;
	_ =	swait.ge [sflag:s20], $0x2000  }
0x48: {  	[sflag:s20] =	ssyncset.done $0x0  }
0x49: {  	s1 =	sadd.s32 $0x2780, s31;
	[sflag:s20] =	ssyncadd.s32 $0xFFFFE000  }
0x4a: {  	[spmem:s2] =	stream.indirect.scatter.add.f32 [tilespmem:s15], [sflag:$0x5], $0x40, s1, s14, $0xb8;
	[tilespmem:$0x16F00] =	vst v63  }
0x4b: {  	_ =	swait.ge [sflag:s12], $0x2000  }
0x4c: {  	[sflag:s12] =	ssyncset.done $0x0  }
0x4d: {  	s1 =	sadd.s32 $0x200, s31;
	[sflag:s12] =	ssyncadd.s32 $0xFFFFE000  }
0x4e: {  	[tilespmem:s15], [sflag:$0x1] =	stream.indirect.gather [hbm4b:s4+s14], $0x40, s1, s14, $0xb8;
	[tilespmem:$0x16F00] =	vst v63  }
0x4f: {  	_ =	swait.ge [sflag:s21], $0x2000  }
0x50: {  	[sflag:s21] =	ssyncset.done $0x0  }
0x51: {  	s1 =	sadd.s32 $0x2800, s31;
	[sflag:s21] =	ssyncadd.s32 $0xFFFFE000  }
0x52: {  	[spmem:s2] =	stream.indirect.scatter.add.f32 [tilespmem:s16], [sflag:$0x5], $0x40, s1, s14, $0xb8;
	[tilespmem:$0x16F00] =	vst v63  }
0x53: {  	_ =	swait.ge [sflag:s12], $0x2000  }
0x54: {  	[sflag:s12] =	ssyncset.done $0x0  }
0x55: {  	s1 =	sadd.s32 $0x280, s31;
	[sflag:s12] =	ssyncadd.s32 $0xFFFFE000  }
0x56: {  	[tilespmem:s16], [sflag:$0x2] =	stream.indirect.gather [hbm4b:s4+s14], $0x40, s1, s14, $0xb8;
	[tilespmem:$0x16F00] =	vst v63  }
0x57: {  	_ =	swait.ge [sflag:s22], $0x2000  }
0x58: {  	[sflag:s22] =	ssyncset.done $0x0  }
0x59: {  	s1 =	sadd.s32 $0x2880, s31;
	[sflag:s22] =	ssyncadd.s32 $0xFFFFE000  }
0x5a: {  	[spmem:s2] =	stream.indirect.scatter.add.f32 [tilespmem:s18], [sflag:$0x5], $0x40, s1, s14, $0xb8;
	[tilespmem:$0x16F00] =	vst v63  }
0x5b: {  	_ =	swait.ge [sflag:s12], $0x2000  }
0x5c: {  	[sflag:s12] =	ssyncset.done $0x0  }
0x5d: {  	s1 =	sadd.s32 $0x300, s31;
	[sflag:s12] =	ssyncadd.s32 $0xFFFFE000  }
0x5e: {  	[tilespmem:s18], [sflag:$0x3] =	stream.indirect.gather [hbm4b:s4+s14], $0x40, s1, s14, $0xb8;
	[tilespmem:$0x16F00] =	vst v63  }
0x5f: {  	_ =	swait.ge [sflag:s23], $0x2000  }
.Ltmp0:
0x60: {  	[sflag:s23] =	ssyncset.done $0x0;
	(pc) =	sbr.rel @p0 .LBB2_2-.Ltmp0, $4  }
0x61: {  	s1 =	sadd.s32 $0x2900, s31;
	[sflag:s23] =	ssyncadd.s32 $0xFFFFE000  }
0x62: {  	[spmem:s2] =	stream.indirect.scatter.add.f32 [tilespmem:s19], [sflag:$0x5], $0x40, s1, s14, $0xb8;
	[tilespmem:$0x16F00] =	vst v63  }
0x63: {  	_ =	swait.ge [sflag:s12], $0x2000  }
0x64: {  	s31 =	sshra.s32 s0, $0x2;
	s1 =	smov.u32 s13;
	[sflag:s12] =	ssyncset.done $0x0  }
0x65: {  	s0 =	sadd.s32 $0x180, s31;
	[sflag:s12] =	ssyncadd.s32 $0xFFFFE000  }
0x66: {  	[tilespmem:s19], [sflag:$0x4] =	stream.indirect.gather [hbm4b:s4+s14], $0x40, s0, s14, $0xb8;
	[tilespmem:$0x16F00] =	vst v63  }
0x67: {  	_ =	swait.ge [sflag:s20], $0x2000  }
0x68: {  	[sflag:s20] =	ssyncset.done $0x0  }
0x69: {  	s1 =	sadd.s32 $0x2780, s31;
	[sflag:s20] =	ssyncadd.s32 $0xFFFFE000  }
0x6a: {  	[spmem:s2] =	stream.indirect.scatter.add.f32 [tilespmem:s15], [sflag:$0x5], $0x40, s1, s14, $0xb8;
	[tilespmem:$0x16F00] =	vst v63  }
0x6b: {  	_ =	swait.ge [sflag:s12], $0x2000  }
0x6c: {  	[sflag:s12] =	ssyncset.done $0x0  }
0x6d: {  	s13 =	sadd.s32 $0x200, s31;
	[sflag:s12] =	ssyncadd.s32 $0xFFFFE000  }
0x6e: {  	[tilespmem:s15], [sflag:$0x1] =	stream.indirect.gather [hbm4b:s4+s14], $0x40, s13, s14, $0xb8;
	[tilespmem:$0x16F00] =	vst v63  }
0x6f: {  	_ =	swait.ge [sflag:s21], $0x2000  }
0x70: {  	[sflag:s21] =	ssyncset.done $0x0  }
0x71: {  	s17 =	sadd.s32 $0x2800, s31;
	[sflag:s21] =	ssyncadd.s32 $0xFFFFE000  }
0x72: {  	[spmem:s2] =	stream.indirect.scatter.add.f32 [tilespmem:s16], [sflag:$0x5], $0x40, s17, s14, $0xb8;
	[tilespmem:$0x16F00] =	vst v63  }
0x73: {  	_ =	swait.ge [sflag:s12], $0x2000  }
0x74: {  	[sflag:s12] =	ssyncset.done $0x0  }
0x75: {  	s1 =	sadd.s32 $0x280, s31;
	[sflag:s12] =	ssyncadd.s32 $0xFFFFE000  }
0x76: {  	[tilespmem:s16], [sflag:$0x2] =	stream.indirect.gather [hbm4b:s4+s14], $0x40, s1, s14, $0xb8;
	[tilespmem:$0x16F00] =	vst v63  }
0x77: {  	_ =	swait.ge [sflag:s22], $0x2000  }
0x78: {  	[sflag:s22] =	ssyncset.done $0x0  }
0x79: {  	s13 =	sadd.s32 $0x2880, s31;
	[sflag:s22] =	ssyncadd.s32 $0xFFFFE000  }
0x7a: {  	[spmem:s2] =	stream.indirect.scatter.add.f32 [tilespmem:s18], [sflag:$0x5], $0x40, s13, s14, $0xb8;
	[tilespmem:$0x16F00] =	vst v63  }
0x7b: {  	_ =	swait.ge [sflag:s12], $0x2000  }
0x7c: {  	[sflag:s12] =	ssyncset.done $0x0  }
0x7d: {  	s17 =	sadd.s32 $0x300, s31;
	[sflag:s12] =	ssyncadd.s32 $0xFFFFE000  }
0x7e: {  	[tilespmem:s18], [sflag:$0x3] =	stream.indirect.gather [hbm4b:s4+s14], $0x40, s17, s14, $0xb8;
	[tilespmem:$0x16F00] =	vst v63  }
0x7f: {  	_ =	swait.ge [sflag:s23], $0x2000  }
0x80: {  	[sflag:s23] =	ssyncset.done $0x0  }
0x81: {  	s31 =	sadd.s32 $0x2900, s31;
	[sflag:s23] =	ssyncadd.s32 $0xFFFFE000  }
0x82: {  	[spmem:s2] =	stream.indirect.scatter.add.f32 [tilespmem:s19], [sflag:$0x5], $0x40, s31, s14, $0xb8;
	[tilespmem:$0x16F00] =	vst v63  }
0x83: {  	_ =	swait.ge [sflag:s12], $0x2000  }
0x84: {  	[sflag:s12] =	ssyncset.done $0x0  }
0x85: {  	[sflag:s12] =	ssyncadd.s32 $0xFFFFE000  }
0x86: {  	_ =	swait.ge [sflag:s20], $0x2000  }
0x87: {  	[sflag:s20] =	ssyncset.done $0x0  }
0x88: {  	[sflag:s20] =	ssyncadd.s32 $0xFFFFE000  }
0x89: {  	[spmem:s2] =	stream.indirect.scatter.add.f32 [tilespmem:s15], [sflag:$0x5], $0x40, s24, s14, $0xb8;
	[tilespmem:$0x16F00] =	vst v63  }
0x8a: {  	_ =	swait.ge [sflag:s12], $0x2000  }
0x8b: {  	[sflag:s12] =	ssyncset.done $0x0  }
0x8c: {  	[sflag:s12] =	ssyncadd.s32 $0xFFFFE000  }
0x8d: {  	_ =	swait.ge [sflag:s21], $0x2000  }
0x8e: {  	[sflag:s21] =	ssyncset.done $0x0  }
0x8f: {  	[sflag:s21] =	ssyncadd.s32 $0xFFFFE000  }
0x90: {  	[spmem:s2] =	stream.indirect.scatter.add.f32 [tilespmem:s16], [sflag:$0x5], $0x40, s25, s14, $0xb8;
	[tilespmem:$0x16F00] =	vst v63  }
0x91: {  	_ =	swait.ge [sflag:s12], $0x2000  }
0x92: {  	[sflag:s12] =	ssyncset.done $0x0  }
0x93: {  	[sflag:s12] =	ssyncadd.s32 $0xFFFFE000  }
0x94: {  	_ =	swait.ge [sflag:s22], $0x2000  }
0x95: {  	[sflag:s22] =	ssyncset.done $0x0  }
0x96: {  	[sflag:s22] =	ssyncadd.s32 $0xFFFFE000  }
0x97: {  	[spmem:s2] =	stream.indirect.scatter.add.f32 [tilespmem:s18], [sflag:$0x5], $0x40, s26, s14, $0xb8;
	[tilespmem:$0x16F00] =	vst v63  }
0x98: {  	_ =	swait.ge [sflag:s12], $0x2000  }
0x99: {  	s30 =	sadd.s32 $0x1, s30;
	[sflag:s12] =	ssyncset.done $0x0  }
0x9a: {  	p0 =	sne.s32 s30, s10;
	[sflag:s12] =	ssyncadd.s32 $0xFFFFE000  }
.Ltmp1:
0x9b: {  	[bflag:$0x0] =	sbarrier.arrive $0xFFFF;
	(pc) =	sbr.rel @p0 .LBB2_1-.Ltmp1, $4  }
0x9c: {  	[hbm:s9@s28], [sflag:s6] =	dma.strided [spmem:s11@s29], $0x1400, s20, $0x8   }
0x9d: {  	_ =	swait.ge [sflag:s12], $0x1400  }
0x9e: {  	[sflag:s12] =	ssyncset.done $0x0  }
0x9f: {  	[sflag:s12] =	ssyncadd.s32 $0xFFFFEC00  }
0xa0: {  	_ =	sfence.sel $0x180000  }
0xa1: {  	[bflag:$0x0] =	sbarrier.arrive $0xFFFF  }
0xa2: {  	_ =	strace $0x9000004D  }
0xa3: {  	s0 =	stileid.u32;
	[bflag:$0x2] =	sbarrier.arrive $0xFFFF  }
0xa4: {  	p0 =	sne.s32 s0, $0x0;
	s0 =	rddreg [dreg:$0x2]  }
0xa5: {  	s0 =	sadd.s32 @!p0 $0x100000, s0  }
0xa6: {  	[sflag:s0] =	ssyncadd.tile.s32 @!p0 $0x1;
	_ =	shalt  }
.Lfunc_end2:
_tile_overlayer_lowered:
.L_overlay_start_2:
0xa7: {  	(tag) =	ssettag $0x2  }
0xa8: {  	s0 =	rddreg [dreg:$0x0];
	s2 =	stileid.u32  }
0xa9: {  	s1 =	rddreg [dreg:$0x1];
	p0 =	sne.s32 s2, $0x0  }
0xaa: {  	s3 =	rddreg [dreg:$0x2];
	[bflag:$0x3] =	sbarrier.arrive $0xFFFF;
	s2 =	simm.s32 @!p0 $0x1C05  }
0xab: {  	[timem:s3], [sflag:s2] =	dma.local @!p0 [hbm:s0], s1  }
0xac: {  	s0 =	simm.s32 @!p0 $0x5  }
0xad: {  	_ =	swait.ge @!p0 [sflag:s0], s1  }
0xae: {  	s1 =	ssub.s32 @!p0 $0x0, s1;
	[sflag:s0] =	ssyncset.done @!p0 $0x0  }
0xaf: {  	[sflag:s0] =	ssyncadd.s32 @!p0 s1  }
0xb0: {  	[bflag:$0x3] =	sbarrier.arrive $0xFFFF  }
0xb1: {  	_ =	shalt  }

// kernel: kernel.9.cloned.1.call-start
scs
__scs_entry_jumppad:
0x0: {  	(pc) =	sbr.rel $0x88, $3  }
0x1: {  	(tag) =	ssettag $0x0;
	lr =	simm.s32 $0x1  }
0x2: {  	[smem:$0x3F8F] =	sst lr;
	_ =	strace $0xD0000000  }
0x3: {  	_ = 	snop  }
0x4: {  	_ = 	snop  }
0x5: {  	_ = 	snop  }
0x6: {  	_ = 	snop  }
0x7: {  	_ = 	snop  }
__scs_overlays_trampoline_lowered:
0x8: {  	[smem:$0x3F9E] =	sst s0  }
0x9: {  	[smem:$0x3F9F] =	sst s1  }
0xa: {  	[smem:$0x3FA0] =	sst s2  }
0xb: {  	[smem:$0x3FA1] =	sst s3  }
0xc: {  	[smem:$0x3FA2] =	sst s4  }
0xd: {  	[smem:$0x3FA3] =	sst s5  }
0xe: {  	[smem:$0x3FA4] =	sst s6  }
0xf: {  	[smem:$0x3FA5] =	sst s7  }
0x10: {  	[smem:$0x3FA6] =	sst s8  }
0x11: {  	[smem:$0x3FA7] =	sst s9;
	s0 =	simm.s32 @!p0 $0x0  }
0x12: {  	s1 =	sld [smem:$0x3F8D];
	s0 =	simm.s32 @p0 $0x1  }
0x13: {  	[smem:$0x3FA8] =	sst s0;
	s0 =	simm.s32 @!p1 $0x0  }
0x14: {  	s2 =	sld [smem:$0x3F8C];
	s0 =	simm.s32 @p1 $0x1  }
0x15: {  	[smem:$0x3FA9] =	sst s0;
	s0 =	simm.s32 @!p2 $0x0  }
0x16: {  	s3 =	sld [smem:$0x3FDB];
	s0 =	simm.s32 @p2 $0x1  }
0x17: {  	s4 =	simm.s32 $0x1BF5;
	[smem:$0x3FAB] =	sst s0  }
0x18: {  	s0 =	sld [smem:$0x3F8E];
	_ =	swait.ge [sflag:s4], $0x0  }
0x19: {  	s7 =	sld [smem:$0x3F8F]  }
0x1a: {  	s8 =	sadd.s32 $0xFFFFE003, lr  }
0x1b: {  	s9 =	sadd.s32 $0xFFFFFEF7, lr;
	s5 =	simm.s32 $0xFFFFFFFF;
	p2 =	slt.u32 s8, $0xFFFFF086  }
0x1c: {  	p1 =	slt.u32 s9, $0xF7A;
	s5 =	simm.s32 @!p2 $0x0  }
0x1d: {  	s5 =	simm.s32 @p1 $0x1;
	p0 =	seq.s32 s7, s2  }
0x1e: {  	s7 =	smul.u32 @!p0 $0xF7A, s2;
	p2 =	seq.s32 @!p0 s5, $0x0  }
0x1f: {  	s9 =	smul.u32 $0xF7A, s1;
	s8 =	simm.s32 @!p0 $0x1BF5;
	p2 =	por !p2, p0  }
0x20: {  	[sflag:s8] =	ssyncset.s32 @!p0 $0xFFFFF086;
	s6 =	sadd.s32 @!p0 s3, s7;
	s7 =	simm.s32 @!p0 $0x108  }
0x21: {  	s3 =	sadd.s32 s3, s9;
	s6 =	sadd.s32 @!p0 $0x88, s6;
	s7 =	simm.s32 @p2 $0x1082  }
0x22: {  	[simem:s7], [sflag:s8] =	dma.local @!p0 [hbm:s6], $0xF7A  }
0x23: {  	s9 =	sor.u32 $0xD0000000, s2;
	s6 =	simm.s32 $0x108;
	_ =	swait.ge @!p0 [sflag:s8], $0x0  }
0x24: {  	s3 =	sadd.s32 $0x88, s3;
	s6 =	simm.s32 @!p1 $0x1082;
	[sflag:s4] =	ssyncset.s32 $0xFFFFF086  }
0x25: {  	[simem:s6], [sflag:s4] =	dma.local [hbm:s3], $0xF7A  }
0x26: {  	[smem:$0x3F8F] =	sst s1;
	(tag) =	ssettag s2;
	_ =	strace s9  }
0x27: {  	s1 =	sld [smem:$0x3F9F]  }
0x28: {  	s2 =	sld [smem:$0x3FA0]  }
0x29: {  	s4 =	sld [smem:$0x3FA2]  }
0x2a: {  	p0 =	seq.s32 s5, $0x0;
	s5 =	sld [smem:$0x3FA3]  }
0x2b: {  	s6 =	sld [smem:$0x3FA4]  }
0x2c: {  	s7 =	sld [smem:$0x3FA5]  }
0x2d: {  	s3 =	simm.s32 $0x108;
	s8 =	sld [smem:$0x3FA6]  }
0x2e: {  	s3 =	simm.s32 @!p0 $0x1082;
	s9 =	sld [smem:$0x3FA7]  }
0x2f: {  	lr =	sadd.s32 s0, s3;
	s0 =	sld [smem:$0x3F9E]  }
0x30: {  	s3 =	sld [smem:$0x3FA1]  }
0x31: {  	[smem:$0x3FAA] =	sst s10  }
0x32: {  	s10 =	sld [smem:$0x3FA8];
	_ =	sdelay $0x3  }
0x33: {  	p0 =	seq.s32 s10, $0x1;
	s10 =	sld [smem:$0x3FAA];
	_ =	sdelay $0x3  }
0x34: {  	[smem:$0x3FAA] =	sst s10  }
0x35: {  	s10 =	sld [smem:$0x3FA9];
	_ =	sdelay $0x3  }
0x36: {  	p1 =	seq.s32 s10, $0x1;
	s10 =	sld [smem:$0x3FAA];
	_ =	sdelay $0x3  }
0x37: {  	[smem:$0x3FAA] =	sst s10  }
0x38: {  	s10 =	sld [smem:$0x3FAB]  }
0x39: {  	_ = 	snop;
	(pc) =	sbr.ind lr, $3  }
0x3a: {  	_ = 	snop  }
0x3b: {  	_ = 	snop  }
0x3c: {  	p2 =	seq.s32 s10, $0x1;
	s10 =	sld [smem:$0x3FAA]  }
0x3d: {  	_ =	shalt  }
0x3e: {  	_ =	shalt  }
0x3f: {  	_ =	shalt  }
0x40: {  	_ =	shalt  }
0x41: {  	_ =	shalt  }
0x42: {  	_ =	shalt  }
0x43: {  	_ =	shalt  }
0x44: {  	_ =	shalt  }
0x45: {  	_ =	shalt  }
0x46: {  	_ =	shalt  }
0x47: {  	_ =	shalt  }
0x48: {  	_ =	shalt  }
0x49: {  	_ =	shalt  }
0x4a: {  	_ =	shalt  }
0x4b: {  	_ =	shalt  }
0x4c: {  	_ =	shalt  }
0x4d: {  	_ =	shalt  }
0x4e: {  	_ =	shalt  }
0x4f: {  	_ =	shalt  }
0x50: {  	_ =	shalt  }
0x51: {  	_ =	shalt  }
0x52: {  	_ =	shalt  }
0x53: {  	_ =	shalt  }
0x54: {  	_ =	shalt  }
0x55: {  	_ =	shalt  }
0x56: {  	_ =	shalt  }
0x57: {  	_ =	shalt  }
0x58: {  	_ =	shalt  }
0x59: {  	_ =	shalt  }
0x5a: {  	_ =	shalt  }
0x5b: {  	_ =	shalt  }
0x5c: {  	_ =	shalt  }
0x5d: {  	_ =	shalt  }
0x5e: {  	_ =	shalt  }
0x5f: {  	_ =	shalt  }
0x60: {  	_ =	shalt  }
0x61: {  	_ =	shalt  }
0x62: {  	_ =	shalt  }
0x63: {  	_ =	shalt  }
0x64: {  	_ =	shalt  }
0x65: {  	_ =	shalt  }
0x66: {  	_ =	shalt  }
0x67: {  	_ =	shalt  }
0x68: {  	_ =	shalt  }
0x69: {  	_ =	shalt  }
0x6a: {  	_ =	shalt  }
0x6b: {  	_ =	shalt  }
0x6c: {  	_ =	shalt  }
0x6d: {  	_ =	shalt  }
0x6e: {  	_ =	shalt  }
0x6f: {  	_ =	shalt  }
0x70: {  	_ =	shalt  }
0x71: {  	_ =	shalt  }
0x72: {  	_ =	shalt  }
0x73: {  	_ =	shalt  }
0x74: {  	_ =	shalt  }
0x75: {  	_ =	shalt  }
0x76: {  	_ =	shalt  }
0x77: {  	_ =	shalt  }
0x78: {  	_ =	shalt  }
0x79: {  	_ =	shalt  }
0x7a: {  	_ =	shalt  }
0x7b: {  	_ =	shalt  }
0x7c: {  	_ =	shalt  }
0x7d: {  	_ =	shalt  }
0x7e: {  	_ =	shalt  }
0x7f: {  	_ =	shalt  }
0x80: {  	_ =	shalt  }
0x81: {  	_ =	shalt  }
0x82: {  	_ =	shalt  }
0x83: {  	_ =	shalt  }
0x84: {  	_ =	shalt  }
0x85: {  	_ =	shalt  }
0x86: {  	_ =	shalt  }
0x87: {  	_ =	shalt  }
.Lfunc_end0:
.L_simem_size_0:
called_computation_lowered:
.L_overlay_start_0:
0x88: {  	s2 =	sld [smem:$0x3FD9]  }
0x89: {  	s3 =	sld [smem:$0x3FFE];
	_ =	sdelay $0x1  }
0x8a: {  	s1 =	srdreg.scid  }
0x8b: {  	s0 =	sand.u32 $0x1, s1  }
0x8c: {  	s17 =	sshll.u32 s0, $0xA;
	s2 =	sadd.s32 s3, s2  }
0x8d: {  	s2 =	sadd.s32 s2, s17  }
0x8e: {  	[smem:$0x3FB6] =	sst s2  }
0x8f: {  	_ = 	snop  }
0x90: {  	s2 =	sld [smem:$0x3FD0];
	(tm) =	ssettm $0x1  }
0x91: {  	s18 =	sld [smem:$0x3FFB];
	_ =	sdelay $0x3  }
0x92: {  	_ =	strace s18  }
0x93: {  	s3 =	sld [smem:$0x3FFC];
	_ =	sdelay $0x3  }
0x94: {  	_ =	strace s3  }
0x95: {  	s3 =	sld [smem:$0x3FFD];
	_ =	sdelay $0x3  }
0x96: {  	_ =	strace s3  }
0x97: {  	_ =	strace $0x8FFFFFFF  }
0x98: {  	s19 =	sld [smem:$0x3FDB];
	_ =	sdelay $0x1  }
0x99: {  	s4 =	simm.s32 $_scs_section_size  }
0x9a: {  	s5 =	simm.s32 $_size__tile_overlayer_lowered;
	s6 =	simm.s32 $_tile_overlayer_lowered  }
0x9b: {  	s22 =	simm.s32 $0x1BFF;
	s21 =	sshll.u32 s6, $0x1;
	s3 =	sadd.s32 s4, s19  }
0x9c: {  	s7 =	simm.s32 $0x0;
	s20 =	sshll.u32 s5, $0x1;
	s5 =	sadd.s32 s21, s3  }
0x9d: {  	[timem:s7], [sflag:s22] =	dma.local [hbm:s5], s20  }
0x9e: {  	_ =	swait.ge [sflag:s22], s20  }
0x9f: {  	s4 =	ssub.s32 $0x0, s20;
	[sflag:s22] =	ssyncset.done $0x0  }
0xa0: {  	[sflag:s22] =	ssyncadd.s32 s4;
	_ =	sdelay $0x1  }
0xa1: {  	s23 =	simm.s32 $0x1B8B  }
0xa2: {  	_ =	swait.ge [sflag:s23], $0x1  }
0xa3: {  	[sflag:s23] =	ssyncset.done $0x0  }
0xa4: {  	s25 =	simm.s32 $0x1B8E;
	s24 =	sld [smem:$0x3FFE];
	[sflag:s23] =	ssyncadd.s32 $0xFFFFFFFF  }
0xa5: {  	s26 =	simm.s32 $execute0_lowered;
	[smem:$0x3FD2] =	sst s25  }
0xa6: {  	s5 =	sshll.u32 s26, $0x1;
	_ =	strace $0x80000046;
	[dreg:$0x1] =	wrdreg $0xFFFFFFFF  }
0xa7: {  	s28 =	simm.s32 $_size_execute0_lowered;
	s3 =	sadd.s32 s3, s5;
	[dreg:$0x0] =	wrdreg $0x0  }
0xa8: {  	s5 =	sshll.u32 s28, $0x1;
	[dreg:$0x2] =	wrdreg s3  }
0xa9: {  	[dreg:$0x3] =	wrdreg s5  }
0xaa: {  	[dreg:$0x4] =	wrdreg $0xC0  }
0xab: {  	_ =	task [dreg:s7], $0x5FFFF  }
0xac: {  	[dreg:$0x1] =	wrdreg $0xFFFFFFFF  }
0xad: {  	[dreg:$0x0] =	wrdreg $0x60  }
0xae: {  	[dreg:$0x2] =	wrdreg s24  }
0xaf: {  	[dreg:$0x3] =	wrdreg s2  }
0xb0: {  	[dreg:$0x4] =	wrdreg $0xCF000  }
0xb1: {  	[dreg:$0x5] =	wrdreg $0x177000  }
0xb2: {  	[dreg:$0x6] =	wrdreg $0x9  }
0xb3: {  	_ =	task.clear_ibuf [dreg:s7], $0x7FFFF;
	_ =	strace $0x90000046  }
0xb4: {  	s29 =	simm.s32 $0x9;
	_ =	strace $0x80000048  }
0xb5: {  	_ =	swait.ge [sflag:s29], $0x1  }
0xb6: {  	[sflag:s29] =	ssyncadd.s32 $0xFFFFFFFF  }
0xb7: {  	_ =	strace $0x90000048  }
0xb8: {  	_ =	sfence  }
0xb9: {  	s30 =	sld [smem:$0x0];
	_ =	sdelay $0x2  }
0xba: {  	s31 =	sshll.u32 s1, $0xD;
	s1 =	sshrl.u32 s1, $0x2  }
0xbb: {  	s3 =	sand.u32 $0x4000, s31;
	s1 =	sadd.s32 s1, s30  }
0xbc: {  	s0 =	sor.u32 s3, s0;
	s1 =	sshll.u32 s1, $0x11  }
0xbd: {  	s0 =	sor.u32 s1, s0  }
0xbe: {  	s0 =	sadd.s32 $0x8F2B, s0  }
0xbf: {  	[sflag:s0] =	ssyncadd.remote.s32 $0x1  }
0xc0: {  	_ =	sfence.sel $0xFFFF  }
0xc1: {  	[dreg:$0x0] =	wrdreg $0xFFFFFFFF;
	(pc) =	sbr.abs _section_cstart, $3  }
0xc2: {  	[dreg:$0x1] =	wrdreg $0xFFFFFFFF  }
0xc3: {  	_ =	task.clear_ibuf [dreg:s7], $0x2FFFF;
	_ =	strace $0x9FFFFFFF  }
0xc4: {  	(tm) =	ssettm $0x7FFFFFFF  }
0xc5: {  	_ =	shalt  }
tec
execute0_lowered:
.L_overlay_start_1:
0x0: {  	(tag) =	ssettag $0x1  }
0x1: {  	s0 =	rddreg [dreg:$0x0]  }
0x2: {  	s1 =	rddreg [dreg:$0x1];
	s3 =	srdreg.scid  }
0x3: {  	s13 =	stileid.u32;
	s2 =	rddreg [dreg:$0x2]  }
0x4: {  	s17 =	simm.s32 $0x5;
	s19 =	simm.s32 $0x16F00;
	s28 =	simm.s32 $0x1  }
0x5: {  	s29 =	simm.s32 $0x2;
	s30 =	simm.s32 $0x3;
	s31 =	simm.s32 $0x4  }
0x6: {  	s20 =	simm.s32 $0x4E80;
	s7 =	sand.u32 $0x1, s3;
	s9 =	smul.u32 $0x14000, s13  }
0x7: {  	s4 =	sshll.u32 s13, $0x1;
	s3 =	rddreg [dreg:$0x3];
	s23 =	smul.u32 $0x28000, s13  }
0x8: {  	s11 =	sadd.s32 $0x40A00, s0;
	s21 =	sadd.s32 $0x41000, s0;
	s12 =	smul.u32 $0x2800, s13  }
0x9: {  	s13 =	sshll.u32 s13, $0x6;
	s5 =	sor.u32 s7, s4;
	s8 =	smul.u32 $0x140000, s7  }
0xa: {  	s4 =	simm.s32 $0x0;
	s22 =	ssub.s32 $0x2, s7;
	s7 =	smul.u32 $0x28000, s7  }
0xb: {  	s6 =	smul.u32 $0x4F0, s5;
	[smem:$0x7FF] =	sst s4;
	s5 =	sadd.s32 $0x18400, s0  }
0xc: {  	s24 =	sshrl.u32 s22, $0x1;
	_ =	strace $0x80000047;
	[dreg:$0x5] =	wrdreg s11  }
0xd: {  	s25 =	sadd.s32 s12, s3;
	[dreg:$0x6] =	wrdreg s21;
	s8 =	sadd.s32 s9, s8  }
0xe: {  	s11 =	sshrl.u32 s23, $0x2;
	s9 =	sor.u32 $0x1C05, s13;
	s7 =	sadd.s32 s12, s7  }
0xf: {  	s18 =	sshrl.u32 s25, $0x3;
	s21 =	simm.s32 $0x80;
	s23 =	simm.s32 $0x6F00  }
0x10: {  	s25 =	simm.s32 $0x8F00;
	s10 =	sadd.s32 s6, s0;
	s6 =	sadd.s32 $0x3F600, s0  }
0x11: {  	s8 =	sshrl.u32 s8, $0x3;
	s11 =	sadd.s32 s11, s2;
	s7 =	sshrl.u32 s7, $0x3  }
0x12: {  	s0 =	sadd.s32 s8, s0;
	s8 =	ssub.s32 s22, s24;
	s14 =	sadd.s32 $0x4800, s10  }
0x13: {  	s10 =	sadd.s32 $0xE600, s10;
	s1 =	sadd.s32 s1, s7;
	[dreg:$0x7] =	wrdreg s14  }
0x14: {  	s16 =	sshrl.u32 s11, $0x3;
	s22 =	simm.s32 $0x4F00;
	[dreg:$0x8] =	wrdreg s10  }
0x15: {  	s7 =	simm.s32 $0x10;
	s26 =	sadd.s32 $0x41200, s0;
	[dreg:$0xa] =	wrdreg s1  }
0x16: {  	s0 =	sadd.s32 $0x41208, s0;
	s15 =	smax.u32 s8, $0x1;
	s1 =	simm.s32 $0x4D80  }
0x17: {  	s8 =	simm.s32 $0x8;
	s10 =	simm.s32 $0x0;
	[dreg:$0x9] =	wrdreg s26  }
0x18: {  	[dreg:$0xb] =	wrdreg s0;
	s26 =	simm.s32 $0xAF00;
	s0 =	simm.s32 $0x4E00  }
.LBB2_1:
0x19: {  	[spmem:s16], [sflag:s9] =	dma.local [hbm:s6], $0x1400  }
0x1a: {  	_ =	swait.ge [sflag:s17], $0x1400  }
0x1b: {  	[sflag:s17] =	ssyncset.done $0x0  }
0x1c: {  	s11 =	rddreg [dreg:$0x5];
	[sflag:s17] =	ssyncadd.s32 $0xFFFFEC00  }
0x1d: {  	[spmem:s18], [sflag:s9] =	dma.local [hbm:s11], $0x500  }
0x1e: {  	_ =	swait.ge [sflag:s17], $0x500  }
0x1f: {  	[sflag:s17] =	ssyncset.done $0x0  }
0x20: {  	s12 =	rddreg [dreg:$0x6];
	[sflag:s17] =	ssyncadd.s32 $0xFFFFFB00  }
0x21: {  	[tilespmem:s19], [sflag:$0x5] =	stream.linear.gather [hbm4b:s12+s4], $0x800, $0x38;
	[tilespmem:$0x19F00] =	vst v63  }
0x22: {  	_ =	swait.ge [sflag:s17], $0x800  }
0x23: {  	[sflag:s17] =	ssyncset.done $0x0  }
0x24: {  	s13 =	rddreg [dreg:$0x7];
	[sflag:s17] =	ssyncadd.s32 $0xFFFFF800  }
0x25: {  	[tilespmem:s4], [sflag:$0x5] =	stream.linear.gather [hbm4b:s13+s4], $0x2780, $0x38;
	[tilespmem:$0x19F00] =	vst v63  }
0x26: {  	_ =	swait.ge [sflag:s17], $0x2780  }
0x27: {  	[sflag:s17] =	ssyncset.done $0x0  }
0x28: {  	s12 =	simm.s32 $0x2780;
	s14 =	rddreg [dreg:$0x8];
	[sflag:s17] =	ssyncadd.s32 $0xFFFFD880  }
0x29: {  	[tilespmem:s12], [sflag:$0x5] =	stream.linear.gather [hbm4b:s14+s4], $0x2780, $0x38;
	[tilespmem:$0x19F00] =	vst v63  }
0x2a: {  	_ =	swait.ge [sflag:s17], $0x2780  }
0x2b: {  	[sflag:s17] =	ssyncset.done $0x0  }
0x2c: {  	[sflag:s17] =	ssyncadd.s32 $0xFFFFD880  }
0x2d: {  	[bflag:$0x0] =	sbarrier.arrive $0xFFFF  }
0x2e: {  	[tilespmem:s22], [sflag:$0x1] =	stream.indirect.gather [hbm4b:s5+s21], $0x40, s4, s21, $0xb8;
	[tilespmem:$0x19F00] =	vst v63  }
0x2f: {  	_ = 	snop  }
0x30: {  	[tilespmem:s23], [sflag:$0x2] =	stream.indirect.gather [hbm4b:s5+s21], $0x40, s21, s21, $0xb8;
	[tilespmem:$0x19F00] =	vst v63  }
0x31: {  	s24 =	simm.s32 $0x100  }
0x32: {  	[tilespmem:s25], [sflag:$0x3] =	stream.indirect.gather [hbm4b:s5+s21], $0x40, s24, s21, $0xb8;
	[tilespmem:$0x19F00] =	vst v63  }
0x33: {  	s12 =	simm.s32 $0x180  }
0x34: {  	[tilespmem:s26], [sflag:$0x4] =	stream.indirect.gather [hbm4b:s5+s21], $0x40, s12, s21, $0xb8;
	[tilespmem:$0x19F00] =	vst v63  }
0x35: {  	_ =	swait.ge [sflag:s28], $0x2000  }
0x36: {  	[sflag:s28] =	ssyncset.done $0x0  }
0x37: {  	s13 =	simm.s32 $0x2780;
	[sflag:s28] =	ssyncadd.s32 $0xFFFFE000  }
0x38: {  	[spmem:s2] =	stream.indirect.scatter.add.f32 [tilespmem:s22], [sflag:$0x5], $0x40, s13, s21, $0xb8;
	[tilespmem:$0x19F00] =	vst v63  }
0x39: {  	_ =	swait.ge [sflag:s17], $0x2000  }
0x3a: {  	[sflag:s17] =	ssyncset.done $0x0  }
0x3b: {  	[sflag:s17] =	ssyncadd.s32 $0xFFFFE000  }
0x3c: {  	[spmem:s3] =	stream.indirect.scatter.add.f32 [tilespmem:s19], [sflag:$0x5], $0x10, s13, s21, $0xb8;
	[tilespmem:$0x19F00] =	vst v63  }
0x3d: {  	_ =	swait.ge [sflag:s17], $0x800  }
0x3e: {  	[sflag:s17] =	ssyncset.done $0x0  }
0x3f: {  	s14 =	simm.s32 $0x200;
	[sflag:s17] =	ssyncadd.s32 $0xFFFFF800  }
0x40: {  	[tilespmem:s22], [sflag:$0x1] =	stream.indirect.gather [hbm4b:s5+s21], $0x40, s14, s21, $0xb8;
	[tilespmem:$0x19F00] =	vst v63  }
0x41: {  	_ =	swait.ge [sflag:s29], $0x2000  }
0x42: {  	[sflag:s29] =	ssyncset.done $0x0  }
0x43: {  	s24 =	simm.s32 $0x2800;
	[sflag:s29] =	ssyncadd.s32 $0xFFFFE000  }
0x44: {  	[spmem:s2] =	stream.indirect.scatter.add.f32 [tilespmem:s23], [sflag:$0x5], $0x40, s24, s21, $0xb8;
	[tilespmem:$0x19F00] =	vst v63  }
0x45: {  	_ =	swait.ge [sflag:s17], $0x2000  }
0x46: {  	[sflag:s17] =	ssyncset.done $0x0  }
0x47: {  	[sflag:s17] =	ssyncadd.s32 $0xFFFFE000  }
0x48: {  	[spmem:s3] =	stream.indirect.scatter.add.f32 [tilespmem:s19], [sflag:$0x5], $0x10, s24, s21, $0xb8;
	[tilespmem:$0x19F00] =	vst v63  }
0x49: {  	_ =	swait.ge [sflag:s17], $0x800  }
0x4a: {  	[sflag:s17] =	ssyncset.done $0x0  }
0x4b: {  	s12 =	simm.s32 $0x280;
	[sflag:s17] =	ssyncadd.s32 $0xFFFFF800  }
0x4c: {  	[tilespmem:s23], [sflag:$0x2] =	stream.indirect.gather [hbm4b:s5+s21], $0x40, s12, s21, $0xb8;
	[tilespmem:$0x19F00] =	vst v63  }
0x4d: {  	_ =	swait.ge [sflag:s30], $0x2000  }
0x4e: {  	[sflag:s30] =	ssyncset.done $0x0  }
0x4f: {  	s13 =	simm.s32 $0x2880;
	[sflag:s30] =	ssyncadd.s32 $0xFFFFE000  }
0x50: {  	[spmem:s2] =	stream.indirect.scatter.add.f32 [tilespmem:s25], [sflag:$0x5], $0x40, s13, s21, $0xb8;
	[tilespmem:$0x19F00] =	vst v63  }
0x51: {  	_ =	swait.ge [sflag:s17], $0x2000  }
0x52: {  	[sflag:s17] =	ssyncset.done $0x0  }
0x53: {  	[sflag:s17] =	ssyncadd.s32 $0xFFFFE000  }
0x54: {  	[spmem:s3] =	stream.indirect.scatter.add.f32 [tilespmem:s19], [sflag:$0x5], $0x10, s13, s21, $0xb8;
	[tilespmem:$0x19F00] =	vst v63  }
0x55: {  	_ =	swait.ge [sflag:s17], $0x800  }
0x56: {  	[sflag:s17] =	ssyncset.done $0x0  }
0x57: {  	s14 =	simm.s32 $0x300;
	[sflag:s17] =	ssyncadd.s32 $0xFFFFF800  }
0x58: {  	[tilespmem:s25], [sflag:$0x3] =	stream.indirect.gather [hbm4b:s5+s21], $0x40, s14, s21, $0xb8;
	[tilespmem:$0x19F00] =	vst v63  }
0x59: {  	_ =	swait.ge [sflag:s31], $0x2000  }
0x5a: {  	[sflag:s31] =	ssyncset.done $0x0  }
0x5b: {  	s24 =	simm.s32 $0x2900;
	[sflag:s31] =	ssyncadd.s32 $0xFFFFE000  }
0x5c: {  	[spmem:s2] =	stream.indirect.scatter.add.f32 [tilespmem:s26], [sflag:$0x5], $0x40, s24, s21, $0xb8;
	[tilespmem:$0x19F00] =	vst v63  }
0x5d: {  	_ =	swait.ge [sflag:s17], $0x2000  }
0x5e: {  	[sflag:s17] =	ssyncset.done $0x0  }
0x5f: {  	[sflag:s17] =	ssyncadd.s32 $0xFFFFE000  }
0x60: {  	[spmem:s3] =	stream.indirect.scatter.add.f32 [tilespmem:s19], [sflag:$0x5], $0x10, s24, s21, $0xb8;
	[tilespmem:$0x19F00] =	vst v63  }
0x61: {  	_ =	swait.ge [sflag:s17], $0x800  }
0x62: {  	s11 =	simm.s32 $0x200;
	s12 =	simm.s32 $0x1000;
	[sflag:s17] =	ssyncset.done $0x0  }
.LBB2_2:
0x63: {  	s24 =	sadd.s32 $0x180, s11  }
0x64: {  	[sflag:s17] =	ssyncadd.s32 $0xFFFFF800;
	s13 =	smov.u32 s12;
	s14 =	sadd.s32 $0x800, s12  }
0x65: {  	[tilespmem:s26], [sflag:$0x4] =	stream.indirect.gather [hbm4b:s5+s21], $0x40, s24, s21, $0xb8;
	[tilespmem:$0x19F00] =	vst v63  }
0x66: {  	p0 =	sne.s32 s12, $0x9000;
	_ =	swait.ge [sflag:s28], $0x2000  }
0x67: {  	[sflag:s28] =	ssyncset.done $0x0  }
0x68: {  	s12 =	sadd.s32 $0x2780, s11;
	[sflag:s28] =	ssyncadd.s32 $0xFFFFE000  }
0x69: {  	[spmem:s2] =	stream.indirect.scatter.add.f32 [tilespmem:s22], [sflag:$0x5], $0x40, s12, s21, $0xb8;
	[tilespmem:$0x19F00] =	vst v63  }
0x6a: {  	_ =	swait.ge [sflag:s17], $0x2000  }
0x6b: {  	[sflag:s17] =	ssyncset.done $0x0  }
0x6c: {  	[sflag:s17] =	ssyncadd.s32 $0xFFFFE000  }
0x6d: {  	[spmem:s3] =	stream.indirect.scatter.add.f32 [tilespmem:s19], [sflag:$0x5], $0x10, s12, s21, $0xb8;
	[tilespmem:$0x19F00] =	vst v63  }
0x6e: {  	_ =	swait.ge [sflag:s17], $0x800  }
0x6f: {  	[sflag:s17] =	ssyncset.done $0x0  }
0x70: {  	s12 =	sadd.s32 $0x200, s11;
	[sflag:s17] =	ssyncadd.s32 $0xFFFFF800  }
0x71: {  	[tilespmem:s22], [sflag:$0x1] =	stream.indirect.gather [hbm4b:s5+s21], $0x40, s12, s21, $0xb8;
	[tilespmem:$0x19F00] =	vst v63  }
0x72: {  	_ =	swait.ge [sflag:s29], $0x2000  }
0x73: {  	[sflag:s29] =	ssyncset.done $0x0  }
0x74: {  	s12 =	sadd.s32 $0x2800, s11;
	[sflag:s29] =	ssyncadd.s32 $0xFFFFE000  }
0x75: {  	[spmem:s2] =	stream.indirect.scatter.add.f32 [tilespmem:s23], [sflag:$0x5], $0x40, s12, s21, $0xb8;
	[tilespmem:$0x19F00] =	vst v63  }
0x76: {  	_ =	swait.ge [sflag:s17], $0x2000  }
0x77: {  	[sflag:s17] =	ssyncset.done $0x0  }
0x78: {  	[sflag:s17] =	ssyncadd.s32 $0xFFFFE000  }
0x79: {  	[spmem:s3] =	stream.indirect.scatter.add.f32 [tilespmem:s19], [sflag:$0x5], $0x10, s12, s21, $0xb8;
	[tilespmem:$0x19F00] =	vst v63  }
0x7a: {  	_ =	swait.ge [sflag:s17], $0x800  }
0x7b: {  	[sflag:s17] =	ssyncset.done $0x0  }
0x7c: {  	s12 =	sadd.s32 $0x280, s11;
	[sflag:s17] =	ssyncadd.s32 $0xFFFFF800  }
0x7d: {  	[tilespmem:s23], [sflag:$0x2] =	stream.indirect.gather [hbm4b:s5+s21], $0x40, s12, s21, $0xb8;
	[tilespmem:$0x19F00] =	vst v63  }
0x7e: {  	_ =	swait.ge [sflag:s30], $0x2000  }
0x7f: {  	[sflag:s30] =	ssyncset.done $0x0  }
0x80: {  	s12 =	sadd.s32 $0x2880, s11;
	[sflag:s30] =	ssyncadd.s32 $0xFFFFE000  }
0x81: {  	[spmem:s2] =	stream.indirect.scatter.add.f32 [tilespmem:s25], [sflag:$0x5], $0x40, s12, s21, $0xb8;
	[tilespmem:$0x19F00] =	vst v63  }
0x82: {  	_ =	swait.ge [sflag:s17], $0x2000  }
0x83: {  	[sflag:s17] =	ssyncset.done $0x0  }
0x84: {  	[sflag:s17] =	ssyncadd.s32 $0xFFFFE000  }
0x85: {  	[spmem:s3] =	stream.indirect.scatter.add.f32 [tilespmem:s19], [sflag:$0x5], $0x10, s12, s21, $0xb8;
	[tilespmem:$0x19F00] =	vst v63  }
0x86: {  	_ =	swait.ge [sflag:s17], $0x800  }
0x87: {  	[sflag:s17] =	ssyncset.done $0x0  }
0x88: {  	s12 =	sadd.s32 $0x300, s11;
	[sflag:s17] =	ssyncadd.s32 $0xFFFFF800  }
0x89: {  	[tilespmem:s25], [sflag:$0x3] =	stream.indirect.gather [hbm4b:s5+s21], $0x40, s12, s21, $0xb8;
	[tilespmem:$0x19F00] =	vst v63  }
0x8a: {  	_ =	swait.ge [sflag:s31], $0x2000  }
0x8b: {  	[sflag:s31] =	ssyncset.done $0x0  }
0x8c: {  	s11 =	sadd.s32 $0x2900, s11;
	[sflag:s31] =	ssyncadd.s32 $0xFFFFE000  }
0x8d: {  	[spmem:s2] =	stream.indirect.scatter.add.f32 [tilespmem:s26], [sflag:$0x5], $0x40, s11, s21, $0xb8;
	[tilespmem:$0x19F00] =	vst v63  }
0x8e: {  	_ =	swait.ge [sflag:s17], $0x2000  }
.Ltmp0:
0x8f: {  	[sflag:s17] =	ssyncset.done $0x0;
	(pc) =	sbr.rel @p0 .LBB2_2-.Ltmp0, $4  }
0x90: {  	[sflag:s17] =	ssyncadd.s32 $0xFFFFE000  }
0x91: {  	[spmem:s3] =	stream.indirect.scatter.add.f32 [tilespmem:s19], [sflag:$0x5], $0x10, s11, s21, $0xb8;
	[tilespmem:$0x19F00] =	vst v63  }
0x92: {  	_ =	swait.ge [sflag:s17], $0x800  }
0x93: {  	s12 =	smov.u32 s14;
	s11 =	sshra.s32 s13, $0x2;
	[sflag:s17] =	ssyncset.done $0x0  }
0x94: {  	s12 =	sadd.s32 $0x180, s11;
	[sflag:s17] =	ssyncadd.s32 $0xFFFFF800  }
0x95: {  	[tilespmem:s26], [sflag:$0x4] =	stream.indirect.gather [hbm4b:s5+s21], $0x40, s12, s21, $0xb8;
	[tilespmem:$0x19F00] =	vst v63  }
0x96: {  	_ =	swait.ge [sflag:s28], $0x2000  }
0x97: {  	[sflag:s28] =	ssyncset.done $0x0  }
0x98: {  	s13 =	sadd.s32 $0x2780, s11;
	[sflag:s28] =	ssyncadd.s32 $0xFFFFE000  }
0x99: {  	[spmem:s2] =	stream.indirect.scatter.add.f32 [tilespmem:s22], [sflag:$0x5], $0x40, s13, s21, $0xb8;
	[tilespmem:$0x19F00] =	vst v63  }
0x9a: {  	_ =	swait.ge [sflag:s17], $0x2000  }
0x9b: {  	[sflag:s17] =	ssyncset.done $0x0  }
0x9c: {  	[sflag:s17] =	ssyncadd.s32 $0xFFFFE000  }
0x9d: {  	[spmem:s3] =	stream.indirect.scatter.add.f32 [tilespmem:s19], [sflag:$0x5], $0x10, s13, s21, $0xb8;
	[tilespmem:$0x19F00] =	vst v63  }
0x9e: {  	_ =	swait.ge [sflag:s17], $0x800  }
0x9f: {  	[sflag:s17] =	ssyncset.done $0x0  }
0xa0: {  	s14 =	sadd.s32 $0x200, s11;
	[sflag:s17] =	ssyncadd.s32 $0xFFFFF800  }
0xa1: {  	[tilespmem:s22], [sflag:$0x1] =	stream.indirect.gather [hbm4b:s5+s21], $0x40, s14, s21, $0xb8;
	[tilespmem:$0x19F00] =	vst v63  }
0xa2: {  	_ =	swait.ge [sflag:s29], $0x2000  }
0xa3: {  	[sflag:s29] =	ssyncset.done $0x0  }
0xa4: {  	s24 =	sadd.s32 $0x2800, s11;
	[sflag:s29] =	ssyncadd.s32 $0xFFFFE000  }
0xa5: {  	[spmem:s2] =	stream.indirect.scatter.add.f32 [tilespmem:s23], [sflag:$0x5], $0x40, s24, s21, $0xb8;
	[tilespmem:$0x19F00] =	vst v63  }
0xa6: {  	_ =	swait.ge [sflag:s17], $0x2000  }
0xa7: {  	[sflag:s17] =	ssyncset.done $0x0  }
0xa8: {  	[sflag:s17] =	ssyncadd.s32 $0xFFFFE000  }
0xa9: {  	[spmem:s3] =	stream.indirect.scatter.add.f32 [tilespmem:s19], [sflag:$0x5], $0x10, s24, s21, $0xb8;
	[tilespmem:$0x19F00] =	vst v63  }
0xaa: {  	_ =	swait.ge [sflag:s17], $0x800  }
0xab: {  	[sflag:s17] =	ssyncset.done $0x0  }
0xac: {  	s13 =	sadd.s32 $0x280, s11;
	[sflag:s17] =	ssyncadd.s32 $0xFFFFF800  }
0xad: {  	[tilespmem:s23], [sflag:$0x2] =	stream.indirect.gather [hbm4b:s5+s21], $0x40, s13, s21, $0xb8;
	[tilespmem:$0x19F00] =	vst v63  }
0xae: {  	_ =	swait.ge [sflag:s30], $0x2000  }
0xaf: {  	[sflag:s30] =	ssyncset.done $0x0  }
0xb0: {  	s14 =	sadd.s32 $0x2880, s11;
	[sflag:s30] =	ssyncadd.s32 $0xFFFFE000  }
0xb1: {  	[spmem:s2] =	stream.indirect.scatter.add.f32 [tilespmem:s25], [sflag:$0x5], $0x40, s14, s21, $0xb8;
	[tilespmem:$0x19F00] =	vst v63  }
0xb2: {  	_ =	swait.ge [sflag:s17], $0x2000  }
0xb3: {  	[sflag:s17] =	ssyncset.done $0x0  }
0xb4: {  	[sflag:s17] =	ssyncadd.s32 $0xFFFFE000  }
0xb5: {  	[spmem:s3] =	stream.indirect.scatter.add.f32 [tilespmem:s19], [sflag:$0x5], $0x10, s14, s21, $0xb8;
	[tilespmem:$0x19F00] =	vst v63  }
0xb6: {  	_ =	swait.ge [sflag:s17], $0x800  }
0xb7: {  	[sflag:s17] =	ssyncset.done $0x0  }
0xb8: {  	s24 =	sadd.s32 $0x300, s11;
	[sflag:s17] =	ssyncadd.s32 $0xFFFFF800  }
0xb9: {  	[tilespmem:s25], [sflag:$0x3] =	stream.indirect.gather [hbm4b:s5+s21], $0x40, s24, s21, $0xb8;
	[tilespmem:$0x19F00] =	vst v63  }
0xba: {  	_ =	swait.ge [sflag:s31], $0x2000  }
0xbb: {  	[sflag:s31] =	ssyncset.done $0x0  }
0xbc: {  	s13 =	sadd.s32 $0x2900, s11;
	[sflag:s31] =	ssyncadd.s32 $0xFFFFE000  }
0xbd: {  	[spmem:s2] =	stream.indirect.scatter.add.f32 [tilespmem:s26], [sflag:$0x5], $0x40, s13, s21, $0xb8;
	[tilespmem:$0x19F00] =	vst v63  }
0xbe: {  	_ =	swait.ge [sflag:s17], $0x2000  }
0xbf: {  	[sflag:s17] =	ssyncset.done $0x0  }
0xc0: {  	[sflag:s17] =	ssyncadd.s32 $0xFFFFE000  }
0xc1: {  	[spmem:s3] =	stream.indirect.scatter.add.f32 [tilespmem:s19], [sflag:$0x5], $0x10, s13, s21, $0xb8;
	[tilespmem:$0x19F00] =	vst v63  }
0xc2: {  	_ =	swait.ge [sflag:s17], $0x800  }
0xc3: {  	[sflag:s17] =	ssyncset.done $0x0  }
0xc4: {  	[sflag:s17] =	ssyncadd.s32 $0xFFFFF800  }
0xc5: {  	_ =	swait.ge [sflag:s28], $0x2000  }
0xc6: {  	[sflag:s28] =	ssyncset.done $0x0  }
0xc7: {  	[sflag:s28] =	ssyncadd.s32 $0xFFFFE000  }
0xc8: {  	[spmem:s2] =	stream.indirect.scatter.add.f32 [tilespmem:s22], [sflag:$0x5], $0x40, s1, s21, $0xb8;
	[tilespmem:$0x19F00] =	vst v63  }
0xc9: {  	_ =	swait.ge [sflag:s17], $0x2000  }
0xca: {  	[sflag:s17] =	ssyncset.done $0x0  }
0xcb: {  	[sflag:s17] =	ssyncadd.s32 $0xFFFFE000  }
0xcc: {  	[spmem:s3] =	stream.indirect.scatter.add.f32 [tilespmem:s19], [sflag:$0x5], $0x10, s1, s21, $0xb8;
	[tilespmem:$0x19F00] =	vst v63  }
0xcd: {  	_ =	swait.ge [sflag:s17], $0x800  }
0xce: {  	[sflag:s17] =	ssyncset.done $0x0  }
0xcf: {  	[sflag:s17] =	ssyncadd.s32 $0xFFFFF800  }
0xd0: {  	_ =	swait.ge [sflag:s29], $0x2000  }
0xd1: {  	[sflag:s29] =	ssyncset.done $0x0  }
0xd2: {  	[sflag:s29] =	ssyncadd.s32 $0xFFFFE000  }
0xd3: {  	[spmem:s2] =	stream.indirect.scatter.add.f32 [tilespmem:s23], [sflag:$0x5], $0x40, s0, s21, $0xb8;
	[tilespmem:$0x19F00] =	vst v63  }
0xd4: {  	_ =	swait.ge [sflag:s17], $0x2000  }
0xd5: {  	[sflag:s17] =	ssyncset.done $0x0  }
0xd6: {  	[sflag:s17] =	ssyncadd.s32 $0xFFFFE000  }
0xd7: {  	[spmem:s3] =	stream.indirect.scatter.add.f32 [tilespmem:s19], [sflag:$0x5], $0x10, s0, s21, $0xb8;
	[tilespmem:$0x19F00] =	vst v63  }
0xd8: {  	_ =	swait.ge [sflag:s17], $0x800  }
0xd9: {  	[sflag:s17] =	ssyncset.done $0x0  }
0xda: {  	[sflag:s17] =	ssyncadd.s32 $0xFFFFF800  }
0xdb: {  	_ =	swait.ge [sflag:s30], $0x2000  }
0xdc: {  	[sflag:s30] =	ssyncset.done $0x0  }
0xdd: {  	[sflag:s30] =	ssyncadd.s32 $0xFFFFE000  }
0xde: {  	[spmem:s2] =	stream.indirect.scatter.add.f32 [tilespmem:s25], [sflag:$0x5], $0x40, s20, s21, $0xb8;
	[tilespmem:$0x19F00] =	vst v63  }
0xdf: {  	_ =	swait.ge [sflag:s17], $0x2000  }
0xe0: {  	[sflag:s17] =	ssyncset.done $0x0  }
0xe1: {  	[sflag:s17] =	ssyncadd.s32 $0xFFFFE000  }
0xe2: {  	[spmem:s3] =	stream.indirect.scatter.add.f32 [tilespmem:s19], [sflag:$0x5], $0x10, s20, s21, $0xb8;
	[tilespmem:$0x19F00] =	vst v63  }
0xe3: {  	_ =	swait.ge [sflag:s17], $0x800  }
0xe4: {  	[sflag:s17] =	ssyncset.done $0x0  }
0xe5: {  	[sflag:s17] =	ssyncadd.s32 $0xFFFFF800  }
0xe6: {  	[bflag:$0x0] =	sbarrier.arrive $0xFFFF  }
0xe7: {  	s14 =	rddreg [dreg:$0x9]  }
0xe8: {  	[hbm:s14@s7], [sflag:s9] =	dma.strided [spmem:s16@s8], $0x1400, s28, $0x8   }
0xe9: {  	_ =	swait.ge [sflag:s17], $0x1400  }
0xea: {  	[sflag:s17] =	ssyncset.done $0x0  }
0xeb: {  	s24 =	rddreg [dreg:$0xa];
	[sflag:s17] =	ssyncadd.s32 $0xFFFFEC00  }
0xec: {  	[hbm:s24], [sflag:s9] =	dma.local [spmem:s18], $0x500  }
0xed: {  	_ =	swait.ge [sflag:s17], $0x500  }
0xee: {  	[sflag:s17] =	ssyncset.done $0x0  }
0xef: {  	[sflag:s17] =	ssyncadd.s32 $0xFFFFFB00  }
0xf0: {  	[spmem:s16], [sflag:s9] =	dma.local [hbm:s6], $0x1400  }
0xf1: {  	_ =	swait.ge [sflag:s17], $0x1400  }
0xf2: {  	[sflag:s17] =	ssyncset.done $0x0  }
0xf3: {  	s11 =	simm.s32 $0x0;
	[sflag:s17] =	ssyncadd.s32 $0xFFFFEC00  }
0xf4: {  	v2 =	vld [tilespmem:s11+$0x0]  }
0xf5: {  	v4 =	vld [tilespmem:s11+$0x10]  }
0xf6: {  	v3 =	vld [tilespmem:s11+$0x20]  }
0xf7: {  	v1 =	vld [tilespmem:s11+$0x30]  }
0xf8: {  	v0 =	vld [tilespmem:s11+$0x40]  }
0xf9: {  	v5 =	vadd.s32 $0x1, v2;
	v2 =	vld [tilespmem:s11+$0x50]  }
0xfa: {  	s12 =	simm.s32 $0x200;
	[tilespmem:s11+$0x0] =	vst v5;
	v5 =	vadd.s32 $0x1, v4;
	v4 =	vld [tilespmem:s11+$0x60]  }
.LBB2_4:
0xfb: {  	s13 =	sshra.s32 s12, $0x2;
	p0 =	sne.s32 s12, $0x9C00;
	[tilespmem:s11+$0x10] =	vst v5;
	v3 =	vadd.s32 $0x1, v3;
	v5 =	vld [tilespmem:s11+$0x70]  }
0xfc: {  	v6 =	vld [tilespmem:s13+$0x0];
	[tilespmem:s11+$0x20] =	vst v3;
	v1 =	vadd.s32 $0x1, v1  }
0xfd: {  	v7 =	vld [tilespmem:s13+$0x10];
	[tilespmem:s11+$0x30] =	vst v1;
	v0 =	vadd.s32 $0x1, v0  }
.Ltmp1:
0xfe: {  	v3 =	vld [tilespmem:s13+$0x20];
	[tilespmem:s11+$0x40] =	vst v0;
	v0 =	vadd.s32 $0x1, v2;
	(pc) =	sbr.rel @p0 .LBB2_4-.Ltmp1, $4  }
0xff: {  	v1 =	vld [tilespmem:s13+$0x30];
	[tilespmem:s11+$0x50] =	vst v0;
	v2 =	vadd.s32 $0x1, v4  }
0x100: {  	v0 =	vld [tilespmem:s13+$0x40];
	[tilespmem:s11+$0x60] =	vst v2;
	v4 =	vadd.s32 $0x1, v5  }
0x101: {  	v5 =	vadd.s32 $0x1, v6;
	v2 =	vld [tilespmem:s13+$0x50];
	[tilespmem:s11+$0x70] =	vst v4;
	s11 =	smov.u32 s13  }
0x102: {  	s12 =	sadd.s32 $0x200, s12;
	[tilespmem:s11+$0x0] =	vst v5;
	v5 =	vadd.s32 $0x1, v7;
	v4 =	vld [tilespmem:s11+$0x60]  }
0x103: {  	[tilespmem:s11+$0x10] =	vst v5;
	v3 =	vadd.s32 $0x1, v3;
	v60 =	vld [tilespmem:s11+$0x70]  }
0x104: {  	[tilespmem:s11+$0x20] =	vst v3;
	v1 =	vadd.s32 $0x1, v1  }
0x105: {  	[tilespmem:s11+$0x30] =	vst v1;
	v0 =	vadd.s32 $0x1, v0  }
0x106: {  	[tilespmem:s11+$0x40] =	vst v0;
	v61 =	vadd.s32 $0x1, v2  }
0x107: {  	[tilespmem:s11+$0x50] =	vst v61;
	v62 =	vadd.s32 $0x1, v4  }
0x108: {  	[tilespmem:s11+$0x60] =	vst v62;
	v63 =	vadd.s32 $0x1, v60  }
0x109: {  	[tilespmem:s11+$0x70] =	vst v63  }
0x10a: {  	s14 =	simm.s32 $0x0;
	[bflag:$0x0] =	sbarrier.arrive $0xFFFF  }
0x10b: {  	[tilespmem:s22], [sflag:$0x1] =	stream.indirect.gather [hbm4b:s5+s21], $0x40, s14, s21, $0xb8;
	[tilespmem:$0x19F00] =	vst v63  }
0x10c: {  	_ = 	snop  }
0x10d: {  	[tilespmem:s23], [sflag:$0x2] =	stream.indirect.gather [hbm4b:s5+s21], $0x40, s21, s21, $0xb8;
	[tilespmem:$0x19F00] =	vst v63  }
0x10e: {  	s24 =	simm.s32 $0x100  }
0x10f: {  	[tilespmem:s25], [sflag:$0x3] =	stream.indirect.gather [hbm4b:s5+s21], $0x40, s24, s21, $0xb8;
	[tilespmem:$0x19F00] =	vst v63  }
0x110: {  	s12 =	simm.s32 $0x180  }
0x111: {  	[tilespmem:s26], [sflag:$0x4] =	stream.indirect.gather [hbm4b:s5+s21], $0x40, s12, s21, $0xb8;
	[tilespmem:$0x19F00] =	vst v63  }
0x112: {  	_ =	swait.ge [sflag:s28], $0x2000  }
0x113: {  	[sflag:s28] =	ssyncset.done $0x0  }
0x114: {  	s13 =	simm.s32 $0x2780;
	[sflag:s28] =	ssyncadd.s32 $0xFFFFE000  }
0x115: {  	[spmem:s2] =	stream.indirect.scatter.add.f32 [tilespmem:s22], [sflag:$0x5], $0x40, s13, s21, $0xb8;
	[tilespmem:$0x19F00] =	vst v63  }
0x116: {  	_ =	swait.ge [sflag:s17], $0x2000  }
0x117: {  	[sflag:s17] =	ssyncset.done $0x0  }
0x118: {  	s14 =	simm.s32 $0x200;
	[sflag:s17] =	ssyncadd.s32 $0xFFFFE000  }
0x119: {  	[tilespmem:s22], [sflag:$0x1] =	stream.indirect.gather [hbm4b:s5+s21], $0x40, s14, s21, $0xb8;
	[tilespmem:$0x19F00] =	vst v63  }
0x11a: {  	_ =	swait.ge [sflag:s29], $0x2000  }
0x11b: {  	[sflag:s29] =	ssyncset.done $0x0  }
0x11c: {  	s24 =	simm.s32 $0x2800;
	[sflag:s29] =	ssyncadd.s32 $0xFFFFE000  }
0x11d: {  	[spmem:s2] =	stream.indirect.scatter.add.f32 [tilespmem:s23], [sflag:$0x5], $0x40, s24, s21, $0xb8;
	[tilespmem:$0x19F00] =	vst v63  }
0x11e: {  	_ =	swait.ge [sflag:s17], $0x2000  }
0x11f: {  	[sflag:s17] =	ssyncset.done $0x0  }
0x120: {  	s12 =	simm.s32 $0x280;
	[sflag:s17] =	ssyncadd.s32 $0xFFFFE000  }
0x121: {  	[tilespmem:s23], [sflag:$0x2] =	stream.indirect.gather [hbm4b:s5+s21], $0x40, s12, s21, $0xb8;
	[tilespmem:$0x19F00] =	vst v63  }
0x122: {  	_ =	swait.ge [sflag:s30], $0x2000  }
0x123: {  	[sflag:s30] =	ssyncset.done $0x0  }
0x124: {  	s13 =	simm.s32 $0x2880;
	[sflag:s30] =	ssyncadd.s32 $0xFFFFE000  }
0x125: {  	[spmem:s2] =	stream.indirect.scatter.add.f32 [tilespmem:s25], [sflag:$0x5], $0x40, s13, s21, $0xb8;
	[tilespmem:$0x19F00] =	vst v63  }
0x126: {  	_ =	swait.ge [sflag:s17], $0x2000  }
0x127: {  	[sflag:s17] =	ssyncset.done $0x0  }
0x128: {  	s14 =	simm.s32 $0x300;
	[sflag:s17] =	ssyncadd.s32 $0xFFFFE000  }
0x129: {  	[tilespmem:s25], [sflag:$0x3] =	stream.indirect.gather [hbm4b:s5+s21], $0x40, s14, s21, $0xb8;
	[tilespmem:$0x19F00] =	vst v63  }
0x12a: {  	_ =	swait.ge [sflag:s31], $0x2000  }
0x12b: {  	[sflag:s31] =	ssyncset.done $0x0  }
0x12c: {  	s24 =	simm.s32 $0x2900;
	[sflag:s31] =	ssyncadd.s32 $0xFFFFE000  }
0x12d: {  	[spmem:s2] =	stream.indirect.scatter.add.f32 [tilespmem:s26], [sflag:$0x5], $0x40, s24, s21, $0xb8;
	[tilespmem:$0x19F00] =	vst v63  }
0x12e: {  	_ =	swait.ge [sflag:s17], $0x2000  }
0x12f: {  	s11 =	simm.s32 $0x200;
	s14 =	simm.s32 $0x1000;
	[sflag:s17] =	ssyncset.done $0x0  }
.LBB2_6:
0x130: {  	s24 =	sadd.s32 $0x180, s11  }
0x131: {  	[sflag:s17] =	ssyncadd.s32 $0xFFFFE000;
	s13 =	smov.u32 s14;
	s12 =	sadd.s32 $0x800, s14  }
0x132: {  	[tilespmem:s26], [sflag:$0x4] =	stream.indirect.gather [hbm4b:s5+s21], $0x40, s24, s21, $0xb8;
	[tilespmem:$0x19F00] =	vst v63  }
0x133: {  	p0 =	sne.s32 s14, $0x9000;
	_ =	swait.ge [sflag:s28], $0x2000  }
0x134: {  	[sflag:s28] =	ssyncset.done $0x0  }
0x135: {  	s14 =	sadd.s32 $0x2780, s11;
	[sflag:s28] =	ssyncadd.s32 $0xFFFFE000  }
0x136: {  	[spmem:s2] =	stream.indirect.scatter.add.f32 [tilespmem:s22], [sflag:$0x5], $0x40, s14, s21, $0xb8;
	[tilespmem:$0x19F00] =	vst v63  }
0x137: {  	_ =	swait.ge [sflag:s17], $0x2000  }
0x138: {  	[sflag:s17] =	ssyncset.done $0x0  }
0x139: {  	s14 =	sadd.s32 $0x200, s11;
	[sflag:s17] =	ssyncadd.s32 $0xFFFFE000  }
0x13a: {  	[tilespmem:s22], [sflag:$0x1] =	stream.indirect.gather [hbm4b:s5+s21], $0x40, s14, s21, $0xb8;
	[tilespmem:$0x19F00] =	vst v63  }
0x13b: {  	_ =	swait.ge [sflag:s29], $0x2000  }
0x13c: {  	[sflag:s29] =	ssyncset.done $0x0  }
0x13d: {  	s14 =	sadd.s32 $0x2800, s11;
	[sflag:s29] =	ssyncadd.s32 $0xFFFFE000  }
0x13e: {  	[spmem:s2] =	stream.indirect.scatter.add.f32 [tilespmem:s23], [sflag:$0x5], $0x40, s14, s21, $0xb8;
	[tilespmem:$0x19F00] =	vst v63  }
0x13f: {  	_ =	swait.ge [sflag:s17], $0x2000  }
0x140: {  	[sflag:s17] =	ssyncset.done $0x0  }
0x141: {  	s14 =	sadd.s32 $0x280, s11;
	[sflag:s17] =	ssyncadd.s32 $0xFFFFE000  }
0x142: {  	[tilespmem:s23], [sflag:$0x2] =	stream.indirect.gather [hbm4b:s5+s21], $0x40, s14, s21, $0xb8;
	[tilespmem:$0x19F00] =	vst v63  }
0x143: {  	_ =	swait.ge [sflag:s30], $0x2000  }
0x144: {  	[sflag:s30] =	ssyncset.done $0x0  }
0x145: {  	s14 =	sadd.s32 $0x2880, s11;
	[sflag:s30] =	ssyncadd.s32 $0xFFFFE000  }
0x146: {  	[spmem:s2] =	stream.indirect.scatter.add.f32 [tilespmem:s25], [sflag:$0x5], $0x40, s14, s21, $0xb8;
	[tilespmem:$0x19F00] =	vst v63  }
0x147: {  	_ =	swait.ge [sflag:s17], $0x2000  }
0x148: {  	[sflag:s17] =	ssyncset.done $0x0  }
0x149: {  	s14 =	sadd.s32 $0x300, s11;
	[sflag:s17] =	ssyncadd.s32 $0xFFFFE000  }
0x14a: {  	[tilespmem:s25], [sflag:$0x3] =	stream.indirect.gather [hbm4b:s5+s21], $0x40, s14, s21, $0xb8;
	[tilespmem:$0x19F00] =	vst v63  }
0x14b: {  	_ =	swait.ge [sflag:s31], $0x2000  }
.Ltmp2:
0x14c: {  	[sflag:s31] =	ssyncset.done $0x0;
	(pc) =	sbr.rel @p0 .LBB2_6-.Ltmp2, $4  }
0x14d: {  	s11 =	sadd.s32 $0x2900, s11;
	[sflag:s31] =	ssyncadd.s32 $0xFFFFE000  }
0x14e: {  	[spmem:s2] =	stream.indirect.scatter.add.f32 [tilespmem:s26], [sflag:$0x5], $0x40, s11, s21, $0xb8;
	[tilespmem:$0x19F00] =	vst v63  }
0x14f: {  	_ =	swait.ge [sflag:s17], $0x2000  }
0x150: {  	s14 =	smov.u32 s12;
	s11 =	sshra.s32 s13, $0x2;
	[sflag:s17] =	ssyncset.done $0x0  }
0x151: {  	s12 =	sadd.s32 $0x180, s11;
	[sflag:s17] =	ssyncadd.s32 $0xFFFFE000  }
0x152: {  	[tilespmem:s26], [sflag:$0x4] =	stream.indirect.gather [hbm4b:s5+s21], $0x40, s12, s21, $0xb8;
	[tilespmem:$0x19F00] =	vst v63  }
0x153: {  	_ =	swait.ge [sflag:s28], $0x2000  }
0x154: {  	[sflag:s28] =	ssyncset.done $0x0  }
0x155: {  	s14 =	sadd.s32 $0x2780, s11;
	[sflag:s28] =	ssyncadd.s32 $0xFFFFE000  }
0x156: {  	[spmem:s2] =	stream.indirect.scatter.add.f32 [tilespmem:s22], [sflag:$0x5], $0x40, s14, s21, $0xb8;
	[tilespmem:$0x19F00] =	vst v63  }
0x157: {  	_ =	swait.ge [sflag:s17], $0x2000  }
0x158: {  	[sflag:s17] =	ssyncset.done $0x0  }
0x159: {  	s24 =	sadd.s32 $0x200, s11;
	[sflag:s17] =	ssyncadd.s32 $0xFFFFE000  }
0x15a: {  	[tilespmem:s22], [sflag:$0x1] =	stream.indirect.gather [hbm4b:s5+s21], $0x40, s24, s21, $0xb8;
	[tilespmem:$0x19F00] =	vst v63  }
0x15b: {  	_ =	swait.ge [sflag:s29], $0x2000  }
0x15c: {  	[sflag:s29] =	ssyncset.done $0x0  }
0x15d: {  	s13 =	sadd.s32 $0x2800, s11;
	[sflag:s29] =	ssyncadd.s32 $0xFFFFE000  }
0x15e: {  	[spmem:s2] =	stream.indirect.scatter.add.f32 [tilespmem:s23], [sflag:$0x5], $0x40, s13, s21, $0xb8;
	[tilespmem:$0x19F00] =	vst v63  }
0x15f: {  	_ =	swait.ge [sflag:s17], $0x2000  }
0x160: {  	[sflag:s17] =	ssyncset.done $0x0  }
0x161: {  	s14 =	sadd.s32 $0x280, s11;
	[sflag:s17] =	ssyncadd.s32 $0xFFFFE000  }
0x162: {  	[tilespmem:s23], [sflag:$0x2] =	stream.indirect.gather [hbm4b:s5+s21], $0x40, s14, s21, $0xb8;
	[tilespmem:$0x19F00] =	vst v63  }
0x163: {  	_ =	swait.ge [sflag:s30], $0x2000  }
0x164: {  	[sflag:s30] =	ssyncset.done $0x0  }
0x165: {  	s24 =	sadd.s32 $0x2880, s11;
	[sflag:s30] =	ssyncadd.s32 $0xFFFFE000  }
0x166: {  	[spmem:s2] =	stream.indirect.scatter.add.f32 [tilespmem:s25], [sflag:$0x5], $0x40, s24, s21, $0xb8;
	[tilespmem:$0x19F00] =	vst v63  }
0x167: {  	_ =	swait.ge [sflag:s17], $0x2000  }
0x168: {  	[sflag:s17] =	ssyncset.done $0x0  }
0x169: {  	s13 =	sadd.s32 $0x300, s11;
	[sflag:s17] =	ssyncadd.s32 $0xFFFFE000  }
0x16a: {  	[tilespmem:s25], [sflag:$0x3] =	stream.indirect.gather [hbm4b:s5+s21], $0x40, s13, s21, $0xb8;
	[tilespmem:$0x19F00] =	vst v63  }
0x16b: {  	_ =	swait.ge [sflag:s31], $0x2000  }
0x16c: {  	[sflag:s31] =	ssyncset.done $0x0  }
0x16d: {  	s14 =	sadd.s32 $0x2900, s11;
	[sflag:s31] =	ssyncadd.s32 $0xFFFFE000  }
0x16e: {  	[spmem:s2] =	stream.indirect.scatter.add.f32 [tilespmem:s26], [sflag:$0x5], $0x40, s14, s21, $0xb8;
	[tilespmem:$0x19F00] =	vst v63  }
0x16f: {  	_ =	swait.ge [sflag:s17], $0x2000  }
0x170: {  	[sflag:s17] =	ssyncset.done $0x0  }
0x171: {  	[sflag:s17] =	ssyncadd.s32 $0xFFFFE000  }
0x172: {  	_ =	swait.ge [sflag:s28], $0x2000  }
0x173: {  	[sflag:s28] =	ssyncset.done $0x0  }
0x174: {  	[sflag:s28] =	ssyncadd.s32 $0xFFFFE000  }
0x175: {  	[spmem:s2] =	stream.indirect.scatter.add.f32 [tilespmem:s22], [sflag:$0x5], $0x40, s1, s21, $0xb8;
	[tilespmem:$0x19F00] =	vst v63  }
0x176: {  	_ =	swait.ge [sflag:s17], $0x2000  }
0x177: {  	[sflag:s17] =	ssyncset.done $0x0  }
0x178: {  	[sflag:s17] =	ssyncadd.s32 $0xFFFFE000  }
0x179: {  	_ =	swait.ge [sflag:s29], $0x2000  }
0x17a: {  	[sflag:s29] =	ssyncset.done $0x0  }
0x17b: {  	[sflag:s29] =	ssyncadd.s32 $0xFFFFE000  }
0x17c: {  	[spmem:s2] =	stream.indirect.scatter.add.f32 [tilespmem:s23], [sflag:$0x5], $0x40, s0, s21, $0xb8;
	[tilespmem:$0x19F00] =	vst v63  }
0x17d: {  	_ =	swait.ge [sflag:s17], $0x2000  }
0x17e: {  	[sflag:s17] =	ssyncset.done $0x0  }
0x17f: {  	[sflag:s17] =	ssyncadd.s32 $0xFFFFE000  }
0x180: {  	_ =	swait.ge [sflag:s30], $0x2000  }
0x181: {  	[sflag:s30] =	ssyncset.done $0x0  }
0x182: {  	[sflag:s30] =	ssyncadd.s32 $0xFFFFE000  }
0x183: {  	[spmem:s2] =	stream.indirect.scatter.add.f32 [tilespmem:s25], [sflag:$0x5], $0x40, s20, s21, $0xb8;
	[tilespmem:$0x19F00] =	vst v63  }
0x184: {  	_ =	swait.ge [sflag:s17], $0x2000  }
0x185: {  	[sflag:s17] =	ssyncset.done $0x0  }
0x186: {  	s10 =	sadd.s32 $0x1, s10;
	[sflag:s17] =	ssyncadd.s32 $0xFFFFE000  }
0x187: {  	p0 =	sne.s32 s10, s15;
	[bflag:$0x0] =	sbarrier.arrive $0xFFFF  }
.Ltmp3:
0x188: {  	s24 =	rddreg [dreg:$0xb];
	(pc) =	sbr.rel @p0 .LBB2_1-.Ltmp3, $4  }
0x189: {  	[hbm:s24@s7], [sflag:s9] =	dma.strided [spmem:s16@s8], $0x1400, s28, $0x8   }
0x18a: {  	_ =	swait.ge [sflag:s17], $0x1400  }
0x18b: {  	[sflag:s17] =	ssyncset.done $0x0  }
0x18c: {  	[sflag:s17] =	ssyncadd.s32 $0xFFFFEC00  }
0x18d: {  	_ =	sfence.sel $0x180000  }
0x18e: {  	[bflag:$0x0] =	sbarrier.arrive $0xFFFF  }
0x18f: {  	_ =	strace $0x90000047  }
0x190: {  	s0 =	stileid.u32;
	[bflag:$0x2] =	sbarrier.arrive $0xFFFF  }
0x191: {  	p0 =	sne.s32 s0, $0x0;
	s0 =	rddreg [dreg:$0x4]  }
0x192: {  	s0 =	sadd.s32 @!p0 $0x100000, s0  }
0x193: {  	[sflag:s0] =	ssyncadd.tile.s32 @!p0 $0x1;
	_ =	shalt  }
.Lfunc_end2:
_tile_overlayer_lowered:
.L_overlay_start_2:
0x194: {  	(tag) =	ssettag $0x2  }
0x195: {  	s0 =	rddreg [dreg:$0x0];
	s2 =	stileid.u32  }
0x196: {  	s1 =	rddreg [dreg:$0x1];
	p0 =	sne.s32 s2, $0x0  }
0x197: {  	s3 =	rddreg [dreg:$0x2];
	[bflag:$0x3] =	sbarrier.arrive $0xFFFF;
	s2 =	simm.s32 @!p0 $0x1C05  }
0x198: {  	[timem:s3], [sflag:s2] =	dma.local @!p0 [hbm:s0], s1  }
0x199: {  	s0 =	simm.s32 @!p0 $0x5  }
0x19a: {  	_ =	swait.ge @!p0 [sflag:s0], s1  }
0x19b: {  	s1 =	ssub.s32 @!p0 $0x0, s1;
	[sflag:s0] =	ssyncset.done @!p0 $0x0  }
0x19c: {  	[sflag:s0] =	ssyncadd.s32 @!p0 s1  }
0x19d: {  	[bflag:$0x3] =	sbarrier.arrive $0xFFFF  }
0x19e: {  	_ =	shalt  }

</sc_bundles>
